<compile_context>
chip_gen: v7x
topology: tpu7x:2x2x1
jax: 0.10.2.dev20260603
libtpu: 0.0.44.dev20260713+nightly
codegen_flags: <defaults>
</compile_context>

<pallas_src>
import functools

import jax
import jax.numpy as jnp
from jax import lax
from jax.experimental import pallas as pl
from jax.experimental.pallas import tpu as pltpu
from jax.experimental.pallas import tpu_sc as plsc

BATCH = 16384
HIST = 50
EMBED_DIM = 32
TOTAL = BATCH * HIST

NUM_CORES = 2
NUM_SUBCORES = 16
NUM_WORKERS = NUM_CORES * NUM_SUBCORES
B_PER_W = TOTAL // NUM_WORKERS
ROWS_PER_W = BATCH // NUM_WORKERS
CHUNK_ROWS = 32
CHUNK = CHUNK_ROWS * HIST
N_CHUNKS = ROWS_PER_W // CHUNK_ROWS


def _gather_body(idx_hbm, table_hbm, out_hbm, idx_v, rows0, rows1,
                 gs0, gs1, ws0, ws1):
    wid = lax.axis_index("s") * NUM_CORES + lax.axis_index("c")
    base = wid * B_PER_W
    row_base = wid * ROWS_PER_W
    pltpu.sync_copy(idx_hbm.at[pl.ds(base, B_PER_W)], idx_v)

    rows = (rows0, rows1)
    gs = (gs0, gs1)
    ws = (ws0, ws1)

    def gather_desc(i, b):
        return pltpu.make_async_copy(
            table_hbm.at[idx_v.at[pl.ds(i * CHUNK, CHUNK)]], rows[b], gs[b])

    def row_write_desc(i, b, r):
        return pltpu.make_async_copy(
            rows[b].at[pl.ds(r * HIST, HIST)],
            out_hbm.at[row_base + i * CHUNK_ROWS + r],
            ws[b])

    def start_writes(i, b):
        for r in range(CHUNK_ROWS):
            row_write_desc(i, b, r).start()

    def wait_writes(i, b):
        for r in range(CHUNK_ROWS):
            row_write_desc(i, b, r).wait()

    gather_desc(0, 0).start()
    gather_desc(1, 1).start()

    def body(g, carry):
        i0 = g * 2
        for b in range(2):
            gather_desc(i0 + b, b).wait()
            start_writes(i0 + b, b)

        @pl.when(i0 + 2 < N_CHUNKS)
        def _prefetch():
            for b in range(2):
                wait_writes(i0 + b, b)
                gather_desc(i0 + 2 + b, b).start()

        return carry

    lax.fori_loop(0, N_CHUNKS // 2, body, 0)
    wait_writes(N_CHUNKS - 2, 0)
    wait_writes(N_CHUNKS - 1, 1)


_mesh = plsc.VectorSubcoreMesh(core_axis_name="c", subcore_axis_name="s")

_gather = functools.partial(
    pl.kernel,
    mesh=_mesh,
    compiler_params=pltpu.CompilerParams(use_tc_tiling_on_sc=False),
    out_type=jax.ShapeDtypeStruct((BATCH, HIST, EMBED_DIM), jnp.float32),
    scratch_types=[
        pltpu.VMEM((B_PER_W,), jnp.int32),
        pltpu.VMEM((CHUNK, EMBED_DIM), jnp.float32),
        pltpu.VMEM((CHUNK, EMBED_DIM), jnp.float32),
        pltpu.SemaphoreType.DMA,
        pltpu.SemaphoreType.DMA,
        pltpu.SemaphoreType.DMA,
        pltpu.SemaphoreType.DMA,
    ],
)(_gather_body)


def kernel(x, table):
    return _gather(x.reshape(TOTAL).astype(jnp.int32), table)

# --- scband reference (transcript-rebuilt; emitter-appended) ---
"""Pipeline reference for scband-simple-context-encoder-26405458936416 (READ-ONLY COPY).

The authoritative reference and input builder live on the scoring server;
editing this copy changes nothing except your own understanding.
"""

import jax, jax.numpy as jnp
import numpy as np

VOCAB = 1000000
EMBED_DIM = 32
BATCH = 16384
HIST = 50

def setup_inputs(seed: int = 0) -> dict:
    key = jax.random.key(seed)
    k1, k2 = jax.random.split(key)
    x = jax.random.randint(k1, (BATCH, HIST), 0, VOCAB, dtype=jnp.int64)
    table = jax.random.normal(k2, (VOCAB, EMBED_DIM), dtype=jnp.float32) * 0.02
    return {"x": x, "table": table}

def reference(x, table):
    # nn.Embedding forward: gather rows of the embedding table
    return jnp.take(table, x, axis=0)

if __name__ == "__main__":
    import jax
    _d = setup_inputs()
    print(jax.jit(kernel)(*tuple(_d.values())))

</pallas_src>

<mosaic_0001>
#map = affine_map<(d0, d1) -> (0)>
#map1 = affine_map<(d0, d1) -> (0, 0)>
#map2 = affine_map<(d0, d1) -> (0, 0, 0)>
module attributes {stable_mosaic.version = 14 : i64} {
  func.func @_gather_body(%arg0: i32, %arg1: i32, %arg2: memref<819200xi32, #tpu.memory_space<hbm>>, %arg3: memref<1000000x32xf32, #tpu.memory_space<hbm>>, %arg4: memref<16384x50x32xf32, #tpu.memory_space<hbm>>, %arg5: memref<25600xi32, #tpu.memory_space<vmem>>, %arg6: memref<1600x32xf32, #tpu.memory_space<vmem>>, %arg7: memref<1600x32xf32, #tpu.memory_space<vmem>>, %arg8: memref<!tpu.dma_semaphore, #tpu.memory_space<semaphore_mem>>, %arg9: memref<!tpu.dma_semaphore, #tpu.memory_space<semaphore_mem>>, %arg10: memref<!tpu.dma_semaphore, #tpu.memory_space<semaphore_mem>>, %arg11: memref<!tpu.dma_semaphore, #tpu.memory_space<semaphore_mem>>) attributes {dimension_semantics = [#tpu.dimension_semantics<core_parallel>, #tpu.dimension_semantics<subcore_parallel>], iteration_bounds = array<i64: 2, 16>, scalar_prefetch = 0 : i64, scratch_operands = 7 : i64, tpu.core_type = #tpu.core_type<sc_vector_subcore>, window_params = [{transform_indices = #map}, {transform_indices = #map1}, {transform_indices = #map2}]} {
    %mul3A = arith.constant 2 : i32
    %mul3A_0 = arith.muli %arg1, %mul3A : i32
    %add3A = arith.addi %mul3A_0, %arg0 : i32
    %mul3A_1 = arith.constant 25600 : i32
    %mul3A_2 = arith.muli %add3A, %mul3A_1 : i32
    %mul3A_3 = arith.constant 512 : i32
    %mul3A_4 = arith.muli %add3A, %mul3A_3 : i32
    "tpu.region"() ({
      %run_scoped3A = tpu.sem_alloc : memref<!tpu.dma_semaphore, #tpu.memory_space<semaphore_mem>>
      %dma_start3A_1170 = tpu.memref_slice %arg2[%mul3A_2] : memref<819200xi32, #tpu.memory_space<hbm>> -> memref<25600xi32, #tpu.memory_space<hbm>>
      %dma_start3A_1171 = tpu.memref_slice %arg2[%mul3A_2] : memref<819200xi32, #tpu.memory_space<hbm>> -> memref<25600xi32, #tpu.memory_space<hbm>>
      tpu.enqueue_dma source(%dma_start3A_1171 : memref<25600xi32, #tpu.memory_space<hbm>>) target(%arg5 : memref<25600xi32, #tpu.memory_space<vmem>>) target_semaphore(%run_scoped3A : memref<!tpu.dma_semaphore, #tpu.memory_space<semaphore_mem>>)
      %dma_wait3A_1172 = tpu.memref_slice %arg2[%mul3A_2] : memref<819200xi32, #tpu.memory_space<hbm>> -> memref<25600xi32, #tpu.memory_space<hbm>>
      %dma_wait3A_1173 = tpu.memref_slice %arg2[%mul3A_2] : memref<819200xi32, #tpu.memory_space<hbm>> -> memref<25600xi32, #tpu.memory_space<hbm>>
      tpu.wait_dma2 semaphore(%run_scoped3A : memref<!tpu.dma_semaphore, #tpu.memory_space<semaphore_mem>>) src(%dma_wait3A_1173 : memref<25600xi32, #tpu.memory_space<hbm>>) dst(%arg5 : memref<25600xi32, #tpu.memory_space<vmem>>)
      tpu.yield
    }) : () -> ()
    %dma_start3A = arith.constant 0 : i32
    %dma_start3A_5 = tpu.memref_slice %arg5[%dma_start3A] : memref<25600xi32, #tpu.memory_space<vmem>> -> memref<1600xi32, #tpu.memory_space<vmem>>
    %dma_start3A_6 = arith.constant 0 : i32
    %dma_start3A_7 = arith.constant 0 : i32
    %dma_start3A_8 = tpu.memref_slice %arg3[%dma_start3A_6, %dma_start3A_7] : memref<1000000x32xf32, #tpu.memory_space<hbm>> -> memref<1000000x32xf32, #tpu.memory_space<hbm>>
    tpu.enqueue_indirect_dma source(%dma_start3A_8 : memref<1000000x32xf32, #tpu.memory_space<hbm>>) target(%arg6 : memref<1600x32xf32, #tpu.memory_space<vmem>>) offsets(%dma_start3A_5 : memref<1600xi32, #tpu.memory_space<vmem>>) semaphore(%arg8 : memref<!tpu.dma_semaphore, #tpu.memory_space<semaphore_mem>>)
    %dma_start3A_9 = arith.constant 1600 : i32
    %dma_start3A_10 = tpu.memref_slice %arg5[%dma_start3A_9] : memref<25600xi32, #tpu.memory_space<vmem>> -> memref<1600xi32, #tpu.memory_space<vmem>>
    %dma_start3A_11 = arith.constant 0 : i32
    %dma_start3A_12 = arith.constant 0 : i32
    %dma_start3A_13 = tpu.memref_slice %arg3[%dma_start3A_11, %dma_start3A_12] : memref<1000000x32xf32, #tpu.memory_space<hbm>> -> memref<1000000x32xf32, #tpu.memory_space<hbm>>
    tpu.enqueue_indirect_dma source(%dma_start3A_13 : memref<1000000x32xf32, #tpu.memory_space<hbm>>) target(%arg7 : memref<1600x32xf32, #tpu.memory_space<vmem>>) offsets(%dma_start3A_10 : memref<1600xi32, #tpu.memory_space<vmem>>) semaphore(%arg9 : memref<!tpu.dma_semaphore, #tpu.memory_space<semaphore_mem>>)
    %scan3A = arith.constant 0 : i32
    %scan3A_14 = arith.constant 0 : i32
    %scan3A_15 = arith.constant 8 : i32
    %scan3A_16 = arith.addi %scan3A_14, %scan3A_15 : i32
    %scan3A_17 = arith.constant 1 : i32
    scf.for %scan3A_1170 = %scan3A_14 to %scan3A_16 step %scan3A_17  : i32 {
      %mul3A_1171 = arith.constant 2 : i32
      %mul3A_1172 = arith.muli %scan3A_1170, %mul3A_1171 : i32
      %add3A_1173 = arith.constant 0 : i32
      %add3A_1174 = arith.addi %mul3A_1172, %add3A_1173 : i32
      %mul3A_1175 = arith.constant 1600 : i32
      %mul3A_1176 = arith.muli %add3A_1174, %mul3A_1175 : i32
      %dma_wait3A_1177 = tpu.memref_slice %arg5[%mul3A_1176] : memref<25600xi32, #tpu.memory_space<vmem>> -> memref<1600xi32, #tpu.memory_space<vmem>>
      %dma_wait3A_1178 = arith.constant 0 : i32
      %dma_wait3A_1179 = arith.constant 0 : i32
      %dma_wait3A_1180 = tpu.memref_slice %arg3[%dma_wait3A_1178, %dma_wait3A_1179] : memref<1000000x32xf32, #tpu.memory_space<hbm>> -> memref<1000000x32xf32, #tpu.memory_space<hbm>>
      tpu.wait_indirect_dma semaphore(%arg8 : memref<!tpu.dma_semaphore, #tpu.memory_space<semaphore_mem>>) src(%dma_wait3A_1180 : memref<1000000x32xf32, #tpu.memory_space<hbm>>) dst(%arg6 : memref<1600x32xf32, #tpu.memory_space<vmem>>)
      %add3A_1181 = arith.constant 0 : i32
      %add3A_1182 = arith.addi %mul3A_1172, %add3A_1181 : i32
      %mul3A_1183 = arith.constant 32 : i32
      %mul3A_1184 = arith.muli %add3A_1182, %mul3A_1183 : i32
      %add3A_1185 = arith.addi %mul3A_4, %mul3A_1184 : i32
      %add3A_1186 = arith.constant 0 : i32
      %add3A_1187 = arith.addi %add3A_1185, %add3A_1186 : i32
      %dma_start3A_1188 = arith.constant 0 : i32
      %dma_start3A_1189 = arith.constant 0 : i32
      %dma_start3A_1190 = tpu.memref_slice %arg6[%dma_start3A_1188, %dma_start3A_1189] : memref<1600x32xf32, #tpu.memory_space<vmem>> -> memref<50x32xf32, #tpu.memory_space<vmem>>
      %dma_start3A_1191 = arith.constant 0 : i32
      %dma_start3A_1192 = arith.constant 0 : i32
      %dma_start3A_1193 = tpu.memref_slice %arg4[%add3A_1187, %dma_start3A_1191, %dma_start3A_1192] : memref<16384x50x32xf32, #tpu.memory_space<hbm>> -> memref<1x50x32xf32, #tpu.memory_space<hbm>>
      %dma_start3A_1194 = tpu.memref_squeeze %dma_start3A_1193 : memref<1x50x32xf32, #tpu.memory_space<hbm>> -> memref<50x32xf32, #tpu.memory_space<hbm>>
      %dma_start3A_1195 = arith.constant 0 : i32
      %dma_start3A_1196 = arith.constant 0 : i32
      %dma_start3A_1197 = tpu.memref_slice %arg4[%add3A_1187, %dma_start3A_1195, %dma_start3A_1196] : memref<16384x50x32xf32, #tpu.memory_space<hbm>> -> memref<1x50x32xf32, #tpu.memory_space<hbm>>
      %dma_start3A_1198 = tpu.memref_squeeze %dma_start3A_1197 : memref<1x50x32xf32, #tpu.memory_space<hbm>> -> memref<50x32xf32, #tpu.memory_space<hbm>>
      %dma_start3A_1199 = arith.constant 0 : i32
      %dma_start3A_1200 = arith.constant 0 : i32
      %dma_start3A_1201 = tpu.memref_slice %arg6[%dma_start3A_1199, %dma_start3A_1200] : memref<1600x32xf32, #tpu.memory_space<vmem>> -> memref<50x32xf32, #tpu.memory_space<vmem>>
      tpu.enqueue_dma source(%dma_start3A_1201 : memref<50x32xf32, #tpu.memory_space<vmem>>) target(%dma_start3A_1198 : memref<50x32xf32, #tpu.memory_space<hbm>>) target_semaphore(%arg10 : memref<!tpu.dma_semaphore, #tpu.memory_space<semaphore_mem>>)
      %mul3A_1202 = arith.constant 32 : i32
      %mul3A_1203 = arith.muli %add3A_1182, %mul3A_1202 : i32
      %add3A_1204 = arith.addi %mul3A_4, %mul3A_1203 : i32
      %add3A_1205 = arith.constant 1 : i32
      %add3A_1206 = arith.addi %add3A_1204, %add3A_1205 : i32
      %dma_start3A_1207 = arith.constant 50 : i32
      %dma_start3A_1208 = arith.constant 0 : i32
      %dma_start3A_1209 = tpu.memref_slice %arg6[%dma_start3A_1207, %dma_start3A_1208] : memref<1600x32xf32, #tpu.memory_space<vmem>> -> memref<50x32xf32, #tpu.memory_space<vmem>>
      %dma_start3A_1210 = arith.constant 0 : i32
      %dma_start3A_1211 = arith.constant 0 : i32
      %dma_start3A_1212 = tpu.memref_slice %arg4[%add3A_1206, %dma_start3A_1210, %dma_start3A_1211] : memref<16384x50x32xf32, #tpu.memory_space<hbm>> -> memref<1x50x32xf32, #tpu.memory_space<hbm>>
      %dma_start3A_1213 = tpu.memref_squeeze %dma_start3A_1212 : memref<1x50x32xf32, #tpu.memory_space<hbm>> -> memref<50x32xf32, #tpu.memory_space<hbm>>
      %dma_start3A_1214 = arith.constant 0 : i32
      %dma_start3A_1215 = arith.constant 0 : i32
      %dma_start3A_1216 = tpu.memref_slice %arg4[%add3A_1206, %dma_start3A_1214, %dma_start3A_1215] : memref<16384x50x32xf32, #tpu.memory_space<hbm>> -> memref<1x50x32xf32, #tpu.memory_space<hbm>>
      %dma_start3A_1217 = tpu.memref_squeeze %dma_start3A_1216 : memref<1x50x32xf32, #tpu.memory_space<hbm>> -> memref<50x32xf32, #tpu.memory_space<hbm>>
      %dma_start3A_1218 = arith.constant 50 : i32
      %dma_start3A_1219 = arith.constant 0 : i32
      %dma_start3A_1220 = tpu.memref_slice %arg6[%dma_start3A_1218, %dma_start3A_1219] : memref<1600x32xf32, #tpu.memory_space<vmem>> -> memref<50x32xf32, #tpu.memory_space<vmem>>
      tpu.enqueue_dma source(%dma_start3A_1220 : memref<50x32xf32, #tpu.memory_space<vmem>>) target(%dma_start3A_1217 : memref<50x32xf32, #tpu.memory_space<hbm>>) target_semaphore(%arg10 : memref<!tpu.dma_semaphore, #tpu.memory_space<semaphore_mem>>)
      %mul3A_1221 = arith.constant 32 : i32
      %mul3A_1222 = arith.muli %add3A_1182, %mul3A_1221 : i32
      %add3A_1223 = arith.addi %mul3A_4, %mul3A_1222 : i32
      %add3A_1224 = arith.constant 2 : i32
      %add3A_1225 = arith.addi %add3A_1223, %add3A_1224 : i32
      %dma_start3A_1226 = arith.constant 100 : i32
      %dma_start3A_1227 = arith.constant 0 : i32
      %dma_start3A_1228 = tpu.memref_slice %arg6[%dma_start3A_1226, %dma_start3A_1227] : memref<1600x32xf32, #tpu.memory_space<vmem>> -> memref<50x32xf32, #tpu.memory_space<vmem>>
      %dma_start3A_1229 = arith.constant 0 : i32
      %dma_start3A_1230 = arith.constant 0 : i32
      %dma_start3A_1231 = tpu.memref_slice %arg4[%add3A_1225, %dma_start3A_1229, %dma_start3A_1230] : memref<16384x50x32xf32, #tpu.memory_space<hbm>> -> memref<1x50x32xf32, #tpu.memory_space<hbm>>
      %dma_start3A_1232 = tpu.memref_squeeze %dma_start3A_1231 : memref<1x50x32xf32, #tpu.memory_space<hbm>> -> memref<50x32xf32, #tpu.memory_space<hbm>>
      %dma_start3A_1233 = arith.constant 0 : i32
      %dma_start3A_1234 = arith.constant 0 : i32
      %dma_start3A_1235 = tpu.memref_slice %arg4[%add3A_1225, %dma_start3A_1233, %dma_start3A_1234] : memref<16384x50x32xf32, #tpu.memory_space<hbm>> -> memref<1x50x32xf32, #tpu.memory_space<hbm>>
      %dma_start3A_1236 = tpu.memref_squeeze %dma_start3A_1235 : memref<1x50x32xf32, #tpu.memory_space<hbm>> -> memref<50x32xf32, #tpu.memory_space<hbm>>
      %dma_start3A_1237 = arith.constant 100 : i32
      %dma_start3A_1238 = arith.constant 0 : i32
      %dma_start3A_1239 = tpu.memref_slice %arg6[%dma_start3A_1237, %dma_start3A_1238] : memref<1600x32xf32, #tpu.memory_space<vmem>> -> memref<50x32xf32, #tpu.memory_space<vmem>>
      tpu.enqueue_dma source(%dma_start3A_1239 : memref<50x32xf32, #tpu.memory_space<vmem>>) target(%dma_start3A_1236 : memref<50x32xf32, #tpu.memory_space<hbm>>) target_semaphore(%arg10 : memref<!tpu.dma_semaphore, #tpu.memory_space<semaphore_mem>>)
      %mul3A_1240 = arith.constant 32 : i32
      %mul3A_1241 = arith.muli %add3A_1182, %mul3A_1240 : i32
      %add3A_1242 = arith.addi %mul3A_4, %mul3A_1241 : i32
      %add3A_1243 = arith.constant 3 : i32
      %add3A_1244 = arith.addi %add3A_1242, %add3A_1243 : i32
      %dma_start3A_1245 = arith.constant 150 : i32
      %dma_start3A_1246 = arith.constant 0 : i32
      %dma_start3A_1247 = tpu.memref_slice %arg6[%dma_start3A_1245, %dma_start3A_1246] : memref<1600x32xf32, #tpu.memory_space<vmem>> -> memref<50x32xf32, #tpu.memory_space<vmem>>
      %dma_start3A_1248 = arith.constant 0 : i32
      %dma_start3A_1249 = arith.constant 0 : i32
      %dma_start3A_1250 = tpu.memref_slice %arg4[%add3A_1244, %dma_start3A_1248, %dma_start3A_1249] : memref<16384x50x32xf32, #tpu.memory_space<hbm>> -> memref<1x50x32xf32, #tpu.memory_space<hbm>>
      %dma_start3A_1251 = tpu.memref_squeeze %dma_start3A_1250 : memref<1x50x32xf32, #tpu.memory_space<hbm>> -> memref<50x32xf32, #tpu.memory_space<hbm>>
      %dma_start3A_1252 = arith.constant 0 : i32
      %dma_start3A_1253 = arith.constant 0 : i32
      %dma_start3A_1254 = tpu.memref_slice %arg4[%add3A_1244, %dma_start3A_1252, %dma_start3A_1253] : memref<16384x50x32xf32, #tpu.memory_space<hbm>> -> memref<1x50x32xf32, #tpu.memory_space<hbm>>
      %dma_start3A_1255 = tpu.memref_squeeze %dma_start3A_1254 : memref<1x50x32xf32, #tpu.memory_space<hbm>> -> memref<50x32xf32, #tpu.memory_space<hbm>>
      %dma_start3A_1256 = arith.constant 150 : i32
      %dma_start3A_1257 = arith.constant 0 : i32
      %dma_start3A_1258 = tpu.memref_slice %arg6[%dma_start3A_1256, %dma_start3A_1257] : memref<1600x32xf32, #tpu.memory_space<vmem>> -> memref<50x32xf32, #tpu.memory_space<vmem>>
      tpu.enqueue_dma source(%dma_start3A_1258 : memref<50x32xf32, #tpu.memory_space<vmem>>) target(%dma_start3A_1255 : memref<50x32xf32, #tpu.memory_space<hbm>>) target_semaphore(%arg10 : memref<!tpu.dma_semaphore, #tpu.memory_space<semaphore_mem>>)
      %mul3A_1259 = arith.constant 32 : i32
      %mul3A_1260 = arith.muli %add3A_1182, %mul3A_1259 : i32
      %add3A_1261 = arith.addi %mul3A_4, %mul3A_1260 : i32
      %add3A_1262 = arith.constant 4 : i32
      %add3A_1263 = arith.addi %add3A_1261, %add3A_1262 : i32
      %dma_start3A_1264 = arith.constant 200 : i32
      %dma_start3A_1265 = arith.constant 0 : i32
      %dma_start3A_1266 = tpu.memref_slice %arg6[%dma_start3A_1264, %dma_start3A_1265] : memref<1600x32xf32, #tpu.memory_space<vmem>> -> memref<50x32xf32, #tpu.memory_space<vmem>>
      %dma_start3A_1267 = arith.constant 0 : i32
      %dma_start3A_1268 = arith.constant 0 : i32
      %dma_start3A_1269 = tpu.memref_slice %arg4[%add3A_1263, %dma_start3A_1267, %dma_start3A_1268] : memref<16384x50x32xf32, #tpu.memory_space<hbm>> -> memref<1x50x32xf32, #tpu.memory_space<hbm>>
      %dma_start3A_1270 = tpu.memref_squeeze %dma_start3A_1269 : memref<1x50x32xf32, #tpu.memory_space<hbm>> -> memref<50x32xf32, #tpu.memory_space<hbm>>
      %dma_start3A_1271 = arith.constant 0 : i32
      %dma_start3A_1272 = arith.constant 0 : i32
      %dma_start3A_1273 = tpu.memref_slice %arg4[%add3A_1263, %dma_start3A_1271, %dma_start3A_1272] : memref<16384x50x32xf32, #tpu.memory_space<hbm>> -> memref<1x50x32xf32, #tpu.memory_space<hbm>>
      %dma_start3A_1274 = tpu.memref_squeeze %dma_start3A_1273 : memref<1x50x32xf32, #tpu.memory_space<hbm>> -> memref<50x32xf32, #tpu.memory_space<hbm>>
      %dma_start3A_1275 = arith.constant 200 : i32
      %dma_start3A_1276 = arith.constant 0 : i32
      %dma_start3A_1277 = tpu.memref_slice %arg6[%dma_start3A_1275, %dma_start3A_1276] : memref<1600x32xf32, #tpu.memory_space<vmem>> -> memref<50x32xf32, #tpu.memory_space<vmem>>
      tpu.enqueue_dma source(%dma_start3A_1277 : memref<50x32xf32, #tpu.memory_space<vmem>>) target(%dma_start3A_1274 : memref<50x32xf32, #tpu.memory_space<hbm>>) target_semaphore(%arg10 : memref<!tpu.dma_semaphore, #tpu.memory_space<semaphore_mem>>)
      %mul3A_1278 = arith.constant 32 : i32
      %mul3A_1279 = arith.muli %add3A_1182, %mul3A_1278 : i32
      %add3A_1280 = arith.addi %mul3A_4, %mul3A_1279 : i32
      %add3A_1281 = arith.constant 5 : i32
      %add3A_1282 = arith.addi %add3A_1280, %add3A_1281 : i32
      %dma_start3A_1283 = arith.constant 250 : i32
      %dma_start3A_1284 = arith.constant 0 : i32
      %dma_start3A_1285 = tpu.memref_slice %arg6[%dma_start3A_1283, %dma_start3A_1284] : memref<1600x32xf32, #tpu.memory_space<vmem>> -> memref<50x32xf32, #tpu.memory_space<vmem>>
      %dma_start3A_1286 = arith.constant 0 : i32
      %dma_start3A_1287 = arith.constant 0 : i32
      %dma_start3A_1288 = tpu.memref_slice %arg4[%add3A_1282, %dma_start3A_1286, %dma_start3A_1287] : memref<16384x50x32xf32, #tpu.memory_space<hbm>> -> memref<1x50x32xf32, #tpu.memory_space<hbm>>
      %dma_start3A_1289 = tpu.memref_squeeze %dma_start3A_1288 : memref<1x50x32xf32, #tpu.memory_space<hbm>> -> memref<50x32xf32, #tpu.memory_space<hbm>>
      %dma_start3A_1290 = arith.constant 0 : i32
      %dma_start3A_1291 = arith.constant 0 : i32
      %dma_start3A_1292 = tpu.memref_slice %arg4[%add3A_1282, %dma_start3A_1290, %dma_start3A_1291] : memref<16384x50x32xf32, #tpu.memory_space<hbm>> -> memref<1x50x32xf32, #tpu.memory_space<hbm>>
      %dma_start3A_1293 = tpu.memref_squeeze %dma_start3A_1292 : memref<1x50x32xf32, #tpu.memory_space<hbm>> -> memref<50x32xf32, #tpu.memory_space<hbm>>
      %dma_start3A_1294 = arith.constant 250 : i32
      %dma_start3A_1295 = arith.constant 0 : i32
      %dma_start3A_1296 = tpu.memref_slice %arg6[%dma_start3A_1294, %dma_start3A_1295] : memref<1600x32xf32, #tpu.memory_space<vmem>> -> memref<50x32xf32, #tpu.memory_space<vmem>>
      tpu.enqueue_dma source(%dma_start3A_1296 : memref<50x32xf32, #tpu.memory_space<vmem>>) target(%dma_start3A_1293 : memref<50x32xf32, #tpu.memory_space<hbm>>) target_semaphore(%arg10 : memref<!tpu.dma_semaphore, #tpu.memory_space<semaphore_mem>>)
      %mul3A_1297 = arith.constant 32 : i32
      %mul3A_1298 = arith.muli %add3A_1182, %mul3A_1297 : i32
      %add3A_1299 = arith.addi %mul3A_4, %mul3A_1298 : i32
      %add3A_1300 = arith.constant 6 : i32
      %add3A_1301 = arith.addi %add3A_1299, %add3A_1300 : i32
      %dma_start3A_1302 = arith.constant 300 : i32
      %dma_start3A_1303 = arith.constant 0 : i32
      %dma_start3A_1304 = tpu.memref_slice %arg6[%dma_start3A_1302, %dma_start3A_1303] : memref<1600x32xf32, #tpu.memory_space<vmem>> -> memref<50x32xf32, #tpu.memory_space<vmem>>
      %dma_start3A_1305 = arith.constant 0 : i32
      %dma_start3A_1306 = arith.constant 0 : i32
      %dma_start3A_1307 = tpu.memref_slice %arg4[%add3A_1301, %dma_start3A_1305, %dma_start3A_1306] : memref<16384x50x32xf32, #tpu.memory_space<hbm>> -> memref<1x50x32xf32, #tpu.memory_space<hbm>>
      %dma_start3A_1308 = tpu.memref_squeeze %dma_start3A_1307 : memref<1x50x32xf32, #tpu.memory_space<hbm>> -> memref<50x32xf32, #tpu.memory_space<hbm>>
      %dma_start3A_1309 = arith.constant 0 : i32
      %dma_start3A_1310 = arith.constant 0 : i32
      %dma_start3A_1311 = tpu.memref_slice %arg4[%add3A_1301, %dma_start3A_1309, %dma_start3A_1310] : memref<16384x50x32xf32, #tpu.memory_space<hbm>> -> memref<1x50x32xf32, #tpu.memory_space<hbm>>
      %dma_start3A_1312 = tpu.memref_squeeze %dma_start3A_1311 : memref<1x50x32xf32, #tpu.memory_space<hbm>> -> memref<50x32xf32, #tpu.memory_space<hbm>>
      %dma_start3A_1313 = arith.constant 300 : i32
      %dma_start3A_1314 = arith.constant 0 : i32
      %dma_start3A_1315 = tpu.memref_slice %arg6[%dma_start3A_1313, %dma_start3A_1314] : memref<1600x32xf32, #tpu.memory_space<vmem>> -> memref<50x32xf32, #tpu.memory_space<vmem>>
      tpu.enqueue_dma source(%dma_start3A_1315 : memref<50x32xf32, #tpu.memory_space<vmem>>) target(%dma_start3A_1312 : memref<50x32xf32, #tpu.memory_space<hbm>>) target_semaphore(%arg10 : memref<!tpu.dma_semaphore, #tpu.memory_space<semaphore_mem>>)
      %mul3A_1316 = arith.constant 32 : i32
      %mul3A_1317 = arith.muli %add3A_1182, %mul3A_1316 : i32
      %add3A_1318 = arith.addi %mul3A_4, %mul3A_1317 : i32
      %add3A_1319 = arith.constant 7 : i32
      %add3A_1320 = arith.addi %add3A_1318, %add3A_1319 : i32
      %dma_start3A_1321 = arith.constant 350 : i32
      %dma_start3A_1322 = arith.constant 0 : i32
      %dma_start3A_1323 = tpu.memref_slice %arg6[%dma_start3A_1321, %dma_start3A_1322] : memref<1600x32xf32, #tpu.memory_space<vmem>> -> memref<50x32xf32, #tpu.memory_space<vmem>>
      %dma_start3A_1324 = arith.constant 0 : i32
      %dma_start3A_1325 = arith.constant 0 : i32
      %dma_start3A_1326 = tpu.memref_slice %arg4[%add3A_1320, %dma_start3A_1324, %dma_start3A_1325] : memref<16384x50x32xf32, #tpu.memory_space<hbm>> -> memref<1x50x32xf32, #tpu.memory_space<hbm>>
      %dma_start3A_1327 = tpu.memref_squeeze %dma_start3A_1326 : memref<1x50x32xf32, #tpu.memory_space<hbm>> -> memref<50x32xf32, #tpu.memory_space<hbm>>
      %dma_start3A_1328 = arith.constant 0 : i32
      %dma_start3A_1329 = arith.constant 0 : i32
      %dma_start3A_1330 = tpu.memref_slice %arg4[%add3A_1320, %dma_start3A_1328, %dma_start3A_1329] : memref<16384x50x32xf32, #tpu.memory_space<hbm>> -> memref<1x50x32xf32, #tpu.memory_space<hbm>>
      %dma_start3A_1331 = tpu.memref_squeeze %dma_start3A_1330 : memref<1x50x32xf32, #tpu.memory_space<hbm>> -> memref<50x32xf32, #tpu.memory_space<hbm>>
      %dma_start3A_1332 = arith.constant 350 : i32
      %dma_start3A_1333 = arith.constant 0 : i32
      %dma_start3A_1334 = tpu.memref_slice %arg6[%dma_start3A_1332, %dma_start3A_1333] : memref<1600x32xf32, #tpu.memory_space<vmem>> -> memref<50x32xf32, #tpu.memory_space<vmem>>
      tpu.enqueue_dma source(%dma_start3A_1334 : memref<50x32xf32, #tpu.memory_space<vmem>>) target(%dma_start3A_1331 : memref<50x32xf32, #tpu.memory_space<hbm>>) target_semaphore(%arg10 : memref<!tpu.dma_semaphore, #tpu.memory_space<semaphore_mem>>)
      %mul3A_1335 = arith.constant 32 : i32
      %mul3A_1336 = arith.muli %add3A_1182, %mul3A_1335 : i32
      %add3A_1337 = arith.addi %mul3A_4, %mul3A_1336 : i32
      %add3A_1338 = arith.constant 8 : i32
      %add3A_1339 = arith.addi %add3A_1337, %add3A_1338 : i32
      %dma_start3A_1340 = arith.constant 400 : i32
      %dma_start3A_1341 = arith.constant 0 : i32
      %dma_start3A_1342 = tpu.memref_slice %arg6[%dma_start3A_1340, %dma_start3A_1341] : memref<1600x32xf32, #tpu.memory_space<vmem>> -> memref<50x32xf32, #tpu.memory_space<vmem>>
      %dma_start3A_1343 = arith.constant 0 : i32
      %dma_start3A_1344 = arith.constant 0 : i32
      %dma_start3A_1345 = tpu.memref_slice %arg4[%add3A_1339, %dma_start3A_1343, %dma_start3A_1344] : memref<16384x50x32xf32, #tpu.memory_space<hbm>> -> memref<1x50x32xf32, #tpu.memory_space<hbm>>
      %dma_start3A_1346 = tpu.memref_squeeze %dma_start3A_1345 : memref<1x50x32xf32, #tpu.memory_space<hbm>> -> memref<50x32xf32, #tpu.memory_space<hbm>>
      %dma_start3A_1347 = arith.constant 0 : i32
      %dma_start3A_1348 = arith.constant 0 : i32
      %dma_start3A_1349 = tpu.memref_slice %arg4[%add3A_1339, %dma_start3A_1347, %dma_start3A_1348] : memref<16384x50x32xf32, #tpu.memory_space<hbm>> -> memref<1x50x32xf32, #tpu.memory_space<hbm>>
      %dma_start3A_1350 = tpu.memref_squeeze %dma_start3A_1349 : memref<1x50x32xf32, #tpu.memory_space<hbm>> -> memref<50x32xf32, #tpu.memory_space<hbm>>
      %dma_start3A_1351 = arith.constant 400 : i32
      %dma_start3A_1352 = arith.constant 0 : i32
      %dma_start3A_1353 = tpu.memref_slice %arg6[%dma_start3A_1351, %dma_start3A_1352] : memref<1600x32xf32, #tpu.memory_space<vmem>> -> memref<50x32xf32, #tpu.memory_space<vmem>>
      tpu.enqueue_dma source(%dma_start3A_1353 : memref<50x32xf32, #tpu.memory_space<vmem>>) target(%dma_start3A_1350 : memref<50x32xf32, #tpu.memory_space<hbm>>) target_semaphore(%arg10 : memref<!tpu.dma_semaphore, #tpu.memory_space<semaphore_mem>>)
      %mul3A_1354 = arith.constant 32 : i32
      %mul3A_1355 = arith.muli %add3A_1182, %mul3A_1354 : i32
      %add3A_1356 = arith.addi %mul3A_4, %mul3A_1355 : i32
      %add3A_1357 = arith.constant 9 : i32
      %add3A_1358 = arith.addi %add3A_1356, %add3A_1357 : i32
      %dma_start3A_1359 = arith.constant 450 : i32
      %dma_start3A_1360 = arith.constant 0 : i32
      %dma_start3A_1361 = tpu.memref_slice %arg6[%dma_start3A_1359, %dma_start3A_1360] : memref<1600x32xf32, #tpu.memory_space<vmem>> -> memref<50x32xf32, #tpu.memory_space<vmem>>
      %dma_start3A_1362 = arith.constant 0 : i32
      %dma_start3A_1363 = arith.constant 0 : i32
      %dma_start3A_1364 = tpu.memref_slice %arg4[%add3A_1358, %dma_start3A_1362, %dma_start3A_1363] : memref<16384x50x32xf32, #tpu.memory_space<hbm>> -> memref<1x50x32xf32, #tpu.memory_space<hbm>>
      %dma_start3A_1365 = tpu.memref_squeeze %dma_start3A_1364 : memref<1x50x32xf32, #tpu.memory_space<hbm>> -> memref<50x32xf32, #tpu.memory_space<hbm>>
      %dma_start3A_1366 = arith.constant 0 : i32
      %dma_start3A_1367 = arith.constant 0 : i32
      %dma_start3A_1368 = tpu.memref_slice %arg4[%add3A_1358, %dma_start3A_1366, %dma_start3A_1367] : memref<16384x50x32xf32, #tpu.memory_space<hbm>> -> memref<1x50x32xf32, #tpu.memory_space<hbm>>
      %dma_start3A_1369 = tpu.memref_squeeze %dma_start3A_1368 : memref<1x50x32xf32, #tpu.memory_space<hbm>> -> memref<50x32xf32, #tpu.memory_space<hbm>>
      %dma_start3A_1370 = arith.constant 450 : i32
      %dma_start3A_1371 = arith.constant 0 : i32
      %dma_start3A_1372 = tpu.memref_slice %arg6[%dma_start3A_1370, %dma_start3A_1371] : memref<1600x32xf32, #tpu.memory_space<vmem>> -> memref<50x32xf32, #tpu.memory_space<vmem>>
      tpu.enqueue_dma source(%dma_start3A_1372 : memref<50x32xf32, #tpu.memory_space<vmem>>) target(%dma_start3A_1369 : memref<50x32xf32, #tpu.memory_space<hbm>>) target_semaphore(%arg10 : memref<!tpu.dma_semaphore, #tpu.memory_space<semaphore_mem>>)
      %mul3A_1373 = arith.constant 32 : i32
      %mul3A_1374 = arith.muli %add3A_1182, %mul3A_1373 : i32
      %add3A_1375 = arith.addi %mul3A_4, %mul3A_1374 : i32
      %add3A_1376 = arith.constant 10 : i32
      %add3A_1377 = arith.addi %add3A_1375, %add3A_1376 : i32
      %dma_start3A_1378 = arith.constant 500 : i32
      %dma_start3A_1379 = arith.constant 0 : i32
      %dma_start3A_1380 = tpu.memref_slice %arg6[%dma_start3A_1378, %dma_start3A_1379] : memref<1600x32xf32, #tpu.memory_space<vmem>> -> memref<50x32xf32, #tpu.memory_space<vmem>>
      %dma_start3A_1381 = arith.constant 0 : i32
      %dma_start3A_1382 = arith.constant 0 : i32
      %dma_start3A_1383 = tpu.memref_slice %arg4[%add3A_1377, %dma_start3A_1381, %dma_start3A_1382] : memref<16384x50x32xf32, #tpu.memory_space<hbm>> -> memref<1x50x32xf32, #tpu.memory_space<hbm>>
      %dma_start3A_1384 = tpu.memref_squeeze %dma_start3A_1383 : memref<1x50x32xf32, #tpu.memory_space<hbm>> -> memref<50x32xf32, #tpu.memory_space<hbm>>
      %dma_start3A_1385 = arith.constant 0 : i32
      %dma_start3A_1386 = arith.constant 0 : i32
      %dma_start3A_1387 = tpu.memref_slice %arg4[%add3A_1377, %dma_start3A_1385, %dma_start3A_1386] : memref<16384x50x32xf32, #tpu.memory_space<hbm>> -> memref<1x50x32xf32, #tpu.memory_space<hbm>>
      %dma_start3A_1388 = tpu.memref_squeeze %dma_start3A_1387 : memref<1x50x32xf32, #tpu.memory_space<hbm>> -> memref<50x32xf32, #tpu.memory_space<hbm>>
      %dma_start3A_1389 = arith.constant 500 : i32
      %dma_start3A_1390 = arith.constant 0 : i32
      %dma_start3A_1391 = tpu.memref_slice %arg6[%dma_start3A_1389, %dma_start3A_1390] : memref<1600x32xf32, #tpu.memory_space<vmem>> -> memref<50x32xf32, #tpu.memory_space<vmem>>
      tpu.enqueue_dma source(%dma_start3A_1391 : memref<50x32xf32, #tpu.memory_space<vmem>>) target(%dma_start3A_1388 : memref<50x32xf32, #tpu.memory_space<hbm>>) target_semaphore(%arg10 : memref<!tpu.dma_semaphore, #tpu.memory_space<semaphore_mem>>)
      %mul3A_1392 = arith.constant 32 : i32
      %mul3A_1393 = arith.muli %add3A_1182, %mul3A_1392 : i32
      %add3A_1394 = arith.addi %mul3A_4, %mul3A_1393 : i32
      %add3A_1395 = arith.constant 11 : i32
      %add3A_1396 = arith.addi %add3A_1394, %add3A_1395 : i32
      %dma_start3A_1397 = arith.constant 550 : i32
      %dma_start3A_1398 = arith.constant 0 : i32
      %dma_start3A_1399 = tpu.memref_slice %arg6[%dma_start3A_1397, %dma_start3A_1398] : memref<1600x32xf32, #tpu.memory_space<vmem>> -> memref<50x32xf32, #tpu.memory_space<vmem>>
      %dma_start3A_1400 = arith.constant 0 : i32
      %dma_start3A_1401 = arith.constant 0 : i32
      %dma_start3A_1402 = tpu.memref_slice %arg4[%add3A_1396, %dma_start3A_1400, %dma_start3A_1401] : memref<16384x50x32xf32, #tpu.memory_space<hbm>> -> memref<1x50x32xf32, #tpu.memory_space<hbm>>
      %dma_start3A_1403 = tpu.memref_squeeze %dma_start3A_1402 : memref<1x50x32xf32, #tpu.memory_space<hbm>> -> memref<50x32xf32, #tpu.memory_space<hbm>>
      %dma_start3A_1404 = arith.constant 0 : i32
      %dma_start3A_1405 = arith.constant 0 : i32
      %dma_start3A_1406 = tpu.memref_slice %arg4[%add3A_1396, %dma_start3A_1404, %dma_start3A_1405] : memref<16384x50x32xf32, #tpu.memory_space<hbm>> -> memref<1x50x32xf32, #tpu.memory_space<hbm>>
      %dma_start3A_1407 = tpu.memref_squeeze %dma_start3A_1406 : memref<1x50x32xf32, #tpu.memory_space<hbm>> -> memref<50x32xf32, #tpu.memory_space<hbm>>
      %dma_start3A_1408 = arith.constant 550 : i32
      %dma_start3A_1409 = arith.constant 0 : i32
      %dma_start3A_1410 = tpu.memref_slice %arg6[%dma_start3A_1408, %dma_start3A_1409] : memref<1600x32xf32, #tpu.memory_space<vmem>> -> memref<50x32xf32, #tpu.memory_space<vmem>>
      tpu.enqueue_dma source(%dma_start3A_1410 : memref<50x32xf32, #tpu.memory_space<vmem>>) target(%dma_start3A_1407 : memref<50x32xf32, #tpu.memory_space<hbm>>) target_semaphore(%arg10 : memref<!tpu.dma_semaphore, #tpu.memory_space<semaphore_mem>>)
      %mul3A_1411 = arith.constant 32 : i32
      %mul3A_1412 = arith.muli %add3A_1182, %mul3A_1411 : i32
      %add3A_1413 = arith.addi %mul3A_4, %mul3A_1412 : i32
      %add3A_1414 = arith.constant 12 : i32
      %add3A_1415 = arith.addi %add3A_1413, %add3A_1414 : i32
      %dma_start3A_1416 = arith.constant 600 : i32
      %dma_start3A_1417 = arith.constant 0 : i32
      %dma_start3A_1418 = tpu.memref_slice %arg6[%dma_start3A_1416, %dma_start3A_1417] : memref<1600x32xf32, #tpu.memory_space<vmem>> -> memref<50x32xf32, #tpu.memory_space<vmem>>
      %dma_start3A_1419 = arith.constant 0 : i32
      %dma_start3A_1420 = arith.constant 0 : i32
      %dma_start3A_1421 = tpu.memref_slice %arg4[%add3A_1415, %dma_start3A_1419, %dma_start3A_1420] : memref<16384x50x32xf32, #tpu.memory_space<hbm>> -> memref<1x50x32xf32, #tpu.memory_space<hbm>>
      %dma_start3A_1422 = tpu.memref_squeeze %dma_start3A_1421 : memref<1x50x32xf32, #tpu.memory_space<hbm>> -> memref<50x32xf32, #tpu.memory_space<hbm>>
      %dma_start3A_1423 = arith.constant 0 : i32
      %dma_start3A_1424 = arith.constant 0 : i32
      %dma_start3A_1425 = tpu.memref_slice %arg4[%add3A_1415, %dma_start3A_1423, %dma_start3A_1424] : memref<16384x50x32xf32, #tpu.memory_space<hbm>> -> memref<1x50x32xf32, #tpu.memory_space<hbm>>
      %dma_start3A_1426 = tpu.memref_squeeze %dma_start3A_1425 : memref<1x50x32xf32, #tpu.memory_space<hbm>> -> memref<50x32xf32, #tpu.memory_space<hbm>>
      %dma_start3A_1427 = arith.constant 600 : i32
      %dma_start3A_1428 = arith.constant 0 : i32
      %dma_start3A_1429 = tpu.memref_slice %arg6[%dma_start3A_1427, %dma_start3A_1428] : memref<1600x32xf32, #tpu.memory_space<vmem>> -> memref<50x32xf32, #tpu.memory_space<vmem>>
      tpu.enqueue_dma source(%dma_start3A_1429 : memref<50x32xf32, #tpu.memory_space<vmem>>) target(%dma_start3A_1426 : memref<50x32xf32, #tpu.memory_space<hbm>>) target_semaphore(%arg10 : memref<!tpu.dma_semaphore, #tpu.memory_space<semaphore_mem>>)
      %mul3A_1430 = arith.constant 32 : i32
      %mul3A_1431 = arith.muli %add3A_1182, %mul3A_1430 : i32
      %add3A_1432 = arith.addi %mul3A_4, %mul3A_1431 : i32
      %add3A_1433 = arith.constant 13 : i32
      %add3A_1434 = arith.addi %add3A_1432, %add3A_1433 : i32
      %dma_start3A_1435 = arith.constant 650 : i32
      %dma_start3A_1436 = arith.constant 0 : i32
      %dma_start3A_1437 = tpu.memref_slice %arg6[%dma_start3A_1435, %dma_start3A_1436] : memref<1600x32xf32, #tpu.memory_space<vmem>> -> memref<50x32xf32, #tpu.memory_space<vmem>>
      %dma_start3A_1438 = arith.constant 0 : i32
      %dma_start3A_1439 = arith.constant 0 : i32
      %dma_start3A_1440 = tpu.memref_slice %arg4[%add3A_1434, %dma_start3A_1438, %dma_start3A_1439] : memref<16384x50x32xf32, #tpu.memory_space<hbm>> -> memref<1x50x32xf32, #tpu.memory_space<hbm>>
      %dma_start3A_1441 = tpu.memref_squeeze %dma_start3A_1440 : memref<1x50x32xf32, #tpu.memory_space<hbm>> -> memref<50x32xf32, #tpu.memory_space<hbm>>
      %dma_start3A_1442 = arith.constant 0 : i32
      %dma_start3A_1443 = arith.constant 0 : i32
      %dma_start3A_1444 = tpu.memref_slice %arg4[%add3A_1434, %dma_start3A_1442, %dma_start3A_1443] : memref<16384x50x32xf32, #tpu.memory_space<hbm>> -> memref<1x50x32xf32, #tpu.memory_space<hbm>>
      %dma_start3A_1445 = tpu.memref_squeeze %dma_start3A_1444 : memref<1x50x32xf32, #tpu.memory_space<hbm>> -> memref<50x32xf32, #tpu.memory_space<hbm>>
      %dma_start3A_1446 = arith.constant 650 : i32
      %dma_start3A_1447 = arith.constant 0 : i32
      %dma_start3A_1448 = tpu.memref_slice %arg6[%dma_start3A_1446, %dma_start3A_1447] : memref<1600x32xf32, #tpu.memory_space<vmem>> -> memref<50x32xf32, #tpu.memory_space<vmem>>
      tpu.enqueue_dma source(%dma_start3A_1448 : memref<50x32xf32, #tpu.memory_space<vmem>>) target(%dma_start3A_1445 : memref<50x32xf32, #tpu.memory_space<hbm>>) target_semaphore(%arg10 : memref<!tpu.dma_semaphore, #tpu.memory_space<semaphore_mem>>)
      %mul3A_1449 = arith.constant 32 : i32
      %mul3A_1450 = arith.muli %add3A_1182, %mul3A_1449 : i32
      %add3A_1451 = arith.addi %mul3A_4, %mul3A_1450 : i32
      %add3A_1452 = arith.constant 14 : i32
      %add3A_1453 = arith.addi %add3A_1451, %add3A_1452 : i32
      %dma_start3A_1454 = arith.constant 700 : i32
      %dma_start3A_1455 = arith.constant 0 : i32
      %dma_start3A_1456 = tpu.memref_slice %arg6[%dma_start3A_1454, %dma_start3A_1455] : memref<1600x32xf32, #tpu.memory_space<vmem>> -> memref<50x32xf32, #tpu.memory_space<vmem>>
      %dma_start3A_1457 = arith.constant 0 : i32
      %dma_start3A_1458 = arith.constant 0 : i32
      %dma_start3A_1459 = tpu.memref_slice %arg4[%add3A_1453, %dma_start3A_1457, %dma_start3A_1458] : memref<16384x50x32xf32, #tpu.memory_space<hbm>> -> memref<1x50x32xf32, #tpu.memory_space<hbm>>
      %dma_start3A_1460 = tpu.memref_squeeze %dma_start3A_1459 : memref<1x50x32xf32, #tpu.memory_space<hbm>> -> memref<50x32xf32, #tpu.memory_space<hbm>>
      %dma_start3A_1461 = arith.constant 0 : i32
      %dma_start3A_1462 = arith.constant 0 : i32
      %dma_start3A_1463 = tpu.memref_slice %arg4[%add3A_1453, %dma_start3A_1461, %dma_start3A_1462] : memref<16384x50x32xf32, #tpu.memory_space<hbm>> -> memref<1x50x32xf32, #tpu.memory_space<hbm>>
      %dma_start3A_1464 = tpu.memref_squeeze %dma_start3A_1463 : memref<1x50x32xf32, #tpu.memory_space<hbm>> -> memref<50x32xf32, #tpu.memory_space<hbm>>
      %dma_start3A_1465 = arith.constant 700 : i32
      %dma_start3A_1466 = arith.constant 0 : i32
      %dma_start3A_1467 = tpu.memref_slice %arg6[%dma_start3A_1465, %dma_start3A_1466] : memref<1600x32xf32, #tpu.memory_space<vmem>> -> memref<50x32xf32, #tpu.memory_space<vmem>>
      tpu.enqueue_dma source(%dma_start3A_1467 : memref<50x32xf32, #tpu.memory_space<vmem>>) target(%dma_start3A_1464 : memref<50x32xf32, #tpu.memory_space<hbm>>) target_semaphore(%arg10 : memref<!tpu.dma_semaphore, #tpu.memory_space<semaphore_mem>>)
      %mul3A_1468 = arith.constant 32 : i32
      %mul3A_1469 = arith.muli %add3A_1182, %mul3A_1468 : i32
      %add3A_1470 = arith.addi %mul3A_4, %mul3A_1469 : i32
      %add3A_1471 = arith.constant 15 : i32
      %add3A_1472 = arith.addi %add3A_1470, %add3A_1471 : i32
      %dma_start3A_1473 = arith.constant 750 : i32
      %dma_start3A_1474 = arith.constant 0 : i32
      %dma_start3A_1475 = tpu.memref_slice %arg6[%dma_start3A_1473, %dma_start3A_1474] : memref<1600x32xf32, #tpu.memory_space<vmem>> -> memref<50x32xf32, #tpu.memory_space<vmem>>
      %dma_start3A_1476 = arith.constant 0 : i32
      %dma_start3A_1477 = arith.constant 0 : i32
      %dma_start3A_1478 = tpu.memref_slice %arg4[%add3A_1472, %dma_start3A_1476, %dma_start3A_1477] : memref<16384x50x32xf32, #tpu.memory_space<hbm>> -> memref<1x50x32xf32, #tpu.memory_space<hbm>>
      %dma_start3A_1479 = tpu.memref_squeeze %dma_start3A_1478 : memref<1x50x32xf32, #tpu.memory_space<hbm>> -> memref<50x32xf32, #tpu.memory_space<hbm>>
      %dma_start3A_1480 = arith.constant 0 : i32
      %dma_start3A_1481 = arith.constant 0 : i32
      %dma_start3A_1482 = tpu.memref_slice %arg4[%add3A_1472, %dma_start3A_1480, %dma_start3A_1481] : memref<16384x50x32xf32, #tpu.memory_space<hbm>> -> memref<1x50x32xf32, #tpu.memory_space<hbm>>
      %dma_start3A_1483 = tpu.memref_squeeze %dma_start3A_1482 : memref<1x50x32xf32, #tpu.memory_space<hbm>> -> memref<50x32xf32, #tpu.memory_space<hbm>>
      %dma_start3A_1484 = arith.constant 750 : i32
      %dma_start3A_1485 = arith.constant 0 : i32
      %dma_start3A_1486 = tpu.memref_slice %arg6[%dma_start3A_1484, %dma_start3A_1485] : memref<1600x32xf32, #tpu.memory_space<vmem>> -> memref<50x32xf32, #tpu.memory_space<vmem>>
      tpu.enqueue_dma source(%dma_start3A_1486 : memref<50x32xf32, #tpu.memory_space<vmem>>) target(%dma_start3A_1483 : memref<50x32xf32, #tpu.memory_space<hbm>>) target_semaphore(%arg10 : memref<!tpu.dma_semaphore, #tpu.memory_space<semaphore_mem>>)
      %mul3A_1487 = arith.constant 32 : i32
      %mul3A_1488 = arith.muli %add3A_1182, %mul3A_1487 : i32
      %add3A_1489 = arith.addi %mul3A_4, %mul3A_1488 : i32
      %add3A_1490 = arith.constant 16 : i32
      %add3A_1491 = arith.addi %add3A_1489, %add3A_1490 : i32
      %dma_start3A_1492 = arith.constant 800 : i32
      %dma_start3A_1493 = arith.constant 0 : i32
      %dma_start3A_1494 = tpu.memref_slice %arg6[%dma_start3A_1492, %dma_start3A_1493] : memref<1600x32xf32, #tpu.memory_space<vmem>> -> memref<50x32xf32, #tpu.memory_space<vmem>>
      %dma_start3A_1495 = arith.constant 0 : i32
      %dma_start3A_1496 = arith.constant 0 : i32
      %dma_start3A_1497 = tpu.memref_slice %arg4[%add3A_1491, %dma_start3A_1495, %dma_start3A_1496] : memref<16384x50x32xf32, #tpu.memory_space<hbm>> -> memref<1x50x32xf32, #tpu.memory_space<hbm>>
      %dma_start3A_1498 = tpu.memref_squeeze %dma_start3A_1497 : memref<1x50x32xf32, #tpu.memory_space<hbm>> -> memref<50x32xf32, #tpu.memory_space<hbm>>
      %dma_start3A_1499 = arith.constant 0 : i32
      %dma_start3A_1500 = arith.constant 0 : i32
      %dma_start3A_1501 = tpu.memref_slice %arg4[%add3A_1491, %dma_start3A_1499, %dma_start3A_1500] : memref<16384x50x32xf32, #tpu.memory_space<hbm>> -> memref<1x50x32xf32, #tpu.memory_space<hbm>>
      %dma_start3A_1502 = tpu.memref_squeeze %dma_start3A_1501 : memref<1x50x32xf32, #tpu.memory_space<hbm>> -> memref<50x32xf32, #tpu.memory_space<hbm>>
      %dma_start3A_1503 = arith.constant 800 : i32
      %dma_start3A_1504 = arith.constant 0 : i32
      %dma_start3A_1505 = tpu.memref_slice %arg6[%dma_start3A_1503, %dma_start3A_1504] : memref<1600x32xf32, #tpu.memory_space<vmem>> -> memref<50x32xf32, #tpu.memory_space<vmem>>
      tpu.enqueue_dma source(%dma_start3A_1505 : memref<50x32xf32, #tpu.memory_space<vmem>>) target(%dma_start3A_1502 : memref<50x32xf32, #tpu.memory_space<hbm>>) target_semaphore(%arg10 : memref<!tpu.dma_semaphore, #tpu.memory_space<semaphore_mem>>)
      %mul3A_1506 = arith.constant 32 : i32
      %mul3A_1507 = arith.muli %add3A_1182, %mul3A_1506 : i32
      %add3A_1508 = arith.addi %mul3A_4, %mul3A_1507 : i32
      %add3A_1509 = arith.constant 17 : i32
      %add3A_1510 = arith.addi %add3A_1508, %add3A_1509 : i32
      %dma_start3A_1511 = arith.constant 850 : i32
      %dma_start3A_1512 = arith.constant 0 : i32
      %dma_start3A_1513 = tpu.memref_slice %arg6[%dma_start3A_1511, %dma_start3A_1512] : memref<1600x32xf32, #tpu.memory_space<vmem>> -> memref<50x32xf32, #tpu.memory_space<vmem>>
      %dma_start3A_1514 = arith.constant 0 : i32
      %dma_start3A_1515 = arith.constant 0 : i32
      %dma_start3A_1516 = tpu.memref_slice %arg4[%add3A_1510, %dma_start3A_1514, %dma_start3A_1515] : memref<16384x50x32xf32, #tpu.memory_space<hbm>> -> memref<1x50x32xf32, #tpu.memory_space<hbm>>
      %dma_start3A_1517 = tpu.memref_squeeze %dma_start3A_1516 : memref<1x50x32xf32, #tpu.memory_space<hbm>> -> memref<50x32xf32, #tpu.memory_space<hbm>>
      %dma_start3A_1518 = arith.constant 0 : i32
      %dma_start3A_1519 = arith.constant 0 : i32
      %dma_start3A_1520 = tpu.memref_slice %arg4[%add3A_1510, %dma_start3A_1518, %dma_start3A_1519] : memref<16384x50x32xf32, #tpu.memory_space<hbm>> -> memref<1x50x32xf32, #tpu.memory_space<hbm>>
      %dma_start3A_1521 = tpu.memref_squeeze %dma_start3A_1520 : memref<1x50x32xf32, #tpu.memory_space<hbm>> -> memref<50x32xf32, #tpu.memory_space<hbm>>
      %dma_start3A_1522 = arith.constant 850 : i32
      %dma_start3A_1523 = arith.constant 0 : i32
      %dma_start3A_1524 = tpu.memref_slice %arg6[%dma_start3A_1522, %dma_start3A_1523] : memref<1600x32xf32, #tpu.memory_space<vmem>> -> memref<50x32xf32, #tpu.memory_space<vmem>>
      tpu.enqueue_dma source(%dma_start3A_1524 : memref<50x32xf32, #tpu.memory_space<vmem>>) target(%dma_start3A_1521 : memref<50x32xf32, #tpu.memory_space<hbm>>) target_semaphore(%arg10 : memref<!tpu.dma_semaphore, #tpu.memory_space<semaphore_mem>>)
      %mul3A_1525 = arith.constant 32 : i32
      %mul3A_1526 = arith.muli %add3A_1182, %mul3A_1525 : i32
      %add3A_1527 = arith.addi %mul3A_4, %mul3A_1526 : i32
      %add3A_1528 = arith.constant 18 : i32
      %add3A_1529 = arith.addi %add3A_1527, %add3A_1528 : i32
      %dma_start3A_1530 = arith.constant 900 : i32
      %dma_start3A_1531 = arith.constant 0 : i32
      %dma_start3A_1532 = tpu.memref_slice %arg6[%dma_start3A_1530, %dma_start3A_1531] : memref<1600x32xf32, #tpu.memory_space<vmem>> -> memref<50x32xf32, #tpu.memory_space<vmem>>
      %dma_start3A_1533 = arith.constant 0 : i32
      %dma_start3A_1534 = arith.constant 0 : i32
      %dma_start3A_1535 = tpu.memref_slice %arg4[%add3A_1529, %dma_start3A_1533, %dma_start3A_1534] : memref<16384x50x32xf32, #tpu.memory_space<hbm>> -> memref<1x50x32xf32, #tpu.memory_space<hbm>>
      %dma_start3A_1536 = tpu.memref_squeeze %dma_start3A_1535 : memref<1x50x32xf32, #tpu.memory_space<hbm>> -> memref<50x32xf32, #tpu.memory_space<hbm>>
      %dma_start3A_1537 = arith.constant 0 : i32
      %dma_start3A_1538 = arith.constant 0 : i32
      %dma_start3A_1539 = tpu.memref_slice %arg4[%add3A_1529, %dma_start3A_1537, %dma_start3A_1538] : memref<16384x50x32xf32, #tpu.memory_space<hbm>> -> memref<1x50x32xf32, #tpu.memory_space<hbm>>
      %dma_start3A_1540 = tpu.memref_squeeze %dma_start3A_1539 : memref<1x50x32xf32, #tpu.memory_space<hbm>> -> memref<50x32xf32, #tpu.memory_space<hbm>>
      %dma_start3A_1541 = arith.constant 900 : i32
      %dma_start3A_1542 = arith.constant 0 : i32
      %dma_start3A_1543 = tpu.memref_slice %arg6[%dma_start3A_1541, %dma_start3A_1542] : memref<1600x32xf32, #tpu.memory_space<vmem>> -> memref<50x32xf32, #tpu.memory_space<vmem>>
      tpu.enqueue_dma source(%dma_start3A_1543 : memref<50x32xf32, #tpu.memory_space<vmem>>) target(%dma_start3A_1540 : memref<50x32xf32, #tpu.memory_space<hbm>>) target_semaphore(%arg10 : memref<!tpu.dma_semaphore, #tpu.memory_space<semaphore_mem>>)
      %mul3A_1544 = arith.constant 32 : i32
      %mul3A_1545 = arith.muli %add3A_1182, %mul3A_1544 : i32
      %add3A_1546 = arith.addi %mul3A_4, %mul3A_1545 : i32
      %add3A_1547 = arith.constant 19 : i32
      %add3A_1548 = arith.addi %add3A_1546, %add3A_1547 : i32
      %dma_start3A_1549 = arith.constant 950 : i32
      %dma_start3A_1550 = arith.constant 0 : i32
      %dma_start3A_1551 = tpu.memref_slice %arg6[%dma_start3A_1549, %dma_start3A_1550] : memref<1600x32xf32, #tpu.memory_space<vmem>> -> memref<50x32xf32, #tpu.memory_space<vmem>>
      %dma_start3A_1552 = arith.constant 0 : i32
      %dma_start3A_1553 = arith.constant 0 : i32
      %dma_start3A_1554 = tpu.memref_slice %arg4[%add3A_1548, %dma_start3A_1552, %dma_start3A_1553] : memref<16384x50x32xf32, #tpu.memory_space<hbm>> -> memref<1x50x32xf32, #tpu.memory_space<hbm>>
      %dma_start3A_1555 = tpu.memref_squeeze %dma_start3A_1554 : memref<1x50x32xf32, #tpu.memory_space<hbm>> -> memref<50x32xf32, #tpu.memory_space<hbm>>
      %dma_start3A_1556 = arith.constant 0 : i32
      %dma_start3A_1557 = arith.constant 0 : i32
      %dma_start3A_1558 = tpu.memref_slice %arg4[%add3A_1548, %dma_start3A_1556, %dma_start3A_1557] : memref<16384x50x32xf32, #tpu.memory_space<hbm>> -> memref<1x50x32xf32, #tpu.memory_space<hbm>>
      %dma_start3A_1559 = tpu.memref_squeeze %dma_start3A_1558 : memref<1x50x32xf32, #tpu.memory_space<hbm>> -> memref<50x32xf32, #tpu.memory_space<hbm>>
      %dma_start3A_1560 = arith.constant 950 : i32
      %dma_start3A_1561 = arith.constant 0 : i32
      %dma_start3A_1562 = tpu.memref_slice %arg6[%dma_start3A_1560, %dma_start3A_1561] : memref<1600x32xf32, #tpu.memory_space<vmem>> -> memref<50x32xf32, #tpu.memory_space<vmem>>
      tpu.enqueue_dma source(%dma_start3A_1562 : memref<50x32xf32, #tpu.memory_space<vmem>>) target(%dma_start3A_1559 : memref<50x32xf32, #tpu.memory_space<hbm>>) target_semaphore(%arg10 : memref<!tpu.dma_semaphore, #tpu.memory_space<semaphore_mem>>)
      %mul3A_1563 = arith.constant 32 : i32
      %mul3A_1564 = arith.muli %add3A_1182, %mul3A_1563 : i32
      %add3A_1565 = arith.addi %mul3A_4, %mul3A_1564 : i32
      %add3A_1566 = arith.constant 20 : i32
      %add3A_1567 = arith.addi %add3A_1565, %add3A_1566 : i32
      %dma_start3A_1568 = arith.constant 1000 : i32
      %dma_start3A_1569 = arith.constant 0 : i32
      %dma_start3A_1570 = tpu.memref_slice %arg6[%dma_start3A_1568, %dma_start3A_1569] : memref<1600x32xf32, #tpu.memory_space<vmem>> -> memref<50x32xf32, #tpu.memory_space<vmem>>
      %dma_start3A_1571 = arith.constant 0 : i32
      %dma_start3A_1572 = arith.constant 0 : i32
      %dma_start3A_1573 = tpu.memref_slice %arg4[%add3A_1567, %dma_start3A_1571, %dma_start3A_1572] : memref<16384x50x32xf32, #tpu.memory_space<hbm>> -> memref<1x50x32xf32, #tpu.memory_space<hbm>>
      %dma_start3A_1574 = tpu.memref_squeeze %dma_start3A_1573 : memref<1x50x32xf32, #tpu.memory_space<hbm>> -> memref<50x32xf32, #tpu.memory_space<hbm>>
      %dma_start3A_1575 = arith.constant 0 : i32
      %dma_start3A_1576 = arith.constant 0 : i32
      %dma_start3A_1577 = tpu.memref_slice %arg4[%add3A_1567, %dma_start3A_1575, %dma_start3A_1576] : memref<16384x50x32xf32, #tpu.memory_space<hbm>> -> memref<1x50x32xf32, #tpu.memory_space<hbm>>
      %dma_start3A_1578 = tpu.memref_squeeze %dma_start3A_1577 : memref<1x50x32xf32, #tpu.memory_space<hbm>> -> memref<50x32xf32, #tpu.memory_space<hbm>>
      %dma_start3A_1579 = arith.constant 1000 : i32
      %dma_start3A_1580 = arith.constant 0 : i32
      %dma_start3A_1581 = tpu.memref_slice %arg6[%dma_start3A_1579, %dma_start3A_1580] : memref<1600x32xf32, #tpu.memory_space<vmem>> -> memref<50x32xf32, #tpu.memory_space<vmem>>
      tpu.enqueue_dma source(%dma_start3A_1581 : memref<50x32xf32, #tpu.memory_space<vmem>>) target(%dma_start3A_1578 : memref<50x32xf32, #tpu.memory_space<hbm>>) target_semaphore(%arg10 : memref<!tpu.dma_semaphore, #tpu.memory_space<semaphore_mem>>)
      %mul3A_1582 = arith.constant 32 : i32
      %mul3A_1583 = arith.muli %add3A_1182, %mul3A_1582 : i32
      %add3A_1584 = arith.addi %mul3A_4, %mul3A_1583 : i32
      %add3A_1585 = arith.constant 21 : i32
      %add3A_1586 = arith.addi %add3A_1584, %add3A_1585 : i32
      %dma_start3A_1587 = arith.constant 1050 : i32
      %dma_start3A_1588 = arith.constant 0 : i32
      %dma_start3A_1589 = tpu.memref_slice %arg6[%dma_start3A_1587, %dma_start3A_1588] : memref<1600x32xf32, #tpu.memory_space<vmem>> -> memref<50x32xf32, #tpu.memory_space<vmem>>
      %dma_start3A_1590 = arith.constant 0 : i32
      %dma_start3A_1591 = arith.constant 0 : i32
      %dma_start3A_1592 = tpu.memref_slice %arg4[%add3A_1586, %dma_start3A_1590, %dma_start3A_1591] : memref<16384x50x32xf32, #tpu.memory_space<hbm>> -> memref<1x50x32xf32, #tpu.memory_space<hbm>>
      %dma_start3A_1593 = tpu.memref_squeeze %dma_start3A_1592 : memref<1x50x32xf32, #tpu.memory_space<hbm>> -> memref<50x32xf32, #tpu.memory_space<hbm>>
      %dma_start3A_1594 = arith.constant 0 : i32
      %dma_start3A_1595 = arith.constant 0 : i32
      %dma_start3A_1596 = tpu.memref_slice %arg4[%add3A_1586, %dma_start3A_1594, %dma_start3A_1595] : memref<16384x50x32xf32, #tpu.memory_space<hbm>> -> memref<1x50x32xf32, #tpu.memory_space<hbm>>
      %dma_start3A_1597 = tpu.memref_squeeze %dma_start3A_1596 : memref<1x50x32xf32, #tpu.memory_space<hbm>> -> memref<50x32xf32, #tpu.memory_space<hbm>>
      %dma_start3A_1598 = arith.constant 1050 : i32
      %dma_start3A_1599 = arith.constant 0 : i32
      %dma_start3A_1600 = tpu.memref_slice %arg6[%dma_start3A_1598, %dma_start3A_1599] : memref<1600x32xf32, #tpu.memory_space<vmem>> -> memref<50x32xf32, #tpu.memory_space<vmem>>
      tpu.enqueue_dma source(%dma_start3A_1600 : memref<50x32xf32, #tpu.memory_space<vmem>>) target(%dma_start3A_1597 : memref<50x32xf32, #tpu.memory_space<hbm>>) target_semaphore(%arg10 : memref<!tpu.dma_semaphore, #tpu.memory_space<semaphore_mem>>)
      %mul3A_1601 = arith.constant 32 : i32
      %mul3A_1602 = arith.muli %add3A_1182, %mul3A_1601 : i32
      %add3A_1603 = arith.addi %mul3A_4, %mul3A_1602 : i32
      %add3A_1604 = arith.constant 22 : i32
      %add3A_1605 = arith.addi %add3A_1603, %add3A_1604 : i32
      %dma_start3A_1606 = arith.constant 1100 : i32
      %dma_start3A_1607 = arith.constant 0 : i32
      %dma_start3A_1608 = tpu.memref_slice %arg6[%dma_start3A_1606, %dma_start3A_1607] : memref<1600x32xf32, #tpu.memory_space<vmem>> -> memref<50x32xf32, #tpu.memory_space<vmem>>
      %dma_start3A_1609 = arith.constant 0 : i32
      %dma_start3A_1610 = arith.constant 0 : i32
      %dma_start3A_1611 = tpu.memref_slice %arg4[%add3A_1605, %dma_start3A_1609, %dma_start3A_1610] : memref<16384x50x32xf32, #tpu.memory_space<hbm>> -> memref<1x50x32xf32, #tpu.memory_space<hbm>>
      %dma_start3A_1612 = tpu.memref_squeeze %dma_start3A_1611 : memref<1x50x32xf32, #tpu.memory_space<hbm>> -> memref<50x32xf32, #tpu.memory_space<hbm>>
      %dma_start3A_1613 = arith.constant 0 : i32
      %dma_start3A_1614 = arith.constant 0 : i32
      %dma_start3A_1615 = tpu.memref_slice %arg4[%add3A_1605, %dma_start3A_1613, %dma_start3A_1614] : memref<16384x50x32xf32, #tpu.memory_space<hbm>> -> memref<1x50x32xf32, #tpu.memory_space<hbm>>
      %dma_start3A_1616 = tpu.memref_squeeze %dma_start3A_1615 : memref<1x50x32xf32, #tpu.memory_space<hbm>> -> memref<50x32xf32, #tpu.memory_space<hbm>>
      %dma_start3A_1617 = arith.constant 1100 : i32
      %dma_start3A_1618 = arith.constant 0 : i32
      %dma_start3A_1619 = tpu.memref_slice %arg6[%dma_start3A_1617, %dma_start3A_1618] : memref<1600x32xf32, #tpu.memory_space<vmem>> -> memref<50x32xf32, #tpu.memory_space<vmem>>
      tpu.enqueue_dma source(%dma_start3A_1619 : memref<50x32xf32, #tpu.memory_space<vmem>>) target(%dma_start3A_1616 : memref<50x32xf32, #tpu.memory_space<hbm>>) target_semaphore(%arg10 : memref<!tpu.dma_semaphore, #tpu.memory_space<semaphore_mem>>)
      %mul3A_1620 = arith.constant 32 : i32
      %mul3A_1621 = arith.muli %add3A_1182, %mul3A_1620 : i32
      %add3A_1622 = arith.addi %mul3A_4, %mul3A_1621 : i32
      %add3A_1623 = arith.constant 23 : i32
      %add3A_1624 = arith.addi %add3A_1622, %add3A_1623 : i32
      %dma_start3A_1625 = arith.constant 1150 : i32
      %dma_start3A_1626 = arith.constant 0 : i32
      %dma_start3A_1627 = tpu.memref_slice %arg6[%dma_start3A_1625, %dma_start3A_1626] : memref<1600x32xf32, #tpu.memory_space<vmem>> -> memref<50x32xf32, #tpu.memory_space<vmem>>
      %dma_start3A_1628 = arith.constant 0 : i32
      %dma_start3A_1629 = arith.constant 0 : i32
      %dma_start3A_1630 = tpu.memref_slice %arg4[%add3A_1624, %dma_start3A_1628, %dma_start3A_1629] : memref<16384x50x32xf32, #tpu.memory_space<hbm>> -> memref<1x50x32xf32, #tpu.memory_space<hbm>>
      %dma_start3A_1631 = tpu.memref_squeeze %dma_start3A_1630 : memref<1x50x32xf32, #tpu.memory_space<hbm>> -> memref<50x32xf32, #tpu.memory_space<hbm>>
      %dma_start3A_1632 = arith.constant 0 : i32
      %dma_start3A_1633 = arith.constant 0 : i32
      %dma_start3A_1634 = tpu.memref_slice %arg4[%add3A_1624, %dma_start3A_1632, %dma_start3A_1633] : memref<16384x50x32xf32, #tpu.memory_space<hbm>> -> memref<1x50x32xf32, #tpu.memory_space<hbm>>
      %dma_start3A_1635 = tpu.memref_squeeze %dma_start3A_1634 : memref<1x50x32xf32, #tpu.memory_space<hbm>> -> memref<50x32xf32, #tpu.memory_space<hbm>>
      %dma_start3A_1636 = arith.constant 1150 : i32
      %dma_start3A_1637 = arith.constant 0 : i32
      %dma_start3A_1638 = tpu.memref_slice %arg6[%dma_start3A_1636, %dma_start3A_1637] : memref<1600x32xf32, #tpu.memory_space<vmem>> -> memref<50x32xf32, #tpu.memory_space<vmem>>
      tpu.enqueue_dma source(%dma_start3A_1638 : memref<50x32xf32, #tpu.memory_space<vmem>>) target(%dma_start3A_1635 : memref<50x32xf32, #tpu.memory_space<hbm>>) target_semaphore(%arg10 : memref<!tpu.dma_semaphore, #tpu.memory_space<semaphore_mem>>)
      %mul3A_1639 = arith.constant 32 : i32
      %mul3A_1640 = arith.muli %add3A_1182, %mul3A_1639 : i32
      %add3A_1641 = arith.addi %mul3A_4, %mul3A_1640 : i32
      %add3A_1642 = arith.constant 24 : i32
      %add3A_1643 = arith.addi %add3A_1641, %add3A_1642 : i32
      %dma_start3A_1644 = arith.constant 1200 : i32
      %dma_start3A_1645 = arith.constant 0 : i32
      %dma_start3A_1646 = tpu.memref_slice %arg6[%dma_start3A_1644, %dma_start3A_1645] : memref<1600x32xf32, #tpu.memory_space<vmem>> -> memref<50x32xf32, #tpu.memory_space<vmem>>
      %dma_start3A_1647 = arith.constant 0 : i32
      %dma_start3A_1648 = arith.constant 0 : i32
      %dma_start3A_1649 = tpu.memref_slice %arg4[%add3A_1643, %dma_start3A_1647, %dma_start3A_1648] : memref<16384x50x32xf32, #tpu.memory_space<hbm>> -> memref<1x50x32xf32, #tpu.memory_space<hbm>>
      %dma_start3A_1650 = tpu.memref_squeeze %dma_start3A_1649 : memref<1x50x32xf32, #tpu.memory_space<hbm>> -> memref<50x32xf32, #tpu.memory_space<hbm>>
      %dma_start3A_1651 = arith.constant 0 : i32
      %dma_start3A_1652 = arith.constant 0 : i32
      %dma_start3A_1653 = tpu.memref_slice %arg4[%add3A_1643, %dma_start3A_1651, %dma_start3A_1652] : memref<16384x50x32xf32, #tpu.memory_space<hbm>> -> memref<1x50x32xf32, #tpu.memory_space<hbm>>
      %dma_start3A_1654 = tpu.memref_squeeze %dma_start3A_1653 : memref<1x50x32xf32, #tpu.memory_space<hbm>> -> memref<50x32xf32, #tpu.memory_space<hbm>>
      %dma_start3A_1655 = arith.constant 1200 : i32
      %dma_start3A_1656 = arith.constant 0 : i32
      %dma_start3A_1657 = tpu.memref_slice %arg6[%dma_start3A_1655, %dma_start3A_1656] : memref<1600x32xf32, #tpu.memory_space<vmem>> -> memref<50x32xf32, #tpu.memory_space<vmem>>
      tpu.enqueue_dma source(%dma_start3A_1657 : memref<50x32xf32, #tpu.memory_space<vmem>>) target(%dma_start3A_1654 : memref<50x32xf32, #tpu.memory_space<hbm>>) target_semaphore(%arg10 : memref<!tpu.dma_semaphore, #tpu.memory_space<semaphore_mem>>)
      %mul3A_1658 = arith.constant 32 : i32
      %mul3A_1659 = arith.muli %add3A_1182, %mul3A_1658 : i32
      %add3A_1660 = arith.addi %mul3A_4, %mul3A_1659 : i32
      %add3A_1661 = arith.constant 25 : i32
      %add3A_1662 = arith.addi %add3A_1660, %add3A_1661 : i32
      %dma_start3A_1663 = arith.constant 1250 : i32
      %dma_start3A_1664 = arith.constant 0 : i32
      %dma_start3A_1665 = tpu.memref_slice %arg6[%dma_start3A_1663, %dma_start3A_1664] : memref<1600x32xf32, #tpu.memory_space<vmem>> -> memref<50x32xf32, #tpu.memory_space<vmem>>
      %dma_start3A_1666 = arith.constant 0 : i32
      %dma_start3A_1667 = arith.constant 0 : i32
      %dma_start3A_1668 = tpu.memref_slice %arg4[%add3A_1662, %dma_start3A_1666, %dma_start3A_1667] : memref<16384x50x32xf32, #tpu.memory_space<hbm>> -> memref<1x50x32xf32, #tpu.memory_space<hbm>>
      %dma_start3A_1669 = tpu.memref_squeeze %dma_start3A_1668 : memref<1x50x32xf32, #tpu.memory_space<hbm>> -> memref<50x32xf32, #tpu.memory_space<hbm>>
      %dma_start3A_1670 = arith.constant 0 : i32
      %dma_start3A_1671 = arith.constant 0 : i32
      %dma_start3A_1672 = tpu.memref_slice %arg4[%add3A_1662, %dma_start3A_1670, %dma_start3A_1671] : memref<16384x50x32xf32, #tpu.memory_space<hbm>> -> memref<1x50x32xf32, #tpu.memory_space<hbm>>
      %dma_start3A_1673 = tpu.memref_squeeze %dma_start3A_1672 : memref<1x50x32xf32, #tpu.memory_space<hbm>> -> memref<50x32xf32, #tpu.memory_space<hbm>>
      %dma_start3A_1674 = arith.constant 1250 : i32
      %dma_start3A_1675 = arith.constant 0 : i32
      %dma_start3A_1676 = tpu.memref_slice %arg6[%dma_start3A_1674, %dma_start3A_1675] : memref<1600x32xf32, #tpu.memory_space<vmem>> -> memref<50x32xf32, #tpu.memory_space<vmem>>
      tpu.enqueue_dma source(%dma_start3A_1676 : memref<50x32xf32, #tpu.memory_space<vmem>>) target(%dma_start3A_1673 : memref<50x32xf32, #tpu.memory_space<hbm>>) target_semaphore(%arg10 : memref<!tpu.dma_semaphore, #tpu.memory_space<semaphore_mem>>)
      %mul3A_1677 = arith.constant 32 : i32
      %mul3A_1678 = arith.muli %add3A_1182, %mul3A_1677 : i32
      %add3A_1679 = arith.addi %mul3A_4, %mul3A_1678 : i32
      %add3A_1680 = arith.constant 26 : i32
      %add3A_1681 = arith.addi %add3A_1679, %add3A_1680 : i32
      %dma_start3A_1682 = arith.constant 1300 : i32
      %dma_start3A_1683 = arith.constant 0 : i32
      %dma_start3A_1684 = tpu.memref_slice %arg6[%dma_start3A_1682, %dma_start3A_1683] : memref<1600x32xf32, #tpu.memory_space<vmem>> -> memref<50x32xf32, #tpu.memory_space<vmem>>
      %dma_start3A_1685 = arith.constant 0 : i32
      %dma_start3A_1686 = arith.constant 0 : i32
      %dma_start3A_1687 = tpu.memref_slice %arg4[%add3A_1681, %dma_start3A_1685, %dma_start3A_1686] : memref<16384x50x32xf32, #tpu.memory_space<hbm>> -> memref<1x50x32xf32, #tpu.memory_space<hbm>>
      %dma_start3A_1688 = tpu.memref_squeeze %dma_start3A_1687 : memref<1x50x32xf32, #tpu.memory_space<hbm>> -> memref<50x32xf32, #tpu.memory_space<hbm>>
      %dma_start3A_1689 = arith.constant 0 : i32
      %dma_start3A_1690 = arith.constant 0 : i32
      %dma_start3A_1691 = tpu.memref_slice %arg4[%add3A_1681, %dma_start3A_1689, %dma_start3A_1690] : memref<16384x50x32xf32, #tpu.memory_space<hbm>> -> memref<1x50x32xf32, #tpu.memory_space<hbm>>
      %dma_start3A_1692 = tpu.memref_squeeze %dma_start3A_1691 : memref<1x50x32xf32, #tpu.memory_space<hbm>> -> memref<50x32xf32, #tpu.memory_space<hbm>>
      %dma_start3A_1693 = arith.constant 1300 : i32
      %dma_start3A_1694 = arith.constant 0 : i32
      %dma_start3A_1695 = tpu.memref_slice %arg6[%dma_start3A_1693, %dma_start3A_1694] : memref<1600x32xf32, #tpu.memory_space<vmem>> -> memref<50x32xf32, #tpu.memory_space<vmem>>
      tpu.enqueue_dma source(%dma_start3A_1695 : memref<50x32xf32, #tpu.memory_space<vmem>>) target(%dma_start3A_1692 : memref<50x32xf32, #tpu.memory_space<hbm>>) target_semaphore(%arg10 : memref<!tpu.dma_semaphore, #tpu.memory_space<semaphore_mem>>)
      %mul3A_1696 = arith.constant 32 : i32
      %mul3A_1697 = arith.muli %add3A_1182, %mul3A_1696 : i32
      %add3A_1698 = arith.addi %mul3A_4, %mul3A_1697 : i32
      %add3A_1699 = arith.constant 27 : i32
      %add3A_1700 = arith.addi %add3A_1698, %add3A_1699 : i32
      %dma_start3A_1701 = arith.constant 1350 : i32
      %dma_start3A_1702 = arith.constant 0 : i32
      %dma_start3A_1703 = tpu.memref_slice %arg6[%dma_start3A_1701, %dma_start3A_1702] : memref<1600x32xf32, #tpu.memory_space<vmem>> -> memref<50x32xf32, #tpu.memory_space<vmem>>
      %dma_start3A_1704 = arith.constant 0 : i32
      %dma_start3A_1705 = arith.constant 0 : i32
      %dma_start3A_1706 = tpu.memref_slice %arg4[%add3A_1700, %dma_start3A_1704, %dma_start3A_1705] : memref<16384x50x32xf32, #tpu.memory_space<hbm>> -> memref<1x50x32xf32, #tpu.memory_space<hbm>>
      %dma_start3A_1707 = tpu.memref_squeeze %dma_start3A_1706 : memref<1x50x32xf32, #tpu.memory_space<hbm>> -> memref<50x32xf32, #tpu.memory_space<hbm>>
      %dma_start3A_1708 = arith.constant 0 : i32
      %dma_start3A_1709 = arith.constant 0 : i32
      %dma_start3A_1710 = tpu.memref_slice %arg4[%add3A_1700, %dma_start3A_1708, %dma_start3A_1709] : memref<16384x50x32xf32, #tpu.memory_space<hbm>> -> memref<1x50x32xf32, #tpu.memory_space<hbm>>
      %dma_start3A_1711 = tpu.memref_squeeze %dma_start3A_1710 : memref<1x50x32xf32, #tpu.memory_space<hbm>> -> memref<50x32xf32, #tpu.memory_space<hbm>>
      %dma_start3A_1712 = arith.constant 1350 : i32
      %dma_start3A_1713 = arith.constant 0 : i32
      %dma_start3A_1714 = tpu.memref_slice %arg6[%dma_start3A_1712, %dma_start3A_1713] : memref<1600x32xf32, #tpu.memory_space<vmem>> -> memref<50x32xf32, #tpu.memory_space<vmem>>
      tpu.enqueue_dma source(%dma_start3A_1714 : memref<50x32xf32, #tpu.memory_space<vmem>>) target(%dma_start3A_1711 : memref<50x32xf32, #tpu.memory_space<hbm>>) target_semaphore(%arg10 : memref<!tpu.dma_semaphore, #tpu.memory_space<semaphore_mem>>)
      %mul3A_1715 = arith.constant 32 : i32
      %mul3A_1716 = arith.muli %add3A_1182, %mul3A_1715 : i32
      %add3A_1717 = arith.addi %mul3A_4, %mul3A_1716 : i32
      %add3A_1718 = arith.constant 28 : i32
      %add3A_1719 = arith.addi %add3A_1717, %add3A_1718 : i32
      %dma_start3A_1720 = arith.constant 1400 : i32
      %dma_start3A_1721 = arith.constant 0 : i32
      %dma_start3A_1722 = tpu.memref_slice %arg6[%dma_start3A_1720, %dma_start3A_1721] : memref<1600x32xf32, #tpu.memory_space<vmem>> -> memref<50x32xf32, #tpu.memory_space<vmem>>
      %dma_start3A_1723 = arith.constant 0 : i32
      %dma_start3A_1724 = arith.constant 0 : i32
      %dma_start3A_1725 = tpu.memref_slice %arg4[%add3A_1719, %dma_start3A_1723, %dma_start3A_1724] : memref<16384x50x32xf32, #tpu.memory_space<hbm>> -> memref<1x50x32xf32, #tpu.memory_space<hbm>>
      %dma_start3A_1726 = tpu.memref_squeeze %dma_start3A_1725 : memref<1x50x32xf32, #tpu.memory_space<hbm>> -> memref<50x32xf32, #tpu.memory_space<hbm>>
      %dma_start3A_1727 = arith.constant 0 : i32
      %dma_start3A_1728 = arith.constant 0 : i32
      %dma_start3A_1729 = tpu.memref_slice %arg4[%add3A_1719, %dma_start3A_1727, %dma_start3A_1728] : memref<16384x50x32xf32, #tpu.memory_space<hbm>> -> memref<1x50x32xf32, #tpu.memory_space<hbm>>
      %dma_start3A_1730 = tpu.memref_squeeze %dma_start3A_1729 : memref<1x50x32xf32, #tpu.memory_space<hbm>> -> memref<50x32xf32, #tpu.memory_space<hbm>>
      %dma_start3A_1731 = arith.constant 1400 : i32
      %dma_start3A_1732 = arith.constant 0 : i32
      %dma_start3A_1733 = tpu.memref_slice %arg6[%dma_start3A_1731, %dma_start3A_1732] : memref<1600x32xf32, #tpu.memory_space<vmem>> -> memref<50x32xf32, #tpu.memory_space<vmem>>
      tpu.enqueue_dma source(%dma_start3A_1733 : memref<50x32xf32, #tpu.memory_space<vmem>>) target(%dma_start3A_1730 : memref<50x32xf32, #tpu.memory_space<hbm>>) target_semaphore(%arg10 : memref<!tpu.dma_semaphore, #tpu.memory_space<semaphore_mem>>)
      %mul3A_1734 = arith.constant 32 : i32
      %mul3A_1735 = arith.muli %add3A_1182, %mul3A_1734 : i32
      %add3A_1736 = arith.addi %mul3A_4, %mul3A_1735 : i32
      %add3A_1737 = arith.constant 29 : i32
      %add3A_1738 = arith.addi %add3A_1736, %add3A_1737 : i32
      %dma_start3A_1739 = arith.constant 1450 : i32
      %dma_start3A_1740 = arith.constant 0 : i32
      %dma_start3A_1741 = tpu.memref_slice %arg6[%dma_start3A_1739, %dma_start3A_1740] : memref<1600x32xf32, #tpu.memory_space<vmem>> -> memref<50x32xf32, #tpu.memory_space<vmem>>
      %dma_start3A_1742 = arith.constant 0 : i32
      %dma_start3A_1743 = arith.constant 0 : i32
      %dma_start3A_1744 = tpu.memref_slice %arg4[%add3A_1738, %dma_start3A_1742, %dma_start3A_1743] : memref<16384x50x32xf32, #tpu.memory_space<hbm>> -> memref<1x50x32xf32, #tpu.memory_space<hbm>>
      %dma_start3A_1745 = tpu.memref_squeeze %dma_start3A_1744 : memref<1x50x32xf32, #tpu.memory_space<hbm>> -> memref<50x32xf32, #tpu.memory_space<hbm>>
      %dma_start3A_1746 = arith.constant 0 : i32
      %dma_start3A_1747 = arith.constant 0 : i32
      %dma_start3A_1748 = tpu.memref_slice %arg4[%add3A_1738, %dma_start3A_1746, %dma_start3A_1747] : memref<16384x50x32xf32, #tpu.memory_space<hbm>> -> memref<1x50x32xf32, #tpu.memory_space<hbm>>
      %dma_start3A_1749 = tpu.memref_squeeze %dma_start3A_1748 : memref<1x50x32xf32, #tpu.memory_space<hbm>> -> memref<50x32xf32, #tpu.memory_space<hbm>>
      %dma_start3A_1750 = arith.constant 1450 : i32
      %dma_start3A_1751 = arith.constant 0 : i32
      %dma_start3A_1752 = tpu.memref_slice %arg6[%dma_start3A_1750, %dma_start3A_1751] : memref<1600x32xf32, #tpu.memory_space<vmem>> -> memref<50x32xf32, #tpu.memory_space<vmem>>
      tpu.enqueue_dma source(%dma_start3A_1752 : memref<50x32xf32, #tpu.memory_space<vmem>>) target(%dma_start3A_1749 : memref<50x32xf32, #tpu.memory_space<hbm>>) target_semaphore(%arg10 : memref<!tpu.dma_semaphore, #tpu.memory_space<semaphore_mem>>)
      %mul3A_1753 = arith.constant 32 : i32
      %mul3A_1754 = arith.muli %add3A_1182, %mul3A_1753 : i32
      %add3A_1755 = arith.addi %mul3A_4, %mul3A_1754 : i32
      %add3A_1756 = arith.constant 30 : i32
      %add3A_1757 = arith.addi %add3A_1755, %add3A_1756 : i32
      %dma_start3A_1758 = arith.constant 1500 : i32
      %dma_start3A_1759 = arith.constant 0 : i32
      %dma_start3A_1760 = tpu.memref_slice %arg6[%dma_start3A_1758, %dma_start3A_1759] : memref<1600x32xf32, #tpu.memory_space<vmem>> -> memref<50x32xf32, #tpu.memory_space<vmem>>
      %dma_start3A_1761 = arith.constant 0 : i32
      %dma_start3A_1762 = arith.constant 0 : i32
      %dma_start3A_1763 = tpu.memref_slice %arg4[%add3A_1757, %dma_start3A_1761, %dma_start3A_1762] : memref<16384x50x32xf32, #tpu.memory_space<hbm>> -> memref<1x50x32xf32, #tpu.memory_space<hbm>>
      %dma_start3A_1764 = tpu.memref_squeeze %dma_start3A_1763 : memref<1x50x32xf32, #tpu.memory_space<hbm>> -> memref<50x32xf32, #tpu.memory_space<hbm>>
      %dma_start3A_1765 = arith.constant 0 : i32
      %dma_start3A_1766 = arith.constant 0 : i32
      %dma_start3A_1767 = tpu.memref_slice %arg4[%add3A_1757, %dma_start3A_1765, %dma_start3A_1766] : memref<16384x50x32xf32, #tpu.memory_space<hbm>> -> memref<1x50x32xf32, #tpu.memory_space<hbm>>
      %dma_start3A_1768 = tpu.memref_squeeze %dma_start3A_1767 : memref<1x50x32xf32, #tpu.memory_space<hbm>> -> memref<50x32xf32, #tpu.memory_space<hbm>>
      %dma_start3A_1769 = arith.constant 1500 : i32
      %dma_start3A_1770 = arith.constant 0 : i32
      %dma_start3A_1771 = tpu.memref_slice %arg6[%dma_start3A_1769, %dma_start3A_1770] : memref<1600x32xf32, #tpu.memory_space<vmem>> -> memref<50x32xf32, #tpu.memory_space<vmem>>
      tpu.enqueue_dma source(%dma_start3A_1771 : memref<50x32xf32, #tpu.memory_space<vmem>>) target(%dma_start3A_1768 : memref<50x32xf32, #tpu.memory_space<hbm>>) target_semaphore(%arg10 : memref<!tpu.dma_semaphore, #tpu.memory_space<semaphore_mem>>)
      %mul3A_1772 = arith.constant 32 : i32
      %mul3A_1773 = arith.muli %add3A_1182, %mul3A_1772 : i32
      %add3A_1774 = arith.addi %mul3A_4, %mul3A_1773 : i32
      %add3A_1775 = arith.constant 31 : i32
      %add3A_1776 = arith.addi %add3A_1774, %add3A_1775 : i32
      %dma_start3A_1777 = arith.constant 1550 : i32
      %dma_start3A_1778 = arith.constant 0 : i32
      %dma_start3A_1779 = tpu.memref_slice %arg6[%dma_start3A_1777, %dma_start3A_1778] : memref<1600x32xf32, #tpu.memory_space<vmem>> -> memref<50x32xf32, #tpu.memory_space<vmem>>
      %dma_start3A_1780 = arith.constant 0 : i32
      %dma_start3A_1781 = arith.constant 0 : i32
      %dma_start3A_1782 = tpu.memref_slice %arg4[%add3A_1776, %dma_start3A_1780, %dma_start3A_1781] : memref<16384x50x32xf32, #tpu.memory_space<hbm>> -> memref<1x50x32xf32, #tpu.memory_space<hbm>>
      %dma_start3A_1783 = tpu.memref_squeeze %dma_start3A_1782 : memref<1x50x32xf32, #tpu.memory_space<hbm>> -> memref<50x32xf32, #tpu.memory_space<hbm>>
      %dma_start3A_1784 = arith.constant 0 : i32
      %dma_start3A_1785 = arith.constant 0 : i32
      %dma_start3A_1786 = tpu.memref_slice %arg4[%add3A_1776, %dma_start3A_1784, %dma_start3A_1785] : memref<16384x50x32xf32, #tpu.memory_space<hbm>> -> memref<1x50x32xf32, #tpu.memory_space<hbm>>
      %dma_start3A_1787 = tpu.memref_squeeze %dma_start3A_1786 : memref<1x50x32xf32, #tpu.memory_space<hbm>> -> memref<50x32xf32, #tpu.memory_space<hbm>>
      %dma_start3A_1788 = arith.constant 1550 : i32
      %dma_start3A_1789 = arith.constant 0 : i32
      %dma_start3A_1790 = tpu.memref_slice %arg6[%dma_start3A_1788, %dma_start3A_1789] : memref<1600x32xf32, #tpu.memory_space<vmem>> -> memref<50x32xf32, #tpu.memory_space<vmem>>
      tpu.enqueue_dma source(%dma_start3A_1790 : memref<50x32xf32, #tpu.memory_space<vmem>>) target(%dma_start3A_1787 : memref<50x32xf32, #tpu.memory_space<hbm>>) target_semaphore(%arg10 : memref<!tpu.dma_semaphore, #tpu.memory_space<semaphore_mem>>)
      %add3A_1791 = arith.constant 1 : i32
      %add3A_1792 = arith.addi %mul3A_1172, %add3A_1791 : i32
      %mul3A_1793 = arith.constant 1600 : i32
      %mul3A_1794 = arith.muli %add3A_1792, %mul3A_1793 : i32
      %dma_wait3A_1795 = tpu.memref_slice %arg5[%mul3A_1794] : memref<25600xi32, #tpu.memory_space<vmem>> -> memref<1600xi32, #tpu.memory_space<vmem>>
      %dma_wait3A_1796 = arith.constant 0 : i32
      %dma_wait3A_1797 = arith.constant 0 : i32
      %dma_wait3A_1798 = tpu.memref_slice %arg3[%dma_wait3A_1796, %dma_wait3A_1797] : memref<1000000x32xf32, #tpu.memory_space<hbm>> -> memref<1000000x32xf32, #tpu.memory_space<hbm>>
      tpu.wait_indirect_dma semaphore(%arg9 : memref<!tpu.dma_semaphore, #tpu.memory_space<semaphore_mem>>) src(%dma_wait3A_1798 : memref<1000000x32xf32, #tpu.memory_space<hbm>>) dst(%arg7 : memref<1600x32xf32, #tpu.memory_space<vmem>>)
      %add3A_1799 = arith.constant 1 : i32
      %add3A_1800 = arith.addi %mul3A_1172, %add3A_1799 : i32
      %mul3A_1801 = arith.constant 32 : i32
      %mul3A_1802 = arith.muli %add3A_1800, %mul3A_1801 : i32
      %add3A_1803 = arith.addi %mul3A_4, %mul3A_1802 : i32
      %add3A_1804 = arith.constant 0 : i32
      %add3A_1805 = arith.addi %add3A_1803, %add3A_1804 : i32
      %dma_start3A_1806 = arith.constant 0 : i32
      %dma_start3A_1807 = arith.constant 0 : i32
      %dma_start3A_1808 = tpu.memref_slice %arg7[%dma_start3A_1806, %dma_start3A_1807] : memref<1600x32xf32, #tpu.memory_space<vmem>> -> memref<50x32xf32, #tpu.memory_space<vmem>>
      %dma_start3A_1809 = arith.constant 0 : i32
      %dma_start3A_1810 = arith.constant 0 : i32
      %dma_start3A_1811 = tpu.memref_slice %arg4[%add3A_1805, %dma_start3A_1809, %dma_start3A_1810] : memref<16384x50x32xf32, #tpu.memory_space<hbm>> -> memref<1x50x32xf32, #tpu.memory_space<hbm>>
      %dma_start3A_1812 = tpu.memref_squeeze %dma_start3A_1811 : memref<1x50x32xf32, #tpu.memory_space<hbm>> -> memref<50x32xf32, #tpu.memory_space<hbm>>
      %dma_start3A_1813 = arith.constant 0 : i32
      %dma_start3A_1814 = arith.constant 0 : i32
      %dma_start3A_1815 = tpu.memref_slice %arg4[%add3A_1805, %dma_start3A_1813, %dma_start3A_1814] : memref<16384x50x32xf32, #tpu.memory_space<hbm>> -> memref<1x50x32xf32, #tpu.memory_space<hbm>>
      %dma_start3A_1816 = tpu.memref_squeeze %dma_start3A_1815 : memref<1x50x32xf32, #tpu.memory_space<hbm>> -> memref<50x32xf32, #tpu.memory_space<hbm>>
      %dma_start3A_1817 = arith.constant 0 : i32
      %dma_start3A_1818 = arith.constant 0 : i32
      %dma_start3A_1819 = tpu.memref_slice %arg7[%dma_start3A_1817, %dma_start3A_1818] : memref<1600x32xf32, #tpu.memory_space<vmem>> -> memref<50x32xf32, #tpu.memory_space<vmem>>
      tpu.enqueue_dma source(%dma_start3A_1819 : memref<50x32xf32, #tpu.memory_space<vmem>>) target(%dma_start3A_1816 : memref<50x32xf32, #tpu.memory_space<hbm>>) target_semaphore(%arg11 : memref<!tpu.dma_semaphore, #tpu.memory_space<semaphore_mem>>)
      %mul3A_1820 = arith.constant 32 : i32
      %mul3A_1821 = arith.muli %add3A_1800, %mul3A_1820 : i32
      %add3A_1822 = arith.addi %mul3A_4, %mul3A_1821 : i32
      %add3A_1823 = arith.constant 1 : i32
      %add3A_1824 = arith.addi %add3A_1822, %add3A_1823 : i32
      %dma_start3A_1825 = arith.constant 50 : i32
      %dma_start3A_1826 = arith.constant 0 : i32
      %dma_start3A_1827 = tpu.memref_slice %arg7[%dma_start3A_1825, %dma_start3A_1826] : memref<1600x32xf32, #tpu.memory_space<vmem>> -> memref<50x32xf32, #tpu.memory_space<vmem>>
      %dma_start3A_1828 = arith.constant 0 : i32
      %dma_start3A_1829 = arith.constant 0 : i32
      %dma_start3A_1830 = tpu.memref_slice %arg4[%add3A_1824, %dma_start3A_1828, %dma_start3A_1829] : memref<16384x50x32xf32, #tpu.memory_space<hbm>> -> memref<1x50x32xf32, #tpu.memory_space<hbm>>
      %dma_start3A_1831 = tpu.memref_squeeze %dma_start3A_1830 : memref<1x50x32xf32, #tpu.memory_space<hbm>> -> memref<50x32xf32, #tpu.memory_space<hbm>>
      %dma_start3A_1832 = arith.constant 0 : i32
      %dma_start3A_1833 = arith.constant 0 : i32
      %dma_start3A_1834 = tpu.memref_slice %arg4[%add3A_1824, %dma_start3A_1832, %dma_start3A_1833] : memref<16384x50x32xf32, #tpu.memory_space<hbm>> -> memref<1x50x32xf32, #tpu.memory_space<hbm>>
      %dma_start3A_1835 = tpu.memref_squeeze %dma_start3A_1834 : memref<1x50x32xf32, #tpu.memory_space<hbm>> -> memref<50x32xf32, #tpu.memory_space<hbm>>
      %dma_start3A_1836 = arith.constant 50 : i32
      %dma_start3A_1837 = arith.constant 0 : i32
      %dma_start3A_1838 = tpu.memref_slice %arg7[%dma_start3A_1836, %dma_start3A_1837] : memref<1600x32xf32, #tpu.memory_space<vmem>> -> memref<50x32xf32, #tpu.memory_space<vmem>>
      tpu.enqueue_dma source(%dma_start3A_1838 : memref<50x32xf32, #tpu.memory_space<vmem>>) target(%dma_start3A_1835 : memref<50x32xf32, #tpu.memory_space<hbm>>) target_semaphore(%arg11 : memref<!tpu.dma_semaphore, #tpu.memory_space<semaphore_mem>>)
      %mul3A_1839 = arith.constant 32 : i32
      %mul3A_1840 = arith.muli %add3A_1800, %mul3A_1839 : i32
      %add3A_1841 = arith.addi %mul3A_4, %mul3A_1840 : i32
      %add3A_1842 = arith.constant 2 : i32
      %add3A_1843 = arith.addi %add3A_1841, %add3A_1842 : i32
      %dma_start3A_1844 = arith.constant 100 : i32
      %dma_start3A_1845 = arith.constant 0 : i32
      %dma_start3A_1846 = tpu.memref_slice %arg7[%dma_start3A_1844, %dma_start3A_1845] : memref<1600x32xf32, #tpu.memory_space<vmem>> -> memref<50x32xf32, #tpu.memory_space<vmem>>
      %dma_start3A_1847 = arith.constant 0 : i32
      %dma_start3A_1848 = arith.constant 0 : i32
      %dma_start3A_1849 = tpu.memref_slice %arg4[%add3A_1843, %dma_start3A_1847, %dma_start3A_1848] : memref<16384x50x32xf32, #tpu.memory_space<hbm>> -> memref<1x50x32xf32, #tpu.memory_space<hbm>>
      %dma_start3A_1850 = tpu.memref_squeeze %dma_start3A_1849 : memref<1x50x32xf32, #tpu.memory_space<hbm>> -> memref<50x32xf32, #tpu.memory_space<hbm>>
      %dma_start3A_1851 = arith.constant 0 : i32
      %dma_start3A_1852 = arith.constant 0 : i32
      %dma_start3A_1853 = tpu.memref_slice %arg4[%add3A_1843, %dma_start3A_1851, %dma_start3A_1852] : memref<16384x50x32xf32, #tpu.memory_space<hbm>> -> memref<1x50x32xf32, #tpu.memory_space<hbm>>
      %dma_start3A_1854 = tpu.memref_squeeze %dma_start3A_1853 : memref<1x50x32xf32, #tpu.memory_space<hbm>> -> memref<50x32xf32, #tpu.memory_space<hbm>>
      %dma_start3A_1855 = arith.constant 100 : i32
      %dma_start3A_1856 = arith.constant 0 : i32
      %dma_start3A_1857 = tpu.memref_slice %arg7[%dma_start3A_1855, %dma_start3A_1856] : memref<1600x32xf32, #tpu.memory_space<vmem>> -> memref<50x32xf32, #tpu.memory_space<vmem>>
      tpu.enqueue_dma source(%dma_start3A_1857 : memref<50x32xf32, #tpu.memory_space<vmem>>) target(%dma_start3A_1854 : memref<50x32xf32, #tpu.memory_space<hbm>>) target_semaphore(%arg11 : memref<!tpu.dma_semaphore, #tpu.memory_space<semaphore_mem>>)
      %mul3A_1858 = arith.constant 32 : i32
      %mul3A_1859 = arith.muli %add3A_1800, %mul3A_1858 : i32
      %add3A_1860 = arith.addi %mul3A_4, %mul3A_1859 : i32
      %add3A_1861 = arith.constant 3 : i32
      %add3A_1862 = arith.addi %add3A_1860, %add3A_1861 : i32
      %dma_start3A_1863 = arith.constant 150 : i32
      %dma_start3A_1864 = arith.constant 0 : i32
      %dma_start3A_1865 = tpu.memref_slice %arg7[%dma_start3A_1863, %dma_start3A_1864] : memref<1600x32xf32, #tpu.memory_space<vmem>> -> memref<50x32xf32, #tpu.memory_space<vmem>>
      %dma_start3A_1866 = arith.constant 0 : i32
      %dma_start3A_1867 = arith.constant 0 : i32
      %dma_start3A_1868 = tpu.memref_slice %arg4[%add3A_1862, %dma_start3A_1866, %dma_start3A_1867] : memref<16384x50x32xf32, #tpu.memory_space<hbm>> -> memref<1x50x32xf32, #tpu.memory_space<hbm>>
      %dma_start3A_1869 = tpu.memref_squeeze %dma_start3A_1868 : memref<1x50x32xf32, #tpu.memory_space<hbm>> -> memref<50x32xf32, #tpu.memory_space<hbm>>
      %dma_start3A_1870 = arith.constant 0 : i32
      %dma_start3A_1871 = arith.constant 0 : i32
      %dma_start3A_1872 = tpu.memref_slice %arg4[%add3A_1862, %dma_start3A_1870, %dma_start3A_1871] : memref<16384x50x32xf32, #tpu.memory_space<hbm>> -> memref<1x50x32xf32, #tpu.memory_space<hbm>>
      %dma_start3A_1873 = tpu.memref_squeeze %dma_start3A_1872 : memref<1x50x32xf32, #tpu.memory_space<hbm>> -> memref<50x32xf32, #tpu.memory_space<hbm>>
      %dma_start3A_1874 = arith.constant 150 : i32
      %dma_start3A_1875 = arith.constant 0 : i32
      %dma_start3A_1876 = tpu.memref_slice %arg7[%dma_start3A_1874, %dma_start3A_1875] : memref<1600x32xf32, #tpu.memory_space<vmem>> -> memref<50x32xf32, #tpu.memory_space<vmem>>
      tpu.enqueue_dma source(%dma_start3A_1876 : memref<50x32xf32, #tpu.memory_space<vmem>>) target(%dma_start3A_1873 : memref<50x32xf32, #tpu.memory_space<hbm>>) target_semaphore(%arg11 : memref<!tpu.dma_semaphore, #tpu.memory_space<semaphore_mem>>)
      %mul3A_1877 = arith.constant 32 : i32
      %mul3A_1878 = arith.muli %add3A_1800, %mul3A_1877 : i32
      %add3A_1879 = arith.addi %mul3A_4, %mul3A_1878 : i32
      %add3A_1880 = arith.constant 4 : i32
      %add3A_1881 = arith.addi %add3A_1879, %add3A_1880 : i32
      %dma_start3A_1882 = arith.constant 200 : i32
      %dma_start3A_1883 = arith.constant 0 : i32
      %dma_start3A_1884 = tpu.memref_slice %arg7[%dma_start3A_1882, %dma_start3A_1883] : memref<1600x32xf32, #tpu.memory_space<vmem>> -> memref<50x32xf32, #tpu.memory_space<vmem>>
      %dma_start3A_1885 = arith.constant 0 : i32
      %dma_start3A_1886 = arith.constant 0 : i32
      %dma_start3A_1887 = tpu.memref_slice %arg4[%add3A_1881, %dma_start3A_1885, %dma_start3A_1886] : memref<16384x50x32xf32, #tpu.memory_space<hbm>> -> memref<1x50x32xf32, #tpu.memory_space<hbm>>
      %dma_start3A_1888 = tpu.memref_squeeze %dma_start3A_1887 : memref<1x50x32xf32, #tpu.memory_space<hbm>> -> memref<50x32xf32, #tpu.memory_space<hbm>>
      %dma_start3A_1889 = arith.constant 0 : i32
      %dma_start3A_1890 = arith.constant 0 : i32
      %dma_start3A_1891 = tpu.memref_slice %arg4[%add3A_1881, %dma_start3A_1889, %dma_start3A_1890] : memref<16384x50x32xf32, #tpu.memory_space<hbm>> -> memref<1x50x32xf32, #tpu.memory_space<hbm>>
      %dma_start3A_1892 = tpu.memref_squeeze %dma_start3A_1891 : memref<1x50x32xf32, #tpu.memory_space<hbm>> -> memref<50x32xf32, #tpu.memory_space<hbm>>
      %dma_start3A_1893 = arith.constant 200 : i32
      %dma_start3A_1894 = arith.constant 0 : i32
      %dma_start3A_1895 = tpu.memref_slice %arg7[%dma_start3A_1893, %dma_start3A_1894] : memref<1600x32xf32, #tpu.memory_space<vmem>> -> memref<50x32xf32, #tpu.memory_space<vmem>>
      tpu.enqueue_dma source(%dma_start3A_1895 : memref<50x32xf32, #tpu.memory_space<vmem>>) target(%dma_start3A_1892 : memref<50x32xf32, #tpu.memory_space<hbm>>) target_semaphore(%arg11 : memref<!tpu.dma_semaphore, #tpu.memory_space<semaphore_mem>>)
      %mul3A_1896 = arith.constant 32 : i32
      %mul3A_1897 = arith.muli %add3A_1800, %mul3A_1896 : i32
      %add3A_1898 = arith.addi %mul3A_4, %mul3A_1897 : i32
      %add3A_1899 = arith.constant 5 : i32
      %add3A_1900 = arith.addi %add3A_1898, %add3A_1899 : i32
      %dma_start3A_1901 = arith.constant 250 : i32
      %dma_start3A_1902 = arith.constant 0 : i32
      %dma_start3A_1903 = tpu.memref_slice %arg7[%dma_start3A_1901, %dma_start3A_1902] : memref<1600x32xf32, #tpu.memory_space<vmem>> -> memref<50x32xf32, #tpu.memory_space<vmem>>
      %dma_start3A_1904 = arith.constant 0 : i32
      %dma_start3A_1905 = arith.constant 0 : i32
      %dma_start3A_1906 = tpu.memref_slice %arg4[%add3A_1900, %dma_start3A_1904, %dma_start3A_1905] : memref<16384x50x32xf32, #tpu.memory_space<hbm>> -> memref<1x50x32xf32, #tpu.memory_space<hbm>>
      %dma_start3A_1907 = tpu.memref_squeeze %dma_start3A_1906 : memref<1x50x32xf32, #tpu.memory_space<hbm>> -> memref<50x32xf32, #tpu.memory_space<hbm>>
      %dma_start3A_1908 = arith.constant 0 : i32
      %dma_start3A_1909 = arith.constant 0 : i32
      %dma_start3A_1910 = tpu.memref_slice %arg4[%add3A_1900, %dma_start3A_1908, %dma_start3A_1909] : memref<16384x50x32xf32, #tpu.memory_space<hbm>> -> memref<1x50x32xf32, #tpu.memory_space<hbm>>
      %dma_start3A_1911 = tpu.memref_squeeze %dma_start3A_1910 : memref<1x50x32xf32, #tpu.memory_space<hbm>> -> memref<50x32xf32, #tpu.memory_space<hbm>>
      %dma_start3A_1912 = arith.constant 250 : i32
      %dma_start3A_1913 = arith.constant 0 : i32
      %dma_start3A_1914 = tpu.memref_slice %arg7[%dma_start3A_1912, %dma_start3A_1913] : memref<1600x32xf32, #tpu.memory_space<vmem>> -> memref<50x32xf32, #tpu.memory_space<vmem>>
      tpu.enqueue_dma source(%dma_start3A_1914 : memref<50x32xf32, #tpu.memory_space<vmem>>) target(%dma_start3A_1911 : memref<50x32xf32, #tpu.memory_space<hbm>>) target_semaphore(%arg11 : memref<!tpu.dma_semaphore, #tpu.memory_space<semaphore_mem>>)
      %mul3A_1915 = arith.constant 32 : i32
      %mul3A_1916 = arith.muli %add3A_1800, %mul3A_1915 : i32
      %add3A_1917 = arith.addi %mul3A_4, %mul3A_1916 : i32
      %add3A_1918 = arith.constant 6 : i32
      %add3A_1919 = arith.addi %add3A_1917, %add3A_1918 : i32
      %dma_start3A_1920 = arith.constant 300 : i32
      %dma_start3A_1921 = arith.constant 0 : i32
      %dma_start3A_1922 = tpu.memref_slice %arg7[%dma_start3A_1920, %dma_start3A_1921] : memref<1600x32xf32, #tpu.memory_space<vmem>> -> memref<50x32xf32, #tpu.memory_space<vmem>>
      %dma_start3A_1923 = arith.constant 0 : i32
      %dma_start3A_1924 = arith.constant 0 : i32
      %dma_start3A_1925 = tpu.memref_slice %arg4[%add3A_1919, %dma_start3A_1923, %dma_start3A_1924] : memref<16384x50x32xf32, #tpu.memory_space<hbm>> -> memref<1x50x32xf32, #tpu.memory_space<hbm>>
      %dma_start3A_1926 = tpu.memref_squeeze %dma_start3A_1925 : memref<1x50x32xf32, #tpu.memory_space<hbm>> -> memref<50x32xf32, #tpu.memory_space<hbm>>
      %dma_start3A_1927 = arith.constant 0 : i32
      %dma_start3A_1928 = arith.constant 0 : i32
      %dma_start3A_1929 = tpu.memref_slice %arg4[%add3A_1919, %dma_start3A_1927, %dma_start3A_1928] : memref<16384x50x32xf32, #tpu.memory_space<hbm>> -> memref<1x50x32xf32, #tpu.memory_space<hbm>>
      %dma_start3A_1930 = tpu.memref_squeeze %dma_start3A_1929 : memref<1x50x32xf32, #tpu.memory_space<hbm>> -> memref<50x32xf32, #tpu.memory_space<hbm>>
      %dma_start3A_1931 = arith.constant 300 : i32
      %dma_start3A_1932 = arith.constant 0 : i32
      %dma_start3A_1933 = tpu.memref_slice %arg7[%dma_start3A_1931, %dma_start3A_1932] : memref<1600x32xf32, #tpu.memory_space<vmem>> -> memref<50x32xf32, #tpu.memory_space<vmem>>
      tpu.enqueue_dma source(%dma_start3A_1933 : memref<50x32xf32, #tpu.memory_space<vmem>>) target(%dma_start3A_1930 : memref<50x32xf32, #tpu.memory_space<hbm>>) target_semaphore(%arg11 : memref<!tpu.dma_semaphore, #tpu.memory_space<semaphore_mem>>)
      %mul3A_1934 = arith.constant 32 : i32
      %mul3A_1935 = arith.muli %add3A_1800, %mul3A_1934 : i32
      %add3A_1936 = arith.addi %mul3A_4, %mul3A_1935 : i32
      %add3A_1937 = arith.constant 7 : i32
      %add3A_1938 = arith.addi %add3A_1936, %add3A_1937 : i32
      %dma_start3A_1939 = arith.constant 350 : i32
      %dma_start3A_1940 = arith.constant 0 : i32
      %dma_start3A_1941 = tpu.memref_slice %arg7[%dma_start3A_1939, %dma_start3A_1940] : memref<1600x32xf32, #tpu.memory_space<vmem>> -> memref<50x32xf32, #tpu.memory_space<vmem>>
      %dma_start3A_1942 = arith.constant 0 : i32
      %dma_start3A_1943 = arith.constant 0 : i32
      %dma_start3A_1944 = tpu.memref_slice %arg4[%add3A_1938, %dma_start3A_1942, %dma_start3A_1943] : memref<16384x50x32xf32, #tpu.memory_space<hbm>> -> memref<1x50x32xf32, #tpu.memory_space<hbm>>
      %dma_start3A_1945 = tpu.memref_squeeze %dma_start3A_1944 : memref<1x50x32xf32, #tpu.memory_space<hbm>> -> memref<50x32xf32, #tpu.memory_space<hbm>>
      %dma_start3A_1946 = arith.constant 0 : i32
      %dma_start3A_1947 = arith.constant 0 : i32
      %dma_start3A_1948 = tpu.memref_slice %arg4[%add3A_1938, %dma_start3A_1946, %dma_start3A_1947] : memref<16384x50x32xf32, #tpu.memory_space<hbm>> -> memref<1x50x32xf32, #tpu.memory_space<hbm>>
      %dma_start3A_1949 = tpu.memref_squeeze %dma_start3A_1948 : memref<1x50x32xf32, #tpu.memory_space<hbm>> -> memref<50x32xf32, #tpu.memory_space<hbm>>
      %dma_start3A_1950 = arith.constant 350 : i32
      %dma_start3A_1951 = arith.constant 0 : i32
      %dma_start3A_1952 = tpu.memref_slice %arg7[%dma_start3A_1950, %dma_start3A_1951] : memref<1600x32xf32, #tpu.memory_space<vmem>> -> memref<50x32xf32, #tpu.memory_space<vmem>>
      tpu.enqueue_dma source(%dma_start3A_1952 : memref<50x32xf32, #tpu.memory_space<vmem>>) target(%dma_start3A_1949 : memref<50x32xf32, #tpu.memory_space<hbm>>) target_semaphore(%arg11 : memref<!tpu.dma_semaphore, #tpu.memory_space<semaphore_mem>>)
      %mul3A_1953 = arith.constant 32 : i32
      %mul3A_1954 = arith.muli %add3A_1800, %mul3A_1953 : i32
      %add3A_1955 = arith.addi %mul3A_4, %mul3A_1954 : i32
      %add3A_1956 = arith.constant 8 : i32
      %add3A_1957 = arith.addi %add3A_1955, %add3A_1956 : i32
      %dma_start3A_1958 = arith.constant 400 : i32
      %dma_start3A_1959 = arith.constant 0 : i32
      %dma_start3A_1960 = tpu.memref_slice %arg7[%dma_start3A_1958, %dma_start3A_1959] : memref<1600x32xf32, #tpu.memory_space<vmem>> -> memref<50x32xf32, #tpu.memory_space<vmem>>
      %dma_start3A_1961 = arith.constant 0 : i32
      %dma_start3A_1962 = arith.constant 0 : i32
      %dma_start3A_1963 = tpu.memref_slice %arg4[%add3A_1957, %dma_start3A_1961, %dma_start3A_1962] : memref<16384x50x32xf32, #tpu.memory_space<hbm>> -> memref<1x50x32xf32, #tpu.memory_space<hbm>>
      %dma_start3A_1964 = tpu.memref_squeeze %dma_start3A_1963 : memref<1x50x32xf32, #tpu.memory_space<hbm>> -> memref<50x32xf32, #tpu.memory_space<hbm>>
      %dma_start3A_1965 = arith.constant 0 : i32
      %dma_start3A_1966 = arith.constant 0 : i32
      %dma_start3A_1967 = tpu.memref_slice %arg4[%add3A_1957, %dma_start3A_1965, %dma_start3A_1966] : memref<16384x50x32xf32, #tpu.memory_space<hbm>> -> memref<1x50x32xf32, #tpu.memory_space<hbm>>
      %dma_start3A_1968 = tpu.memref_squeeze %dma_start3A_1967 : memref<1x50x32xf32, #tpu.memory_space<hbm>> -> memref<50x32xf32, #tpu.memory_space<hbm>>
      %dma_start3A_1969 = arith.constant 400 : i32
      %dma_start3A_1970 = arith.constant 0 : i32
      %dma_start3A_1971 = tpu.memref_slice %arg7[%dma_start3A_1969, %dma_start3A_1970] : memref<1600x32xf32, #tpu.memory_space<vmem>> -> memref<50x32xf32, #tpu.memory_space<vmem>>
      tpu.enqueue_dma source(%dma_start3A_1971 : memref<50x32xf32, #tpu.memory_space<vmem>>) target(%dma_start3A_1968 : memref<50x32xf32, #tpu.memory_space<hbm>>) target_semaphore(%arg11 : memref<!tpu.dma_semaphore, #tpu.memory_space<semaphore_mem>>)
      %mul3A_1972 = arith.constant 32 : i32
      %mul3A_1973 = arith.muli %add3A_1800, %mul3A_1972 : i32
      %add3A_1974 = arith.addi %mul3A_4, %mul3A_1973 : i32
      %add3A_1975 = arith.constant 9 : i32
      %add3A_1976 = arith.addi %add3A_1974, %add3A_1975 : i32
      %dma_start3A_1977 = arith.constant 450 : i32
      %dma_start3A_1978 = arith.constant 0 : i32
      %dma_start3A_1979 = tpu.memref_slice %arg7[%dma_start3A_1977, %dma_start3A_1978] : memref<1600x32xf32, #tpu.memory_space<vmem>> -> memref<50x32xf32, #tpu.memory_space<vmem>>
      %dma_start3A_1980 = arith.constant 0 : i32
      %dma_start3A_1981 = arith.constant 0 : i32
      %dma_start3A_1982 = tpu.memref_slice %arg4[%add3A_1976, %dma_start3A_1980, %dma_start3A_1981] : memref<16384x50x32xf32, #tpu.memory_space<hbm>> -> memref<1x50x32xf32, #tpu.memory_space<hbm>>
      %dma_start3A_1983 = tpu.memref_squeeze %dma_start3A_1982 : memref<1x50x32xf32, #tpu.memory_space<hbm>> -> memref<50x32xf32, #tpu.memory_space<hbm>>
      %dma_start3A_1984 = arith.constant 0 : i32
      %dma_start3A_1985 = arith.constant 0 : i32
      %dma_start3A_1986 = tpu.memref_slice %arg4[%add3A_1976, %dma_start3A_1984, %dma_start3A_1985] : memref<16384x50x32xf32, #tpu.memory_space<hbm>> -> memref<1x50x32xf32, #tpu.memory_space<hbm>>
      %dma_start3A_1987 = tpu.memref_squeeze %dma_start3A_1986 : memref<1x50x32xf32, #tpu.memory_space<hbm>> -> memref<50x32xf32, #tpu.memory_space<hbm>>
      %dma_start3A_1988 = arith.constant 450 : i32
      %dma_start3A_1989 = arith.constant 0 : i32
      %dma_start3A_1990 = tpu.memref_slice %arg7[%dma_start3A_1988, %dma_start3A_1989] : memref<1600x32xf32, #tpu.memory_space<vmem>> -> memref<50x32xf32, #tpu.memory_space<vmem>>
      tpu.enqueue_dma source(%dma_start3A_1990 : memref<50x32xf32, #tpu.memory_space<vmem>>) target(%dma_start3A_1987 : memref<50x32xf32, #tpu.memory_space<hbm>>) target_semaphore(%arg11 : memref<!tpu.dma_semaphore, #tpu.memory_space<semaphore_mem>>)
      %mul3A_1991 = arith.constant 32 : i32
      %mul3A_1992 = arith.muli %add3A_1800, %mul3A_1991 : i32
      %add3A_1993 = arith.addi %mul3A_4, %mul3A_1992 : i32
      %add3A_1994 = arith.constant 10 : i32
      %add3A_1995 = arith.addi %add3A_1993, %add3A_1994 : i32
      %dma_start3A_1996 = arith.constant 500 : i32
      %dma_start3A_1997 = arith.constant 0 : i32
      %dma_start3A_1998 = tpu.memref_slice %arg7[%dma_start3A_1996, %dma_start3A_1997] : memref<1600x32xf32, #tpu.memory_space<vmem>> -> memref<50x32xf32, #tpu.memory_space<vmem>>
      %dma_start3A_1999 = arith.constant 0 : i32
      %dma_start3A_2000 = arith.constant 0 : i32
      %dma_start3A_2001 = tpu.memref_slice %arg4[%add3A_1995, %dma_start3A_1999, %dma_start3A_2000] : memref<16384x50x32xf32, #tpu.memory_space<hbm>> -> memref<1x50x32xf32, #tpu.memory_space<hbm>>
      %dma_start3A_2002 = tpu.memref_squeeze %dma_start3A_2001 : memref<1x50x32xf32, #tpu.memory_space<hbm>> -> memref<50x32xf32, #tpu.memory_space<hbm>>
      %dma_start3A_2003 = arith.constant 0 : i32
      %dma_start3A_2004 = arith.constant 0 : i32
      %dma_start3A_2005 = tpu.memref_slice %arg4[%add3A_1995, %dma_start3A_2003, %dma_start3A_2004] : memref<16384x50x32xf32, #tpu.memory_space<hbm>> -> memref<1x50x32xf32, #tpu.memory_space<hbm>>
      %dma_start3A_2006 = tpu.memref_squeeze %dma_start3A_2005 : memref<1x50x32xf32, #tpu.memory_space<hbm>> -> memref<50x32xf32, #tpu.memory_space<hbm>>
      %dma_start3A_2007 = arith.constant 500 : i32
      %dma_start3A_2008 = arith.constant 0 : i32
      %dma_start3A_2009 = tpu.memref_slice %arg7[%dma_start3A_2007, %dma_start3A_2008] : memref<1600x32xf32, #tpu.memory_space<vmem>> -> memref<50x32xf32, #tpu.memory_space<vmem>>
      tpu.enqueue_dma source(%dma_start3A_2009 : memref<50x32xf32, #tpu.memory_space<vmem>>) target(%dma_start3A_2006 : memref<50x32xf32, #tpu.memory_space<hbm>>) target_semaphore(%arg11 : memref<!tpu.dma_semaphore, #tpu.memory_space<semaphore_mem>>)
      %mul3A_2010 = arith.constant 32 : i32
      %mul3A_2011 = arith.muli %add3A_1800, %mul3A_2010 : i32
      %add3A_2012 = arith.addi %mul3A_4, %mul3A_2011 : i32
      %add3A_2013 = arith.constant 11 : i32
      %add3A_2014 = arith.addi %add3A_2012, %add3A_2013 : i32
      %dma_start3A_2015 = arith.constant 550 : i32
      %dma_start3A_2016 = arith.constant 0 : i32
      %dma_start3A_2017 = tpu.memref_slice %arg7[%dma_start3A_2015, %dma_start3A_2016] : memref<1600x32xf32, #tpu.memory_space<vmem>> -> memref<50x32xf32, #tpu.memory_space<vmem>>
      %dma_start3A_2018 = arith.constant 0 : i32
      %dma_start3A_2019 = arith.constant 0 : i32
      %dma_start3A_2020 = tpu.memref_slice %arg4[%add3A_2014, %dma_start3A_2018, %dma_start3A_2019] : memref<16384x50x32xf32, #tpu.memory_space<hbm>> -> memref<1x50x32xf32, #tpu.memory_space<hbm>>
      %dma_start3A_2021 = tpu.memref_squeeze %dma_start3A_2020 : memref<1x50x32xf32, #tpu.memory_space<hbm>> -> memref<50x32xf32, #tpu.memory_space<hbm>>
      %dma_start3A_2022 = arith.constant 0 : i32
      %dma_start3A_2023 = arith.constant 0 : i32
      %dma_start3A_2024 = tpu.memref_slice %arg4[%add3A_2014, %dma_start3A_2022, %dma_start3A_2023] : memref<16384x50x32xf32, #tpu.memory_space<hbm>> -> memref<1x50x32xf32, #tpu.memory_space<hbm>>
      %dma_start3A_2025 = tpu.memref_squeeze %dma_start3A_2024 : memref<1x50x32xf32, #tpu.memory_space<hbm>> -> memref<50x32xf32, #tpu.memory_space<hbm>>
      %dma_start3A_2026 = arith.constant 550 : i32
      %dma_start3A_2027 = arith.constant 0 : i32
      %dma_start3A_2028 = tpu.memref_slice %arg7[%dma_start3A_2026, %dma_start3A_2027] : memref<1600x32xf32, #tpu.memory_space<vmem>> -> memref<50x32xf32, #tpu.memory_space<vmem>>
      tpu.enqueue_dma source(%dma_start3A_2028 : memref<50x32xf32, #tpu.memory_space<vmem>>) target(%dma_start3A_2025 : memref<50x32xf32, #tpu.memory_space<hbm>>) target_semaphore(%arg11 : memref<!tpu.dma_semaphore, #tpu.memory_space<semaphore_mem>>)
      %mul3A_2029 = arith.constant 32 : i32
      %mul3A_2030 = arith.muli %add3A_1800, %mul3A_2029 : i32
      %add3A_2031 = arith.addi %mul3A_4, %mul3A_2030 : i32
      %add3A_2032 = arith.constant 12 : i32
      %add3A_2033 = arith.addi %add3A_2031, %add3A_2032 : i32
      %dma_start3A_2034 = arith.constant 600 : i32
      %dma_start3A_2035 = arith.constant 0 : i32
      %dma_start3A_2036 = tpu.memref_slice %arg7[%dma_start3A_2034, %dma_start3A_2035] : memref<1600x32xf32, #tpu.memory_space<vmem>> -> memref<50x32xf32, #tpu.memory_space<vmem>>
      %dma_start3A_2037 = arith.constant 0 : i32
      %dma_start3A_2038 = arith.constant 0 : i32
      %dma_start3A_2039 = tpu.memref_slice %arg4[%add3A_2033, %dma_start3A_2037, %dma_start3A_2038] : memref<16384x50x32xf32, #tpu.memory_space<hbm>> -> memref<1x50x32xf32, #tpu.memory_space<hbm>>
      %dma_start3A_2040 = tpu.memref_squeeze %dma_start3A_2039 : memref<1x50x32xf32, #tpu.memory_space<hbm>> -> memref<50x32xf32, #tpu.memory_space<hbm>>
      %dma_start3A_2041 = arith.constant 0 : i32
      %dma_start3A_2042 = arith.constant 0 : i32
      %dma_start3A_2043 = tpu.memref_slice %arg4[%add3A_2033, %dma_start3A_2041, %dma_start3A_2042] : memref<16384x50x32xf32, #tpu.memory_space<hbm>> -> memref<1x50x32xf32, #tpu.memory_space<hbm>>
      %dma_start3A_2044 = tpu.memref_squeeze %dma_start3A_2043 : memref<1x50x32xf32, #tpu.memory_space<hbm>> -> memref<50x32xf32, #tpu.memory_space<hbm>>
      %dma_start3A_2045 = arith.constant 600 : i32
      %dma_start3A_2046 = arith.constant 0 : i32
      %dma_start3A_2047 = tpu.memref_slice %arg7[%dma_start3A_2045, %dma_start3A_2046] : memref<1600x32xf32, #tpu.memory_space<vmem>> -> memref<50x32xf32, #tpu.memory_space<vmem>>
      tpu.enqueue_dma source(%dma_start3A_2047 : memref<50x32xf32, #tpu.memory_space<vmem>>) target(%dma_start3A_2044 : memref<50x32xf32, #tpu.memory_space<hbm>>) target_semaphore(%arg11 : memref<!tpu.dma_semaphore, #tpu.memory_space<semaphore_mem>>)
      %mul3A_2048 = arith.constant 32 : i32
      %mul3A_2049 = arith.muli %add3A_1800, %mul3A_2048 : i32
      %add3A_2050 = arith.addi %mul3A_4, %mul3A_2049 : i32
      %add3A_2051 = arith.constant 13 : i32
      %add3A_2052 = arith.addi %add3A_2050, %add3A_2051 : i32
      %dma_start3A_2053 = arith.constant 650 : i32
      %dma_start3A_2054 = arith.constant 0 : i32
      %dma_start3A_2055 = tpu.memref_slice %arg7[%dma_start3A_2053, %dma_start3A_2054] : memref<1600x32xf32, #tpu.memory_space<vmem>> -> memref<50x32xf32, #tpu.memory_space<vmem>>
      %dma_start3A_2056 = arith.constant 0 : i32
      %dma_start3A_2057 = arith.constant 0 : i32
      %dma_start3A_2058 = tpu.memref_slice %arg4[%add3A_2052, %dma_start3A_2056, %dma_start3A_2057] : memref<16384x50x32xf32, #tpu.memory_space<hbm>> -> memref<1x50x32xf32, #tpu.memory_space<hbm>>
      %dma_start3A_2059 = tpu.memref_squeeze %dma_start3A_2058 : memref<1x50x32xf32, #tpu.memory_space<hbm>> -> memref<50x32xf32, #tpu.memory_space<hbm>>
      %dma_start3A_2060 = arith.constant 0 : i32
      %dma_start3A_2061 = arith.constant 0 : i32
      %dma_start3A_2062 = tpu.memref_slice %arg4[%add3A_2052, %dma_start3A_2060, %dma_start3A_2061] : memref<16384x50x32xf32, #tpu.memory_space<hbm>> -> memref<1x50x32xf32, #tpu.memory_space<hbm>>
      %dma_start3A_2063 = tpu.memref_squeeze %dma_start3A_2062 : memref<1x50x32xf32, #tpu.memory_space<hbm>> -> memref<50x32xf32, #tpu.memory_space<hbm>>
      %dma_start3A_2064 = arith.constant 650 : i32
      %dma_start3A_2065 = arith.constant 0 : i32
      %dma_start3A_2066 = tpu.memref_slice %arg7[%dma_start3A_2064, %dma_start3A_2065] : memref<1600x32xf32, #tpu.memory_space<vmem>> -> memref<50x32xf32, #tpu.memory_space<vmem>>
      tpu.enqueue_dma source(%dma_start3A_2066 : memref<50x32xf32, #tpu.memory_space<vmem>>) target(%dma_start3A_2063 : memref<50x32xf32, #tpu.memory_space<hbm>>) target_semaphore(%arg11 : memref<!tpu.dma_semaphore, #tpu.memory_space<semaphore_mem>>)
      %mul3A_2067 = arith.constant 32 : i32
      %mul3A_2068 = arith.muli %add3A_1800, %mul3A_2067 : i32
      %add3A_2069 = arith.addi %mul3A_4, %mul3A_2068 : i32
      %add3A_2070 = arith.constant 14 : i32
      %add3A_2071 = arith.addi %add3A_2069, %add3A_2070 : i32
      %dma_start3A_2072 = arith.constant 700 : i32
      %dma_start3A_2073 = arith.constant 0 : i32
      %dma_start3A_2074 = tpu.memref_slice %arg7[%dma_start3A_2072, %dma_start3A_2073] : memref<1600x32xf32, #tpu.memory_space<vmem>> -> memref<50x32xf32, #tpu.memory_space<vmem>>
      %dma_start3A_2075 = arith.constant 0 : i32
      %dma_start3A_2076 = arith.constant 0 : i32
      %dma_start3A_2077 = tpu.memref_slice %arg4[%add3A_2071, %dma_start3A_2075, %dma_start3A_2076] : memref<16384x50x32xf32, #tpu.memory_space<hbm>> -> memref<1x50x32xf32, #tpu.memory_space<hbm>>
      %dma_start3A_2078 = tpu.memref_squeeze %dma_start3A_2077 : memref<1x50x32xf32, #tpu.memory_space<hbm>> -> memref<50x32xf32, #tpu.memory_space<hbm>>
      %dma_start3A_2079 = arith.constant 0 : i32
      %dma_start3A_2080 = arith.constant 0 : i32
      %dma_start3A_2081 = tpu.memref_slice %arg4[%add3A_2071, %dma_start3A_2079, %dma_start3A_2080] : memref<16384x50x32xf32, #tpu.memory_space<hbm>> -> memref<1x50x32xf32, #tpu.memory_space<hbm>>
      %dma_start3A_2082 = tpu.memref_squeeze %dma_start3A_2081 : memref<1x50x32xf32, #tpu.memory_space<hbm>> -> memref<50x32xf32, #tpu.memory_space<hbm>>
      %dma_start3A_2083 = arith.constant 700 : i32
      %dma_start3A_2084 = arith.constant 0 : i32
      %dma_start3A_2085 = tpu.memref_slice %arg7[%dma_start3A_2083, %dma_start3A_2084] : memref<1600x32xf32, #tpu.memory_space<vmem>> -> memref<50x32xf32, #tpu.memory_space<vmem>>
      tpu.enqueue_dma source(%dma_start3A_2085 : memref<50x32xf32, #tpu.memory_space<vmem>>) target(%dma_start3A_2082 : memref<50x32xf32, #tpu.memory_space<hbm>>) target_semaphore(%arg11 : memref<!tpu.dma_semaphore, #tpu.memory_space<semaphore_mem>>)
      %mul3A_2086 = arith.constant 32 : i32
      %mul3A_2087 = arith.muli %add3A_1800, %mul3A_2086 : i32
      %add3A_2088 = arith.addi %mul3A_4, %mul3A_2087 : i32
      %add3A_2089 = arith.constant 15 : i32
      %add3A_2090 = arith.addi %add3A_2088, %add3A_2089 : i32
      %dma_start3A_2091 = arith.constant 750 : i32
      %dma_start3A_2092 = arith.constant 0 : i32
      %dma_start3A_2093 = tpu.memref_slice %arg7[%dma_start3A_2091, %dma_start3A_2092] : memref<1600x32xf32, #tpu.memory_space<vmem>> -> memref<50x32xf32, #tpu.memory_space<vmem>>
      %dma_start3A_2094 = arith.constant 0 : i32
      %dma_start3A_2095 = arith.constant 0 : i32
      %dma_start3A_2096 = tpu.memref_slice %arg4[%add3A_2090, %dma_start3A_2094, %dma_start3A_2095] : memref<16384x50x32xf32, #tpu.memory_space<hbm>> -> memref<1x50x32xf32, #tpu.memory_space<hbm>>
      %dma_start3A_2097 = tpu.memref_squeeze %dma_start3A_2096 : memref<1x50x32xf32, #tpu.memory_space<hbm>> -> memref<50x32xf32, #tpu.memory_space<hbm>>
      %dma_start3A_2098 = arith.constant 0 : i32
      %dma_start3A_2099 = arith.constant 0 : i32
      %dma_start3A_2100 = tpu.memref_slice %arg4[%add3A_2090, %dma_start3A_2098, %dma_start3A_2099] : memref<16384x50x32xf32, #tpu.memory_space<hbm>> -> memref<1x50x32xf32, #tpu.memory_space<hbm>>
      %dma_start3A_2101 = tpu.memref_squeeze %dma_start3A_2100 : memref<1x50x32xf32, #tpu.memory_space<hbm>> -> memref<50x32xf32, #tpu.memory_space<hbm>>
      %dma_start3A_2102 = arith.constant 750 : i32
      %dma_start3A_2103 = arith.constant 0 : i32
      %dma_start3A_2104 = tpu.memref_slice %arg7[%dma_start3A_2102, %dma_start3A_2103] : memref<1600x32xf32, #tpu.memory_space<vmem>> -> memref<50x32xf32, #tpu.memory_space<vmem>>
      tpu.enqueue_dma source(%dma_start3A_2104 : memref<50x32xf32, #tpu.memory_space<vmem>>) target(%dma_start3A_2101 : memref<50x32xf32, #tpu.memory_space<hbm>>) target_semaphore(%arg11 : memref<!tpu.dma_semaphore, #tpu.memory_space<semaphore_mem>>)
      %mul3A_2105 = arith.constant 32 : i32
      %mul3A_2106 = arith.muli %add3A_1800, %mul3A_2105 : i32
      %add3A_2107 = arith.addi %mul3A_4, %mul3A_2106 : i32
      %add3A_2108 = arith.constant 16 : i32
      %add3A_2109 = arith.addi %add3A_2107, %add3A_2108 : i32
      %dma_start3A_2110 = arith.constant 800 : i32
      %dma_start3A_2111 = arith.constant 0 : i32
      %dma_start3A_2112 = tpu.memref_slice %arg7[%dma_start3A_2110, %dma_start3A_2111] : memref<1600x32xf32, #tpu.memory_space<vmem>> -> memref<50x32xf32, #tpu.memory_space<vmem>>
      %dma_start3A_2113 = arith.constant 0 : i32
      %dma_start3A_2114 = arith.constant 0 : i32
      %dma_start3A_2115 = tpu.memref_slice %arg4[%add3A_2109, %dma_start3A_2113, %dma_start3A_2114] : memref<16384x50x32xf32, #tpu.memory_space<hbm>> -> memref<1x50x32xf32, #tpu.memory_space<hbm>>
      %dma_start3A_2116 = tpu.memref_squeeze %dma_start3A_2115 : memref<1x50x32xf32, #tpu.memory_space<hbm>> -> memref<50x32xf32, #tpu.memory_space<hbm>>
      %dma_start3A_2117 = arith.constant 0 : i32
      %dma_start3A_2118 = arith.constant 0 : i32
      %dma_start3A_2119 = tpu.memref_slice %arg4[%add3A_2109, %dma_start3A_2117, %dma_start3A_2118] : memref<16384x50x32xf32, #tpu.memory_space<hbm>> -> memref<1x50x32xf32, #tpu.memory_space<hbm>>
      %dma_start3A_2120 = tpu.memref_squeeze %dma_start3A_2119 : memref<1x50x32xf32, #tpu.memory_space<hbm>> -> memref<50x32xf32, #tpu.memory_space<hbm>>
      %dma_start3A_2121 = arith.constant 800 : i32
      %dma_start3A_2122 = arith.constant 0 : i32
      %dma_start3A_2123 = tpu.memref_slice %arg7[%dma_start3A_2121, %dma_start3A_2122] : memref<1600x32xf32, #tpu.memory_space<vmem>> -> memref<50x32xf32, #tpu.memory_space<vmem>>
      tpu.enqueue_dma source(%dma_start3A_2123 : memref<50x32xf32, #tpu.memory_space<vmem>>) target(%dma_start3A_2120 : memref<50x32xf32, #tpu.memory_space<hbm>>) target_semaphore(%arg11 : memref<!tpu.dma_semaphore, #tpu.memory_space<semaphore_mem>>)
      %mul3A_2124 = arith.constant 32 : i32
      %mul3A_2125 = arith.muli %add3A_1800, %mul3A_2124 : i32
      %add3A_2126 = arith.addi %mul3A_4, %mul3A_2125 : i32
      %add3A_2127 = arith.constant 17 : i32
      %add3A_2128 = arith.addi %add3A_2126, %add3A_2127 : i32
      %dma_start3A_2129 = arith.constant 850 : i32
      %dma_start3A_2130 = arith.constant 0 : i32
      %dma_start3A_2131 = tpu.memref_slice %arg7[%dma_start3A_2129, %dma_start3A_2130] : memref<1600x32xf32, #tpu.memory_space<vmem>> -> memref<50x32xf32, #tpu.memory_space<vmem>>
      %dma_start3A_2132 = arith.constant 0 : i32
      %dma_start3A_2133 = arith.constant 0 : i32
      %dma_start3A_2134 = tpu.memref_slice %arg4[%add3A_2128, %dma_start3A_2132, %dma_start3A_2133] : memref<16384x50x32xf32, #tpu.memory_space<hbm>> -> memref<1x50x32xf32, #tpu.memory_space<hbm>>
      %dma_start3A_2135 = tpu.memref_squeeze %dma_start3A_2134 : memref<1x50x32xf32, #tpu.memory_space<hbm>> -> memref<50x32xf32, #tpu.memory_space<hbm>>
      %dma_start3A_2136 = arith.constant 0 : i32
      %dma_start3A_2137 = arith.constant 0 : i32
      %dma_start3A_2138 = tpu.memref_slice %arg4[%add3A_2128, %dma_start3A_2136, %dma_start3A_2137] : memref<16384x50x32xf32, #tpu.memory_space<hbm>> -> memref<1x50x32xf32, #tpu.memory_space<hbm>>
      %dma_start3A_2139 = tpu.memref_squeeze %dma_start3A_2138 : memref<1x50x32xf32, #tpu.memory_space<hbm>> -> memref<50x32xf32, #tpu.memory_space<hbm>>
      %dma_start3A_2140 = arith.constant 850 : i32
      %dma_start3A_2141 = arith.constant 0 : i32
      %dma_start3A_2142 = tpu.memref_slice %arg7[%dma_start3A_2140, %dma_start3A_2141] : memref<1600x32xf32, #tpu.memory_space<vmem>> -> memref<50x32xf32, #tpu.memory_space<vmem>>
      tpu.enqueue_dma source(%dma_start3A_2142 : memref<50x32xf32, #tpu.memory_space<vmem>>) target(%dma_start3A_2139 : memref<50x32xf32, #tpu.memory_space<hbm>>) target_semaphore(%arg11 : memref<!tpu.dma_semaphore, #tpu.memory_space<semaphore_mem>>)
      %mul3A_2143 = arith.constant 32 : i32
      %mul3A_2144 = arith.muli %add3A_1800, %mul3A_2143 : i32
      %add3A_2145 = arith.addi %mul3A_4, %mul3A_2144 : i32
      %add3A_2146 = arith.constant 18 : i32
      %add3A_2147 = arith.addi %add3A_2145, %add3A_2146 : i32
      %dma_start3A_2148 = arith.constant 900 : i32
      %dma_start3A_2149 = arith.constant 0 : i32
      %dma_start3A_2150 = tpu.memref_slice %arg7[%dma_start3A_2148, %dma_start3A_2149] : memref<1600x32xf32, #tpu.memory_space<vmem>> -> memref<50x32xf32, #tpu.memory_space<vmem>>
      %dma_start3A_2151 = arith.constant 0 : i32
      %dma_start3A_2152 = arith.constant 0 : i32
      %dma_start3A_2153 = tpu.memref_slice %arg4[%add3A_2147, %dma_start3A_2151, %dma_start3A_2152] : memref<16384x50x32xf32, #tpu.memory_space<hbm>> -> memref<1x50x32xf32, #tpu.memory_space<hbm>>
      %dma_start3A_2154 = tpu.memref_squeeze %dma_start3A_2153 : memref<1x50x32xf32, #tpu.memory_space<hbm>> -> memref<50x32xf32, #tpu.memory_space<hbm>>
      %dma_start3A_2155 = arith.constant 0 : i32
      %dma_start3A_2156 = arith.constant 0 : i32
      %dma_start3A_2157 = tpu.memref_slice %arg4[%add3A_2147, %dma_start3A_2155, %dma_start3A_2156] : memref<16384x50x32xf32, #tpu.memory_space<hbm>> -> memref<1x50x32xf32, #tpu.memory_space<hbm>>
      %dma_start3A_2158 = tpu.memref_squeeze %dma_start3A_2157 : memref<1x50x32xf32, #tpu.memory_space<hbm>> -> memref<50x32xf32, #tpu.memory_space<hbm>>
      %dma_start3A_2159 = arith.constant 900 : i32
      %dma_start3A_2160 = arith.constant 0 : i32
      %dma_start3A_2161 = tpu.memref_slice %arg7[%dma_start3A_2159, %dma_start3A_2160] : memref<1600x32xf32, #tpu.memory_space<vmem>> -> memref<50x32xf32, #tpu.memory_space<vmem>>
      tpu.enqueue_dma source(%dma_start3A_2161 : memref<50x32xf32, #tpu.memory_space<vmem>>) target(%dma_start3A_2158 : memref<50x32xf32, #tpu.memory_space<hbm>>) target_semaphore(%arg11 : memref<!tpu.dma_semaphore, #tpu.memory_space<semaphore_mem>>)
      %mul3A_2162 = arith.constant 32 : i32
      %mul3A_2163 = arith.muli %add3A_1800, %mul3A_2162 : i32
      %add3A_2164 = arith.addi %mul3A_4, %mul3A_2163 : i32
      %add3A_2165 = arith.constant 19 : i32
      %add3A_2166 = arith.addi %add3A_2164, %add3A_2165 : i32
      %dma_start3A_2167 = arith.constant 950 : i32
      %dma_start3A_2168 = arith.constant 0 : i32
      %dma_start3A_2169 = tpu.memref_slice %arg7[%dma_start3A_2167, %dma_start3A_2168] : memref<1600x32xf32, #tpu.memory_space<vmem>> -> memref<50x32xf32, #tpu.memory_space<vmem>>
      %dma_start3A_2170 = arith.constant 0 : i32
      %dma_start3A_2171 = arith.constant 0 : i32
      %dma_start3A_2172 = tpu.memref_slice %arg4[%add3A_2166, %dma_start3A_2170, %dma_start3A_2171] : memref<16384x50x32xf32, #tpu.memory_space<hbm>> -> memref<1x50x32xf32, #tpu.memory_space<hbm>>
      %dma_start3A_2173 = tpu.memref_squeeze %dma_start3A_2172 : memref<1x50x32xf32, #tpu.memory_space<hbm>> -> memref<50x32xf32, #tpu.memory_space<hbm>>
      %dma_start3A_2174 = arith.constant 0 : i32
      %dma_start3A_2175 = arith.constant 0 : i32
      %dma_start3A_2176 = tpu.memref_slice %arg4[%add3A_2166, %dma_start3A_2174, %dma_start3A_2175] : memref<16384x50x32xf32, #tpu.memory_space<hbm>> -> memref<1x50x32xf32, #tpu.memory_space<hbm>>
      %dma_start3A_2177 = tpu.memref_squeeze %dma_start3A_2176 : memref<1x50x32xf32, #tpu.memory_space<hbm>> -> memref<50x32xf32, #tpu.memory_space<hbm>>
      %dma_start3A_2178 = arith.constant 950 : i32
      %dma_start3A_2179 = arith.constant 0 : i32
      %dma_start3A_2180 = tpu.memref_slice %arg7[%dma_start3A_2178, %dma_start3A_2179] : memref<1600x32xf32, #tpu.memory_space<vmem>> -> memref<50x32xf32, #tpu.memory_space<vmem>>
      tpu.enqueue_dma source(%dma_start3A_2180 : memref<50x32xf32, #tpu.memory_space<vmem>>) target(%dma_start3A_2177 : memref<50x32xf32, #tpu.memory_space<hbm>>) target_semaphore(%arg11 : memref<!tpu.dma_semaphore, #tpu.memory_space<semaphore_mem>>)
      %mul3A_2181 = arith.constant 32 : i32
      %mul3A_2182 = arith.muli %add3A_1800, %mul3A_2181 : i32
      %add3A_2183 = arith.addi %mul3A_4, %mul3A_2182 : i32
      %add3A_2184 = arith.constant 20 : i32
      %add3A_2185 = arith.addi %add3A_2183, %add3A_2184 : i32
      %dma_start3A_2186 = arith.constant 1000 : i32
      %dma_start3A_2187 = arith.constant 0 : i32
      %dma_start3A_2188 = tpu.memref_slice %arg7[%dma_start3A_2186, %dma_start3A_2187] : memref<1600x32xf32, #tpu.memory_space<vmem>> -> memref<50x32xf32, #tpu.memory_space<vmem>>
      %dma_start3A_2189 = arith.constant 0 : i32
      %dma_start3A_2190 = arith.constant 0 : i32
      %dma_start3A_2191 = tpu.memref_slice %arg4[%add3A_2185, %dma_start3A_2189, %dma_start3A_2190] : memref<16384x50x32xf32, #tpu.memory_space<hbm>> -> memref<1x50x32xf32, #tpu.memory_space<hbm>>
      %dma_start3A_2192 = tpu.memref_squeeze %dma_start3A_2191 : memref<1x50x32xf32, #tpu.memory_space<hbm>> -> memref<50x32xf32, #tpu.memory_space<hbm>>
      %dma_start3A_2193 = arith.constant 0 : i32
      %dma_start3A_2194 = arith.constant 0 : i32
      %dma_start3A_2195 = tpu.memref_slice %arg4[%add3A_2185, %dma_start3A_2193, %dma_start3A_2194] : memref<16384x50x32xf32, #tpu.memory_space<hbm>> -> memref<1x50x32xf32, #tpu.memory_space<hbm>>
      %dma_start3A_2196 = tpu.memref_squeeze %dma_start3A_2195 : memref<1x50x32xf32, #tpu.memory_space<hbm>> -> memref<50x32xf32, #tpu.memory_space<hbm>>
      %dma_start3A_2197 = arith.constant 1000 : i32
      %dma_start3A_2198 = arith.constant 0 : i32
      %dma_start3A_2199 = tpu.memref_slice %arg7[%dma_start3A_2197, %dma_start3A_2198] : memref<1600x32xf32, #tpu.memory_space<vmem>> -> memref<50x32xf32, #tpu.memory_space<vmem>>
      tpu.enqueue_dma source(%dma_start3A_2199 : memref<50x32xf32, #tpu.memory_space<vmem>>) target(%dma_start3A_2196 : memref<50x32xf32, #tpu.memory_space<hbm>>) target_semaphore(%arg11 : memref<!tpu.dma_semaphore, #tpu.memory_space<semaphore_mem>>)
      %mul3A_2200 = arith.constant 32 : i32
      %mul3A_2201 = arith.muli %add3A_1800, %mul3A_2200 : i32
      %add3A_2202 = arith.addi %mul3A_4, %mul3A_2201 : i32
      %add3A_2203 = arith.constant 21 : i32
      %add3A_2204 = arith.addi %add3A_2202, %add3A_2203 : i32
      %dma_start3A_2205 = arith.constant 1050 : i32
      %dma_start3A_2206 = arith.constant 0 : i32
      %dma_start3A_2207 = tpu.memref_slice %arg7[%dma_start3A_2205, %dma_start3A_2206] : memref<1600x32xf32, #tpu.memory_space<vmem>> -> memref<50x32xf32, #tpu.memory_space<vmem>>
      %dma_start3A_2208 = arith.constant 0 : i32
      %dma_start3A_2209 = arith.constant 0 : i32
      %dma_start3A_2210 = tpu.memref_slice %arg4[%add3A_2204, %dma_start3A_2208, %dma_start3A_2209] : memref<16384x50x32xf32, #tpu.memory_space<hbm>> -> memref<1x50x32xf32, #tpu.memory_space<hbm>>
      %dma_start3A_2211 = tpu.memref_squeeze %dma_start3A_2210 : memref<1x50x32xf32, #tpu.memory_space<hbm>> -> memref<50x32xf32, #tpu.memory_space<hbm>>
      %dma_start3A_2212 = arith.constant 0 : i32
      %dma_start3A_2213 = arith.constant 0 : i32
      %dma_start3A_2214 = tpu.memref_slice %arg4[%add3A_2204, %dma_start3A_2212, %dma_start3A_2213] : memref<16384x50x32xf32, #tpu.memory_space<hbm>> -> memref<1x50x32xf32, #tpu.memory_space<hbm>>
      %dma_start3A_2215 = tpu.memref_squeeze %dma_start3A_2214 : memref<1x50x32xf32, #tpu.memory_space<hbm>> -> memref<50x32xf32, #tpu.memory_space<hbm>>
      %dma_start3A_2216 = arith.constant 1050 : i32
      %dma_start3A_2217 = arith.constant 0 : i32
      %dma_start3A_2218 = tpu.memref_slice %arg7[%dma_start3A_2216, %dma_start3A_2217] : memref<1600x32xf32, #tpu.memory_space<vmem>> -> memref<50x32xf32, #tpu.memory_space<vmem>>
      tpu.enqueue_dma source(%dma_start3A_2218 : memref<50x32xf32, #tpu.memory_space<vmem>>) target(%dma_start3A_2215 : memref<50x32xf32, #tpu.memory_space<hbm>>) target_semaphore(%arg11 : memref<!tpu.dma_semaphore, #tpu.memory_space<semaphore_mem>>)
      %mul3A_2219 = arith.constant 32 : i32
      %mul3A_2220 = arith.muli %add3A_1800, %mul3A_2219 : i32
      %add3A_2221 = arith.addi %mul3A_4, %mul3A_2220 : i32
      %add3A_2222 = arith.constant 22 : i32
      %add3A_2223 = arith.addi %add3A_2221, %add3A_2222 : i32
      %dma_start3A_2224 = arith.constant 1100 : i32
      %dma_start3A_2225 = arith.constant 0 : i32
      %dma_start3A_2226 = tpu.memref_slice %arg7[%dma_start3A_2224, %dma_start3A_2225] : memref<1600x32xf32, #tpu.memory_space<vmem>> -> memref<50x32xf32, #tpu.memory_space<vmem>>
      %dma_start3A_2227 = arith.constant 0 : i32
      %dma_start3A_2228 = arith.constant 0 : i32
      %dma_start3A_2229 = tpu.memref_slice %arg4[%add3A_2223, %dma_start3A_2227, %dma_start3A_2228] : memref<16384x50x32xf32, #tpu.memory_space<hbm>> -> memref<1x50x32xf32, #tpu.memory_space<hbm>>
      %dma_start3A_2230 = tpu.memref_squeeze %dma_start3A_2229 : memref<1x50x32xf32, #tpu.memory_space<hbm>> -> memref<50x32xf32, #tpu.memory_space<hbm>>
      %dma_start3A_2231 = arith.constant 0 : i32
      %dma_start3A_2232 = arith.constant 0 : i32
      %dma_start3A_2233 = tpu.memref_slice %arg4[%add3A_2223, %dma_start3A_2231, %dma_start3A_2232] : memref<16384x50x32xf32, #tpu.memory_space<hbm>> -> memref<1x50x32xf32, #tpu.memory_space<hbm>>
      %dma_start3A_2234 = tpu.memref_squeeze %dma_start3A_2233 : memref<1x50x32xf32, #tpu.memory_space<hbm>> -> memref<50x32xf32, #tpu.memory_space<hbm>>
      %dma_start3A_2235 = arith.constant 1100 : i32
      %dma_start3A_2236 = arith.constant 0 : i32
      %dma_start3A_2237 = tpu.memref_slice %arg7[%dma_start3A_2235, %dma_start3A_2236] : memref<1600x32xf32, #tpu.memory_space<vmem>> -> memref<50x32xf32, #tpu.memory_space<vmem>>
      tpu.enqueue_dma source(%dma_start3A_2237 : memref<50x32xf32, #tpu.memory_space<vmem>>) target(%dma_start3A_2234 : memref<50x32xf32, #tpu.memory_space<hbm>>) target_semaphore(%arg11 : memref<!tpu.dma_semaphore, #tpu.memory_space<semaphore_mem>>)
      %mul3A_2238 = arith.constant 32 : i32
      %mul3A_2239 = arith.muli %add3A_1800, %mul3A_2238 : i32
      %add3A_2240 = arith.addi %mul3A_4, %mul3A_2239 : i32
      %add3A_2241 = arith.constant 23 : i32
      %add3A_2242 = arith.addi %add3A_2240, %add3A_2241 : i32
      %dma_start3A_2243 = arith.constant 1150 : i32
      %dma_start3A_2244 = arith.constant 0 : i32
      %dma_start3A_2245 = tpu.memref_slice %arg7[%dma_start3A_2243, %dma_start3A_2244] : memref<1600x32xf32, #tpu.memory_space<vmem>> -> memref<50x32xf32, #tpu.memory_space<vmem>>
      %dma_start3A_2246 = arith.constant 0 : i32
      %dma_start3A_2247 = arith.constant 0 : i32
      %dma_start3A_2248 = tpu.memref_slice %arg4[%add3A_2242, %dma_start3A_2246, %dma_start3A_2247] : memref<16384x50x32xf32, #tpu.memory_space<hbm>> -> memref<1x50x32xf32, #tpu.memory_space<hbm>>
      %dma_start3A_2249 = tpu.memref_squeeze %dma_start3A_2248 : memref<1x50x32xf32, #tpu.memory_space<hbm>> -> memref<50x32xf32, #tpu.memory_space<hbm>>
      %dma_start3A_2250 = arith.constant 0 : i32
      %dma_start3A_2251 = arith.constant 0 : i32
      %dma_start3A_2252 = tpu.memref_slice %arg4[%add3A_2242, %dma_start3A_2250, %dma_start3A_2251] : memref<16384x50x32xf32, #tpu.memory_space<hbm>> -> memref<1x50x32xf32, #tpu.memory_space<hbm>>
      %dma_start3A_2253 = tpu.memref_squeeze %dma_start3A_2252 : memref<1x50x32xf32, #tpu.memory_space<hbm>> -> memref<50x32xf32, #tpu.memory_space<hbm>>
      %dma_start3A_2254 = arith.constant 1150 : i32
      %dma_start3A_2255 = arith.constant 0 : i32
      %dma_start3A_2256 = tpu.memref_slice %arg7[%dma_start3A_2254, %dma_start3A_2255] : memref<1600x32xf32, #tpu.memory_space<vmem>> -> memref<50x32xf32, #tpu.memory_space<vmem>>
      tpu.enqueue_dma source(%dma_start3A_2256 : memref<50x32xf32, #tpu.memory_space<vmem>>) target(%dma_start3A_2253 : memref<50x32xf32, #tpu.memory_space<hbm>>) target_semaphore(%arg11 : memref<!tpu.dma_semaphore, #tpu.memory_space<semaphore_mem>>)
      %mul3A_2257 = arith.constant 32 : i32
      %mul3A_2258 = arith.muli %add3A_1800, %mul3A_2257 : i32
      %add3A_2259 = arith.addi %mul3A_4, %mul3A_2258 : i32
      %add3A_2260 = arith.constant 24 : i32
      %add3A_2261 = arith.addi %add3A_2259, %add3A_2260 : i32
      %dma_start3A_2262 = arith.constant 1200 : i32
      %dma_start3A_2263 = arith.constant 0 : i32
      %dma_start3A_2264 = tpu.memref_slice %arg7[%dma_start3A_2262, %dma_start3A_2263] : memref<1600x32xf32, #tpu.memory_space<vmem>> -> memref<50x32xf32, #tpu.memory_space<vmem>>
      %dma_start3A_2265 = arith.constant 0 : i32
      %dma_start3A_2266 = arith.constant 0 : i32
      %dma_start3A_2267 = tpu.memref_slice %arg4[%add3A_2261, %dma_start3A_2265, %dma_start3A_2266] : memref<16384x50x32xf32, #tpu.memory_space<hbm>> -> memref<1x50x32xf32, #tpu.memory_space<hbm>>
      %dma_start3A_2268 = tpu.memref_squeeze %dma_start3A_2267 : memref<1x50x32xf32, #tpu.memory_space<hbm>> -> memref<50x32xf32, #tpu.memory_space<hbm>>
      %dma_start3A_2269 = arith.constant 0 : i32
      %dma_start3A_2270 = arith.constant 0 : i32
      %dma_start3A_2271 = tpu.memref_slice %arg4[%add3A_2261, %dma_start3A_2269, %dma_start3A_2270] : memref<16384x50x32xf32, #tpu.memory_space<hbm>> -> memref<1x50x32xf32, #tpu.memory_space<hbm>>
      %dma_start3A_2272 = tpu.memref_squeeze %dma_start3A_2271 : memref<1x50x32xf32, #tpu.memory_space<hbm>> -> memref<50x32xf32, #tpu.memory_space<hbm>>
      %dma_start3A_2273 = arith.constant 1200 : i32
      %dma_start3A_2274 = arith.constant 0 : i32
      %dma_start3A_2275 = tpu.memref_slice %arg7[%dma_start3A_2273, %dma_start3A_2274] : memref<1600x32xf32, #tpu.memory_space<vmem>> -> memref<50x32xf32, #tpu.memory_space<vmem>>
      tpu.enqueue_dma source(%dma_start3A_2275 : memref<50x32xf32, #tpu.memory_space<vmem>>) target(%dma_start3A_2272 : memref<50x32xf32, #tpu.memory_space<hbm>>) target_semaphore(%arg11 : memref<!tpu.dma_semaphore, #tpu.memory_space<semaphore_mem>>)
      %mul3A_2276 = arith.constant 32 : i32
      %mul3A_2277 = arith.muli %add3A_1800, %mul3A_2276 : i32
      %add3A_2278 = arith.addi %mul3A_4, %mul3A_2277 : i32
      %add3A_2279 = arith.constant 25 : i32
      %add3A_2280 = arith.addi %add3A_2278, %add3A_2279 : i32
      %dma_start3A_2281 = arith.constant 1250 : i32
      %dma_start3A_2282 = arith.constant 0 : i32
      %dma_start3A_2283 = tpu.memref_slice %arg7[%dma_start3A_2281, %dma_start3A_2282] : memref<1600x32xf32, #tpu.memory_space<vmem>> -> memref<50x32xf32, #tpu.memory_space<vmem>>
      %dma_start3A_2284 = arith.constant 0 : i32
      %dma_start3A_2285 = arith.constant 0 : i32
      %dma_start3A_2286 = tpu.memref_slice %arg4[%add3A_2280, %dma_start3A_2284, %dma_start3A_2285] : memref<16384x50x32xf32, #tpu.memory_space<hbm>> -> memref<1x50x32xf32, #tpu.memory_space<hbm>>
      %dma_start3A_2287 = tpu.memref_squeeze %dma_start3A_2286 : memref<1x50x32xf32, #tpu.memory_space<hbm>> -> memref<50x32xf32, #tpu.memory_space<hbm>>
      %dma_start3A_2288 = arith.constant 0 : i32
      %dma_start3A_2289 = arith.constant 0 : i32
      %dma_start3A_2290 = tpu.memref_slice %arg4[%add3A_2280, %dma_start3A_2288, %dma_start3A_2289] : memref<16384x50x32xf32, #tpu.memory_space<hbm>> -> memref<1x50x32xf32, #tpu.memory_space<hbm>>
      %dma_start3A_2291 = tpu.memref_squeeze %dma_start3A_2290 : memref<1x50x32xf32, #tpu.memory_space<hbm>> -> memref<50x32xf32, #tpu.memory_space<hbm>>
      %dma_start3A_2292 = arith.constant 1250 : i32
      %dma_start3A_2293 = arith.constant 0 : i32
      %dma_start3A_2294 = tpu.memref_slice %arg7[%dma_start3A_2292, %dma_start3A_2293] : memref<1600x32xf32, #tpu.memory_space<vmem>> -> memref<50x32xf32, #tpu.memory_space<vmem>>
      tpu.enqueue_dma source(%dma_start3A_2294 : memref<50x32xf32, #tpu.memory_space<vmem>>) target(%dma_start3A_2291 : memref<50x32xf32, #tpu.memory_space<hbm>>) target_semaphore(%arg11 : memref<!tpu.dma_semaphore, #tpu.memory_space<semaphore_mem>>)
      %mul3A_2295 = arith.constant 32 : i32
      %mul3A_2296 = arith.muli %add3A_1800, %mul3A_2295 : i32
      %add3A_2297 = arith.addi %mul3A_4, %mul3A_2296 : i32
      %add3A_2298 = arith.constant 26 : i32
      %add3A_2299 = arith.addi %add3A_2297, %add3A_2298 : i32
      %dma_start3A_2300 = arith.constant 1300 : i32
      %dma_start3A_2301 = arith.constant 0 : i32
      %dma_start3A_2302 = tpu.memref_slice %arg7[%dma_start3A_2300, %dma_start3A_2301] : memref<1600x32xf32, #tpu.memory_space<vmem>> -> memref<50x32xf32, #tpu.memory_space<vmem>>
      %dma_start3A_2303 = arith.constant 0 : i32
      %dma_start3A_2304 = arith.constant 0 : i32
      %dma_start3A_2305 = tpu.memref_slice %arg4[%add3A_2299, %dma_start3A_2303, %dma_start3A_2304] : memref<16384x50x32xf32, #tpu.memory_space<hbm>> -> memref<1x50x32xf32, #tpu.memory_space<hbm>>
      %dma_start3A_2306 = tpu.memref_squeeze %dma_start3A_2305 : memref<1x50x32xf32, #tpu.memory_space<hbm>> -> memref<50x32xf32, #tpu.memory_space<hbm>>
      %dma_start3A_2307 = arith.constant 0 : i32
      %dma_start3A_2308 = arith.constant 0 : i32
      %dma_start3A_2309 = tpu.memref_slice %arg4[%add3A_2299, %dma_start3A_2307, %dma_start3A_2308] : memref<16384x50x32xf32, #tpu.memory_space<hbm>> -> memref<1x50x32xf32, #tpu.memory_space<hbm>>
      %dma_start3A_2310 = tpu.memref_squeeze %dma_start3A_2309 : memref<1x50x32xf32, #tpu.memory_space<hbm>> -> memref<50x32xf32, #tpu.memory_space<hbm>>
      %dma_start3A_2311 = arith.constant 1300 : i32
      %dma_start3A_2312 = arith.constant 0 : i32
      %dma_start3A_2313 = tpu.memref_slice %arg7[%dma_start3A_2311, %dma_start3A_2312] : memref<1600x32xf32, #tpu.memory_space<vmem>> -> memref<50x32xf32, #tpu.memory_space<vmem>>
      tpu.enqueue_dma source(%dma_start3A_2313 : memref<50x32xf32, #tpu.memory_space<vmem>>) target(%dma_start3A_2310 : memref<50x32xf32, #tpu.memory_space<hbm>>) target_semaphore(%arg11 : memref<!tpu.dma_semaphore, #tpu.memory_space<semaphore_mem>>)
      %mul3A_2314 = arith.constant 32 : i32
      %mul3A_2315 = arith.muli %add3A_1800, %mul3A_2314 : i32
      %add3A_2316 = arith.addi %mul3A_4, %mul3A_2315 : i32
      %add3A_2317 = arith.constant 27 : i32
      %add3A_2318 = arith.addi %add3A_2316, %add3A_2317 : i32
      %dma_start3A_2319 = arith.constant 1350 : i32
      %dma_start3A_2320 = arith.constant 0 : i32
      %dma_start3A_2321 = tpu.memref_slice %arg7[%dma_start3A_2319, %dma_start3A_2320] : memref<1600x32xf32, #tpu.memory_space<vmem>> -> memref<50x32xf32, #tpu.memory_space<vmem>>
      %dma_start3A_2322 = arith.constant 0 : i32
      %dma_start3A_2323 = arith.constant 0 : i32
      %dma_start3A_2324 = tpu.memref_slice %arg4[%add3A_2318, %dma_start3A_2322, %dma_start3A_2323] : memref<16384x50x32xf32, #tpu.memory_space<hbm>> -> memref<1x50x32xf32, #tpu.memory_space<hbm>>
      %dma_start3A_2325 = tpu.memref_squeeze %dma_start3A_2324 : memref<1x50x32xf32, #tpu.memory_space<hbm>> -> memref<50x32xf32, #tpu.memory_space<hbm>>
      %dma_start3A_2326 = arith.constant 0 : i32
      %dma_start3A_2327 = arith.constant 0 : i32
      %dma_start3A_2328 = tpu.memref_slice %arg4[%add3A_2318, %dma_start3A_2326, %dma_start3A_2327] : memref<16384x50x32xf32, #tpu.memory_space<hbm>> -> memref<1x50x32xf32, #tpu.memory_space<hbm>>
      %dma_start3A_2329 = tpu.memref_squeeze %dma_start3A_2328 : memref<1x50x32xf32, #tpu.memory_space<hbm>> -> memref<50x32xf32, #tpu.memory_space<hbm>>
      %dma_start3A_2330 = arith.constant 1350 : i32
      %dma_start3A_2331 = arith.constant 0 : i32
      %dma_start3A_2332 = tpu.memref_slice %arg7[%dma_start3A_2330, %dma_start3A_2331] : memref<1600x32xf32, #tpu.memory_space<vmem>> -> memref<50x32xf32, #tpu.memory_space<vmem>>
      tpu.enqueue_dma source(%dma_start3A_2332 : memref<50x32xf32, #tpu.memory_space<vmem>>) target(%dma_start3A_2329 : memref<50x32xf32, #tpu.memory_space<hbm>>) target_semaphore(%arg11 : memref<!tpu.dma_semaphore, #tpu.memory_space<semaphore_mem>>)
      %mul3A_2333 = arith.constant 32 : i32
      %mul3A_2334 = arith.muli %add3A_1800, %mul3A_2333 : i32
      %add3A_2335 = arith.addi %mul3A_4, %mul3A_2334 : i32
      %add3A_2336 = arith.constant 28 : i32
      %add3A_2337 = arith.addi %add3A_2335, %add3A_2336 : i32
      %dma_start3A_2338 = arith.constant 1400 : i32
      %dma_start3A_2339 = arith.constant 0 : i32
      %dma_start3A_2340 = tpu.memref_slice %arg7[%dma_start3A_2338, %dma_start3A_2339] : memref<1600x32xf32, #tpu.memory_space<vmem>> -> memref<50x32xf32, #tpu.memory_space<vmem>>
      %dma_start3A_2341 = arith.constant 0 : i32
      %dma_start3A_2342 = arith.constant 0 : i32
      %dma_start3A_2343 = tpu.memref_slice %arg4[%add3A_2337, %dma_start3A_2341, %dma_start3A_2342] : memref<16384x50x32xf32, #tpu.memory_space<hbm>> -> memref<1x50x32xf32, #tpu.memory_space<hbm>>
      %dma_start3A_2344 = tpu.memref_squeeze %dma_start3A_2343 : memref<1x50x32xf32, #tpu.memory_space<hbm>> -> memref<50x32xf32, #tpu.memory_space<hbm>>
      %dma_start3A_2345 = arith.constant 0 : i32
      %dma_start3A_2346 = arith.constant 0 : i32
      %dma_start3A_2347 = tpu.memref_slice %arg4[%add3A_2337, %dma_start3A_2345, %dma_start3A_2346] : memref<16384x50x32xf32, #tpu.memory_space<hbm>> -> memref<1x50x32xf32, #tpu.memory_space<hbm>>
      %dma_start3A_2348 = tpu.memref_squeeze %dma_start3A_2347 : memref<1x50x32xf32, #tpu.memory_space<hbm>> -> memref<50x32xf32, #tpu.memory_space<hbm>>
      %dma_start3A_2349 = arith.constant 1400 : i32
      %dma_start3A_2350 = arith.constant 0 : i32
      %dma_start3A_2351 = tpu.memref_slice %arg7[%dma_start3A_2349, %dma_start3A_2350] : memref<1600x32xf32, #tpu.memory_space<vmem>> -> memref<50x32xf32, #tpu.memory_space<vmem>>
      tpu.enqueue_dma source(%dma_start3A_2351 : memref<50x32xf32, #tpu.memory_space<vmem>>) target(%dma_start3A_2348 : memref<50x32xf32, #tpu.memory_space<hbm>>) target_semaphore(%arg11 : memref<!tpu.dma_semaphore, #tpu.memory_space<semaphore_mem>>)
      %mul3A_2352 = arith.constant 32 : i32
      %mul3A_2353 = arith.muli %add3A_1800, %mul3A_2352 : i32
      %add3A_2354 = arith.addi %mul3A_4, %mul3A_2353 : i32
      %add3A_2355 = arith.constant 29 : i32
      %add3A_2356 = arith.addi %add3A_2354, %add3A_2355 : i32
      %dma_start3A_2357 = arith.constant 1450 : i32
      %dma_start3A_2358 = arith.constant 0 : i32
      %dma_start3A_2359 = tpu.memref_slice %arg7[%dma_start3A_2357, %dma_start3A_2358] : memref<1600x32xf32, #tpu.memory_space<vmem>> -> memref<50x32xf32, #tpu.memory_space<vmem>>
      %dma_start3A_2360 = arith.constant 0 : i32
      %dma_start3A_2361 = arith.constant 0 : i32
      %dma_start3A_2362 = tpu.memref_slice %arg4[%add3A_2356, %dma_start3A_2360, %dma_start3A_2361] : memref<16384x50x32xf32, #tpu.memory_space<hbm>> -> memref<1x50x32xf32, #tpu.memory_space<hbm>>
      %dma_start3A_2363 = tpu.memref_squeeze %dma_start3A_2362 : memref<1x50x32xf32, #tpu.memory_space<hbm>> -> memref<50x32xf32, #tpu.memory_space<hbm>>
      %dma_start3A_2364 = arith.constant 0 : i32
      %dma_start3A_2365 = arith.constant 0 : i32
      %dma_start3A_2366 = tpu.memref_slice %arg4[%add3A_2356, %dma_start3A_2364, %dma_start3A_2365] : memref<16384x50x32xf32, #tpu.memory_space<hbm>> -> memref<1x50x32xf32, #tpu.memory_space<hbm>>
      %dma_start3A_2367 = tpu.memref_squeeze %dma_start3A_2366 : memref<1x50x32xf32, #tpu.memory_space<hbm>> -> memref<50x32xf32, #tpu.memory_space<hbm>>
      %dma_start3A_2368 = arith.constant 1450 : i32
      %dma_start3A_2369 = arith.constant 0 : i32
      %dma_start3A_2370 = tpu.memref_slice %arg7[%dma_start3A_2368, %dma_start3A_2369] : memref<1600x32xf32, #tpu.memory_space<vmem>> -> memref<50x32xf32, #tpu.memory_space<vmem>>
      tpu.enqueue_dma source(%dma_start3A_2370 : memref<50x32xf32, #tpu.memory_space<vmem>>) target(%dma_start3A_2367 : memref<50x32xf32, #tpu.memory_space<hbm>>) target_semaphore(%arg11 : memref<!tpu.dma_semaphore, #tpu.memory_space<semaphore_mem>>)
      %mul3A_2371 = arith.constant 32 : i32
      %mul3A_2372 = arith.muli %add3A_1800, %mul3A_2371 : i32
      %add3A_2373 = arith.addi %mul3A_4, %mul3A_2372 : i32
      %add3A_2374 = arith.constant 30 : i32
      %add3A_2375 = arith.addi %add3A_2373, %add3A_2374 : i32
      %dma_start3A_2376 = arith.constant 1500 : i32
      %dma_start3A_2377 = arith.constant 0 : i32
      %dma_start3A_2378 = tpu.memref_slice %arg7[%dma_start3A_2376, %dma_start3A_2377] : memref<1600x32xf32, #tpu.memory_space<vmem>> -> memref<50x32xf32, #tpu.memory_space<vmem>>
      %dma_start3A_2379 = arith.constant 0 : i32
      %dma_start3A_2380 = arith.constant 0 : i32
      %dma_start3A_2381 = tpu.memref_slice %arg4[%add3A_2375, %dma_start3A_2379, %dma_start3A_2380] : memref<16384x50x32xf32, #tpu.memory_space<hbm>> -> memref<1x50x32xf32, #tpu.memory_space<hbm>>
      %dma_start3A_2382 = tpu.memref_squeeze %dma_start3A_2381 : memref<1x50x32xf32, #tpu.memory_space<hbm>> -> memref<50x32xf32, #tpu.memory_space<hbm>>
      %dma_start3A_2383 = arith.constant 0 : i32
      %dma_start3A_2384 = arith.constant 0 : i32
      %dma_start3A_2385 = tpu.memref_slice %arg4[%add3A_2375, %dma_start3A_2383, %dma_start3A_2384] : memref<16384x50x32xf32, #tpu.memory_space<hbm>> -> memref<1x50x32xf32, #tpu.memory_space<hbm>>
      %dma_start3A_2386 = tpu.memref_squeeze %dma_start3A_2385 : memref<1x50x32xf32, #tpu.memory_space<hbm>> -> memref<50x32xf32, #tpu.memory_space<hbm>>
      %dma_start3A_2387 = arith.constant 1500 : i32
      %dma_start3A_2388 = arith.constant 0 : i32
      %dma_start3A_2389 = tpu.memref_slice %arg7[%dma_start3A_2387, %dma_start3A_2388] : memref<1600x32xf32, #tpu.memory_space<vmem>> -> memref<50x32xf32, #tpu.memory_space<vmem>>
      tpu.enqueue_dma source(%dma_start3A_2389 : memref<50x32xf32, #tpu.memory_space<vmem>>) target(%dma_start3A_2386 : memref<50x32xf32, #tpu.memory_space<hbm>>) target_semaphore(%arg11 : memref<!tpu.dma_semaphore, #tpu.memory_space<semaphore_mem>>)
      %mul3A_2390 = arith.constant 32 : i32
      %mul3A_2391 = arith.muli %add3A_1800, %mul3A_2390 : i32
      %add3A_2392 = arith.addi %mul3A_4, %mul3A_2391 : i32
      %add3A_2393 = arith.constant 31 : i32
      %add3A_2394 = arith.addi %add3A_2392, %add3A_2393 : i32
      %dma_start3A_2395 = arith.constant 1550 : i32
      %dma_start3A_2396 = arith.constant 0 : i32
      %dma_start3A_2397 = tpu.memref_slice %arg7[%dma_start3A_2395, %dma_start3A_2396] : memref<1600x32xf32, #tpu.memory_space<vmem>> -> memref<50x32xf32, #tpu.memory_space<vmem>>
      %dma_start3A_2398 = arith.constant 0 : i32
      %dma_start3A_2399 = arith.constant 0 : i32
      %dma_start3A_2400 = tpu.memref_slice %arg4[%add3A_2394, %dma_start3A_2398, %dma_start3A_2399] : memref<16384x50x32xf32, #tpu.memory_space<hbm>> -> memref<1x50x32xf32, #tpu.memory_space<hbm>>
      %dma_start3A_2401 = tpu.memref_squeeze %dma_start3A_2400 : memref<1x50x32xf32, #tpu.memory_space<hbm>> -> memref<50x32xf32, #tpu.memory_space<hbm>>
      %dma_start3A_2402 = arith.constant 0 : i32
      %dma_start3A_2403 = arith.constant 0 : i32
      %dma_start3A_2404 = tpu.memref_slice %arg4[%add3A_2394, %dma_start3A_2402, %dma_start3A_2403] : memref<16384x50x32xf32, #tpu.memory_space<hbm>> -> memref<1x50x32xf32, #tpu.memory_space<hbm>>
      %dma_start3A_2405 = tpu.memref_squeeze %dma_start3A_2404 : memref<1x50x32xf32, #tpu.memory_space<hbm>> -> memref<50x32xf32, #tpu.memory_space<hbm>>
      %dma_start3A_2406 = arith.constant 1550 : i32
      %dma_start3A_2407 = arith.constant 0 : i32
      %dma_start3A_2408 = tpu.memref_slice %arg7[%dma_start3A_2406, %dma_start3A_2407] : memref<1600x32xf32, #tpu.memory_space<vmem>> -> memref<50x32xf32, #tpu.memory_space<vmem>>
      tpu.enqueue_dma source(%dma_start3A_2408 : memref<50x32xf32, #tpu.memory_space<vmem>>) target(%dma_start3A_2405 : memref<50x32xf32, #tpu.memory_space<hbm>>) target_semaphore(%arg11 : memref<!tpu.dma_semaphore, #tpu.memory_space<semaphore_mem>>)
      %add3A_2409 = arith.constant 2 : i32
      %add3A_2410 = arith.addi %mul3A_1172, %add3A_2409 : i32
      %lt3A = arith.constant 16 : i32
      %lt3A_2411 = arith.cmpi slt, %add3A_2410, %lt3A : i32
      %convert_element_type3A = arith.extui %lt3A_2411 : i1 to i32
      %cond3A = arith.constant 0 : i32
      %cond3A_2412 = arith.cmpi ne, %convert_element_type3A, %cond3A : i32
      scf.if %cond3A_2412 {
        %add3A_2413 = arith.constant 0 : i32
        %add3A_2414 = arith.addi %mul3A_1172, %add3A_2413 : i32
        %mul3A_2415 = arith.constant 32 : i32
        %mul3A_2416 = arith.muli %add3A_2414, %mul3A_2415 : i32
        %add3A_2417 = arith.addi %mul3A_4, %mul3A_2416 : i32
        %add3A_2418 = arith.constant 0 : i32
        %add3A_2419 = arith.addi %add3A_2417, %add3A_2418 : i32
        %dma_wait3A_2420 = arith.constant 0 : i32
        %dma_wait3A_2421 = arith.constant 0 : i32
        %dma_wait3A_2422 = tpu.memref_slice %arg6[%dma_wait3A_2420, %dma_wait3A_2421] : memref<1600x32xf32, #tpu.memory_space<vmem>> -> memref<50x32xf32, #tpu.memory_space<vmem>>
        %dma_wait3A_2423 = arith.constant 0 : i32
        %dma_wait3A_2424 = arith.constant 0 : i32
        %dma_wait3A_2425 = tpu.memref_slice %arg4[%add3A_2419, %dma_wait3A_2423, %dma_wait3A_2424] : memref<16384x50x32xf32, #tpu.memory_space<hbm>> -> memref<1x50x32xf32, #tpu.memory_space<hbm>>
        %dma_wait3A_2426 = tpu.memref_squeeze %dma_wait3A_2425 : memref<1x50x32xf32, #tpu.memory_space<hbm>> -> memref<50x32xf32, #tpu.memory_space<hbm>>
        %dma_wait3A_2427 = arith.constant 0 : i32
        %dma_wait3A_2428 = arith.constant 0 : i32
        %dma_wait3A_2429 = tpu.memref_slice %arg4[%add3A_2419, %dma_wait3A_2427, %dma_wait3A_2428] : memref<16384x50x32xf32, #tpu.memory_space<hbm>> -> memref<1x50x32xf32, #tpu.memory_space<hbm>>
        %dma_wait3A_2430 = tpu.memref_squeeze %dma_wait3A_2429 : memref<1x50x32xf32, #tpu.memory_space<hbm>> -> memref<50x32xf32, #tpu.memory_space<hbm>>
        %dma_wait3A_2431 = arith.constant 0 : i32
        %dma_wait3A_2432 = arith.constant 0 : i32
        %dma_wait3A_2433 = tpu.memref_slice %arg6[%dma_wait3A_2431, %dma_wait3A_2432] : memref<1600x32xf32, #tpu.memory_space<vmem>> -> memref<50x32xf32, #tpu.memory_space<vmem>>
        tpu.wait_dma2 semaphore(%arg10 : memref<!tpu.dma_semaphore, #tpu.memory_space<semaphore_mem>>) src(%dma_wait3A_2433 : memref<50x32xf32, #tpu.memory_space<vmem>>) dst(%dma_wait3A_2430 : memref<50x32xf32, #tpu.memory_space<hbm>>)
        %mul3A_2434 = arith.constant 32 : i32
        %mul3A_2435 = arith.muli %add3A_2414, %mul3A_2434 : i32
        %add3A_2436 = arith.addi %mul3A_4, %mul3A_2435 : i32
        %add3A_2437 = arith.constant 1 : i32
        %add3A_2438 = arith.addi %add3A_2436, %add3A_2437 : i32
        %dma_wait3A_2439 = arith.constant 50 : i32
        %dma_wait3A_2440 = arith.constant 0 : i32
        %dma_wait3A_2441 = tpu.memref_slice %arg6[%dma_wait3A_2439, %dma_wait3A_2440] : memref<1600x32xf32, #tpu.memory_space<vmem>> -> memref<50x32xf32, #tpu.memory_space<vmem>>
        %dma_wait3A_2442 = arith.constant 0 : i32
        %dma_wait3A_2443 = arith.constant 0 : i32
        %dma_wait3A_2444 = tpu.memref_slice %arg4[%add3A_2438, %dma_wait3A_2442, %dma_wait3A_2443] : memref<16384x50x32xf32, #tpu.memory_space<hbm>> -> memref<1x50x32xf32, #tpu.memory_space<hbm>>
        %dma_wait3A_2445 = tpu.memref_squeeze %dma_wait3A_2444 : memref<1x50x32xf32, #tpu.memory_space<hbm>> -> memref<50x32xf32, #tpu.memory_space<hbm>>
        %dma_wait3A_2446 = arith.constant 0 : i32
        %dma_wait3A_2447 = arith.constant 0 : i32
        %dma_wait3A_2448 = tpu.memref_slice %arg4[%add3A_2438, %dma_wait3A_2446, %dma_wait3A_2447] : memref<16384x50x32xf32, #tpu.memory_space<hbm>> -> memref<1x50x32xf32, #tpu.memory_space<hbm>>
        %dma_wait3A_2449 = tpu.memref_squeeze %dma_wait3A_2448 : memref<1x50x32xf32, #tpu.memory_space<hbm>> -> memref<50x32xf32, #tpu.memory_space<hbm>>
        %dma_wait3A_2450 = arith.constant 50 : i32
        %dma_wait3A_2451 = arith.constant 0 : i32
        %dma_wait3A_2452 = tpu.memref_slice %arg6[%dma_wait3A_2450, %dma_wait3A_2451] : memref<1600x32xf32, #tpu.memory_space<vmem>> -> memref<50x32xf32, #tpu.memory_space<vmem>>
        tpu.wait_dma2 semaphore(%arg10 : memref<!tpu.dma_semaphore, #tpu.memory_space<semaphore_mem>>) src(%dma_wait3A_2452 : memref<50x32xf32, #tpu.memory_space<vmem>>) dst(%dma_wait3A_2449 : memref<50x32xf32, #tpu.memory_space<hbm>>)
        %mul3A_2453 = arith.constant 32 : i32
        %mul3A_2454 = arith.muli %add3A_2414, %mul3A_2453 : i32
        %add3A_2455 = arith.addi %mul3A_4, %mul3A_2454 : i32
        %add3A_2456 = arith.constant 2 : i32
        %add3A_2457 = arith.addi %add3A_2455, %add3A_2456 : i32
        %dma_wait3A_2458 = arith.constant 100 : i32
        %dma_wait3A_2459 = arith.constant 0 : i32
        %dma_wait3A_2460 = tpu.memref_slice %arg6[%dma_wait3A_2458, %dma_wait3A_2459] : memref<1600x32xf32, #tpu.memory_space<vmem>> -> memref<50x32xf32, #tpu.memory_space<vmem>>
        %dma_wait3A_2461 = arith.constant 0 : i32
        %dma_wait3A_2462 = arith.constant 0 : i32
        %dma_wait3A_2463 = tpu.memref_slice %arg4[%add3A_2457, %dma_wait3A_2461, %dma_wait3A_2462] : memref<16384x50x32xf32, #tpu.memory_space<hbm>> -> memref<1x50x32xf32, #tpu.memory_space<hbm>>
        %dma_wait3A_2464 = tpu.memref_squeeze %dma_wait3A_2463 : memref<1x50x32xf32, #tpu.memory_space<hbm>> -> memref<50x32xf32, #tpu.memory_space<hbm>>
        %dma_wait3A_2465 = arith.constant 0 : i32
        %dma_wait3A_2466 = arith.constant 0 : i32
        %dma_wait3A_2467 = tpu.memref_slice %arg4[%add3A_2457, %dma_wait3A_2465, %dma_wait3A_2466] : memref<16384x50x32xf32, #tpu.memory_space<hbm>> -> memref<1x50x32xf32, #tpu.memory_space<hbm>>
        %dma_wait3A_2468 = tpu.memref_squeeze %dma_wait3A_2467 : memref<1x50x32xf32, #tpu.memory_space<hbm>> -> memref<50x32xf32, #tpu.memory_space<hbm>>
        %dma_wait3A_2469 = arith.constant 100 : i32
        %dma_wait3A_2470 = arith.constant 0 : i32
        %dma_wait3A_2471 = tpu.memref_slice %arg6[%dma_wait3A_2469, %dma_wait3A_2470] : memref<1600x32xf32, #tpu.memory_space<vmem>> -> memref<50x32xf32, #tpu.memory_space<vmem>>
        tpu.wait_dma2 semaphore(%arg10 : memref<!tpu.dma_semaphore, #tpu.memory_space<semaphore_mem>>) src(%dma_wait3A_2471 : memref<50x32xf32, #tpu.memory_space<vmem>>) dst(%dma_wait3A_2468 : memref<50x32xf32, #tpu.memory_space<hbm>>)
        %mul3A_2472 = arith.constant 32 : i32
        %mul3A_2473 = arith.muli %add3A_2414, %mul3A_2472 : i32
        %add3A_2474 = arith.addi %mul3A_4, %mul3A_2473 : i32
        %add3A_2475 = arith.constant 3 : i32
        %add3A_2476 = arith.addi %add3A_2474, %add3A_2475 : i32
        %dma_wait3A_2477 = arith.constant 150 : i32
        %dma_wait3A_2478 = arith.constant 0 : i32
        %dma_wait3A_2479 = tpu.memref_slice %arg6[%dma_wait3A_2477, %dma_wait3A_2478] : memref<1600x32xf32, #tpu.memory_space<vmem>> -> memref<50x32xf32, #tpu.memory_space<vmem>>
        %dma_wait3A_2480 = arith.constant 0 : i32
        %dma_wait3A_2481 = arith.constant 0 : i32
        %dma_wait3A_2482 = tpu.memref_slice %arg4[%add3A_2476, %dma_wait3A_2480, %dma_wait3A_2481] : memref<16384x50x32xf32, #tpu.memory_space<hbm>> -> memref<1x50x32xf32, #tpu.memory_space<hbm>>
        %dma_wait3A_2483 = tpu.memref_squeeze %dma_wait3A_2482 : memref<1x50x32xf32, #tpu.memory_space<hbm>> -> memref<50x32xf32, #tpu.memory_space<hbm>>
        %dma_wait3A_2484 = arith.constant 0 : i32
        %dma_wait3A_2485 = arith.constant 0 : i32
        %dma_wait3A_2486 = tpu.memref_slice %arg4[%add3A_2476, %dma_wait3A_2484, %dma_wait3A_2485] : memref<16384x50x32xf32, #tpu.memory_space<hbm>> -> memref<1x50x32xf32, #tpu.memory_space<hbm>>
        %dma_wait3A_2487 = tpu.memref_squeeze %dma_wait3A_2486 : memref<1x50x32xf32, #tpu.memory_space<hbm>> -> memref<50x32xf32, #tpu.memory_space<hbm>>
        %dma_wait3A_2488 = arith.constant 150 : i32
        %dma_wait3A_2489 = arith.constant 0 : i32
        %dma_wait3A_2490 = tpu.memref_slice %arg6[%dma_wait3A_2488, %dma_wait3A_2489] : memref<1600x32xf32, #tpu.memory_space<vmem>> -> memref<50x32xf32, #tpu.memory_space<vmem>>
        tpu.wait_dma2 semaphore(%arg10 : memref<!tpu.dma_semaphore, #tpu.memory_space<semaphore_mem>>) src(%dma_wait3A_2490 : memref<50x32xf32, #tpu.memory_space<vmem>>) dst(%dma_wait3A_2487 : memref<50x32xf32, #tpu.memory_space<hbm>>)
        %mul3A_2491 = arith.constant 32 : i32
        %mul3A_2492 = arith.muli %add3A_2414, %mul3A_2491 : i32
        %add3A_2493 = arith.addi %mul3A_4, %mul3A_2492 : i32
        %add3A_2494 = arith.constant 4 : i32
        %add3A_2495 = arith.addi %add3A_2493, %add3A_2494 : i32
        %dma_wait3A_2496 = arith.constant 200 : i32
        %dma_wait3A_2497 = arith.constant 0 : i32
        %dma_wait3A_2498 = tpu.memref_slice %arg6[%dma_wait3A_2496, %dma_wait3A_2497] : memref<1600x32xf32, #tpu.memory_space<vmem>> -> memref<50x32xf32, #tpu.memory_space<vmem>>
        %dma_wait3A_2499 = arith.constant 0 : i32
        %dma_wait3A_2500 = arith.constant 0 : i32
        %dma_wait3A_2501 = tpu.memref_slice %arg4[%add3A_2495, %dma_wait3A_2499, %dma_wait3A_2500] : memref<16384x50x32xf32, #tpu.memory_space<hbm>> -> memref<1x50x32xf32, #tpu.memory_space<hbm>>
        %dma_wait3A_2502 = tpu.memref_squeeze %dma_wait3A_2501 : memref<1x50x32xf32, #tpu.memory_space<hbm>> -> memref<50x32xf32, #tpu.memory_space<hbm>>
        %dma_wait3A_2503 = arith.constant 0 : i32
        %dma_wait3A_2504 = arith.constant 0 : i32
        %dma_wait3A_2505 = tpu.memref_slice %arg4[%add3A_2495, %dma_wait3A_2503, %dma_wait3A_2504] : memref<16384x50x32xf32, #tpu.memory_space<hbm>> -> memref<1x50x32xf32, #tpu.memory_space<hbm>>
        %dma_wait3A_2506 = tpu.memref_squeeze %dma_wait3A_2505 : memref<1x50x32xf32, #tpu.memory_space<hbm>> -> memref<50x32xf32, #tpu.memory_space<hbm>>
        %dma_wait3A_2507 = arith.constant 200 : i32
        %dma_wait3A_2508 = arith.constant 0 : i32
        %dma_wait3A_2509 = tpu.memref_slice %arg6[%dma_wait3A_2507, %dma_wait3A_2508] : memref<1600x32xf32, #tpu.memory_space<vmem>> -> memref<50x32xf32, #tpu.memory_space<vmem>>
        tpu.wait_dma2 semaphore(%arg10 : memref<!tpu.dma_semaphore, #tpu.memory_space<semaphore_mem>>) src(%dma_wait3A_2509 : memref<50x32xf32, #tpu.memory_space<vmem>>) dst(%dma_wait3A_2506 : memref<50x32xf32, #tpu.memory_space<hbm>>)
        %mul3A_2510 = arith.constant 32 : i32
        %mul3A_2511 = arith.muli %add3A_2414, %mul3A_2510 : i32
        %add3A_2512 = arith.addi %mul3A_4, %mul3A_2511 : i32
        %add3A_2513 = arith.constant 5 : i32
        %add3A_2514 = arith.addi %add3A_2512, %add3A_2513 : i32
        %dma_wait3A_2515 = arith.constant 250 : i32
        %dma_wait3A_2516 = arith.constant 0 : i32
        %dma_wait3A_2517 = tpu.memref_slice %arg6[%dma_wait3A_2515, %dma_wait3A_2516] : memref<1600x32xf32, #tpu.memory_space<vmem>> -> memref<50x32xf32, #tpu.memory_space<vmem>>
        %dma_wait3A_2518 = arith.constant 0 : i32
        %dma_wait3A_2519 = arith.constant 0 : i32
        %dma_wait3A_2520 = tpu.memref_slice %arg4[%add3A_2514, %dma_wait3A_2518, %dma_wait3A_2519] : memref<16384x50x32xf32, #tpu.memory_space<hbm>> -> memref<1x50x32xf32, #tpu.memory_space<hbm>>
        %dma_wait3A_2521 = tpu.memref_squeeze %dma_wait3A_2520 : memref<1x50x32xf32, #tpu.memory_space<hbm>> -> memref<50x32xf32, #tpu.memory_space<hbm>>
        %dma_wait3A_2522 = arith.constant 0 : i32
        %dma_wait3A_2523 = arith.constant 0 : i32
        %dma_wait3A_2524 = tpu.memref_slice %arg4[%add3A_2514, %dma_wait3A_2522, %dma_wait3A_2523] : memref<16384x50x32xf32, #tpu.memory_space<hbm>> -> memref<1x50x32xf32, #tpu.memory_space<hbm>>
        %dma_wait3A_2525 = tpu.memref_squeeze %dma_wait3A_2524 : memref<1x50x32xf32, #tpu.memory_space<hbm>> -> memref<50x32xf32, #tpu.memory_space<hbm>>
        %dma_wait3A_2526 = arith.constant 250 : i32
        %dma_wait3A_2527 = arith.constant 0 : i32
        %dma_wait3A_2528 = tpu.memref_slice %arg6[%dma_wait3A_2526, %dma_wait3A_2527] : memref<1600x32xf32, #tpu.memory_space<vmem>> -> memref<50x32xf32, #tpu.memory_space<vmem>>
        tpu.wait_dma2 semaphore(%arg10 : memref<!tpu.dma_semaphore, #tpu.memory_space<semaphore_mem>>) src(%dma_wait3A_2528 : memref<50x32xf32, #tpu.memory_space<vmem>>) dst(%dma_wait3A_2525 : memref<50x32xf32, #tpu.memory_space<hbm>>)
        %mul3A_2529 = arith.constant 32 : i32
        %mul3A_2530 = arith.muli %add3A_2414, %mul3A_2529 : i32
        %add3A_2531 = arith.addi %mul3A_4, %mul3A_2530 : i32
        %add3A_2532 = arith.constant 6 : i32
        %add3A_2533 = arith.addi %add3A_2531, %add3A_2532 : i32
        %dma_wait3A_2534 = arith.constant 300 : i32
        %dma_wait3A_2535 = arith.constant 0 : i32
        %dma_wait3A_2536 = tpu.memref_slice %arg6[%dma_wait3A_2534, %dma_wait3A_2535] : memref<1600x32xf32, #tpu.memory_space<vmem>> -> memref<50x32xf32, #tpu.memory_space<vmem>>
        %dma_wait3A_2537 = arith.constant 0 : i32
        %dma_wait3A_2538 = arith.constant 0 : i32
        %dma_wait3A_2539 = tpu.memref_slice %arg4[%add3A_2533, %dma_wait3A_2537, %dma_wait3A_2538] : memref<16384x50x32xf32, #tpu.memory_space<hbm>> -> memref<1x50x32xf32, #tpu.memory_space<hbm>>
        %dma_wait3A_2540 = tpu.memref_squeeze %dma_wait3A_2539 : memref<1x50x32xf32, #tpu.memory_space<hbm>> -> memref<50x32xf32, #tpu.memory_space<hbm>>
        %dma_wait3A_2541 = arith.constant 0 : i32
        %dma_wait3A_2542 = arith.constant 0 : i32
        %dma_wait3A_2543 = tpu.memref_slice %arg4[%add3A_2533, %dma_wait3A_2541, %dma_wait3A_2542] : memref<16384x50x32xf32, #tpu.memory_space<hbm>> -> memref<1x50x32xf32, #tpu.memory_space<hbm>>
        %dma_wait3A_2544 = tpu.memref_squeeze %dma_wait3A_2543 : memref<1x50x32xf32, #tpu.memory_space<hbm>> -> memref<50x32xf32, #tpu.memory_space<hbm>>
        %dma_wait3A_2545 = arith.constant 300 : i32
        %dma_wait3A_2546 = arith.constant 0 : i32
        %dma_wait3A_2547 = tpu.memref_slice %arg6[%dma_wait3A_2545, %dma_wait3A_2546] : memref<1600x32xf32, #tpu.memory_space<vmem>> -> memref<50x32xf32, #tpu.memory_space<vmem>>
        tpu.wait_dma2 semaphore(%arg10 : memref<!tpu.dma_semaphore, #tpu.memory_space<semaphore_mem>>) src(%dma_wait3A_2547 : memref<50x32xf32, #tpu.memory_space<vmem>>) dst(%dma_wait3A_2544 : memref<50x32xf32, #tpu.memory_space<hbm>>)
        %mul3A_2548 = arith.constant 32 : i32
        %mul3A_2549 = arith.muli %add3A_2414, %mul3A_2548 : i32
        %add3A_2550 = arith.addi %mul3A_4, %mul3A_2549 : i32
        %add3A_2551 = arith.constant 7 : i32
        %add3A_2552 = arith.addi %add3A_2550, %add3A_2551 : i32
        %dma_wait3A_2553 = arith.constant 350 : i32
        %dma_wait3A_2554 = arith.constant 0 : i32
        %dma_wait3A_2555 = tpu.memref_slice %arg6[%dma_wait3A_2553, %dma_wait3A_2554] : memref<1600x32xf32, #tpu.memory_space<vmem>> -> memref<50x32xf32, #tpu.memory_space<vmem>>
        %dma_wait3A_2556 = arith.constant 0 : i32
        %dma_wait3A_2557 = arith.constant 0 : i32
        %dma_wait3A_2558 = tpu.memref_slice %arg4[%add3A_2552, %dma_wait3A_2556, %dma_wait3A_2557] : memref<16384x50x32xf32, #tpu.memory_space<hbm>> -> memref<1x50x32xf32, #tpu.memory_space<hbm>>
        %dma_wait3A_2559 = tpu.memref_squeeze %dma_wait3A_2558 : memref<1x50x32xf32, #tpu.memory_space<hbm>> -> memref<50x32xf32, #tpu.memory_space<hbm>>
        %dma_wait3A_2560 = arith.constant 0 : i32
        %dma_wait3A_2561 = arith.constant 0 : i32
        %dma_wait3A_2562 = tpu.memref_slice %arg4[%add3A_2552, %dma_wait3A_2560, %dma_wait3A_2561] : memref<16384x50x32xf32, #tpu.memory_space<hbm>> -> memref<1x50x32xf32, #tpu.memory_space<hbm>>
        %dma_wait3A_2563 = tpu.memref_squeeze %dma_wait3A_2562 : memref<1x50x32xf32, #tpu.memory_space<hbm>> -> memref<50x32xf32, #tpu.memory_space<hbm>>
        %dma_wait3A_2564 = arith.constant 350 : i32
        %dma_wait3A_2565 = arith.constant 0 : i32
        %dma_wait3A_2566 = tpu.memref_slice %arg6[%dma_wait3A_2564, %dma_wait3A_2565] : memref<1600x32xf32, #tpu.memory_space<vmem>> -> memref<50x32xf32, #tpu.memory_space<vmem>>
        tpu.wait_dma2 semaphore(%arg10 : memref<!tpu.dma_semaphore, #tpu.memory_space<semaphore_mem>>) src(%dma_wait3A_2566 : memref<50x32xf32, #tpu.memory_space<vmem>>) dst(%dma_wait3A_2563 : memref<50x32xf32, #tpu.memory_space<hbm>>)
        %mul3A_2567 = arith.constant 32 : i32
        %mul3A_2568 = arith.muli %add3A_2414, %mul3A_2567 : i32
        %add3A_2569 = arith.addi %mul3A_4, %mul3A_2568 : i32
        %add3A_2570 = arith.constant 8 : i32
        %add3A_2571 = arith.addi %add3A_2569, %add3A_2570 : i32
        %dma_wait3A_2572 = arith.constant 400 : i32
        %dma_wait3A_2573 = arith.constant 0 : i32
        %dma_wait3A_2574 = tpu.memref_slice %arg6[%dma_wait3A_2572, %dma_wait3A_2573] : memref<1600x32xf32, #tpu.memory_space<vmem>> -> memref<50x32xf32, #tpu.memory_space<vmem>>
        %dma_wait3A_2575 = arith.constant 0 : i32
        %dma_wait3A_2576 = arith.constant 0 : i32
        %dma_wait3A_2577 = tpu.memref_slice %arg4[%add3A_2571, %dma_wait3A_2575, %dma_wait3A_2576] : memref<16384x50x32xf32, #tpu.memory_space<hbm>> -> memref<1x50x32xf32, #tpu.memory_space<hbm>>
        %dma_wait3A_2578 = tpu.memref_squeeze %dma_wait3A_2577 : memref<1x50x32xf32, #tpu.memory_space<hbm>> -> memref<50x32xf32, #tpu.memory_space<hbm>>
        %dma_wait3A_2579 = arith.constant 0 : i32
        %dma_wait3A_2580 = arith.constant 0 : i32
        %dma_wait3A_2581 = tpu.memref_slice %arg4[%add3A_2571, %dma_wait3A_2579, %dma_wait3A_2580] : memref<16384x50x32xf32, #tpu.memory_space<hbm>> -> memref<1x50x32xf32, #tpu.memory_space<hbm>>
        %dma_wait3A_2582 = tpu.memref_squeeze %dma_wait3A_2581 : memref<1x50x32xf32, #tpu.memory_space<hbm>> -> memref<50x32xf32, #tpu.memory_space<hbm>>
        %dma_wait3A_2583 = arith.constant 400 : i32
        %dma_wait3A_2584 = arith.constant 0 : i32
        %dma_wait3A_2585 = tpu.memref_slice %arg6[%dma_wait3A_2583, %dma_wait3A_2584] : memref<1600x32xf32, #tpu.memory_space<vmem>> -> memref<50x32xf32, #tpu.memory_space<vmem>>
        tpu.wait_dma2 semaphore(%arg10 : memref<!tpu.dma_semaphore, #tpu.memory_space<semaphore_mem>>) src(%dma_wait3A_2585 : memref<50x32xf32, #tpu.memory_space<vmem>>) dst(%dma_wait3A_2582 : memref<50x32xf32, #tpu.memory_space<hbm>>)
        %mul3A_2586 = arith.constant 32 : i32
        %mul3A_2587 = arith.muli %add3A_2414, %mul3A_2586 : i32
        %add3A_2588 = arith.addi %mul3A_4, %mul3A_2587 : i32
        %add3A_2589 = arith.constant 9 : i32
        %add3A_2590 = arith.addi %add3A_2588, %add3A_2589 : i32
        %dma_wait3A_2591 = arith.constant 450 : i32
        %dma_wait3A_2592 = arith.constant 0 : i32
        %dma_wait3A_2593 = tpu.memref_slice %arg6[%dma_wait3A_2591, %dma_wait3A_2592] : memref<1600x32xf32, #tpu.memory_space<vmem>> -> memref<50x32xf32, #tpu.memory_space<vmem>>
        %dma_wait3A_2594 = arith.constant 0 : i32
        %dma_wait3A_2595 = arith.constant 0 : i32
        %dma_wait3A_2596 = tpu.memref_slice %arg4[%add3A_2590, %dma_wait3A_2594, %dma_wait3A_2595] : memref<16384x50x32xf32, #tpu.memory_space<hbm>> -> memref<1x50x32xf32, #tpu.memory_space<hbm>>
        %dma_wait3A_2597 = tpu.memref_squeeze %dma_wait3A_2596 : memref<1x50x32xf32, #tpu.memory_space<hbm>> -> memref<50x32xf32, #tpu.memory_space<hbm>>
        %dma_wait3A_2598 = arith.constant 0 : i32
        %dma_wait3A_2599 = arith.constant 0 : i32
        %dma_wait3A_2600 = tpu.memref_slice %arg4[%add3A_2590, %dma_wait3A_2598, %dma_wait3A_2599] : memref<16384x50x32xf32, #tpu.memory_space<hbm>> -> memref<1x50x32xf32, #tpu.memory_space<hbm>>
        %dma_wait3A_2601 = tpu.memref_squeeze %dma_wait3A_2600 : memref<1x50x32xf32, #tpu.memory_space<hbm>> -> memref<50x32xf32, #tpu.memory_space<hbm>>
        %dma_wait3A_2602 = arith.constant 450 : i32
        %dma_wait3A_2603 = arith.constant 0 : i32
        %dma_wait3A_2604 = tpu.memref_slice %arg6[%dma_wait3A_2602, %dma_wait3A_2603] : memref<1600x32xf32, #tpu.memory_space<vmem>> -> memref<50x32xf32, #tpu.memory_space<vmem>>
        tpu.wait_dma2 semaphore(%arg10 : memref<!tpu.dma_semaphore, #tpu.memory_space<semaphore_mem>>) src(%dma_wait3A_2604 : memref<50x32xf32, #tpu.memory_space<vmem>>) dst(%dma_wait3A_2601 : memref<50x32xf32, #tpu.memory_space<hbm>>)
        %mul3A_2605 = arith.constant 32 : i32
        %mul3A_2606 = arith.muli %add3A_2414, %mul3A_2605 : i32
        %add3A_2607 = arith.addi %mul3A_4, %mul3A_2606 : i32
        %add3A_2608 = arith.constant 10 : i32
        %add3A_2609 = arith.addi %add3A_2607, %add3A_2608 : i32
        %dma_wait3A_2610 = arith.constant 500 : i32
        %dma_wait3A_2611 = arith.constant 0 : i32
        %dma_wait3A_2612 = tpu.memref_slice %arg6[%dma_wait3A_2610, %dma_wait3A_2611] : memref<1600x32xf32, #tpu.memory_space<vmem>> -> memref<50x32xf32, #tpu.memory_space<vmem>>
        %dma_wait3A_2613 = arith.constant 0 : i32
        %dma_wait3A_2614 = arith.constant 0 : i32
        %dma_wait3A_2615 = tpu.memref_slice %arg4[%add3A_2609, %dma_wait3A_2613, %dma_wait3A_2614] : memref<16384x50x32xf32, #tpu.memory_space<hbm>> -> memref<1x50x32xf32, #tpu.memory_space<hbm>>
        %dma_wait3A_2616 = tpu.memref_squeeze %dma_wait3A_2615 : memref<1x50x32xf32, #tpu.memory_space<hbm>> -> memref<50x32xf32, #tpu.memory_space<hbm>>
        %dma_wait3A_2617 = arith.constant 0 : i32
        %dma_wait3A_2618 = arith.constant 0 : i32
        %dma_wait3A_2619 = tpu.memref_slice %arg4[%add3A_2609, %dma_wait3A_2617, %dma_wait3A_2618] : memref<16384x50x32xf32, #tpu.memory_space<hbm>> -> memref<1x50x32xf32, #tpu.memory_space<hbm>>
        %dma_wait3A_2620 = tpu.memref_squeeze %dma_wait3A_2619 : memref<1x50x32xf32, #tpu.memory_space<hbm>> -> memref<50x32xf32, #tpu.memory_space<hbm>>
        %dma_wait3A_2621 = arith.constant 500 : i32
        %dma_wait3A_2622 = arith.constant 0 : i32
        %dma_wait3A_2623 = tpu.memref_slice %arg6[%dma_wait3A_2621, %dma_wait3A_2622] : memref<1600x32xf32, #tpu.memory_space<vmem>> -> memref<50x32xf32, #tpu.memory_space<vmem>>
        tpu.wait_dma2 semaphore(%arg10 : memref<!tpu.dma_semaphore, #tpu.memory_space<semaphore_mem>>) src(%dma_wait3A_2623 : memref<50x32xf32, #tpu.memory_space<vmem>>) dst(%dma_wait3A_2620 : memref<50x32xf32, #tpu.memory_space<hbm>>)
        %mul3A_2624 = arith.constant 32 : i32
        %mul3A_2625 = arith.muli %add3A_2414, %mul3A_2624 : i32
        %add3A_2626 = arith.addi %mul3A_4, %mul3A_2625 : i32
        %add3A_2627 = arith.constant 11 : i32
        %add3A_2628 = arith.addi %add3A_2626, %add3A_2627 : i32
        %dma_wait3A_2629 = arith.constant 550 : i32
        %dma_wait3A_2630 = arith.constant 0 : i32
        %dma_wait3A_2631 = tpu.memref_slice %arg6[%dma_wait3A_2629, %dma_wait3A_2630] : memref<1600x32xf32, #tpu.memory_space<vmem>> -> memref<50x32xf32, #tpu.memory_space<vmem>>
        %dma_wait3A_2632 = arith.constant 0 : i32
        %dma_wait3A_2633 = arith.constant 0 : i32
        %dma_wait3A_2634 = tpu.memref_slice %arg4[%add3A_2628, %dma_wait3A_2632, %dma_wait3A_2633] : memref<16384x50x32xf32, #tpu.memory_space<hbm>> -> memref<1x50x32xf32, #tpu.memory_space<hbm>>
        %dma_wait3A_2635 = tpu.memref_squeeze %dma_wait3A_2634 : memref<1x50x32xf32, #tpu.memory_space<hbm>> -> memref<50x32xf32, #tpu.memory_space<hbm>>
        %dma_wait3A_2636 = arith.constant 0 : i32
        %dma_wait3A_2637 = arith.constant 0 : i32
        %dma_wait3A_2638 = tpu.memref_slice %arg4[%add3A_2628, %dma_wait3A_2636, %dma_wait3A_2637] : memref<16384x50x32xf32, #tpu.memory_space<hbm>> -> memref<1x50x32xf32, #tpu.memory_space<hbm>>
        %dma_wait3A_2639 = tpu.memref_squeeze %dma_wait3A_2638 : memref<1x50x32xf32, #tpu.memory_space<hbm>> -> memref<50x32xf32, #tpu.memory_space<hbm>>
        %dma_wait3A_2640 = arith.constant 550 : i32
        %dma_wait3A_2641 = arith.constant 0 : i32
        %dma_wait3A_2642 = tpu.memref_slice %arg6[%dma_wait3A_2640, %dma_wait3A_2641] : memref<1600x32xf32, #tpu.memory_space<vmem>> -> memref<50x32xf32, #tpu.memory_space<vmem>>
        tpu.wait_dma2 semaphore(%arg10 : memref<!tpu.dma_semaphore, #tpu.memory_space<semaphore_mem>>) src(%dma_wait3A_2642 : memref<50x32xf32, #tpu.memory_space<vmem>>) dst(%dma_wait3A_2639 : memref<50x32xf32, #tpu.memory_space<hbm>>)
        %mul3A_2643 = arith.constant 32 : i32
        %mul3A_2644 = arith.muli %add3A_2414, %mul3A_2643 : i32
        %add3A_2645 = arith.addi %mul3A_4, %mul3A_2644 : i32
        %add3A_2646 = arith.constant 12 : i32
        %add3A_2647 = arith.addi %add3A_2645, %add3A_2646 : i32
        %dma_wait3A_2648 = arith.constant 600 : i32
        %dma_wait3A_2649 = arith.constant 0 : i32
        %dma_wait3A_2650 = tpu.memref_slice %arg6[%dma_wait3A_2648, %dma_wait3A_2649] : memref<1600x32xf32, #tpu.memory_space<vmem>> -> memref<50x32xf32, #tpu.memory_space<vmem>>
        %dma_wait3A_2651 = arith.constant 0 : i32
        %dma_wait3A_2652 = arith.constant 0 : i32
        %dma_wait3A_2653 = tpu.memref_slice %arg4[%add3A_2647, %dma_wait3A_2651, %dma_wait3A_2652] : memref<16384x50x32xf32, #tpu.memory_space<hbm>> -> memref<1x50x32xf32, #tpu.memory_space<hbm>>
        %dma_wait3A_2654 = tpu.memref_squeeze %dma_wait3A_2653 : memref<1x50x32xf32, #tpu.memory_space<hbm>> -> memref<50x32xf32, #tpu.memory_space<hbm>>
        %dma_wait3A_2655 = arith.constant 0 : i32
        %dma_wait3A_2656 = arith.constant 0 : i32
        %dma_wait3A_2657 = tpu.memref_slice %arg4[%add3A_2647, %dma_wait3A_2655, %dma_wait3A_2656] : memref<16384x50x32xf32, #tpu.memory_space<hbm>> -> memref<1x50x32xf32, #tpu.memory_space<hbm>>
        %dma_wait3A_2658 = tpu.memref_squeeze %dma_wait3A_2657 : memref<1x50x32xf32, #tpu.memory_space<hbm>> -> memref<50x32xf32, #tpu.memory_space<hbm>>
        %dma_wait3A_2659 = arith.constant 600 : i32
        %dma_wait3A_2660 = arith.constant 0 : i32
        %dma_wait3A_2661 = tpu.memref_slice %arg6[%dma_wait3A_2659, %dma_wait3A_2660] : memref<1600x32xf32, #tpu.memory_space<vmem>> -> memref<50x32xf32, #tpu.memory_space<vmem>>
        tpu.wait_dma2 semaphore(%arg10 : memref<!tpu.dma_semaphore, #tpu.memory_space<semaphore_mem>>) src(%dma_wait3A_2661 : memref<50x32xf32, #tpu.memory_space<vmem>>) dst(%dma_wait3A_2658 : memref<50x32xf32, #tpu.memory_space<hbm>>)
        %mul3A_2662 = arith.constant 32 : i32
        %mul3A_2663 = arith.muli %add3A_2414, %mul3A_2662 : i32
        %add3A_2664 = arith.addi %mul3A_4, %mul3A_2663 : i32
        %add3A_2665 = arith.constant 13 : i32
        %add3A_2666 = arith.addi %add3A_2664, %add3A_2665 : i32
        %dma_wait3A_2667 = arith.constant 650 : i32
        %dma_wait3A_2668 = arith.constant 0 : i32
        %dma_wait3A_2669 = tpu.memref_slice %arg6[%dma_wait3A_2667, %dma_wait3A_2668] : memref<1600x32xf32, #tpu.memory_space<vmem>> -> memref<50x32xf32, #tpu.memory_space<vmem>>
        %dma_wait3A_2670 = arith.constant 0 : i32
        %dma_wait3A_2671 = arith.constant 0 : i32
        %dma_wait3A_2672 = tpu.memref_slice %arg4[%add3A_2666, %dma_wait3A_2670, %dma_wait3A_2671] : memref<16384x50x32xf32, #tpu.memory_space<hbm>> -> memref<1x50x32xf32, #tpu.memory_space<hbm>>
        %dma_wait3A_2673 = tpu.memref_squeeze %dma_wait3A_2672 : memref<1x50x32xf32, #tpu.memory_space<hbm>> -> memref<50x32xf32, #tpu.memory_space<hbm>>
        %dma_wait3A_2674 = arith.constant 0 : i32
        %dma_wait3A_2675 = arith.constant 0 : i32
        %dma_wait3A_2676 = tpu.memref_slice %arg4[%add3A_2666, %dma_wait3A_2674, %dma_wait3A_2675] : memref<16384x50x32xf32, #tpu.memory_space<hbm>> -> memref<1x50x32xf32, #tpu.memory_space<hbm>>
        %dma_wait3A_2677 = tpu.memref_squeeze %dma_wait3A_2676 : memref<1x50x32xf32, #tpu.memory_space<hbm>> -> memref<50x32xf32, #tpu.memory_space<hbm>>
        %dma_wait3A_2678 = arith.constant 650 : i32
        %dma_wait3A_2679 = arith.constant 0 : i32
        %dma_wait3A_2680 = tpu.memref_slice %arg6[%dma_wait3A_2678, %dma_wait3A_2679] : memref<1600x32xf32, #tpu.memory_space<vmem>> -> memref<50x32xf32, #tpu.memory_space<vmem>>
        tpu.wait_dma2 semaphore(%arg10 : memref<!tpu.dma_semaphore, #tpu.memory_space<semaphore_mem>>) src(%dma_wait3A_2680 : memref<50x32xf32, #tpu.memory_space<vmem>>) dst(%dma_wait3A_2677 : memref<50x32xf32, #tpu.memory_space<hbm>>)
        %mul3A_2681 = arith.constant 32 : i32
        %mul3A_2682 = arith.muli %add3A_2414, %mul3A_2681 : i32
        %add3A_2683 = arith.addi %mul3A_4, %mul3A_2682 : i32
        %add3A_2684 = arith.constant 14 : i32
        %add3A_2685 = arith.addi %add3A_2683, %add3A_2684 : i32
        %dma_wait3A_2686 = arith.constant 700 : i32
        %dma_wait3A_2687 = arith.constant 0 : i32
        %dma_wait3A_2688 = tpu.memref_slice %arg6[%dma_wait3A_2686, %dma_wait3A_2687] : memref<1600x32xf32, #tpu.memory_space<vmem>> -> memref<50x32xf32, #tpu.memory_space<vmem>>
        %dma_wait3A_2689 = arith.constant 0 : i32
        %dma_wait3A_2690 = arith.constant 0 : i32
        %dma_wait3A_2691 = tpu.memref_slice %arg4[%add3A_2685, %dma_wait3A_2689, %dma_wait3A_2690] : memref<16384x50x32xf32, #tpu.memory_space<hbm>> -> memref<1x50x32xf32, #tpu.memory_space<hbm>>
        %dma_wait3A_2692 = tpu.memref_squeeze %dma_wait3A_2691 : memref<1x50x32xf32, #tpu.memory_space<hbm>> -> memref<50x32xf32, #tpu.memory_space<hbm>>
        %dma_wait3A_2693 = arith.constant 0 : i32
        %dma_wait3A_2694 = arith.constant 0 : i32
        %dma_wait3A_2695 = tpu.memref_slice %arg4[%add3A_2685, %dma_wait3A_2693, %dma_wait3A_2694] : memref<16384x50x32xf32, #tpu.memory_space<hbm>> -> memref<1x50x32xf32, #tpu.memory_space<hbm>>
        %dma_wait3A_2696 = tpu.memref_squeeze %dma_wait3A_2695 : memref<1x50x32xf32, #tpu.memory_space<hbm>> -> memref<50x32xf32, #tpu.memory_space<hbm>>
        %dma_wait3A_2697 = arith.constant 700 : i32
        %dma_wait3A_2698 = arith.constant 0 : i32
        %dma_wait3A_2699 = tpu.memref_slice %arg6[%dma_wait3A_2697, %dma_wait3A_2698] : memref<1600x32xf32, #tpu.memory_space<vmem>> -> memref<50x32xf32, #tpu.memory_space<vmem>>
        tpu.wait_dma2 semaphore(%arg10 : memref<!tpu.dma_semaphore, #tpu.memory_space<semaphore_mem>>) src(%dma_wait3A_2699 : memref<50x32xf32, #tpu.memory_space<vmem>>) dst(%dma_wait3A_2696 : memref<50x32xf32, #tpu.memory_space<hbm>>)
        %mul3A_2700 = arith.constant 32 : i32
        %mul3A_2701 = arith.muli %add3A_2414, %mul3A_2700 : i32
        %add3A_2702 = arith.addi %mul3A_4, %mul3A_2701 : i32
        %add3A_2703 = arith.constant 15 : i32
        %add3A_2704 = arith.addi %add3A_2702, %add3A_2703 : i32
        %dma_wait3A_2705 = arith.constant 750 : i32
        %dma_wait3A_2706 = arith.constant 0 : i32
        %dma_wait3A_2707 = tpu.memref_slice %arg6[%dma_wait3A_2705, %dma_wait3A_2706] : memref<1600x32xf32, #tpu.memory_space<vmem>> -> memref<50x32xf32, #tpu.memory_space<vmem>>
        %dma_wait3A_2708 = arith.constant 0 : i32
        %dma_wait3A_2709 = arith.constant 0 : i32
        %dma_wait3A_2710 = tpu.memref_slice %arg4[%add3A_2704, %dma_wait3A_2708, %dma_wait3A_2709] : memref<16384x50x32xf32, #tpu.memory_space<hbm>> -> memref<1x50x32xf32, #tpu.memory_space<hbm>>
        %dma_wait3A_2711 = tpu.memref_squeeze %dma_wait3A_2710 : memref<1x50x32xf32, #tpu.memory_space<hbm>> -> memref<50x32xf32, #tpu.memory_space<hbm>>
        %dma_wait3A_2712 = arith.constant 0 : i32
        %dma_wait3A_2713 = arith.constant 0 : i32
        %dma_wait3A_2714 = tpu.memref_slice %arg4[%add3A_2704, %dma_wait3A_2712, %dma_wait3A_2713] : memref<16384x50x32xf32, #tpu.memory_space<hbm>> -> memref<1x50x32xf32, #tpu.memory_space<hbm>>
        %dma_wait3A_2715 = tpu.memref_squeeze %dma_wait3A_2714 : memref<1x50x32xf32, #tpu.memory_space<hbm>> -> memref<50x32xf32, #tpu.memory_space<hbm>>
        %dma_wait3A_2716 = arith.constant 750 : i32
        %dma_wait3A_2717 = arith.constant 0 : i32
        %dma_wait3A_2718 = tpu.memref_slice %arg6[%dma_wait3A_2716, %dma_wait3A_2717] : memref<1600x32xf32, #tpu.memory_space<vmem>> -> memref<50x32xf32, #tpu.memory_space<vmem>>
        tpu.wait_dma2 semaphore(%arg10 : memref<!tpu.dma_semaphore, #tpu.memory_space<semaphore_mem>>) src(%dma_wait3A_2718 : memref<50x32xf32, #tpu.memory_space<vmem>>) dst(%dma_wait3A_2715 : memref<50x32xf32, #tpu.memory_space<hbm>>)
        %mul3A_2719 = arith.constant 32 : i32
        %mul3A_2720 = arith.muli %add3A_2414, %mul3A_2719 : i32
        %add3A_2721 = arith.addi %mul3A_4, %mul3A_2720 : i32
        %add3A_2722 = arith.constant 16 : i32
        %add3A_2723 = arith.addi %add3A_2721, %add3A_2722 : i32
        %dma_wait3A_2724 = arith.constant 800 : i32
        %dma_wait3A_2725 = arith.constant 0 : i32
        %dma_wait3A_2726 = tpu.memref_slice %arg6[%dma_wait3A_2724, %dma_wait3A_2725] : memref<1600x32xf32, #tpu.memory_space<vmem>> -> memref<50x32xf32, #tpu.memory_space<vmem>>
        %dma_wait3A_2727 = arith.constant 0 : i32
        %dma_wait3A_2728 = arith.constant 0 : i32
        %dma_wait3A_2729 = tpu.memref_slice %arg4[%add3A_2723, %dma_wait3A_2727, %dma_wait3A_2728] : memref<16384x50x32xf32, #tpu.memory_space<hbm>> -> memref<1x50x32xf32, #tpu.memory_space<hbm>>
        %dma_wait3A_2730 = tpu.memref_squeeze %dma_wait3A_2729 : memref<1x50x32xf32, #tpu.memory_space<hbm>> -> memref<50x32xf32, #tpu.memory_space<hbm>>
        %dma_wait3A_2731 = arith.constant 0 : i32
        %dma_wait3A_2732 = arith.constant 0 : i32
        %dma_wait3A_2733 = tpu.memref_slice %arg4[%add3A_2723, %dma_wait3A_2731, %dma_wait3A_2732] : memref<16384x50x32xf32, #tpu.memory_space<hbm>> -> memref<1x50x32xf32, #tpu.memory_space<hbm>>
        %dma_wait3A_2734 = tpu.memref_squeeze %dma_wait3A_2733 : memref<1x50x32xf32, #tpu.memory_space<hbm>> -> memref<50x32xf32, #tpu.memory_space<hbm>>
        %dma_wait3A_2735 = arith.constant 800 : i32
        %dma_wait3A_2736 = arith.constant 0 : i32
        %dma_wait3A_2737 = tpu.memref_slice %arg6[%dma_wait3A_2735, %dma_wait3A_2736] : memref<1600x32xf32, #tpu.memory_space<vmem>> -> memref<50x32xf32, #tpu.memory_space<vmem>>
        tpu.wait_dma2 semaphore(%arg10 : memref<!tpu.dma_semaphore, #tpu.memory_space<semaphore_mem>>) src(%dma_wait3A_2737 : memref<50x32xf32, #tpu.memory_space<vmem>>) dst(%dma_wait3A_2734 : memref<50x32xf32, #tpu.memory_space<hbm>>)
        %mul3A_2738 = arith.constant 32 : i32
        %mul3A_2739 = arith.muli %add3A_2414, %mul3A_2738 : i32
        %add3A_2740 = arith.addi %mul3A_4, %mul3A_2739 : i32
        %add3A_2741 = arith.constant 17 : i32
        %add3A_2742 = arith.addi %add3A_2740, %add3A_2741 : i32
        %dma_wait3A_2743 = arith.constant 850 : i32
        %dma_wait3A_2744 = arith.constant 0 : i32
        %dma_wait3A_2745 = tpu.memref_slice %arg6[%dma_wait3A_2743, %dma_wait3A_2744] : memref<1600x32xf32, #tpu.memory_space<vmem>> -> memref<50x32xf32, #tpu.memory_space<vmem>>
        %dma_wait3A_2746 = arith.constant 0 : i32
        %dma_wait3A_2747 = arith.constant 0 : i32
        %dma_wait3A_2748 = tpu.memref_slice %arg4[%add3A_2742, %dma_wait3A_2746, %dma_wait3A_2747] : memref<16384x50x32xf32, #tpu.memory_space<hbm>> -> memref<1x50x32xf32, #tpu.memory_space<hbm>>
        %dma_wait3A_2749 = tpu.memref_squeeze %dma_wait3A_2748 : memref<1x50x32xf32, #tpu.memory_space<hbm>> -> memref<50x32xf32, #tpu.memory_space<hbm>>
        %dma_wait3A_2750 = arith.constant 0 : i32
        %dma_wait3A_2751 = arith.constant 0 : i32
        %dma_wait3A_2752 = tpu.memref_slice %arg4[%add3A_2742, %dma_wait3A_2750, %dma_wait3A_2751] : memref<16384x50x32xf32, #tpu.memory_space<hbm>> -> memref<1x50x32xf32, #tpu.memory_space<hbm>>
        %dma_wait3A_2753 = tpu.memref_squeeze %dma_wait3A_2752 : memref<1x50x32xf32, #tpu.memory_space<hbm>> -> memref<50x32xf32, #tpu.memory_space<hbm>>
        %dma_wait3A_2754 = arith.constant 850 : i32
        %dma_wait3A_2755 = arith.constant 0 : i32
        %dma_wait3A_2756 = tpu.memref_slice %arg6[%dma_wait3A_2754, %dma_wait3A_2755] : memref<1600x32xf32, #tpu.memory_space<vmem>> -> memref<50x32xf32, #tpu.memory_space<vmem>>
        tpu.wait_dma2 semaphore(%arg10 : memref<!tpu.dma_semaphore, #tpu.memory_space<semaphore_mem>>) src(%dma_wait3A_2756 : memref<50x32xf32, #tpu.memory_space<vmem>>) dst(%dma_wait3A_2753 : memref<50x32xf32, #tpu.memory_space<hbm>>)
        %mul3A_2757 = arith.constant 32 : i32
        %mul3A_2758 = arith.muli %add3A_2414, %mul3A_2757 : i32
        %add3A_2759 = arith.addi %mul3A_4, %mul3A_2758 : i32
        %add3A_2760 = arith.constant 18 : i32
        %add3A_2761 = arith.addi %add3A_2759, %add3A_2760 : i32
        %dma_wait3A_2762 = arith.constant 900 : i32
        %dma_wait3A_2763 = arith.constant 0 : i32
        %dma_wait3A_2764 = tpu.memref_slice %arg6[%dma_wait3A_2762, %dma_wait3A_2763] : memref<1600x32xf32, #tpu.memory_space<vmem>> -> memref<50x32xf32, #tpu.memory_space<vmem>>
        %dma_wait3A_2765 = arith.constant 0 : i32
        %dma_wait3A_2766 = arith.constant 0 : i32
        %dma_wait3A_2767 = tpu.memref_slice %arg4[%add3A_2761, %dma_wait3A_2765, %dma_wait3A_2766] : memref<16384x50x32xf32, #tpu.memory_space<hbm>> -> memref<1x50x32xf32, #tpu.memory_space<hbm>>
        %dma_wait3A_2768 = tpu.memref_squeeze %dma_wait3A_2767 : memref<1x50x32xf32, #tpu.memory_space<hbm>> -> memref<50x32xf32, #tpu.memory_space<hbm>>
        %dma_wait3A_2769 = arith.constant 0 : i32
        %dma_wait3A_2770 = arith.constant 0 : i32
        %dma_wait3A_2771 = tpu.memref_slice %arg4[%add3A_2761, %dma_wait3A_2769, %dma_wait3A_2770] : memref<16384x50x32xf32, #tpu.memory_space<hbm>> -> memref<1x50x32xf32, #tpu.memory_space<hbm>>
        %dma_wait3A_2772 = tpu.memref_squeeze %dma_wait3A_2771 : memref<1x50x32xf32, #tpu.memory_space<hbm>> -> memref<50x32xf32, #tpu.memory_space<hbm>>
        %dma_wait3A_2773 = arith.constant 900 : i32
        %dma_wait3A_2774 = arith.constant 0 : i32
        %dma_wait3A_2775 = tpu.memref_slice %arg6[%dma_wait3A_2773, %dma_wait3A_2774] : memref<1600x32xf32, #tpu.memory_space<vmem>> -> memref<50x32xf32, #tpu.memory_space<vmem>>
        tpu.wait_dma2 semaphore(%arg10 : memref<!tpu.dma_semaphore, #tpu.memory_space<semaphore_mem>>) src(%dma_wait3A_2775 : memref<50x32xf32, #tpu.memory_space<vmem>>) dst(%dma_wait3A_2772 : memref<50x32xf32, #tpu.memory_space<hbm>>)
        %mul3A_2776 = arith.constant 32 : i32
        %mul3A_2777 = arith.muli %add3A_2414, %mul3A_2776 : i32
        %add3A_2778 = arith.addi %mul3A_4, %mul3A_2777 : i32
        %add3A_2779 = arith.constant 19 : i32
        %add3A_2780 = arith.addi %add3A_2778, %add3A_2779 : i32
        %dma_wait3A_2781 = arith.constant 950 : i32
        %dma_wait3A_2782 = arith.constant 0 : i32
        %dma_wait3A_2783 = tpu.memref_slice %arg6[%dma_wait3A_2781, %dma_wait3A_2782] : memref<1600x32xf32, #tpu.memory_space<vmem>> -> memref<50x32xf32, #tpu.memory_space<vmem>>
        %dma_wait3A_2784 = arith.constant 0 : i32
        %dma_wait3A_2785 = arith.constant 0 : i32
        %dma_wait3A_2786 = tpu.memref_slice %arg4[%add3A_2780, %dma_wait3A_2784, %dma_wait3A_2785] : memref<16384x50x32xf32, #tpu.memory_space<hbm>> -> memref<1x50x32xf32, #tpu.memory_space<hbm>>
        %dma_wait3A_2787 = tpu.memref_squeeze %dma_wait3A_2786 : memref<1x50x32xf32, #tpu.memory_space<hbm>> -> memref<50x32xf32, #tpu.memory_space<hbm>>
        %dma_wait3A_2788 = arith.constant 0 : i32
        %dma_wait3A_2789 = arith.constant 0 : i32
        %dma_wait3A_2790 = tpu.memref_slice %arg4[%add3A_2780, %dma_wait3A_2788, %dma_wait3A_2789] : memref<16384x50x32xf32, #tpu.memory_space<hbm>> -> memref<1x50x32xf32, #tpu.memory_space<hbm>>
        %dma_wait3A_2791 = tpu.memref_squeeze %dma_wait3A_2790 : memref<1x50x32xf32, #tpu.memory_space<hbm>> -> memref<50x32xf32, #tpu.memory_space<hbm>>
        %dma_wait3A_2792 = arith.constant 950 : i32
        %dma_wait3A_2793 = arith.constant 0 : i32
        %dma_wait3A_2794 = tpu.memref_slice %arg6[%dma_wait3A_2792, %dma_wait3A_2793] : memref<1600x32xf32, #tpu.memory_space<vmem>> -> memref<50x32xf32, #tpu.memory_space<vmem>>
        tpu.wait_dma2 semaphore(%arg10 : memref<!tpu.dma_semaphore, #tpu.memory_space<semaphore_mem>>) src(%dma_wait3A_2794 : memref<50x32xf32, #tpu.memory_space<vmem>>) dst(%dma_wait3A_2791 : memref<50x32xf32, #tpu.memory_space<hbm>>)
        %mul3A_2795 = arith.constant 32 : i32
        %mul3A_2796 = arith.muli %add3A_2414, %mul3A_2795 : i32
        %add3A_2797 = arith.addi %mul3A_4, %mul3A_2796 : i32
        %add3A_2798 = arith.constant 20 : i32
        %add3A_2799 = arith.addi %add3A_2797, %add3A_2798 : i32
        %dma_wait3A_2800 = arith.constant 1000 : i32
        %dma_wait3A_2801 = arith.constant 0 : i32
        %dma_wait3A_2802 = tpu.memref_slice %arg6[%dma_wait3A_2800, %dma_wait3A_2801] : memref<1600x32xf32, #tpu.memory_space<vmem>> -> memref<50x32xf32, #tpu.memory_space<vmem>>
        %dma_wait3A_2803 = arith.constant 0 : i32
        %dma_wait3A_2804 = arith.constant 0 : i32
        %dma_wait3A_2805 = tpu.memref_slice %arg4[%add3A_2799, %dma_wait3A_2803, %dma_wait3A_2804] : memref<16384x50x32xf32, #tpu.memory_space<hbm>> -> memref<1x50x32xf32, #tpu.memory_space<hbm>>
        %dma_wait3A_2806 = tpu.memref_squeeze %dma_wait3A_2805 : memref<1x50x32xf32, #tpu.memory_space<hbm>> -> memref<50x32xf32, #tpu.memory_space<hbm>>
        %dma_wait3A_2807 = arith.constant 0 : i32
        %dma_wait3A_2808 = arith.constant 0 : i32
        %dma_wait3A_2809 = tpu.memref_slice %arg4[%add3A_2799, %dma_wait3A_2807, %dma_wait3A_2808] : memref<16384x50x32xf32, #tpu.memory_space<hbm>> -> memref<1x50x32xf32, #tpu.memory_space<hbm>>
        %dma_wait3A_2810 = tpu.memref_squeeze %dma_wait3A_2809 : memref<1x50x32xf32, #tpu.memory_space<hbm>> -> memref<50x32xf32, #tpu.memory_space<hbm>>
        %dma_wait3A_2811 = arith.constant 1000 : i32
        %dma_wait3A_2812 = arith.constant 0 : i32
        %dma_wait3A_2813 = tpu.memref_slice %arg6[%dma_wait3A_2811, %dma_wait3A_2812] : memref<1600x32xf32, #tpu.memory_space<vmem>> -> memref<50x32xf32, #tpu.memory_space<vmem>>
        tpu.wait_dma2 semaphore(%arg10 : memref<!tpu.dma_semaphore, #tpu.memory_space<semaphore_mem>>) src(%dma_wait3A_2813 : memref<50x32xf32, #tpu.memory_space<vmem>>) dst(%dma_wait3A_2810 : memref<50x32xf32, #tpu.memory_space<hbm>>)
        %mul3A_2814 = arith.constant 32 : i32
        %mul3A_2815 = arith.muli %add3A_2414, %mul3A_2814 : i32
        %add3A_2816 = arith.addi %mul3A_4, %mul3A_2815 : i32
        %add3A_2817 = arith.constant 21 : i32
        %add3A_2818 = arith.addi %add3A_2816, %add3A_2817 : i32
        %dma_wait3A_2819 = arith.constant 1050 : i32
        %dma_wait3A_2820 = arith.constant 0 : i32
        %dma_wait3A_2821 = tpu.memref_slice %arg6[%dma_wait3A_2819, %dma_wait3A_2820] : memref<1600x32xf32, #tpu.memory_space<vmem>> -> memref<50x32xf32, #tpu.memory_space<vmem>>
        %dma_wait3A_2822 = arith.constant 0 : i32
        %dma_wait3A_2823 = arith.constant 0 : i32
        %dma_wait3A_2824 = tpu.memref_slice %arg4[%add3A_2818, %dma_wait3A_2822, %dma_wait3A_2823] : memref<16384x50x32xf32, #tpu.memory_space<hbm>> -> memref<1x50x32xf32, #tpu.memory_space<hbm>>
        %dma_wait3A_2825 = tpu.memref_squeeze %dma_wait3A_2824 : memref<1x50x32xf32, #tpu.memory_space<hbm>> -> memref<50x32xf32, #tpu.memory_space<hbm>>
        %dma_wait3A_2826 = arith.constant 0 : i32
        %dma_wait3A_2827 = arith.constant 0 : i32
        %dma_wait3A_2828 = tpu.memref_slice %arg4[%add3A_2818, %dma_wait3A_2826, %dma_wait3A_2827] : memref<16384x50x32xf32, #tpu.memory_space<hbm>> -> memref<1x50x32xf32, #tpu.memory_space<hbm>>
        %dma_wait3A_2829 = tpu.memref_squeeze %dma_wait3A_2828 : memref<1x50x32xf32, #tpu.memory_space<hbm>> -> memref<50x32xf32, #tpu.memory_space<hbm>>
        %dma_wait3A_2830 = arith.constant 1050 : i32
        %dma_wait3A_2831 = arith.constant 0 : i32
        %dma_wait3A_2832 = tpu.memref_slice %arg6[%dma_wait3A_2830, %dma_wait3A_2831] : memref<1600x32xf32, #tpu.memory_space<vmem>> -> memref<50x32xf32, #tpu.memory_space<vmem>>
        tpu.wait_dma2 semaphore(%arg10 : memref<!tpu.dma_semaphore, #tpu.memory_space<semaphore_mem>>) src(%dma_wait3A_2832 : memref<50x32xf32, #tpu.memory_space<vmem>>) dst(%dma_wait3A_2829 : memref<50x32xf32, #tpu.memory_space<hbm>>)
        %mul3A_2833 = arith.constant 32 : i32
        %mul3A_2834 = arith.muli %add3A_2414, %mul3A_2833 : i32
        %add3A_2835 = arith.addi %mul3A_4, %mul3A_2834 : i32
        %add3A_2836 = arith.constant 22 : i32
        %add3A_2837 = arith.addi %add3A_2835, %add3A_2836 : i32
        %dma_wait3A_2838 = arith.constant 1100 : i32
        %dma_wait3A_2839 = arith.constant 0 : i32
        %dma_wait3A_2840 = tpu.memref_slice %arg6[%dma_wait3A_2838, %dma_wait3A_2839] : memref<1600x32xf32, #tpu.memory_space<vmem>> -> memref<50x32xf32, #tpu.memory_space<vmem>>
        %dma_wait3A_2841 = arith.constant 0 : i32
        %dma_wait3A_2842 = arith.constant 0 : i32
        %dma_wait3A_2843 = tpu.memref_slice %arg4[%add3A_2837, %dma_wait3A_2841, %dma_wait3A_2842] : memref<16384x50x32xf32, #tpu.memory_space<hbm>> -> memref<1x50x32xf32, #tpu.memory_space<hbm>>
        %dma_wait3A_2844 = tpu.memref_squeeze %dma_wait3A_2843 : memref<1x50x32xf32, #tpu.memory_space<hbm>> -> memref<50x32xf32, #tpu.memory_space<hbm>>
        %dma_wait3A_2845 = arith.constant 0 : i32
        %dma_wait3A_2846 = arith.constant 0 : i32
        %dma_wait3A_2847 = tpu.memref_slice %arg4[%add3A_2837, %dma_wait3A_2845, %dma_wait3A_2846] : memref<16384x50x32xf32, #tpu.memory_space<hbm>> -> memref<1x50x32xf32, #tpu.memory_space<hbm>>
        %dma_wait3A_2848 = tpu.memref_squeeze %dma_wait3A_2847 : memref<1x50x32xf32, #tpu.memory_space<hbm>> -> memref<50x32xf32, #tpu.memory_space<hbm>>
        %dma_wait3A_2849 = arith.constant 1100 : i32
        %dma_wait3A_2850 = arith.constant 0 : i32
        %dma_wait3A_2851 = tpu.memref_slice %arg6[%dma_wait3A_2849, %dma_wait3A_2850] : memref<1600x32xf32, #tpu.memory_space<vmem>> -> memref<50x32xf32, #tpu.memory_space<vmem>>
        tpu.wait_dma2 semaphore(%arg10 : memref<!tpu.dma_semaphore, #tpu.memory_space<semaphore_mem>>) src(%dma_wait3A_2851 : memref<50x32xf32, #tpu.memory_space<vmem>>) dst(%dma_wait3A_2848 : memref<50x32xf32, #tpu.memory_space<hbm>>)
        %mul3A_2852 = arith.constant 32 : i32
        %mul3A_2853 = arith.muli %add3A_2414, %mul3A_2852 : i32
        %add3A_2854 = arith.addi %mul3A_4, %mul3A_2853 : i32
        %add3A_2855 = arith.constant 23 : i32
        %add3A_2856 = arith.addi %add3A_2854, %add3A_2855 : i32
        %dma_wait3A_2857 = arith.constant 1150 : i32
        %dma_wait3A_2858 = arith.constant 0 : i32
        %dma_wait3A_2859 = tpu.memref_slice %arg6[%dma_wait3A_2857, %dma_wait3A_2858] : memref<1600x32xf32, #tpu.memory_space<vmem>> -> memref<50x32xf32, #tpu.memory_space<vmem>>
        %dma_wait3A_2860 = arith.constant 0 : i32
        %dma_wait3A_2861 = arith.constant 0 : i32
        %dma_wait3A_2862 = tpu.memref_slice %arg4[%add3A_2856, %dma_wait3A_2860, %dma_wait3A_2861] : memref<16384x50x32xf32, #tpu.memory_space<hbm>> -> memref<1x50x32xf32, #tpu.memory_space<hbm>>
        %dma_wait3A_2863 = tpu.memref_squeeze %dma_wait3A_2862 : memref<1x50x32xf32, #tpu.memory_space<hbm>> -> memref<50x32xf32, #tpu.memory_space<hbm>>
        %dma_wait3A_2864 = arith.constant 0 : i32
        %dma_wait3A_2865 = arith.constant 0 : i32
        %dma_wait3A_2866 = tpu.memref_slice %arg4[%add3A_2856, %dma_wait3A_2864, %dma_wait3A_2865] : memref<16384x50x32xf32, #tpu.memory_space<hbm>> -> memref<1x50x32xf32, #tpu.memory_space<hbm>>
        %dma_wait3A_2867 = tpu.memref_squeeze %dma_wait3A_2866 : memref<1x50x32xf32, #tpu.memory_space<hbm>> -> memref<50x32xf32, #tpu.memory_space<hbm>>
        %dma_wait3A_2868 = arith.constant 1150 : i32
        %dma_wait3A_2869 = arith.constant 0 : i32
        %dma_wait3A_2870 = tpu.memref_slice %arg6[%dma_wait3A_2868, %dma_wait3A_2869] : memref<1600x32xf32, #tpu.memory_space<vmem>> -> memref<50x32xf32, #tpu.memory_space<vmem>>
        tpu.wait_dma2 semaphore(%arg10 : memref<!tpu.dma_semaphore, #tpu.memory_space<semaphore_mem>>) src(%dma_wait3A_2870 : memref<50x32xf32, #tpu.memory_space<vmem>>) dst(%dma_wait3A_2867 : memref<50x32xf32, #tpu.memory_space<hbm>>)
        %mul3A_2871 = arith.constant 32 : i32
        %mul3A_2872 = arith.muli %add3A_2414, %mul3A_2871 : i32
        %add3A_2873 = arith.addi %mul3A_4, %mul3A_2872 : i32
        %add3A_2874 = arith.constant 24 : i32
        %add3A_2875 = arith.addi %add3A_2873, %add3A_2874 : i32
        %dma_wait3A_2876 = arith.constant 1200 : i32
        %dma_wait3A_2877 = arith.constant 0 : i32
        %dma_wait3A_2878 = tpu.memref_slice %arg6[%dma_wait3A_2876, %dma_wait3A_2877] : memref<1600x32xf32, #tpu.memory_space<vmem>> -> memref<50x32xf32, #tpu.memory_space<vmem>>
        %dma_wait3A_2879 = arith.constant 0 : i32
        %dma_wait3A_2880 = arith.constant 0 : i32
        %dma_wait3A_2881 = tpu.memref_slice %arg4[%add3A_2875, %dma_wait3A_2879, %dma_wait3A_2880] : memref<16384x50x32xf32, #tpu.memory_space<hbm>> -> memref<1x50x32xf32, #tpu.memory_space<hbm>>
        %dma_wait3A_2882 = tpu.memref_squeeze %dma_wait3A_2881 : memref<1x50x32xf32, #tpu.memory_space<hbm>> -> memref<50x32xf32, #tpu.memory_space<hbm>>
        %dma_wait3A_2883 = arith.constant 0 : i32
        %dma_wait3A_2884 = arith.constant 0 : i32
        %dma_wait3A_2885 = tpu.memref_slice %arg4[%add3A_2875, %dma_wait3A_2883, %dma_wait3A_2884] : memref<16384x50x32xf32, #tpu.memory_space<hbm>> -> memref<1x50x32xf32, #tpu.memory_space<hbm>>
        %dma_wait3A_2886 = tpu.memref_squeeze %dma_wait3A_2885 : memref<1x50x32xf32, #tpu.memory_space<hbm>> -> memref<50x32xf32, #tpu.memory_space<hbm>>
        %dma_wait3A_2887 = arith.constant 1200 : i32
        %dma_wait3A_2888 = arith.constant 0 : i32
        %dma_wait3A_2889 = tpu.memref_slice %arg6[%dma_wait3A_2887, %dma_wait3A_2888] : memref<1600x32xf32, #tpu.memory_space<vmem>> -> memref<50x32xf32, #tpu.memory_space<vmem>>
        tpu.wait_dma2 semaphore(%arg10 : memref<!tpu.dma_semaphore, #tpu.memory_space<semaphore_mem>>) src(%dma_wait3A_2889 : memref<50x32xf32, #tpu.memory_space<vmem>>) dst(%dma_wait3A_2886 : memref<50x32xf32, #tpu.memory_space<hbm>>)
        %mul3A_2890 = arith.constant 32 : i32
        %mul3A_2891 = arith.muli %add3A_2414, %mul3A_2890 : i32
        %add3A_2892 = arith.addi %mul3A_4, %mul3A_2891 : i32
        %add3A_2893 = arith.constant 25 : i32
        %add3A_2894 = arith.addi %add3A_2892, %add3A_2893 : i32
        %dma_wait3A_2895 = arith.constant 1250 : i32
        %dma_wait3A_2896 = arith.constant 0 : i32
        %dma_wait3A_2897 = tpu.memref_slice %arg6[%dma_wait3A_2895, %dma_wait3A_2896] : memref<1600x32xf32, #tpu.memory_space<vmem>> -> memref<50x32xf32, #tpu.memory_space<vmem>>
        %dma_wait3A_2898 = arith.constant 0 : i32
        %dma_wait3A_2899 = arith.constant 0 : i32
        %dma_wait3A_2900 = tpu.memref_slice %arg4[%add3A_2894, %dma_wait3A_2898, %dma_wait3A_2899] : memref<16384x50x32xf32, #tpu.memory_space<hbm>> -> memref<1x50x32xf32, #tpu.memory_space<hbm>>
        %dma_wait3A_2901 = tpu.memref_squeeze %dma_wait3A_2900 : memref<1x50x32xf32, #tpu.memory_space<hbm>> -> memref<50x32xf32, #tpu.memory_space<hbm>>
        %dma_wait3A_2902 = arith.constant 0 : i32
        %dma_wait3A_2903 = arith.constant 0 : i32
        %dma_wait3A_2904 = tpu.memref_slice %arg4[%add3A_2894, %dma_wait3A_2902, %dma_wait3A_2903] : memref<16384x50x32xf32, #tpu.memory_space<hbm>> -> memref<1x50x32xf32, #tpu.memory_space<hbm>>
        %dma_wait3A_2905 = tpu.memref_squeeze %dma_wait3A_2904 : memref<1x50x32xf32, #tpu.memory_space<hbm>> -> memref<50x32xf32, #tpu.memory_space<hbm>>
        %dma_wait3A_2906 = arith.constant 1250 : i32
        %dma_wait3A_2907 = arith.constant 0 : i32
        %dma_wait3A_2908 = tpu.memref_slice %arg6[%dma_wait3A_2906, %dma_wait3A_2907] : memref<1600x32xf32, #tpu.memory_space<vmem>> -> memref<50x32xf32, #tpu.memory_space<vmem>>
        tpu.wait_dma2 semaphore(%arg10 : memref<!tpu.dma_semaphore, #tpu.memory_space<semaphore_mem>>) src(%dma_wait3A_2908 : memref<50x32xf32, #tpu.memory_space<vmem>>) dst(%dma_wait3A_2905 : memref<50x32xf32, #tpu.memory_space<hbm>>)
        %mul3A_2909 = arith.constant 32 : i32
        %mul3A_2910 = arith.muli %add3A_2414, %mul3A_2909 : i32
        %add3A_2911 = arith.addi %mul3A_4, %mul3A_2910 : i32
        %add3A_2912 = arith.constant 26 : i32
        %add3A_2913 = arith.addi %add3A_2911, %add3A_2912 : i32
        %dma_wait3A_2914 = arith.constant 1300 : i32
        %dma_wait3A_2915 = arith.constant 0 : i32
        %dma_wait3A_2916 = tpu.memref_slice %arg6[%dma_wait3A_2914, %dma_wait3A_2915] : memref<1600x32xf32, #tpu.memory_space<vmem>> -> memref<50x32xf32, #tpu.memory_space<vmem>>
        %dma_wait3A_2917 = arith.constant 0 : i32
        %dma_wait3A_2918 = arith.constant 0 : i32
        %dma_wait3A_2919 = tpu.memref_slice %arg4[%add3A_2913, %dma_wait3A_2917, %dma_wait3A_2918] : memref<16384x50x32xf32, #tpu.memory_space<hbm>> -> memref<1x50x32xf32, #tpu.memory_space<hbm>>
        %dma_wait3A_2920 = tpu.memref_squeeze %dma_wait3A_2919 : memref<1x50x32xf32, #tpu.memory_space<hbm>> -> memref<50x32xf32, #tpu.memory_space<hbm>>
        %dma_wait3A_2921 = arith.constant 0 : i32
        %dma_wait3A_2922 = arith.constant 0 : i32
        %dma_wait3A_2923 = tpu.memref_slice %arg4[%add3A_2913, %dma_wait3A_2921, %dma_wait3A_2922] : memref<16384x50x32xf32, #tpu.memory_space<hbm>> -> memref<1x50x32xf32, #tpu.memory_space<hbm>>
        %dma_wait3A_2924 = tpu.memref_squeeze %dma_wait3A_2923 : memref<1x50x32xf32, #tpu.memory_space<hbm>> -> memref<50x32xf32, #tpu.memory_space<hbm>>
        %dma_wait3A_2925 = arith.constant 1300 : i32
        %dma_wait3A_2926 = arith.constant 0 : i32
        %dma_wait3A_2927 = tpu.memref_slice %arg6[%dma_wait3A_2925, %dma_wait3A_2926] : memref<1600x32xf32, #tpu.memory_space<vmem>> -> memref<50x32xf32, #tpu.memory_space<vmem>>
        tpu.wait_dma2 semaphore(%arg10 : memref<!tpu.dma_semaphore, #tpu.memory_space<semaphore_mem>>) src(%dma_wait3A_2927 : memref<50x32xf32, #tpu.memory_space<vmem>>) dst(%dma_wait3A_2924 : memref<50x32xf32, #tpu.memory_space<hbm>>)
        %mul3A_2928 = arith.constant 32 : i32
        %mul3A_2929 = arith.muli %add3A_2414, %mul3A_2928 : i32
        %add3A_2930 = arith.addi %mul3A_4, %mul3A_2929 : i32
        %add3A_2931 = arith.constant 27 : i32
        %add3A_2932 = arith.addi %add3A_2930, %add3A_2931 : i32
        %dma_wait3A_2933 = arith.constant 1350 : i32
        %dma_wait3A_2934 = arith.constant 0 : i32
        %dma_wait3A_2935 = tpu.memref_slice %arg6[%dma_wait3A_2933, %dma_wait3A_2934] : memref<1600x32xf32, #tpu.memory_space<vmem>> -> memref<50x32xf32, #tpu.memory_space<vmem>>
        %dma_wait3A_2936 = arith.constant 0 : i32
        %dma_wait3A_2937 = arith.constant 0 : i32
        %dma_wait3A_2938 = tpu.memref_slice %arg4[%add3A_2932, %dma_wait3A_2936, %dma_wait3A_2937] : memref<16384x50x32xf32, #tpu.memory_space<hbm>> -> memref<1x50x32xf32, #tpu.memory_space<hbm>>
        %dma_wait3A_2939 = tpu.memref_squeeze %dma_wait3A_2938 : memref<1x50x32xf32, #tpu.memory_space<hbm>> -> memref<50x32xf32, #tpu.memory_space<hbm>>
        %dma_wait3A_2940 = arith.constant 0 : i32
        %dma_wait3A_2941 = arith.constant 0 : i32
        %dma_wait3A_2942 = tpu.memref_slice %arg4[%add3A_2932, %dma_wait3A_2940, %dma_wait3A_2941] : memref<16384x50x32xf32, #tpu.memory_space<hbm>> -> memref<1x50x32xf32, #tpu.memory_space<hbm>>
        %dma_wait3A_2943 = tpu.memref_squeeze %dma_wait3A_2942 : memref<1x50x32xf32, #tpu.memory_space<hbm>> -> memref<50x32xf32, #tpu.memory_space<hbm>>
        %dma_wait3A_2944 = arith.constant 1350 : i32
        %dma_wait3A_2945 = arith.constant 0 : i32
        %dma_wait3A_2946 = tpu.memref_slice %arg6[%dma_wait3A_2944, %dma_wait3A_2945] : memref<1600x32xf32, #tpu.memory_space<vmem>> -> memref<50x32xf32, #tpu.memory_space<vmem>>
        tpu.wait_dma2 semaphore(%arg10 : memref<!tpu.dma_semaphore, #tpu.memory_space<semaphore_mem>>) src(%dma_wait3A_2946 : memref<50x32xf32, #tpu.memory_space<vmem>>) dst(%dma_wait3A_2943 : memref<50x32xf32, #tpu.memory_space<hbm>>)
        %mul3A_2947 = arith.constant 32 : i32
        %mul3A_2948 = arith.muli %add3A_2414, %mul3A_2947 : i32
        %add3A_2949 = arith.addi %mul3A_4, %mul3A_2948 : i32
        %add3A_2950 = arith.constant 28 : i32
        %add3A_2951 = arith.addi %add3A_2949, %add3A_2950 : i32
        %dma_wait3A_2952 = arith.constant 1400 : i32
        %dma_wait3A_2953 = arith.constant 0 : i32
        %dma_wait3A_2954 = tpu.memref_slice %arg6[%dma_wait3A_2952, %dma_wait3A_2953] : memref<1600x32xf32, #tpu.memory_space<vmem>> -> memref<50x32xf32, #tpu.memory_space<vmem>>
        %dma_wait3A_2955 = arith.constant 0 : i32
        %dma_wait3A_2956 = arith.constant 0 : i32
        %dma_wait3A_2957 = tpu.memref_slice %arg4[%add3A_2951, %dma_wait3A_2955, %dma_wait3A_2956] : memref<16384x50x32xf32, #tpu.memory_space<hbm>> -> memref<1x50x32xf32, #tpu.memory_space<hbm>>
        %dma_wait3A_2958 = tpu.memref_squeeze %dma_wait3A_2957 : memref<1x50x32xf32, #tpu.memory_space<hbm>> -> memref<50x32xf32, #tpu.memory_space<hbm>>
        %dma_wait3A_2959 = arith.constant 0 : i32
        %dma_wait3A_2960 = arith.constant 0 : i32
        %dma_wait3A_2961 = tpu.memref_slice %arg4[%add3A_2951, %dma_wait3A_2959, %dma_wait3A_2960] : memref<16384x50x32xf32, #tpu.memory_space<hbm>> -> memref<1x50x32xf32, #tpu.memory_space<hbm>>
        %dma_wait3A_2962 = tpu.memref_squeeze %dma_wait3A_2961 : memref<1x50x32xf32, #tpu.memory_space<hbm>> -> memref<50x32xf32, #tpu.memory_space<hbm>>
        %dma_wait3A_2963 = arith.constant 1400 : i32
        %dma_wait3A_2964 = arith.constant 0 : i32
        %dma_wait3A_2965 = tpu.memref_slice %arg6[%dma_wait3A_2963, %dma_wait3A_2964] : memref<1600x32xf32, #tpu.memory_space<vmem>> -> memref<50x32xf32, #tpu.memory_space<vmem>>
        tpu.wait_dma2 semaphore(%arg10 : memref<!tpu.dma_semaphore, #tpu.memory_space<semaphore_mem>>) src(%dma_wait3A_2965 : memref<50x32xf32, #tpu.memory_space<vmem>>) dst(%dma_wait3A_2962 : memref<50x32xf32, #tpu.memory_space<hbm>>)
        %mul3A_2966 = arith.constant 32 : i32
        %mul3A_2967 = arith.muli %add3A_2414, %mul3A_2966 : i32
        %add3A_2968 = arith.addi %mul3A_4, %mul3A_2967 : i32
        %add3A_2969 = arith.constant 29 : i32
        %add3A_2970 = arith.addi %add3A_2968, %add3A_2969 : i32
        %dma_wait3A_2971 = arith.constant 1450 : i32
        %dma_wait3A_2972 = arith.constant 0 : i32
        %dma_wait3A_2973 = tpu.memref_slice %arg6[%dma_wait3A_2971, %dma_wait3A_2972] : memref<1600x32xf32, #tpu.memory_space<vmem>> -> memref<50x32xf32, #tpu.memory_space<vmem>>
        %dma_wait3A_2974 = arith.constant 0 : i32
        %dma_wait3A_2975 = arith.constant 0 : i32
        %dma_wait3A_2976 = tpu.memref_slice %arg4[%add3A_2970, %dma_wait3A_2974, %dma_wait3A_2975] : memref<16384x50x32xf32, #tpu.memory_space<hbm>> -> memref<1x50x32xf32, #tpu.memory_space<hbm>>
        %dma_wait3A_2977 = tpu.memref_squeeze %dma_wait3A_2976 : memref<1x50x32xf32, #tpu.memory_space<hbm>> -> memref<50x32xf32, #tpu.memory_space<hbm>>
        %dma_wait3A_2978 = arith.constant 0 : i32
        %dma_wait3A_2979 = arith.constant 0 : i32
        %dma_wait3A_2980 = tpu.memref_slice %arg4[%add3A_2970, %dma_wait3A_2978, %dma_wait3A_2979] : memref<16384x50x32xf32, #tpu.memory_space<hbm>> -> memref<1x50x32xf32, #tpu.memory_space<hbm>>
        %dma_wait3A_2981 = tpu.memref_squeeze %dma_wait3A_2980 : memref<1x50x32xf32, #tpu.memory_space<hbm>> -> memref<50x32xf32, #tpu.memory_space<hbm>>
        %dma_wait3A_2982 = arith.constant 1450 : i32
        %dma_wait3A_2983 = arith.constant 0 : i32
        %dma_wait3A_2984 = tpu.memref_slice %arg6[%dma_wait3A_2982, %dma_wait3A_2983] : memref<1600x32xf32, #tpu.memory_space<vmem>> -> memref<50x32xf32, #tpu.memory_space<vmem>>
        tpu.wait_dma2 semaphore(%arg10 : memref<!tpu.dma_semaphore, #tpu.memory_space<semaphore_mem>>) src(%dma_wait3A_2984 : memref<50x32xf32, #tpu.memory_space<vmem>>) dst(%dma_wait3A_2981 : memref<50x32xf32, #tpu.memory_space<hbm>>)
        %mul3A_2985 = arith.constant 32 : i32
        %mul3A_2986 = arith.muli %add3A_2414, %mul3A_2985 : i32
        %add3A_2987 = arith.addi %mul3A_4, %mul3A_2986 : i32
        %add3A_2988 = arith.constant 30 : i32
        %add3A_2989 = arith.addi %add3A_2987, %add3A_2988 : i32
        %dma_wait3A_2990 = arith.constant 1500 : i32
        %dma_wait3A_2991 = arith.constant 0 : i32
        %dma_wait3A_2992 = tpu.memref_slice %arg6[%dma_wait3A_2990, %dma_wait3A_2991] : memref<1600x32xf32, #tpu.memory_space<vmem>> -> memref<50x32xf32, #tpu.memory_space<vmem>>
        %dma_wait3A_2993 = arith.constant 0 : i32
        %dma_wait3A_2994 = arith.constant 0 : i32
        %dma_wait3A_2995 = tpu.memref_slice %arg4[%add3A_2989, %dma_wait3A_2993, %dma_wait3A_2994] : memref<16384x50x32xf32, #tpu.memory_space<hbm>> -> memref<1x50x32xf32, #tpu.memory_space<hbm>>
        %dma_wait3A_2996 = tpu.memref_squeeze %dma_wait3A_2995 : memref<1x50x32xf32, #tpu.memory_space<hbm>> -> memref<50x32xf32, #tpu.memory_space<hbm>>
        %dma_wait3A_2997 = arith.constant 0 : i32
        %dma_wait3A_2998 = arith.constant 0 : i32
        %dma_wait3A_2999 = tpu.memref_slice %arg4[%add3A_2989, %dma_wait3A_2997, %dma_wait3A_2998] : memref<16384x50x32xf32, #tpu.memory_space<hbm>> -> memref<1x50x32xf32, #tpu.memory_space<hbm>>
        %dma_wait3A_3000 = tpu.memref_squeeze %dma_wait3A_2999 : memref<1x50x32xf32, #tpu.memory_space<hbm>> -> memref<50x32xf32, #tpu.memory_space<hbm>>
        %dma_wait3A_3001 = arith.constant 1500 : i32
        %dma_wait3A_3002 = arith.constant 0 : i32
        %dma_wait3A_3003 = tpu.memref_slice %arg6[%dma_wait3A_3001, %dma_wait3A_3002] : memref<1600x32xf32, #tpu.memory_space<vmem>> -> memref<50x32xf32, #tpu.memory_space<vmem>>
        tpu.wait_dma2 semaphore(%arg10 : memref<!tpu.dma_semaphore, #tpu.memory_space<semaphore_mem>>) src(%dma_wait3A_3003 : memref<50x32xf32, #tpu.memory_space<vmem>>) dst(%dma_wait3A_3000 : memref<50x32xf32, #tpu.memory_space<hbm>>)
        %mul3A_3004 = arith.constant 32 : i32
        %mul3A_3005 = arith.muli %add3A_2414, %mul3A_3004 : i32
        %add3A_3006 = arith.addi %mul3A_4, %mul3A_3005 : i32
        %add3A_3007 = arith.constant 31 : i32
        %add3A_3008 = arith.addi %add3A_3006, %add3A_3007 : i32
        %dma_wait3A_3009 = arith.constant 1550 : i32
        %dma_wait3A_3010 = arith.constant 0 : i32
        %dma_wait3A_3011 = tpu.memref_slice %arg6[%dma_wait3A_3009, %dma_wait3A_3010] : memref<1600x32xf32, #tpu.memory_space<vmem>> -> memref<50x32xf32, #tpu.memory_space<vmem>>
        %dma_wait3A_3012 = arith.constant 0 : i32
        %dma_wait3A_3013 = arith.constant 0 : i32
        %dma_wait3A_3014 = tpu.memref_slice %arg4[%add3A_3008, %dma_wait3A_3012, %dma_wait3A_3013] : memref<16384x50x32xf32, #tpu.memory_space<hbm>> -> memref<1x50x32xf32, #tpu.memory_space<hbm>>
        %dma_wait3A_3015 = tpu.memref_squeeze %dma_wait3A_3014 : memref<1x50x32xf32, #tpu.memory_space<hbm>> -> memref<50x32xf32, #tpu.memory_space<hbm>>
        %dma_wait3A_3016 = arith.constant 0 : i32
        %dma_wait3A_3017 = arith.constant 0 : i32
        %dma_wait3A_3018 = tpu.memref_slice %arg4[%add3A_3008, %dma_wait3A_3016, %dma_wait3A_3017] : memref<16384x50x32xf32, #tpu.memory_space<hbm>> -> memref<1x50x32xf32, #tpu.memory_space<hbm>>
        %dma_wait3A_3019 = tpu.memref_squeeze %dma_wait3A_3018 : memref<1x50x32xf32, #tpu.memory_space<hbm>> -> memref<50x32xf32, #tpu.memory_space<hbm>>
        %dma_wait3A_3020 = arith.constant 1550 : i32
        %dma_wait3A_3021 = arith.constant 0 : i32
        %dma_wait3A_3022 = tpu.memref_slice %arg6[%dma_wait3A_3020, %dma_wait3A_3021] : memref<1600x32xf32, #tpu.memory_space<vmem>> -> memref<50x32xf32, #tpu.memory_space<vmem>>
        tpu.wait_dma2 semaphore(%arg10 : memref<!tpu.dma_semaphore, #tpu.memory_space<semaphore_mem>>) src(%dma_wait3A_3022 : memref<50x32xf32, #tpu.memory_space<vmem>>) dst(%dma_wait3A_3019 : memref<50x32xf32, #tpu.memory_space<hbm>>)
        %add3A_3023 = arith.constant 2 : i32
        %add3A_3024 = arith.addi %mul3A_1172, %add3A_3023 : i32
        %add3A_3025 = arith.constant 0 : i32
        %add3A_3026 = arith.addi %add3A_3024, %add3A_3025 : i32
        %mul3A_3027 = arith.constant 1600 : i32
        %mul3A_3028 = arith.muli %add3A_3026, %mul3A_3027 : i32
        %dma_start3A_3029 = tpu.memref_slice %arg5[%mul3A_3028] : memref<25600xi32, #tpu.memory_space<vmem>> -> memref<1600xi32, #tpu.memory_space<vmem>>
        %dma_start3A_3030 = arith.constant 0 : i32
        %dma_start3A_3031 = arith.constant 0 : i32
        %dma_start3A_3032 = tpu.memref_slice %arg3[%dma_start3A_3030, %dma_start3A_3031] : memref<1000000x32xf32, #tpu.memory_space<hbm>> -> memref<1000000x32xf32, #tpu.memory_space<hbm>>
        tpu.enqueue_indirect_dma source(%dma_start3A_3032 : memref<1000000x32xf32, #tpu.memory_space<hbm>>) target(%arg6 : memref<1600x32xf32, #tpu.memory_space<vmem>>) offsets(%dma_start3A_3029 : memref<1600xi32, #tpu.memory_space<vmem>>) semaphore(%arg8 : memref<!tpu.dma_semaphore, #tpu.memory_space<semaphore_mem>>)
        %add3A_3033 = arith.constant 1 : i32
        %add3A_3034 = arith.addi %mul3A_1172, %add3A_3033 : i32
        %mul3A_3035 = arith.constant 32 : i32
        %mul3A_3036 = arith.muli %add3A_3034, %mul3A_3035 : i32
        %add3A_3037 = arith.addi %mul3A_4, %mul3A_3036 : i32
        %add3A_3038 = arith.constant 0 : i32
        %add3A_3039 = arith.addi %add3A_3037, %add3A_3038 : i32
        %dma_wait3A_3040 = arith.constant 0 : i32
        %dma_wait3A_3041 = arith.constant 0 : i32
        %dma_wait3A_3042 = tpu.memref_slice %arg7[%dma_wait3A_3040, %dma_wait3A_3041] : memref<1600x32xf32, #tpu.memory_space<vmem>> -> memref<50x32xf32, #tpu.memory_space<vmem>>
        %dma_wait3A_3043 = arith.constant 0 : i32
        %dma_wait3A_3044 = arith.constant 0 : i32
        %dma_wait3A_3045 = tpu.memref_slice %arg4[%add3A_3039, %dma_wait3A_3043, %dma_wait3A_3044] : memref<16384x50x32xf32, #tpu.memory_space<hbm>> -> memref<1x50x32xf32, #tpu.memory_space<hbm>>
        %dma_wait3A_3046 = tpu.memref_squeeze %dma_wait3A_3045 : memref<1x50x32xf32, #tpu.memory_space<hbm>> -> memref<50x32xf32, #tpu.memory_space<hbm>>
        %dma_wait3A_3047 = arith.constant 0 : i32
        %dma_wait3A_3048 = arith.constant 0 : i32
        %dma_wait3A_3049 = tpu.memref_slice %arg4[%add3A_3039, %dma_wait3A_3047, %dma_wait3A_3048] : memref<16384x50x32xf32, #tpu.memory_space<hbm>> -> memref<1x50x32xf32, #tpu.memory_space<hbm>>
        %dma_wait3A_3050 = tpu.memref_squeeze %dma_wait3A_3049 : memref<1x50x32xf32, #tpu.memory_space<hbm>> -> memref<50x32xf32, #tpu.memory_space<hbm>>
        %dma_wait3A_3051 = arith.constant 0 : i32
        %dma_wait3A_3052 = arith.constant 0 : i32
        %dma_wait3A_3053 = tpu.memref_slice %arg7[%dma_wait3A_3051, %dma_wait3A_3052] : memref<1600x32xf32, #tpu.memory_space<vmem>> -> memref<50x32xf32, #tpu.memory_space<vmem>>
        tpu.wait_dma2 semaphore(%arg11 : memref<!tpu.dma_semaphore, #tpu.memory_space<semaphore_mem>>) src(%dma_wait3A_3053 : memref<50x32xf32, #tpu.memory_space<vmem>>) dst(%dma_wait3A_3050 : memref<50x32xf32, #tpu.memory_space<hbm>>)
        %mul3A_3054 = arith.constant 32 : i32
        %mul3A_3055 = arith.muli %add3A_3034, %mul3A_3054 : i32
        %add3A_3056 = arith.addi %mul3A_4, %mul3A_3055 : i32
        %add3A_3057 = arith.constant 1 : i32
        %add3A_3058 = arith.addi %add3A_3056, %add3A_3057 : i32
        %dma_wait3A_3059 = arith.constant 50 : i32
        %dma_wait3A_3060 = arith.constant 0 : i32
        %dma_wait3A_3061 = tpu.memref_slice %arg7[%dma_wait3A_3059, %dma_wait3A_3060] : memref<1600x32xf32, #tpu.memory_space<vmem>> -> memref<50x32xf32, #tpu.memory_space<vmem>>
        %dma_wait3A_3062 = arith.constant 0 : i32
        %dma_wait3A_3063 = arith.constant 0 : i32
        %dma_wait3A_3064 = tpu.memref_slice %arg4[%add3A_3058, %dma_wait3A_3062, %dma_wait3A_3063] : memref<16384x50x32xf32, #tpu.memory_space<hbm>> -> memref<1x50x32xf32, #tpu.memory_space<hbm>>
        %dma_wait3A_3065 = tpu.memref_squeeze %dma_wait3A_3064 : memref<1x50x32xf32, #tpu.memory_space<hbm>> -> memref<50x32xf32, #tpu.memory_space<hbm>>
        %dma_wait3A_3066 = arith.constant 0 : i32
        %dma_wait3A_3067 = arith.constant 0 : i32
        %dma_wait3A_3068 = tpu.memref_slice %arg4[%add3A_3058, %dma_wait3A_3066, %dma_wait3A_3067] : memref<16384x50x32xf32, #tpu.memory_space<hbm>> -> memref<1x50x32xf32, #tpu.memory_space<hbm>>
        %dma_wait3A_3069 = tpu.memref_squeeze %dma_wait3A_3068 : memref<1x50x32xf32, #tpu.memory_space<hbm>> -> memref<50x32xf32, #tpu.memory_space<hbm>>
        %dma_wait3A_3070 = arith.constant 50 : i32
        %dma_wait3A_3071 = arith.constant 0 : i32
        %dma_wait3A_3072 = tpu.memref_slice %arg7[%dma_wait3A_3070, %dma_wait3A_3071] : memref<1600x32xf32, #tpu.memory_space<vmem>> -> memref<50x32xf32, #tpu.memory_space<vmem>>
        tpu.wait_dma2 semaphore(%arg11 : memref<!tpu.dma_semaphore, #tpu.memory_space<semaphore_mem>>) src(%dma_wait3A_3072 : memref<50x32xf32, #tpu.memory_space<vmem>>) dst(%dma_wait3A_3069 : memref<50x32xf32, #tpu.memory_space<hbm>>)
        %mul3A_3073 = arith.constant 32 : i32
        %mul3A_3074 = arith.muli %add3A_3034, %mul3A_3073 : i32
        %add3A_3075 = arith.addi %mul3A_4, %mul3A_3074 : i32
        %add3A_3076 = arith.constant 2 : i32
        %add3A_3077 = arith.addi %add3A_3075, %add3A_3076 : i32
        %dma_wait3A_3078 = arith.constant 100 : i32
        %dma_wait3A_3079 = arith.constant 0 : i32
        %dma_wait3A_3080 = tpu.memref_slice %arg7[%dma_wait3A_3078, %dma_wait3A_3079] : memref<1600x32xf32, #tpu.memory_space<vmem>> -> memref<50x32xf32, #tpu.memory_space<vmem>>
        %dma_wait3A_3081 = arith.constant 0 : i32
        %dma_wait3A_3082 = arith.constant 0 : i32
        %dma_wait3A_3083 = tpu.memref_slice %arg4[%add3A_3077, %dma_wait3A_3081, %dma_wait3A_3082] : memref<16384x50x32xf32, #tpu.memory_space<hbm>> -> memref<1x50x32xf32, #tpu.memory_space<hbm>>
        %dma_wait3A_3084 = tpu.memref_squeeze %dma_wait3A_3083 : memref<1x50x32xf32, #tpu.memory_space<hbm>> -> memref<50x32xf32, #tpu.memory_space<hbm>>
        %dma_wait3A_3085 = arith.constant 0 : i32
        %dma_wait3A_3086 = arith.constant 0 : i32
        %dma_wait3A_3087 = tpu.memref_slice %arg4[%add3A_3077, %dma_wait3A_3085, %dma_wait3A_3086] : memref<16384x50x32xf32, #tpu.memory_space<hbm>> -> memref<1x50x32xf32, #tpu.memory_space<hbm>>
        %dma_wait3A_3088 = tpu.memref_squeeze %dma_wait3A_3087 : memref<1x50x32xf32, #tpu.memory_space<hbm>> -> memref<50x32xf32, #tpu.memory_space<hbm>>
        %dma_wait3A_3089 = arith.constant 100 : i32
        %dma_wait3A_3090 = arith.constant 0 : i32
        %dma_wait3A_3091 = tpu.memref_slice %arg7[%dma_wait3A_3089, %dma_wait3A_3090] : memref<1600x32xf32, #tpu.memory_space<vmem>> -> memref<50x32xf32, #tpu.memory_space<vmem>>
        tpu.wait_dma2 semaphore(%arg11 : memref<!tpu.dma_semaphore, #tpu.memory_space<semaphore_mem>>) src(%dma_wait3A_3091 : memref<50x32xf32, #tpu.memory_space<vmem>>) dst(%dma_wait3A_3088 : memref<50x32xf32, #tpu.memory_space<hbm>>)
        %mul3A_3092 = arith.constant 32 : i32
        %mul3A_3093 = arith.muli %add3A_3034, %mul3A_3092 : i32
        %add3A_3094 = arith.addi %mul3A_4, %mul3A_3093 : i32
        %add3A_3095 = arith.constant 3 : i32
        %add3A_3096 = arith.addi %add3A_3094, %add3A_3095 : i32
        %dma_wait3A_3097 = arith.constant 150 : i32
        %dma_wait3A_3098 = arith.constant 0 : i32
        %dma_wait3A_3099 = tpu.memref_slice %arg7[%dma_wait3A_3097, %dma_wait3A_3098] : memref<1600x32xf32, #tpu.memory_space<vmem>> -> memref<50x32xf32, #tpu.memory_space<vmem>>
        %dma_wait3A_3100 = arith.constant 0 : i32
        %dma_wait3A_3101 = arith.constant 0 : i32
        %dma_wait3A_3102 = tpu.memref_slice %arg4[%add3A_3096, %dma_wait3A_3100, %dma_wait3A_3101] : memref<16384x50x32xf32, #tpu.memory_space<hbm>> -> memref<1x50x32xf32, #tpu.memory_space<hbm>>
        %dma_wait3A_3103 = tpu.memref_squeeze %dma_wait3A_3102 : memref<1x50x32xf32, #tpu.memory_space<hbm>> -> memref<50x32xf32, #tpu.memory_space<hbm>>
        %dma_wait3A_3104 = arith.constant 0 : i32
        %dma_wait3A_3105 = arith.constant 0 : i32
        %dma_wait3A_3106 = tpu.memref_slice %arg4[%add3A_3096, %dma_wait3A_3104, %dma_wait3A_3105] : memref<16384x50x32xf32, #tpu.memory_space<hbm>> -> memref<1x50x32xf32, #tpu.memory_space<hbm>>
        %dma_wait3A_3107 = tpu.memref_squeeze %dma_wait3A_3106 : memref<1x50x32xf32, #tpu.memory_space<hbm>> -> memref<50x32xf32, #tpu.memory_space<hbm>>
        %dma_wait3A_3108 = arith.constant 150 : i32
        %dma_wait3A_3109 = arith.constant 0 : i32
        %dma_wait3A_3110 = tpu.memref_slice %arg7[%dma_wait3A_3108, %dma_wait3A_3109] : memref<1600x32xf32, #tpu.memory_space<vmem>> -> memref<50x32xf32, #tpu.memory_space<vmem>>
        tpu.wait_dma2 semaphore(%arg11 : memref<!tpu.dma_semaphore, #tpu.memory_space<semaphore_mem>>) src(%dma_wait3A_3110 : memref<50x32xf32, #tpu.memory_space<vmem>>) dst(%dma_wait3A_3107 : memref<50x32xf32, #tpu.memory_space<hbm>>)
        %mul3A_3111 = arith.constant 32 : i32
        %mul3A_3112 = arith.muli %add3A_3034, %mul3A_3111 : i32
        %add3A_3113 = arith.addi %mul3A_4, %mul3A_3112 : i32
        %add3A_3114 = arith.constant 4 : i32
        %add3A_3115 = arith.addi %add3A_3113, %add3A_3114 : i32
        %dma_wait3A_3116 = arith.constant 200 : i32
        %dma_wait3A_3117 = arith.constant 0 : i32
        %dma_wait3A_3118 = tpu.memref_slice %arg7[%dma_wait3A_3116, %dma_wait3A_3117] : memref<1600x32xf32, #tpu.memory_space<vmem>> -> memref<50x32xf32, #tpu.memory_space<vmem>>
        %dma_wait3A_3119 = arith.constant 0 : i32
        %dma_wait3A_3120 = arith.constant 0 : i32
        %dma_wait3A_3121 = tpu.memref_slice %arg4[%add3A_3115, %dma_wait3A_3119, %dma_wait3A_3120] : memref<16384x50x32xf32, #tpu.memory_space<hbm>> -> memref<1x50x32xf32, #tpu.memory_space<hbm>>
        %dma_wait3A_3122 = tpu.memref_squeeze %dma_wait3A_3121 : memref<1x50x32xf32, #tpu.memory_space<hbm>> -> memref<50x32xf32, #tpu.memory_space<hbm>>
        %dma_wait3A_3123 = arith.constant 0 : i32
        %dma_wait3A_3124 = arith.constant 0 : i32
        %dma_wait3A_3125 = tpu.memref_slice %arg4[%add3A_3115, %dma_wait3A_3123, %dma_wait3A_3124] : memref<16384x50x32xf32, #tpu.memory_space<hbm>> -> memref<1x50x32xf32, #tpu.memory_space<hbm>>
        %dma_wait3A_3126 = tpu.memref_squeeze %dma_wait3A_3125 : memref<1x50x32xf32, #tpu.memory_space<hbm>> -> memref<50x32xf32, #tpu.memory_space<hbm>>
        %dma_wait3A_3127 = arith.constant 200 : i32
        %dma_wait3A_3128 = arith.constant 0 : i32
        %dma_wait3A_3129 = tpu.memref_slice %arg7[%dma_wait3A_3127, %dma_wait3A_3128] : memref<1600x32xf32, #tpu.memory_space<vmem>> -> memref<50x32xf32, #tpu.memory_space<vmem>>
        tpu.wait_dma2 semaphore(%arg11 : memref<!tpu.dma_semaphore, #tpu.memory_space<semaphore_mem>>) src(%dma_wait3A_3129 : memref<50x32xf32, #tpu.memory_space<vmem>>) dst(%dma_wait3A_3126 : memref<50x32xf32, #tpu.memory_space<hbm>>)
        %mul3A_3130 = arith.constant 32 : i32
        %mul3A_3131 = arith.muli %add3A_3034, %mul3A_3130 : i32
        %add3A_3132 = arith.addi %mul3A_4, %mul3A_3131 : i32
        %add3A_3133 = arith.constant 5 : i32
        %add3A_3134 = arith.addi %add3A_3132, %add3A_3133 : i32
        %dma_wait3A_3135 = arith.constant 250 : i32
        %dma_wait3A_3136 = arith.constant 0 : i32
        %dma_wait3A_3137 = tpu.memref_slice %arg7[%dma_wait3A_3135, %dma_wait3A_3136] : memref<1600x32xf32, #tpu.memory_space<vmem>> -> memref<50x32xf32, #tpu.memory_space<vmem>>
        %dma_wait3A_3138 = arith.constant 0 : i32
        %dma_wait3A_3139 = arith.constant 0 : i32
        %dma_wait3A_3140 = tpu.memref_slice %arg4[%add3A_3134, %dma_wait3A_3138, %dma_wait3A_3139] : memref<16384x50x32xf32, #tpu.memory_space<hbm>> -> memref<1x50x32xf32, #tpu.memory_space<hbm>>
        %dma_wait3A_3141 = tpu.memref_squeeze %dma_wait3A_3140 : memref<1x50x32xf32, #tpu.memory_space<hbm>> -> memref<50x32xf32, #tpu.memory_space<hbm>>
        %dma_wait3A_3142 = arith.constant 0 : i32
        %dma_wait3A_3143 = arith.constant 0 : i32
        %dma_wait3A_3144 = tpu.memref_slice %arg4[%add3A_3134, %dma_wait3A_3142, %dma_wait3A_3143] : memref<16384x50x32xf32, #tpu.memory_space<hbm>> -> memref<1x50x32xf32, #tpu.memory_space<hbm>>
        %dma_wait3A_3145 = tpu.memref_squeeze %dma_wait3A_3144 : memref<1x50x32xf32, #tpu.memory_space<hbm>> -> memref<50x32xf32, #tpu.memory_space<hbm>>
        %dma_wait3A_3146 = arith.constant 250 : i32
        %dma_wait3A_3147 = arith.constant 0 : i32
        %dma_wait3A_3148 = tpu.memref_slice %arg7[%dma_wait3A_3146, %dma_wait3A_3147] : memref<1600x32xf32, #tpu.memory_space<vmem>> -> memref<50x32xf32, #tpu.memory_space<vmem>>
        tpu.wait_dma2 semaphore(%arg11 : memref<!tpu.dma_semaphore, #tpu.memory_space<semaphore_mem>>) src(%dma_wait3A_3148 : memref<50x32xf32, #tpu.memory_space<vmem>>) dst(%dma_wait3A_3145 : memref<50x32xf32, #tpu.memory_space<hbm>>)
        %mul3A_3149 = arith.constant 32 : i32
        %mul3A_3150 = arith.muli %add3A_3034, %mul3A_3149 : i32
        %add3A_3151 = arith.addi %mul3A_4, %mul3A_3150 : i32
        %add3A_3152 = arith.constant 6 : i32
        %add3A_3153 = arith.addi %add3A_3151, %add3A_3152 : i32
        %dma_wait3A_3154 = arith.constant 300 : i32
        %dma_wait3A_3155 = arith.constant 0 : i32
        %dma_wait3A_3156 = tpu.memref_slice %arg7[%dma_wait3A_3154, %dma_wait3A_3155] : memref<1600x32xf32, #tpu.memory_space<vmem>> -> memref<50x32xf32, #tpu.memory_space<vmem>>
        %dma_wait3A_3157 = arith.constant 0 : i32
        %dma_wait3A_3158 = arith.constant 0 : i32
        %dma_wait3A_3159 = tpu.memref_slice %arg4[%add3A_3153, %dma_wait3A_3157, %dma_wait3A_3158] : memref<16384x50x32xf32, #tpu.memory_space<hbm>> -> memref<1x50x32xf32, #tpu.memory_space<hbm>>
        %dma_wait3A_3160 = tpu.memref_squeeze %dma_wait3A_3159 : memref<1x50x32xf32, #tpu.memory_space<hbm>> -> memref<50x32xf32, #tpu.memory_space<hbm>>
        %dma_wait3A_3161 = arith.constant 0 : i32
        %dma_wait3A_3162 = arith.constant 0 : i32
        %dma_wait3A_3163 = tpu.memref_slice %arg4[%add3A_3153, %dma_wait3A_3161, %dma_wait3A_3162] : memref<16384x50x32xf32, #tpu.memory_space<hbm>> -> memref<1x50x32xf32, #tpu.memory_space<hbm>>
        %dma_wait3A_3164 = tpu.memref_squeeze %dma_wait3A_3163 : memref<1x50x32xf32, #tpu.memory_space<hbm>> -> memref<50x32xf32, #tpu.memory_space<hbm>>
        %dma_wait3A_3165 = arith.constant 300 : i32
        %dma_wait3A_3166 = arith.constant 0 : i32
        %dma_wait3A_3167 = tpu.memref_slice %arg7[%dma_wait3A_3165, %dma_wait3A_3166] : memref<1600x32xf32, #tpu.memory_space<vmem>> -> memref<50x32xf32, #tpu.memory_space<vmem>>
        tpu.wait_dma2 semaphore(%arg11 : memref<!tpu.dma_semaphore, #tpu.memory_space<semaphore_mem>>) src(%dma_wait3A_3167 : memref<50x32xf32, #tpu.memory_space<vmem>>) dst(%dma_wait3A_3164 : memref<50x32xf32, #tpu.memory_space<hbm>>)
        %mul3A_3168 = arith.constant 32 : i32
        %mul3A_3169 = arith.muli %add3A_3034, %mul3A_3168 : i32
        %add3A_3170 = arith.addi %mul3A_4, %mul3A_3169 : i32
        %add3A_3171 = arith.constant 7 : i32
        %add3A_3172 = arith.addi %add3A_3170, %add3A_3171 : i32
        %dma_wait3A_3173 = arith.constant 350 : i32
        %dma_wait3A_3174 = arith.constant 0 : i32
        %dma_wait3A_3175 = tpu.memref_slice %arg7[%dma_wait3A_3173, %dma_wait3A_3174] : memref<1600x32xf32, #tpu.memory_space<vmem>> -> memref<50x32xf32, #tpu.memory_space<vmem>>
        %dma_wait3A_3176 = arith.constant 0 : i32
        %dma_wait3A_3177 = arith.constant 0 : i32
        %dma_wait3A_3178 = tpu.memref_slice %arg4[%add3A_3172, %dma_wait3A_3176, %dma_wait3A_3177] : memref<16384x50x32xf32, #tpu.memory_space<hbm>> -> memref<1x50x32xf32, #tpu.memory_space<hbm>>
        %dma_wait3A_3179 = tpu.memref_squeeze %dma_wait3A_3178 : memref<1x50x32xf32, #tpu.memory_space<hbm>> -> memref<50x32xf32, #tpu.memory_space<hbm>>
        %dma_wait3A_3180 = arith.constant 0 : i32
        %dma_wait3A_3181 = arith.constant 0 : i32
        %dma_wait3A_3182 = tpu.memref_slice %arg4[%add3A_3172, %dma_wait3A_3180, %dma_wait3A_3181] : memref<16384x50x32xf32, #tpu.memory_space<hbm>> -> memref<1x50x32xf32, #tpu.memory_space<hbm>>
        %dma_wait3A_3183 = tpu.memref_squeeze %dma_wait3A_3182 : memref<1x50x32xf32, #tpu.memory_space<hbm>> -> memref<50x32xf32, #tpu.memory_space<hbm>>
        %dma_wait3A_3184 = arith.constant 350 : i32
        %dma_wait3A_3185 = arith.constant 0 : i32
        %dma_wait3A_3186 = tpu.memref_slice %arg7[%dma_wait3A_3184, %dma_wait3A_3185] : memref<1600x32xf32, #tpu.memory_space<vmem>> -> memref<50x32xf32, #tpu.memory_space<vmem>>
        tpu.wait_dma2 semaphore(%arg11 : memref<!tpu.dma_semaphore, #tpu.memory_space<semaphore_mem>>) src(%dma_wait3A_3186 : memref<50x32xf32, #tpu.memory_space<vmem>>) dst(%dma_wait3A_3183 : memref<50x32xf32, #tpu.memory_space<hbm>>)
        %mul3A_3187 = arith.constant 32 : i32
        %mul3A_3188 = arith.muli %add3A_3034, %mul3A_3187 : i32
        %add3A_3189 = arith.addi %mul3A_4, %mul3A_3188 : i32
        %add3A_3190 = arith.constant 8 : i32
        %add3A_3191 = arith.addi %add3A_3189, %add3A_3190 : i32
        %dma_wait3A_3192 = arith.constant 400 : i32
        %dma_wait3A_3193 = arith.constant 0 : i32
        %dma_wait3A_3194 = tpu.memref_slice %arg7[%dma_wait3A_3192, %dma_wait3A_3193] : memref<1600x32xf32, #tpu.memory_space<vmem>> -> memref<50x32xf32, #tpu.memory_space<vmem>>
        %dma_wait3A_3195 = arith.constant 0 : i32
        %dma_wait3A_3196 = arith.constant 0 : i32
        %dma_wait3A_3197 = tpu.memref_slice %arg4[%add3A_3191, %dma_wait3A_3195, %dma_wait3A_3196] : memref<16384x50x32xf32, #tpu.memory_space<hbm>> -> memref<1x50x32xf32, #tpu.memory_space<hbm>>
        %dma_wait3A_3198 = tpu.memref_squeeze %dma_wait3A_3197 : memref<1x50x32xf32, #tpu.memory_space<hbm>> -> memref<50x32xf32, #tpu.memory_space<hbm>>
        %dma_wait3A_3199 = arith.constant 0 : i32
        %dma_wait3A_3200 = arith.constant 0 : i32
        %dma_wait3A_3201 = tpu.memref_slice %arg4[%add3A_3191, %dma_wait3A_3199, %dma_wait3A_3200] : memref<16384x50x32xf32, #tpu.memory_space<hbm>> -> memref<1x50x32xf32, #tpu.memory_space<hbm>>
        %dma_wait3A_3202 = tpu.memref_squeeze %dma_wait3A_3201 : memref<1x50x32xf32, #tpu.memory_space<hbm>> -> memref<50x32xf32, #tpu.memory_space<hbm>>
        %dma_wait3A_3203 = arith.constant 400 : i32
        %dma_wait3A_3204 = arith.constant 0 : i32
        %dma_wait3A_3205 = tpu.memref_slice %arg7[%dma_wait3A_3203, %dma_wait3A_3204] : memref<1600x32xf32, #tpu.memory_space<vmem>> -> memref<50x32xf32, #tpu.memory_space<vmem>>
        tpu.wait_dma2 semaphore(%arg11 : memref<!tpu.dma_semaphore, #tpu.memory_space<semaphore_mem>>) src(%dma_wait3A_3205 : memref<50x32xf32, #tpu.memory_space<vmem>>) dst(%dma_wait3A_3202 : memref<50x32xf32, #tpu.memory_space<hbm>>)
        %mul3A_3206 = arith.constant 32 : i32
        %mul3A_3207 = arith.muli %add3A_3034, %mul3A_3206 : i32
        %add3A_3208 = arith.addi %mul3A_4, %mul3A_3207 : i32
        %add3A_3209 = arith.constant 9 : i32
        %add3A_3210 = arith.addi %add3A_3208, %add3A_3209 : i32
        %dma_wait3A_3211 = arith.constant 450 : i32
        %dma_wait3A_3212 = arith.constant 0 : i32
        %dma_wait3A_3213 = tpu.memref_slice %arg7[%dma_wait3A_3211, %dma_wait3A_3212] : memref<1600x32xf32, #tpu.memory_space<vmem>> -> memref<50x32xf32, #tpu.memory_space<vmem>>
        %dma_wait3A_3214 = arith.constant 0 : i32
        %dma_wait3A_3215 = arith.constant 0 : i32
        %dma_wait3A_3216 = tpu.memref_slice %arg4[%add3A_3210, %dma_wait3A_3214, %dma_wait3A_3215] : memref<16384x50x32xf32, #tpu.memory_space<hbm>> -> memref<1x50x32xf32, #tpu.memory_space<hbm>>
        %dma_wait3A_3217 = tpu.memref_squeeze %dma_wait3A_3216 : memref<1x50x32xf32, #tpu.memory_space<hbm>> -> memref<50x32xf32, #tpu.memory_space<hbm>>
        %dma_wait3A_3218 = arith.constant 0 : i32
        %dma_wait3A_3219 = arith.constant 0 : i32
        %dma_wait3A_3220 = tpu.memref_slice %arg4[%add3A_3210, %dma_wait3A_3218, %dma_wait3A_3219] : memref<16384x50x32xf32, #tpu.memory_space<hbm>> -> memref<1x50x32xf32, #tpu.memory_space<hbm>>
        %dma_wait3A_3221 = tpu.memref_squeeze %dma_wait3A_3220 : memref<1x50x32xf32, #tpu.memory_space<hbm>> -> memref<50x32xf32, #tpu.memory_space<hbm>>
        %dma_wait3A_3222 = arith.constant 450 : i32
        %dma_wait3A_3223 = arith.constant 0 : i32
        %dma_wait3A_3224 = tpu.memref_slice %arg7[%dma_wait3A_3222, %dma_wait3A_3223] : memref<1600x32xf32, #tpu.memory_space<vmem>> -> memref<50x32xf32, #tpu.memory_space<vmem>>
        tpu.wait_dma2 semaphore(%arg11 : memref<!tpu.dma_semaphore, #tpu.memory_space<semaphore_mem>>) src(%dma_wait3A_3224 : memref<50x32xf32, #tpu.memory_space<vmem>>) dst(%dma_wait3A_3221 : memref<50x32xf32, #tpu.memory_space<hbm>>)
        %mul3A_3225 = arith.constant 32 : i32
        %mul3A_3226 = arith.muli %add3A_3034, %mul3A_3225 : i32
        %add3A_3227 = arith.addi %mul3A_4, %mul3A_3226 : i32
        %add3A_3228 = arith.constant 10 : i32
        %add3A_3229 = arith.addi %add3A_3227, %add3A_3228 : i32
        %dma_wait3A_3230 = arith.constant 500 : i32
        %dma_wait3A_3231 = arith.constant 0 : i32
        %dma_wait3A_3232 = tpu.memref_slice %arg7[%dma_wait3A_3230, %dma_wait3A_3231] : memref<1600x32xf32, #tpu.memory_space<vmem>> -> memref<50x32xf32, #tpu.memory_space<vmem>>
        %dma_wait3A_3233 = arith.constant 0 : i32
        %dma_wait3A_3234 = arith.constant 0 : i32
        %dma_wait3A_3235 = tpu.memref_slice %arg4[%add3A_3229, %dma_wait3A_3233, %dma_wait3A_3234] : memref<16384x50x32xf32, #tpu.memory_space<hbm>> -> memref<1x50x32xf32, #tpu.memory_space<hbm>>
        %dma_wait3A_3236 = tpu.memref_squeeze %dma_wait3A_3235 : memref<1x50x32xf32, #tpu.memory_space<hbm>> -> memref<50x32xf32, #tpu.memory_space<hbm>>
        %dma_wait3A_3237 = arith.constant 0 : i32
        %dma_wait3A_3238 = arith.constant 0 : i32
        %dma_wait3A_3239 = tpu.memref_slice %arg4[%add3A_3229, %dma_wait3A_3237, %dma_wait3A_3238] : memref<16384x50x32xf32, #tpu.memory_space<hbm>> -> memref<1x50x32xf32, #tpu.memory_space<hbm>>
        %dma_wait3A_3240 = tpu.memref_squeeze %dma_wait3A_3239 : memref<1x50x32xf32, #tpu.memory_space<hbm>> -> memref<50x32xf32, #tpu.memory_space<hbm>>
        %dma_wait3A_3241 = arith.constant 500 : i32
        %dma_wait3A_3242 = arith.constant 0 : i32
        %dma_wait3A_3243 = tpu.memref_slice %arg7[%dma_wait3A_3241, %dma_wait3A_3242] : memref<1600x32xf32, #tpu.memory_space<vmem>> -> memref<50x32xf32, #tpu.memory_space<vmem>>
        tpu.wait_dma2 semaphore(%arg11 : memref<!tpu.dma_semaphore, #tpu.memory_space<semaphore_mem>>) src(%dma_wait3A_3243 : memref<50x32xf32, #tpu.memory_space<vmem>>) dst(%dma_wait3A_3240 : memref<50x32xf32, #tpu.memory_space<hbm>>)
        %mul3A_3244 = arith.constant 32 : i32
        %mul3A_3245 = arith.muli %add3A_3034, %mul3A_3244 : i32
        %add3A_3246 = arith.addi %mul3A_4, %mul3A_3245 : i32
        %add3A_3247 = arith.constant 11 : i32
        %add3A_3248 = arith.addi %add3A_3246, %add3A_3247 : i32
        %dma_wait3A_3249 = arith.constant 550 : i32
        %dma_wait3A_3250 = arith.constant 0 : i32
        %dma_wait3A_3251 = tpu.memref_slice %arg7[%dma_wait3A_3249, %dma_wait3A_3250] : memref<1600x32xf32, #tpu.memory_space<vmem>> -> memref<50x32xf32, #tpu.memory_space<vmem>>
        %dma_wait3A_3252 = arith.constant 0 : i32
        %dma_wait3A_3253 = arith.constant 0 : i32
        %dma_wait3A_3254 = tpu.memref_slice %arg4[%add3A_3248, %dma_wait3A_3252, %dma_wait3A_3253] : memref<16384x50x32xf32, #tpu.memory_space<hbm>> -> memref<1x50x32xf32, #tpu.memory_space<hbm>>
        %dma_wait3A_3255 = tpu.memref_squeeze %dma_wait3A_3254 : memref<1x50x32xf32, #tpu.memory_space<hbm>> -> memref<50x32xf32, #tpu.memory_space<hbm>>
        %dma_wait3A_3256 = arith.constant 0 : i32
        %dma_wait3A_3257 = arith.constant 0 : i32
        %dma_wait3A_3258 = tpu.memref_slice %arg4[%add3A_3248, %dma_wait3A_3256, %dma_wait3A_3257] : memref<16384x50x32xf32, #tpu.memory_space<hbm>> -> memref<1x50x32xf32, #tpu.memory_space<hbm>>
        %dma_wait3A_3259 = tpu.memref_squeeze %dma_wait3A_3258 : memref<1x50x32xf32, #tpu.memory_space<hbm>> -> memref<50x32xf32, #tpu.memory_space<hbm>>
        %dma_wait3A_3260 = arith.constant 550 : i32
        %dma_wait3A_3261 = arith.constant 0 : i32
        %dma_wait3A_3262 = tpu.memref_slice %arg7[%dma_wait3A_3260, %dma_wait3A_3261] : memref<1600x32xf32, #tpu.memory_space<vmem>> -> memref<50x32xf32, #tpu.memory_space<vmem>>
        tpu.wait_dma2 semaphore(%arg11 : memref<!tpu.dma_semaphore, #tpu.memory_space<semaphore_mem>>) src(%dma_wait3A_3262 : memref<50x32xf32, #tpu.memory_space<vmem>>) dst(%dma_wait3A_3259 : memref<50x32xf32, #tpu.memory_space<hbm>>)
        %mul3A_3263 = arith.constant 32 : i32
        %mul3A_3264 = arith.muli %add3A_3034, %mul3A_3263 : i32
        %add3A_3265 = arith.addi %mul3A_4, %mul3A_3264 : i32
        %add3A_3266 = arith.constant 12 : i32
        %add3A_3267 = arith.addi %add3A_3265, %add3A_3266 : i32
        %dma_wait3A_3268 = arith.constant 600 : i32
        %dma_wait3A_3269 = arith.constant 0 : i32
        %dma_wait3A_3270 = tpu.memref_slice %arg7[%dma_wait3A_3268, %dma_wait3A_3269] : memref<1600x32xf32, #tpu.memory_space<vmem>> -> memref<50x32xf32, #tpu.memory_space<vmem>>
        %dma_wait3A_3271 = arith.constant 0 : i32
        %dma_wait3A_3272 = arith.constant 0 : i32
        %dma_wait3A_3273 = tpu.memref_slice %arg4[%add3A_3267, %dma_wait3A_3271, %dma_wait3A_3272] : memref<16384x50x32xf32, #tpu.memory_space<hbm>> -> memref<1x50x32xf32, #tpu.memory_space<hbm>>
        %dma_wait3A_3274 = tpu.memref_squeeze %dma_wait3A_3273 : memref<1x50x32xf32, #tpu.memory_space<hbm>> -> memref<50x32xf32, #tpu.memory_space<hbm>>
        %dma_wait3A_3275 = arith.constant 0 : i32
        %dma_wait3A_3276 = arith.constant 0 : i32
        %dma_wait3A_3277 = tpu.memref_slice %arg4[%add3A_3267, %dma_wait3A_3275, %dma_wait3A_3276] : memref<16384x50x32xf32, #tpu.memory_space<hbm>> -> memref<1x50x32xf32, #tpu.memory_space<hbm>>
        %dma_wait3A_3278 = tpu.memref_squeeze %dma_wait3A_3277 : memref<1x50x32xf32, #tpu.memory_space<hbm>> -> memref<50x32xf32, #tpu.memory_space<hbm>>
        %dma_wait3A_3279 = arith.constant 600 : i32
        %dma_wait3A_3280 = arith.constant 0 : i32
        %dma_wait3A_3281 = tpu.memref_slice %arg7[%dma_wait3A_3279, %dma_wait3A_3280] : memref<1600x32xf32, #tpu.memory_space<vmem>> -> memref<50x32xf32, #tpu.memory_space<vmem>>
        tpu.wait_dma2 semaphore(%arg11 : memref<!tpu.dma_semaphore, #tpu.memory_space<semaphore_mem>>) src(%dma_wait3A_3281 : memref<50x32xf32, #tpu.memory_space<vmem>>) dst(%dma_wait3A_3278 : memref<50x32xf32, #tpu.memory_space<hbm>>)
        %mul3A_3282 = arith.constant 32 : i32
        %mul3A_3283 = arith.muli %add3A_3034, %mul3A_3282 : i32
        %add3A_3284 = arith.addi %mul3A_4, %mul3A_3283 : i32
        %add3A_3285 = arith.constant 13 : i32
        %add3A_3286 = arith.addi %add3A_3284, %add3A_3285 : i32
        %dma_wait3A_3287 = arith.constant 650 : i32
        %dma_wait3A_3288 = arith.constant 0 : i32
        %dma_wait3A_3289 = tpu.memref_slice %arg7[%dma_wait3A_3287, %dma_wait3A_3288] : memref<1600x32xf32, #tpu.memory_space<vmem>> -> memref<50x32xf32, #tpu.memory_space<vmem>>
        %dma_wait3A_3290 = arith.constant 0 : i32
        %dma_wait3A_3291 = arith.constant 0 : i32
        %dma_wait3A_3292 = tpu.memref_slice %arg4[%add3A_3286, %dma_wait3A_3290, %dma_wait3A_3291] : memref<16384x50x32xf32, #tpu.memory_space<hbm>> -> memref<1x50x32xf32, #tpu.memory_space<hbm>>
        %dma_wait3A_3293 = tpu.memref_squeeze %dma_wait3A_3292 : memref<1x50x32xf32, #tpu.memory_space<hbm>> -> memref<50x32xf32, #tpu.memory_space<hbm>>
        %dma_wait3A_3294 = arith.constant 0 : i32
        %dma_wait3A_3295 = arith.constant 0 : i32
        %dma_wait3A_3296 = tpu.memref_slice %arg4[%add3A_3286, %dma_wait3A_3294, %dma_wait3A_3295] : memref<16384x50x32xf32, #tpu.memory_space<hbm>> -> memref<1x50x32xf32, #tpu.memory_space<hbm>>
        %dma_wait3A_3297 = tpu.memref_squeeze %dma_wait3A_3296 : memref<1x50x32xf32, #tpu.memory_space<hbm>> -> memref<50x32xf32, #tpu.memory_space<hbm>>
        %dma_wait3A_3298 = arith.constant 650 : i32
        %dma_wait3A_3299 = arith.constant 0 : i32
        %dma_wait3A_3300 = tpu.memref_slice %arg7[%dma_wait3A_3298, %dma_wait3A_3299] : memref<1600x32xf32, #tpu.memory_space<vmem>> -> memref<50x32xf32, #tpu.memory_space<vmem>>
        tpu.wait_dma2 semaphore(%arg11 : memref<!tpu.dma_semaphore, #tpu.memory_space<semaphore_mem>>) src(%dma_wait3A_3300 : memref<50x32xf32, #tpu.memory_space<vmem>>) dst(%dma_wait3A_3297 : memref<50x32xf32, #tpu.memory_space<hbm>>)
        %mul3A_3301 = arith.constant 32 : i32
        %mul3A_3302 = arith.muli %add3A_3034, %mul3A_3301 : i32
        %add3A_3303 = arith.addi %mul3A_4, %mul3A_3302 : i32
        %add3A_3304 = arith.constant 14 : i32
        %add3A_3305 = arith.addi %add3A_3303, %add3A_3304 : i32
        %dma_wait3A_3306 = arith.constant 700 : i32
        %dma_wait3A_3307 = arith.constant 0 : i32
        %dma_wait3A_3308 = tpu.memref_slice %arg7[%dma_wait3A_3306, %dma_wait3A_3307] : memref<1600x32xf32, #tpu.memory_space<vmem>> -> memref<50x32xf32, #tpu.memory_space<vmem>>
        %dma_wait3A_3309 = arith.constant 0 : i32
        %dma_wait3A_3310 = arith.constant 0 : i32
        %dma_wait3A_3311 = tpu.memref_slice %arg4[%add3A_3305, %dma_wait3A_3309, %dma_wait3A_3310] : memref<16384x50x32xf32, #tpu.memory_space<hbm>> -> memref<1x50x32xf32, #tpu.memory_space<hbm>>
        %dma_wait3A_3312 = tpu.memref_squeeze %dma_wait3A_3311 : memref<1x50x32xf32, #tpu.memory_space<hbm>> -> memref<50x32xf32, #tpu.memory_space<hbm>>
        %dma_wait3A_3313 = arith.constant 0 : i32
        %dma_wait3A_3314 = arith.constant 0 : i32
        %dma_wait3A_3315 = tpu.memref_slice %arg4[%add3A_3305, %dma_wait3A_3313, %dma_wait3A_3314] : memref<16384x50x32xf32, #tpu.memory_space<hbm>> -> memref<1x50x32xf32, #tpu.memory_space<hbm>>
        %dma_wait3A_3316 = tpu.memref_squeeze %dma_wait3A_3315 : memref<1x50x32xf32, #tpu.memory_space<hbm>> -> memref<50x32xf32, #tpu.memory_space<hbm>>
        %dma_wait3A_3317 = arith.constant 700 : i32
        %dma_wait3A_3318 = arith.constant 0 : i32
        %dma_wait3A_3319 = tpu.memref_slice %arg7[%dma_wait3A_3317, %dma_wait3A_3318] : memref<1600x32xf32, #tpu.memory_space<vmem>> -> memref<50x32xf32, #tpu.memory_space<vmem>>
        tpu.wait_dma2 semaphore(%arg11 : memref<!tpu.dma_semaphore, #tpu.memory_space<semaphore_mem>>) src(%dma_wait3A_3319 : memref<50x32xf32, #tpu.memory_space<vmem>>) dst(%dma_wait3A_3316 : memref<50x32xf32, #tpu.memory_space<hbm>>)
        %mul3A_3320 = arith.constant 32 : i32
        %mul3A_3321 = arith.muli %add3A_3034, %mul3A_3320 : i32
        %add3A_3322 = arith.addi %mul3A_4, %mul3A_3321 : i32
        %add3A_3323 = arith.constant 15 : i32
        %add3A_3324 = arith.addi %add3A_3322, %add3A_3323 : i32
        %dma_wait3A_3325 = arith.constant 750 : i32
        %dma_wait3A_3326 = arith.constant 0 : i32
        %dma_wait3A_3327 = tpu.memref_slice %arg7[%dma_wait3A_3325, %dma_wait3A_3326] : memref<1600x32xf32, #tpu.memory_space<vmem>> -> memref<50x32xf32, #tpu.memory_space<vmem>>
        %dma_wait3A_3328 = arith.constant 0 : i32
        %dma_wait3A_3329 = arith.constant 0 : i32
        %dma_wait3A_3330 = tpu.memref_slice %arg4[%add3A_3324, %dma_wait3A_3328, %dma_wait3A_3329] : memref<16384x50x32xf32, #tpu.memory_space<hbm>> -> memref<1x50x32xf32, #tpu.memory_space<hbm>>
        %dma_wait3A_3331 = tpu.memref_squeeze %dma_wait3A_3330 : memref<1x50x32xf32, #tpu.memory_space<hbm>> -> memref<50x32xf32, #tpu.memory_space<hbm>>
        %dma_wait3A_3332 = arith.constant 0 : i32
        %dma_wait3A_3333 = arith.constant 0 : i32
        %dma_wait3A_3334 = tpu.memref_slice %arg4[%add3A_3324, %dma_wait3A_3332, %dma_wait3A_3333] : memref<16384x50x32xf32, #tpu.memory_space<hbm>> -> memref<1x50x32xf32, #tpu.memory_space<hbm>>
        %dma_wait3A_3335 = tpu.memref_squeeze %dma_wait3A_3334 : memref<1x50x32xf32, #tpu.memory_space<hbm>> -> memref<50x32xf32, #tpu.memory_space<hbm>>
        %dma_wait3A_3336 = arith.constant 750 : i32
        %dma_wait3A_3337 = arith.constant 0 : i32
        %dma_wait3A_3338 = tpu.memref_slice %arg7[%dma_wait3A_3336, %dma_wait3A_3337] : memref<1600x32xf32, #tpu.memory_space<vmem>> -> memref<50x32xf32, #tpu.memory_space<vmem>>
        tpu.wait_dma2 semaphore(%arg11 : memref<!tpu.dma_semaphore, #tpu.memory_space<semaphore_mem>>) src(%dma_wait3A_3338 : memref<50x32xf32, #tpu.memory_space<vmem>>) dst(%dma_wait3A_3335 : memref<50x32xf32, #tpu.memory_space<hbm>>)
        %mul3A_3339 = arith.constant 32 : i32
        %mul3A_3340 = arith.muli %add3A_3034, %mul3A_3339 : i32
        %add3A_3341 = arith.addi %mul3A_4, %mul3A_3340 : i32
        %add3A_3342 = arith.constant 16 : i32
        %add3A_3343 = arith.addi %add3A_3341, %add3A_3342 : i32
        %dma_wait3A_3344 = arith.constant 800 : i32
        %dma_wait3A_3345 = arith.constant 0 : i32
        %dma_wait3A_3346 = tpu.memref_slice %arg7[%dma_wait3A_3344, %dma_wait3A_3345] : memref<1600x32xf32, #tpu.memory_space<vmem>> -> memref<50x32xf32, #tpu.memory_space<vmem>>
        %dma_wait3A_3347 = arith.constant 0 : i32
        %dma_wait3A_3348 = arith.constant 0 : i32
        %dma_wait3A_3349 = tpu.memref_slice %arg4[%add3A_3343, %dma_wait3A_3347, %dma_wait3A_3348] : memref<16384x50x32xf32, #tpu.memory_space<hbm>> -> memref<1x50x32xf32, #tpu.memory_space<hbm>>
        %dma_wait3A_3350 = tpu.memref_squeeze %dma_wait3A_3349 : memref<1x50x32xf32, #tpu.memory_space<hbm>> -> memref<50x32xf32, #tpu.memory_space<hbm>>
        %dma_wait3A_3351 = arith.constant 0 : i32
        %dma_wait3A_3352 = arith.constant 0 : i32
        %dma_wait3A_3353 = tpu.memref_slice %arg4[%add3A_3343, %dma_wait3A_3351, %dma_wait3A_3352] : memref<16384x50x32xf32, #tpu.memory_space<hbm>> -> memref<1x50x32xf32, #tpu.memory_space<hbm>>
        %dma_wait3A_3354 = tpu.memref_squeeze %dma_wait3A_3353 : memref<1x50x32xf32, #tpu.memory_space<hbm>> -> memref<50x32xf32, #tpu.memory_space<hbm>>
        %dma_wait3A_3355 = arith.constant 800 : i32
        %dma_wait3A_3356 = arith.constant 0 : i32
        %dma_wait3A_3357 = tpu.memref_slice %arg7[%dma_wait3A_3355, %dma_wait3A_3356] : memref<1600x32xf32, #tpu.memory_space<vmem>> -> memref<50x32xf32, #tpu.memory_space<vmem>>
        tpu.wait_dma2 semaphore(%arg11 : memref<!tpu.dma_semaphore, #tpu.memory_space<semaphore_mem>>) src(%dma_wait3A_3357 : memref<50x32xf32, #tpu.memory_space<vmem>>) dst(%dma_wait3A_3354 : memref<50x32xf32, #tpu.memory_space<hbm>>)
        %mul3A_3358 = arith.constant 32 : i32
        %mul3A_3359 = arith.muli %add3A_3034, %mul3A_3358 : i32
        %add3A_3360 = arith.addi %mul3A_4, %mul3A_3359 : i32
        %add3A_3361 = arith.constant 17 : i32
        %add3A_3362 = arith.addi %add3A_3360, %add3A_3361 : i32
        %dma_wait3A_3363 = arith.constant 850 : i32
        %dma_wait3A_3364 = arith.constant 0 : i32
        %dma_wait3A_3365 = tpu.memref_slice %arg7[%dma_wait3A_3363, %dma_wait3A_3364] : memref<1600x32xf32, #tpu.memory_space<vmem>> -> memref<50x32xf32, #tpu.memory_space<vmem>>
        %dma_wait3A_3366 = arith.constant 0 : i32
        %dma_wait3A_3367 = arith.constant 0 : i32
        %dma_wait3A_3368 = tpu.memref_slice %arg4[%add3A_3362, %dma_wait3A_3366, %dma_wait3A_3367] : memref<16384x50x32xf32, #tpu.memory_space<hbm>> -> memref<1x50x32xf32, #tpu.memory_space<hbm>>
        %dma_wait3A_3369 = tpu.memref_squeeze %dma_wait3A_3368 : memref<1x50x32xf32, #tpu.memory_space<hbm>> -> memref<50x32xf32, #tpu.memory_space<hbm>>
        %dma_wait3A_3370 = arith.constant 0 : i32
        %dma_wait3A_3371 = arith.constant 0 : i32
        %dma_wait3A_3372 = tpu.memref_slice %arg4[%add3A_3362, %dma_wait3A_3370, %dma_wait3A_3371] : memref<16384x50x32xf32, #tpu.memory_space<hbm>> -> memref<1x50x32xf32, #tpu.memory_space<hbm>>
        %dma_wait3A_3373 = tpu.memref_squeeze %dma_wait3A_3372 : memref<1x50x32xf32, #tpu.memory_space<hbm>> -> memref<50x32xf32, #tpu.memory_space<hbm>>
        %dma_wait3A_3374 = arith.constant 850 : i32
        %dma_wait3A_3375 = arith.constant 0 : i32
        %dma_wait3A_3376 = tpu.memref_slice %arg7[%dma_wait3A_3374, %dma_wait3A_3375] : memref<1600x32xf32, #tpu.memory_space<vmem>> -> memref<50x32xf32, #tpu.memory_space<vmem>>
        tpu.wait_dma2 semaphore(%arg11 : memref<!tpu.dma_semaphore, #tpu.memory_space<semaphore_mem>>) src(%dma_wait3A_3376 : memref<50x32xf32, #tpu.memory_space<vmem>>) dst(%dma_wait3A_3373 : memref<50x32xf32, #tpu.memory_space<hbm>>)
        %mul3A_3377 = arith.constant 32 : i32
        %mul3A_3378 = arith.muli %add3A_3034, %mul3A_3377 : i32
        %add3A_3379 = arith.addi %mul3A_4, %mul3A_3378 : i32
        %add3A_3380 = arith.constant 18 : i32
        %add3A_3381 = arith.addi %add3A_3379, %add3A_3380 : i32
        %dma_wait3A_3382 = arith.constant 900 : i32
        %dma_wait3A_3383 = arith.constant 0 : i32
        %dma_wait3A_3384 = tpu.memref_slice %arg7[%dma_wait3A_3382, %dma_wait3A_3383] : memref<1600x32xf32, #tpu.memory_space<vmem>> -> memref<50x32xf32, #tpu.memory_space<vmem>>
        %dma_wait3A_3385 = arith.constant 0 : i32
        %dma_wait3A_3386 = arith.constant 0 : i32
        %dma_wait3A_3387 = tpu.memref_slice %arg4[%add3A_3381, %dma_wait3A_3385, %dma_wait3A_3386] : memref<16384x50x32xf32, #tpu.memory_space<hbm>> -> memref<1x50x32xf32, #tpu.memory_space<hbm>>
        %dma_wait3A_3388 = tpu.memref_squeeze %dma_wait3A_3387 : memref<1x50x32xf32, #tpu.memory_space<hbm>> -> memref<50x32xf32, #tpu.memory_space<hbm>>
        %dma_wait3A_3389 = arith.constant 0 : i32
        %dma_wait3A_3390 = arith.constant 0 : i32
        %dma_wait3A_3391 = tpu.memref_slice %arg4[%add3A_3381, %dma_wait3A_3389, %dma_wait3A_3390] : memref<16384x50x32xf32, #tpu.memory_space<hbm>> -> memref<1x50x32xf32, #tpu.memory_space<hbm>>
        %dma_wait3A_3392 = tpu.memref_squeeze %dma_wait3A_3391 : memref<1x50x32xf32, #tpu.memory_space<hbm>> -> memref<50x32xf32, #tpu.memory_space<hbm>>
        %dma_wait3A_3393 = arith.constant 900 : i32
        %dma_wait3A_3394 = arith.constant 0 : i32
        %dma_wait3A_3395 = tpu.memref_slice %arg7[%dma_wait3A_3393, %dma_wait3A_3394] : memref<1600x32xf32, #tpu.memory_space<vmem>> -> memref<50x32xf32, #tpu.memory_space<vmem>>
        tpu.wait_dma2 semaphore(%arg11 : memref<!tpu.dma_semaphore, #tpu.memory_space<semaphore_mem>>) src(%dma_wait3A_3395 : memref<50x32xf32, #tpu.memory_space<vmem>>) dst(%dma_wait3A_3392 : memref<50x32xf32, #tpu.memory_space<hbm>>)
        %mul3A_3396 = arith.constant 32 : i32
        %mul3A_3397 = arith.muli %add3A_3034, %mul3A_3396 : i32
        %add3A_3398 = arith.addi %mul3A_4, %mul3A_3397 : i32
        %add3A_3399 = arith.constant 19 : i32
        %add3A_3400 = arith.addi %add3A_3398, %add3A_3399 : i32
        %dma_wait3A_3401 = arith.constant 950 : i32
        %dma_wait3A_3402 = arith.constant 0 : i32
        %dma_wait3A_3403 = tpu.memref_slice %arg7[%dma_wait3A_3401, %dma_wait3A_3402] : memref<1600x32xf32, #tpu.memory_space<vmem>> -> memref<50x32xf32, #tpu.memory_space<vmem>>
        %dma_wait3A_3404 = arith.constant 0 : i32
        %dma_wait3A_3405 = arith.constant 0 : i32
        %dma_wait3A_3406 = tpu.memref_slice %arg4[%add3A_3400, %dma_wait3A_3404, %dma_wait3A_3405] : memref<16384x50x32xf32, #tpu.memory_space<hbm>> -> memref<1x50x32xf32, #tpu.memory_space<hbm>>
        %dma_wait3A_3407 = tpu.memref_squeeze %dma_wait3A_3406 : memref<1x50x32xf32, #tpu.memory_space<hbm>> -> memref<50x32xf32, #tpu.memory_space<hbm>>
        %dma_wait3A_3408 = arith.constant 0 : i32
        %dma_wait3A_3409 = arith.constant 0 : i32
        %dma_wait3A_3410 = tpu.memref_slice %arg4[%add3A_3400, %dma_wait3A_3408, %dma_wait3A_3409] : memref<16384x50x32xf32, #tpu.memory_space<hbm>> -> memref<1x50x32xf32, #tpu.memory_space<hbm>>
        %dma_wait3A_3411 = tpu.memref_squeeze %dma_wait3A_3410 : memref<1x50x32xf32, #tpu.memory_space<hbm>> -> memref<50x32xf32, #tpu.memory_space<hbm>>
        %dma_wait3A_3412 = arith.constant 950 : i32
        %dma_wait3A_3413 = arith.constant 0 : i32
        %dma_wait3A_3414 = tpu.memref_slice %arg7[%dma_wait3A_3412, %dma_wait3A_3413] : memref<1600x32xf32, #tpu.memory_space<vmem>> -> memref<50x32xf32, #tpu.memory_space<vmem>>
        tpu.wait_dma2 semaphore(%arg11 : memref<!tpu.dma_semaphore, #tpu.memory_space<semaphore_mem>>) src(%dma_wait3A_3414 : memref<50x32xf32, #tpu.memory_space<vmem>>) dst(%dma_wait3A_3411 : memref<50x32xf32, #tpu.memory_space<hbm>>)
        %mul3A_3415 = arith.constant 32 : i32
        %mul3A_3416 = arith.muli %add3A_3034, %mul3A_3415 : i32
        %add3A_3417 = arith.addi %mul3A_4, %mul3A_3416 : i32
        %add3A_3418 = arith.constant 20 : i32
        %add3A_3419 = arith.addi %add3A_3417, %add3A_3418 : i32
        %dma_wait3A_3420 = arith.constant 1000 : i32
        %dma_wait3A_3421 = arith.constant 0 : i32
        %dma_wait3A_3422 = tpu.memref_slice %arg7[%dma_wait3A_3420, %dma_wait3A_3421] : memref<1600x32xf32, #tpu.memory_space<vmem>> -> memref<50x32xf32, #tpu.memory_space<vmem>>
        %dma_wait3A_3423 = arith.constant 0 : i32
        %dma_wait3A_3424 = arith.constant 0 : i32
        %dma_wait3A_3425 = tpu.memref_slice %arg4[%add3A_3419, %dma_wait3A_3423, %dma_wait3A_3424] : memref<16384x50x32xf32, #tpu.memory_space<hbm>> -> memref<1x50x32xf32, #tpu.memory_space<hbm>>
        %dma_wait3A_3426 = tpu.memref_squeeze %dma_wait3A_3425 : memref<1x50x32xf32, #tpu.memory_space<hbm>> -> memref<50x32xf32, #tpu.memory_space<hbm>>
        %dma_wait3A_3427 = arith.constant 0 : i32
        %dma_wait3A_3428 = arith.constant 0 : i32
        %dma_wait3A_3429 = tpu.memref_slice %arg4[%add3A_3419, %dma_wait3A_3427, %dma_wait3A_3428] : memref<16384x50x32xf32, #tpu.memory_space<hbm>> -> memref<1x50x32xf32, #tpu.memory_space<hbm>>
        %dma_wait3A_3430 = tpu.memref_squeeze %dma_wait3A_3429 : memref<1x50x32xf32, #tpu.memory_space<hbm>> -> memref<50x32xf32, #tpu.memory_space<hbm>>
        %dma_wait3A_3431 = arith.constant 1000 : i32
        %dma_wait3A_3432 = arith.constant 0 : i32
        %dma_wait3A_3433 = tpu.memref_slice %arg7[%dma_wait3A_3431, %dma_wait3A_3432] : memref<1600x32xf32, #tpu.memory_space<vmem>> -> memref<50x32xf32, #tpu.memory_space<vmem>>
        tpu.wait_dma2 semaphore(%arg11 : memref<!tpu.dma_semaphore, #tpu.memory_space<semaphore_mem>>) src(%dma_wait3A_3433 : memref<50x32xf32, #tpu.memory_space<vmem>>) dst(%dma_wait3A_3430 : memref<50x32xf32, #tpu.memory_space<hbm>>)
        %mul3A_3434 = arith.constant 32 : i32
        %mul3A_3435 = arith.muli %add3A_3034, %mul3A_3434 : i32
        %add3A_3436 = arith.addi %mul3A_4, %mul3A_3435 : i32
        %add3A_3437 = arith.constant 21 : i32
        %add3A_3438 = arith.addi %add3A_3436, %add3A_3437 : i32
        %dma_wait3A_3439 = arith.constant 1050 : i32
        %dma_wait3A_3440 = arith.constant 0 : i32
        %dma_wait3A_3441 = tpu.memref_slice %arg7[%dma_wait3A_3439, %dma_wait3A_3440] : memref<1600x32xf32, #tpu.memory_space<vmem>> -> memref<50x32xf32, #tpu.memory_space<vmem>>
        %dma_wait3A_3442 = arith.constant 0 : i32
        %dma_wait3A_3443 = arith.constant 0 : i32
        %dma_wait3A_3444 = tpu.memref_slice %arg4[%add3A_3438, %dma_wait3A_3442, %dma_wait3A_3443] : memref<16384x50x32xf32, #tpu.memory_space<hbm>> -> memref<1x50x32xf32, #tpu.memory_space<hbm>>
        %dma_wait3A_3445 = tpu.memref_squeeze %dma_wait3A_3444 : memref<1x50x32xf32, #tpu.memory_space<hbm>> -> memref<50x32xf32, #tpu.memory_space<hbm>>
        %dma_wait3A_3446 = arith.constant 0 : i32
        %dma_wait3A_3447 = arith.constant 0 : i32
        %dma_wait3A_3448 = tpu.memref_slice %arg4[%add3A_3438, %dma_wait3A_3446, %dma_wait3A_3447] : memref<16384x50x32xf32, #tpu.memory_space<hbm>> -> memref<1x50x32xf32, #tpu.memory_space<hbm>>
        %dma_wait3A_3449 = tpu.memref_squeeze %dma_wait3A_3448 : memref<1x50x32xf32, #tpu.memory_space<hbm>> -> memref<50x32xf32, #tpu.memory_space<hbm>>
        %dma_wait3A_3450 = arith.constant 1050 : i32
        %dma_wait3A_3451 = arith.constant 0 : i32
        %dma_wait3A_3452 = tpu.memref_slice %arg7[%dma_wait3A_3450, %dma_wait3A_3451] : memref<1600x32xf32, #tpu.memory_space<vmem>> -> memref<50x32xf32, #tpu.memory_space<vmem>>
        tpu.wait_dma2 semaphore(%arg11 : memref<!tpu.dma_semaphore, #tpu.memory_space<semaphore_mem>>) src(%dma_wait3A_3452 : memref<50x32xf32, #tpu.memory_space<vmem>>) dst(%dma_wait3A_3449 : memref<50x32xf32, #tpu.memory_space<hbm>>)
        %mul3A_3453 = arith.constant 32 : i32
        %mul3A_3454 = arith.muli %add3A_3034, %mul3A_3453 : i32
        %add3A_3455 = arith.addi %mul3A_4, %mul3A_3454 : i32
        %add3A_3456 = arith.constant 22 : i32
        %add3A_3457 = arith.addi %add3A_3455, %add3A_3456 : i32
        %dma_wait3A_3458 = arith.constant 1100 : i32
        %dma_wait3A_3459 = arith.constant 0 : i32
        %dma_wait3A_3460 = tpu.memref_slice %arg7[%dma_wait3A_3458, %dma_wait3A_3459] : memref<1600x32xf32, #tpu.memory_space<vmem>> -> memref<50x32xf32, #tpu.memory_space<vmem>>
        %dma_wait3A_3461 = arith.constant 0 : i32
        %dma_wait3A_3462 = arith.constant 0 : i32
        %dma_wait3A_3463 = tpu.memref_slice %arg4[%add3A_3457, %dma_wait3A_3461, %dma_wait3A_3462] : memref<16384x50x32xf32, #tpu.memory_space<hbm>> -> memref<1x50x32xf32, #tpu.memory_space<hbm>>
        %dma_wait3A_3464 = tpu.memref_squeeze %dma_wait3A_3463 : memref<1x50x32xf32, #tpu.memory_space<hbm>> -> memref<50x32xf32, #tpu.memory_space<hbm>>
        %dma_wait3A_3465 = arith.constant 0 : i32
        %dma_wait3A_3466 = arith.constant 0 : i32
        %dma_wait3A_3467 = tpu.memref_slice %arg4[%add3A_3457, %dma_wait3A_3465, %dma_wait3A_3466] : memref<16384x50x32xf32, #tpu.memory_space<hbm>> -> memref<1x50x32xf32, #tpu.memory_space<hbm>>
        %dma_wait3A_3468 = tpu.memref_squeeze %dma_wait3A_3467 : memref<1x50x32xf32, #tpu.memory_space<hbm>> -> memref<50x32xf32, #tpu.memory_space<hbm>>
        %dma_wait3A_3469 = arith.constant 1100 : i32
        %dma_wait3A_3470 = arith.constant 0 : i32
        %dma_wait3A_3471 = tpu.memref_slice %arg7[%dma_wait3A_3469, %dma_wait3A_3470] : memref<1600x32xf32, #tpu.memory_space<vmem>> -> memref<50x32xf32, #tpu.memory_space<vmem>>
        tpu.wait_dma2 semaphore(%arg11 : memref<!tpu.dma_semaphore, #tpu.memory_space<semaphore_mem>>) src(%dma_wait3A_3471 : memref<50x32xf32, #tpu.memory_space<vmem>>) dst(%dma_wait3A_3468 : memref<50x32xf32, #tpu.memory_space<hbm>>)
        %mul3A_3472 = arith.constant 32 : i32
        %mul3A_3473 = arith.muli %add3A_3034, %mul3A_3472 : i32
        %add3A_3474 = arith.addi %mul3A_4, %mul3A_3473 : i32
        %add3A_3475 = arith.constant 23 : i32
        %add3A_3476 = arith.addi %add3A_3474, %add3A_3475 : i32
        %dma_wait3A_3477 = arith.constant 1150 : i32
        %dma_wait3A_3478 = arith.constant 0 : i32
        %dma_wait3A_3479 = tpu.memref_slice %arg7[%dma_wait3A_3477, %dma_wait3A_3478] : memref<1600x32xf32, #tpu.memory_space<vmem>> -> memref<50x32xf32, #tpu.memory_space<vmem>>
        %dma_wait3A_3480 = arith.constant 0 : i32
        %dma_wait3A_3481 = arith.constant 0 : i32
        %dma_wait3A_3482 = tpu.memref_slice %arg4[%add3A_3476, %dma_wait3A_3480, %dma_wait3A_3481] : memref<16384x50x32xf32, #tpu.memory_space<hbm>> -> memref<1x50x32xf32, #tpu.memory_space<hbm>>
        %dma_wait3A_3483 = tpu.memref_squeeze %dma_wait3A_3482 : memref<1x50x32xf32, #tpu.memory_space<hbm>> -> memref<50x32xf32, #tpu.memory_space<hbm>>
        %dma_wait3A_3484 = arith.constant 0 : i32
        %dma_wait3A_3485 = arith.constant 0 : i32
        %dma_wait3A_3486 = tpu.memref_slice %arg4[%add3A_3476, %dma_wait3A_3484, %dma_wait3A_3485] : memref<16384x50x32xf32, #tpu.memory_space<hbm>> -> memref<1x50x32xf32, #tpu.memory_space<hbm>>
        %dma_wait3A_3487 = tpu.memref_squeeze %dma_wait3A_3486 : memref<1x50x32xf32, #tpu.memory_space<hbm>> -> memref<50x32xf32, #tpu.memory_space<hbm>>
        %dma_wait3A_3488 = arith.constant 1150 : i32
        %dma_wait3A_3489 = arith.constant 0 : i32
        %dma_wait3A_3490 = tpu.memref_slice %arg7[%dma_wait3A_3488, %dma_wait3A_3489] : memref<1600x32xf32, #tpu.memory_space<vmem>> -> memref<50x32xf32, #tpu.memory_space<vmem>>
        tpu.wait_dma2 semaphore(%arg11 : memref<!tpu.dma_semaphore, #tpu.memory_space<semaphore_mem>>) src(%dma_wait3A_3490 : memref<50x32xf32, #tpu.memory_space<vmem>>) dst(%dma_wait3A_3487 : memref<50x32xf32, #tpu.memory_space<hbm>>)
        %mul3A_3491 = arith.constant 32 : i32
        %mul3A_3492 = arith.muli %add3A_3034, %mul3A_3491 : i32
        %add3A_3493 = arith.addi %mul3A_4, %mul3A_3492 : i32
        %add3A_3494 = arith.constant 24 : i32
        %add3A_3495 = arith.addi %add3A_3493, %add3A_3494 : i32
        %dma_wait3A_3496 = arith.constant 1200 : i32
        %dma_wait3A_3497 = arith.constant 0 : i32
        %dma_wait3A_3498 = tpu.memref_slice %arg7[%dma_wait3A_3496, %dma_wait3A_3497] : memref<1600x32xf32, #tpu.memory_space<vmem>> -> memref<50x32xf32, #tpu.memory_space<vmem>>
        %dma_wait3A_3499 = arith.constant 0 : i32
        %dma_wait3A_3500 = arith.constant 0 : i32
        %dma_wait3A_3501 = tpu.memref_slice %arg4[%add3A_3495, %dma_wait3A_3499, %dma_wait3A_3500] : memref<16384x50x32xf32, #tpu.memory_space<hbm>> -> memref<1x50x32xf32, #tpu.memory_space<hbm>>
        %dma_wait3A_3502 = tpu.memref_squeeze %dma_wait3A_3501 : memref<1x50x32xf32, #tpu.memory_space<hbm>> -> memref<50x32xf32, #tpu.memory_space<hbm>>
        %dma_wait3A_3503 = arith.constant 0 : i32
        %dma_wait3A_3504 = arith.constant 0 : i32
        %dma_wait3A_3505 = tpu.memref_slice %arg4[%add3A_3495, %dma_wait3A_3503, %dma_wait3A_3504] : memref<16384x50x32xf32, #tpu.memory_space<hbm>> -> memref<1x50x32xf32, #tpu.memory_space<hbm>>
        %dma_wait3A_3506 = tpu.memref_squeeze %dma_wait3A_3505 : memref<1x50x32xf32, #tpu.memory_space<hbm>> -> memref<50x32xf32, #tpu.memory_space<hbm>>
        %dma_wait3A_3507 = arith.constant 1200 : i32
        %dma_wait3A_3508 = arith.constant 0 : i32
        %dma_wait3A_3509 = tpu.memref_slice %arg7[%dma_wait3A_3507, %dma_wait3A_3508] : memref<1600x32xf32, #tpu.memory_space<vmem>> -> memref<50x32xf32, #tpu.memory_space<vmem>>
        tpu.wait_dma2 semaphore(%arg11 : memref<!tpu.dma_semaphore, #tpu.memory_space<semaphore_mem>>) src(%dma_wait3A_3509 : memref<50x32xf32, #tpu.memory_space<vmem>>) dst(%dma_wait3A_3506 : memref<50x32xf32, #tpu.memory_space<hbm>>)
        %mul3A_3510 = arith.constant 32 : i32
        %mul3A_3511 = arith.muli %add3A_3034, %mul3A_3510 : i32
        %add3A_3512 = arith.addi %mul3A_4, %mul3A_3511 : i32
        %add3A_3513 = arith.constant 25 : i32
        %add3A_3514 = arith.addi %add3A_3512, %add3A_3513 : i32
        %dma_wait3A_3515 = arith.constant 1250 : i32
        %dma_wait3A_3516 = arith.constant 0 : i32
        %dma_wait3A_3517 = tpu.memref_slice %arg7[%dma_wait3A_3515, %dma_wait3A_3516] : memref<1600x32xf32, #tpu.memory_space<vmem>> -> memref<50x32xf32, #tpu.memory_space<vmem>>
        %dma_wait3A_3518 = arith.constant 0 : i32
        %dma_wait3A_3519 = arith.constant 0 : i32
        %dma_wait3A_3520 = tpu.memref_slice %arg4[%add3A_3514, %dma_wait3A_3518, %dma_wait3A_3519] : memref<16384x50x32xf32, #tpu.memory_space<hbm>> -> memref<1x50x32xf32, #tpu.memory_space<hbm>>
        %dma_wait3A_3521 = tpu.memref_squeeze %dma_wait3A_3520 : memref<1x50x32xf32, #tpu.memory_space<hbm>> -> memref<50x32xf32, #tpu.memory_space<hbm>>
        %dma_wait3A_3522 = arith.constant 0 : i32
        %dma_wait3A_3523 = arith.constant 0 : i32
        %dma_wait3A_3524 = tpu.memref_slice %arg4[%add3A_3514, %dma_wait3A_3522, %dma_wait3A_3523] : memref<16384x50x32xf32, #tpu.memory_space<hbm>> -> memref<1x50x32xf32, #tpu.memory_space<hbm>>
        %dma_wait3A_3525 = tpu.memref_squeeze %dma_wait3A_3524 : memref<1x50x32xf32, #tpu.memory_space<hbm>> -> memref<50x32xf32, #tpu.memory_space<hbm>>
        %dma_wait3A_3526 = arith.constant 1250 : i32
        %dma_wait3A_3527 = arith.constant 0 : i32
        %dma_wait3A_3528 = tpu.memref_slice %arg7[%dma_wait3A_3526, %dma_wait3A_3527] : memref<1600x32xf32, #tpu.memory_space<vmem>> -> memref<50x32xf32, #tpu.memory_space<vmem>>
        tpu.wait_dma2 semaphore(%arg11 : memref<!tpu.dma_semaphore, #tpu.memory_space<semaphore_mem>>) src(%dma_wait3A_3528 : memref<50x32xf32, #tpu.memory_space<vmem>>) dst(%dma_wait3A_3525 : memref<50x32xf32, #tpu.memory_space<hbm>>)
        %mul3A_3529 = arith.constant 32 : i32
        %mul3A_3530 = arith.muli %add3A_3034, %mul3A_3529 : i32
        %add3A_3531 = arith.addi %mul3A_4, %mul3A_3530 : i32
        %add3A_3532 = arith.constant 26 : i32
        %add3A_3533 = arith.addi %add3A_3531, %add3A_3532 : i32
        %dma_wait3A_3534 = arith.constant 1300 : i32
        %dma_wait3A_3535 = arith.constant 0 : i32
        %dma_wait3A_3536 = tpu.memref_slice %arg7[%dma_wait3A_3534, %dma_wait3A_3535] : memref<1600x32xf32, #tpu.memory_space<vmem>> -> memref<50x32xf32, #tpu.memory_space<vmem>>
        %dma_wait3A_3537 = arith.constant 0 : i32
        %dma_wait3A_3538 = arith.constant 0 : i32
        %dma_wait3A_3539 = tpu.memref_slice %arg4[%add3A_3533, %dma_wait3A_3537, %dma_wait3A_3538] : memref<16384x50x32xf32, #tpu.memory_space<hbm>> -> memref<1x50x32xf32, #tpu.memory_space<hbm>>
        %dma_wait3A_3540 = tpu.memref_squeeze %dma_wait3A_3539 : memref<1x50x32xf32, #tpu.memory_space<hbm>> -> memref<50x32xf32, #tpu.memory_space<hbm>>
        %dma_wait3A_3541 = arith.constant 0 : i32
        %dma_wait3A_3542 = arith.constant 0 : i32
        %dma_wait3A_3543 = tpu.memref_slice %arg4[%add3A_3533, %dma_wait3A_3541, %dma_wait3A_3542] : memref<16384x50x32xf32, #tpu.memory_space<hbm>> -> memref<1x50x32xf32, #tpu.memory_space<hbm>>
        %dma_wait3A_3544 = tpu.memref_squeeze %dma_wait3A_3543 : memref<1x50x32xf32, #tpu.memory_space<hbm>> -> memref<50x32xf32, #tpu.memory_space<hbm>>
        %dma_wait3A_3545 = arith.constant 1300 : i32
        %dma_wait3A_3546 = arith.constant 0 : i32
        %dma_wait3A_3547 = tpu.memref_slice %arg7[%dma_wait3A_3545, %dma_wait3A_3546] : memref<1600x32xf32, #tpu.memory_space<vmem>> -> memref<50x32xf32, #tpu.memory_space<vmem>>
        tpu.wait_dma2 semaphore(%arg11 : memref<!tpu.dma_semaphore, #tpu.memory_space<semaphore_mem>>) src(%dma_wait3A_3547 : memref<50x32xf32, #tpu.memory_space<vmem>>) dst(%dma_wait3A_3544 : memref<50x32xf32, #tpu.memory_space<hbm>>)
        %mul3A_3548 = arith.constant 32 : i32
        %mul3A_3549 = arith.muli %add3A_3034, %mul3A_3548 : i32
        %add3A_3550 = arith.addi %mul3A_4, %mul3A_3549 : i32
        %add3A_3551 = arith.constant 27 : i32
        %add3A_3552 = arith.addi %add3A_3550, %add3A_3551 : i32
        %dma_wait3A_3553 = arith.constant 1350 : i32
        %dma_wait3A_3554 = arith.constant 0 : i32
        %dma_wait3A_3555 = tpu.memref_slice %arg7[%dma_wait3A_3553, %dma_wait3A_3554] : memref<1600x32xf32, #tpu.memory_space<vmem>> -> memref<50x32xf32, #tpu.memory_space<vmem>>
        %dma_wait3A_3556 = arith.constant 0 : i32
        %dma_wait3A_3557 = arith.constant 0 : i32
        %dma_wait3A_3558 = tpu.memref_slice %arg4[%add3A_3552, %dma_wait3A_3556, %dma_wait3A_3557] : memref<16384x50x32xf32, #tpu.memory_space<hbm>> -> memref<1x50x32xf32, #tpu.memory_space<hbm>>
        %dma_wait3A_3559 = tpu.memref_squeeze %dma_wait3A_3558 : memref<1x50x32xf32, #tpu.memory_space<hbm>> -> memref<50x32xf32, #tpu.memory_space<hbm>>
        %dma_wait3A_3560 = arith.constant 0 : i32
        %dma_wait3A_3561 = arith.constant 0 : i32
        %dma_wait3A_3562 = tpu.memref_slice %arg4[%add3A_3552, %dma_wait3A_3560, %dma_wait3A_3561] : memref<16384x50x32xf32, #tpu.memory_space<hbm>> -> memref<1x50x32xf32, #tpu.memory_space<hbm>>
        %dma_wait3A_3563 = tpu.memref_squeeze %dma_wait3A_3562 : memref<1x50x32xf32, #tpu.memory_space<hbm>> -> memref<50x32xf32, #tpu.memory_space<hbm>>
        %dma_wait3A_3564 = arith.constant 1350 : i32
        %dma_wait3A_3565 = arith.constant 0 : i32
        %dma_wait3A_3566 = tpu.memref_slice %arg7[%dma_wait3A_3564, %dma_wait3A_3565] : memref<1600x32xf32, #tpu.memory_space<vmem>> -> memref<50x32xf32, #tpu.memory_space<vmem>>
        tpu.wait_dma2 semaphore(%arg11 : memref<!tpu.dma_semaphore, #tpu.memory_space<semaphore_mem>>) src(%dma_wait3A_3566 : memref<50x32xf32, #tpu.memory_space<vmem>>) dst(%dma_wait3A_3563 : memref<50x32xf32, #tpu.memory_space<hbm>>)
        %mul3A_3567 = arith.constant 32 : i32
        %mul3A_3568 = arith.muli %add3A_3034, %mul3A_3567 : i32
        %add3A_3569 = arith.addi %mul3A_4, %mul3A_3568 : i32
        %add3A_3570 = arith.constant 28 : i32
        %add3A_3571 = arith.addi %add3A_3569, %add3A_3570 : i32
        %dma_wait3A_3572 = arith.constant 1400 : i32
        %dma_wait3A_3573 = arith.constant 0 : i32
        %dma_wait3A_3574 = tpu.memref_slice %arg7[%dma_wait3A_3572, %dma_wait3A_3573] : memref<1600x32xf32, #tpu.memory_space<vmem>> -> memref<50x32xf32, #tpu.memory_space<vmem>>
        %dma_wait3A_3575 = arith.constant 0 : i32
        %dma_wait3A_3576 = arith.constant 0 : i32
        %dma_wait3A_3577 = tpu.memref_slice %arg4[%add3A_3571, %dma_wait3A_3575, %dma_wait3A_3576] : memref<16384x50x32xf32, #tpu.memory_space<hbm>> -> memref<1x50x32xf32, #tpu.memory_space<hbm>>
        %dma_wait3A_3578 = tpu.memref_squeeze %dma_wait3A_3577 : memref<1x50x32xf32, #tpu.memory_space<hbm>> -> memref<50x32xf32, #tpu.memory_space<hbm>>
        %dma_wait3A_3579 = arith.constant 0 : i32
        %dma_wait3A_3580 = arith.constant 0 : i32
        %dma_wait3A_3581 = tpu.memref_slice %arg4[%add3A_3571, %dma_wait3A_3579, %dma_wait3A_3580] : memref<16384x50x32xf32, #tpu.memory_space<hbm>> -> memref<1x50x32xf32, #tpu.memory_space<hbm>>
        %dma_wait3A_3582 = tpu.memref_squeeze %dma_wait3A_3581 : memref<1x50x32xf32, #tpu.memory_space<hbm>> -> memref<50x32xf32, #tpu.memory_space<hbm>>
        %dma_wait3A_3583 = arith.constant 1400 : i32
        %dma_wait3A_3584 = arith.constant 0 : i32
        %dma_wait3A_3585 = tpu.memref_slice %arg7[%dma_wait3A_3583, %dma_wait3A_3584] : memref<1600x32xf32, #tpu.memory_space<vmem>> -> memref<50x32xf32, #tpu.memory_space<vmem>>
        tpu.wait_dma2 semaphore(%arg11 : memref<!tpu.dma_semaphore, #tpu.memory_space<semaphore_mem>>) src(%dma_wait3A_3585 : memref<50x32xf32, #tpu.memory_space<vmem>>) dst(%dma_wait3A_3582 : memref<50x32xf32, #tpu.memory_space<hbm>>)
        %mul3A_3586 = arith.constant 32 : i32
        %mul3A_3587 = arith.muli %add3A_3034, %mul3A_3586 : i32
        %add3A_3588 = arith.addi %mul3A_4, %mul3A_3587 : i32
        %add3A_3589 = arith.constant 29 : i32
        %add3A_3590 = arith.addi %add3A_3588, %add3A_3589 : i32
        %dma_wait3A_3591 = arith.constant 1450 : i32
        %dma_wait3A_3592 = arith.constant 0 : i32
        %dma_wait3A_3593 = tpu.memref_slice %arg7[%dma_wait3A_3591, %dma_wait3A_3592] : memref<1600x32xf32, #tpu.memory_space<vmem>> -> memref<50x32xf32, #tpu.memory_space<vmem>>
        %dma_wait3A_3594 = arith.constant 0 : i32
        %dma_wait3A_3595 = arith.constant 0 : i32
        %dma_wait3A_3596 = tpu.memref_slice %arg4[%add3A_3590, %dma_wait3A_3594, %dma_wait3A_3595] : memref<16384x50x32xf32, #tpu.memory_space<hbm>> -> memref<1x50x32xf32, #tpu.memory_space<hbm>>
        %dma_wait3A_3597 = tpu.memref_squeeze %dma_wait3A_3596 : memref<1x50x32xf32, #tpu.memory_space<hbm>> -> memref<50x32xf32, #tpu.memory_space<hbm>>
        %dma_wait3A_3598 = arith.constant 0 : i32
        %dma_wait3A_3599 = arith.constant 0 : i32
        %dma_wait3A_3600 = tpu.memref_slice %arg4[%add3A_3590, %dma_wait3A_3598, %dma_wait3A_3599] : memref<16384x50x32xf32, #tpu.memory_space<hbm>> -> memref<1x50x32xf32, #tpu.memory_space<hbm>>
        %dma_wait3A_3601 = tpu.memref_squeeze %dma_wait3A_3600 : memref<1x50x32xf32, #tpu.memory_space<hbm>> -> memref<50x32xf32, #tpu.memory_space<hbm>>
        %dma_wait3A_3602 = arith.constant 1450 : i32
        %dma_wait3A_3603 = arith.constant 0 : i32
        %dma_wait3A_3604 = tpu.memref_slice %arg7[%dma_wait3A_3602, %dma_wait3A_3603] : memref<1600x32xf32, #tpu.memory_space<vmem>> -> memref<50x32xf32, #tpu.memory_space<vmem>>
        tpu.wait_dma2 semaphore(%arg11 : memref<!tpu.dma_semaphore, #tpu.memory_space<semaphore_mem>>) src(%dma_wait3A_3604 : memref<50x32xf32, #tpu.memory_space<vmem>>) dst(%dma_wait3A_3601 : memref<50x32xf32, #tpu.memory_space<hbm>>)
        %mul3A_3605 = arith.constant 32 : i32
        %mul3A_3606 = arith.muli %add3A_3034, %mul3A_3605 : i32
        %add3A_3607 = arith.addi %mul3A_4, %mul3A_3606 : i32
        %add3A_3608 = arith.constant 30 : i32
        %add3A_3609 = arith.addi %add3A_3607, %add3A_3608 : i32
        %dma_wait3A_3610 = arith.constant 1500 : i32
        %dma_wait3A_3611 = arith.constant 0 : i32
        %dma_wait3A_3612 = tpu.memref_slice %arg7[%dma_wait3A_3610, %dma_wait3A_3611] : memref<1600x32xf32, #tpu.memory_space<vmem>> -> memref<50x32xf32, #tpu.memory_space<vmem>>
        %dma_wait3A_3613 = arith.constant 0 : i32
        %dma_wait3A_3614 = arith.constant 0 : i32
        %dma_wait3A_3615 = tpu.memref_slice %arg4[%add3A_3609, %dma_wait3A_3613, %dma_wait3A_3614] : memref<16384x50x32xf32, #tpu.memory_space<hbm>> -> memref<1x50x32xf32, #tpu.memory_space<hbm>>
        %dma_wait3A_3616 = tpu.memref_squeeze %dma_wait3A_3615 : memref<1x50x32xf32, #tpu.memory_space<hbm>> -> memref<50x32xf32, #tpu.memory_space<hbm>>
        %dma_wait3A_3617 = arith.constant 0 : i32
        %dma_wait3A_3618 = arith.constant 0 : i32
        %dma_wait3A_3619 = tpu.memref_slice %arg4[%add3A_3609, %dma_wait3A_3617, %dma_wait3A_3618] : memref<16384x50x32xf32, #tpu.memory_space<hbm>> -> memref<1x50x32xf32, #tpu.memory_space<hbm>>
        %dma_wait3A_3620 = tpu.memref_squeeze %dma_wait3A_3619 : memref<1x50x32xf32, #tpu.memory_space<hbm>> -> memref<50x32xf32, #tpu.memory_space<hbm>>
        %dma_wait3A_3621 = arith.constant 1500 : i32
        %dma_wait3A_3622 = arith.constant 0 : i32
        %dma_wait3A_3623 = tpu.memref_slice %arg7[%dma_wait3A_3621, %dma_wait3A_3622] : memref<1600x32xf32, #tpu.memory_space<vmem>> -> memref<50x32xf32, #tpu.memory_space<vmem>>
        tpu.wait_dma2 semaphore(%arg11 : memref<!tpu.dma_semaphore, #tpu.memory_space<semaphore_mem>>) src(%dma_wait3A_3623 : memref<50x32xf32, #tpu.memory_space<vmem>>) dst(%dma_wait3A_3620 : memref<50x32xf32, #tpu.memory_space<hbm>>)
        %mul3A_3624 = arith.constant 32 : i32
        %mul3A_3625 = arith.muli %add3A_3034, %mul3A_3624 : i32
        %add3A_3626 = arith.addi %mul3A_4, %mul3A_3625 : i32
        %add3A_3627 = arith.constant 31 : i32
        %add3A_3628 = arith.addi %add3A_3626, %add3A_3627 : i32
        %dma_wait3A_3629 = arith.constant 1550 : i32
        %dma_wait3A_3630 = arith.constant 0 : i32
        %dma_wait3A_3631 = tpu.memref_slice %arg7[%dma_wait3A_3629, %dma_wait3A_3630] : memref<1600x32xf32, #tpu.memory_space<vmem>> -> memref<50x32xf32, #tpu.memory_space<vmem>>
        %dma_wait3A_3632 = arith.constant 0 : i32
        %dma_wait3A_3633 = arith.constant 0 : i32
        %dma_wait3A_3634 = tpu.memref_slice %arg4[%add3A_3628, %dma_wait3A_3632, %dma_wait3A_3633] : memref<16384x50x32xf32, #tpu.memory_space<hbm>> -> memref<1x50x32xf32, #tpu.memory_space<hbm>>
        %dma_wait3A_3635 = tpu.memref_squeeze %dma_wait3A_3634 : memref<1x50x32xf32, #tpu.memory_space<hbm>> -> memref<50x32xf32, #tpu.memory_space<hbm>>
        %dma_wait3A_3636 = arith.constant 0 : i32
        %dma_wait3A_3637 = arith.constant 0 : i32
        %dma_wait3A_3638 = tpu.memref_slice %arg4[%add3A_3628, %dma_wait3A_3636, %dma_wait3A_3637] : memref<16384x50x32xf32, #tpu.memory_space<hbm>> -> memref<1x50x32xf32, #tpu.memory_space<hbm>>
        %dma_wait3A_3639 = tpu.memref_squeeze %dma_wait3A_3638 : memref<1x50x32xf32, #tpu.memory_space<hbm>> -> memref<50x32xf32, #tpu.memory_space<hbm>>
        %dma_wait3A_3640 = arith.constant 1550 : i32
        %dma_wait3A_3641 = arith.constant 0 : i32
        %dma_wait3A_3642 = tpu.memref_slice %arg7[%dma_wait3A_3640, %dma_wait3A_3641] : memref<1600x32xf32, #tpu.memory_space<vmem>> -> memref<50x32xf32, #tpu.memory_space<vmem>>
        tpu.wait_dma2 semaphore(%arg11 : memref<!tpu.dma_semaphore, #tpu.memory_space<semaphore_mem>>) src(%dma_wait3A_3642 : memref<50x32xf32, #tpu.memory_space<vmem>>) dst(%dma_wait3A_3639 : memref<50x32xf32, #tpu.memory_space<hbm>>)
        %add3A_3643 = arith.constant 2 : i32
        %add3A_3644 = arith.addi %mul3A_1172, %add3A_3643 : i32
        %add3A_3645 = arith.constant 1 : i32
        %add3A_3646 = arith.addi %add3A_3644, %add3A_3645 : i32
        %mul3A_3647 = arith.constant 1600 : i32
        %mul3A_3648 = arith.muli %add3A_3646, %mul3A_3647 : i32
        %dma_start3A_3649 = tpu.memref_slice %arg5[%mul3A_3648] : memref<25600xi32, #tpu.memory_space<vmem>> -> memref<1600xi32, #tpu.memory_space<vmem>>
        %dma_start3A_3650 = arith.constant 0 : i32
        %dma_start3A_3651 = arith.constant 0 : i32
        %dma_start3A_3652 = tpu.memref_slice %arg3[%dma_start3A_3650, %dma_start3A_3651] : memref<1000000x32xf32, #tpu.memory_space<hbm>> -> memref<1000000x32xf32, #tpu.memory_space<hbm>>
        tpu.enqueue_indirect_dma source(%dma_start3A_3652 : memref<1000000x32xf32, #tpu.memory_space<hbm>>) target(%arg7 : memref<1600x32xf32, #tpu.memory_space<vmem>>) offsets(%dma_start3A_3649 : memref<1600xi32, #tpu.memory_space<vmem>>) semaphore(%arg9 : memref<!tpu.dma_semaphore, #tpu.memory_space<semaphore_mem>>)
      } else {
      }
    }
    %scan3A_18 = arith.constant 8 : i32
    %add3A_19 = arith.constant 448 : i32
    %add3A_20 = arith.addi %mul3A_4, %add3A_19 : i32
    %add3A_21 = arith.constant 0 : i32
    %add3A_22 = arith.addi %add3A_20, %add3A_21 : i32
    %dma_wait3A = arith.constant 0 : i32
    %dma_wait3A_23 = arith.constant 0 : i32
    %dma_wait3A_24 = tpu.memref_slice %arg6[%dma_wait3A, %dma_wait3A_23] : memref<1600x32xf32, #tpu.memory_space<vmem>> -> memref<50x32xf32, #tpu.memory_space<vmem>>
    %dma_wait3A_25 = arith.constant 0 : i32
    %dma_wait3A_26 = arith.constant 0 : i32
    %dma_wait3A_27 = tpu.memref_slice %arg4[%add3A_22, %dma_wait3A_25, %dma_wait3A_26] : memref<16384x50x32xf32, #tpu.memory_space<hbm>> -> memref<1x50x32xf32, #tpu.memory_space<hbm>>
    %dma_wait3A_28 = tpu.memref_squeeze %dma_wait3A_27 : memref<1x50x32xf32, #tpu.memory_space<hbm>> -> memref<50x32xf32, #tpu.memory_space<hbm>>
    %dma_wait3A_29 = arith.constant 0 : i32
    %dma_wait3A_30 = arith.constant 0 : i32
    %dma_wait3A_31 = tpu.memref_slice %arg4[%add3A_22, %dma_wait3A_29, %dma_wait3A_30] : memref<16384x50x32xf32, #tpu.memory_space<hbm>> -> memref<1x50x32xf32, #tpu.memory_space<hbm>>
    %dma_wait3A_32 = tpu.memref_squeeze %dma_wait3A_31 : memref<1x50x32xf32, #tpu.memory_space<hbm>> -> memref<50x32xf32, #tpu.memory_space<hbm>>
    %dma_wait3A_33 = arith.constant 0 : i32
    %dma_wait3A_34 = arith.constant 0 : i32
    %dma_wait3A_35 = tpu.memref_slice %arg6[%dma_wait3A_33, %dma_wait3A_34] : memref<1600x32xf32, #tpu.memory_space<vmem>> -> memref<50x32xf32, #tpu.memory_space<vmem>>
    tpu.wait_dma2 semaphore(%arg10 : memref<!tpu.dma_semaphore, #tpu.memory_space<semaphore_mem>>) src(%dma_wait3A_35 : memref<50x32xf32, #tpu.memory_space<vmem>>) dst(%dma_wait3A_32 : memref<50x32xf32, #tpu.memory_space<hbm>>)
    %add3A_36 = arith.constant 448 : i32
    %add3A_37 = arith.addi %mul3A_4, %add3A_36 : i32
    %add3A_38 = arith.constant 1 : i32
    %add3A_39 = arith.addi %add3A_37, %add3A_38 : i32
    %dma_wait3A_40 = arith.constant 50 : i32
    %dma_wait3A_41 = arith.constant 0 : i32
    %dma_wait3A_42 = tpu.memref_slice %arg6[%dma_wait3A_40, %dma_wait3A_41] : memref<1600x32xf32, #tpu.memory_space<vmem>> -> memref<50x32xf32, #tpu.memory_space<vmem>>
    %dma_wait3A_43 = arith.constant 0 : i32
    %dma_wait3A_44 = arith.constant 0 : i32
    %dma_wait3A_45 = tpu.memref_slice %arg4[%add3A_39, %dma_wait3A_43, %dma_wait3A_44] : memref<16384x50x32xf32, #tpu.memory_space<hbm>> -> memref<1x50x32xf32, #tpu.memory_space<hbm>>
    %dma_wait3A_46 = tpu.memref_squeeze %dma_wait3A_45 : memref<1x50x32xf32, #tpu.memory_space<hbm>> -> memref<50x32xf32, #tpu.memory_space<hbm>>
    %dma_wait3A_47 = arith.constant 0 : i32
    %dma_wait3A_48 = arith.constant 0 : i32
    %dma_wait3A_49 = tpu.memref_slice %arg4[%add3A_39, %dma_wait3A_47, %dma_wait3A_48] : memref<16384x50x32xf32, #tpu.memory_space<hbm>> -> memref<1x50x32xf32, #tpu.memory_space<hbm>>
    %dma_wait3A_50 = tpu.memref_squeeze %dma_wait3A_49 : memref<1x50x32xf32, #tpu.memory_space<hbm>> -> memref<50x32xf32, #tpu.memory_space<hbm>>
    %dma_wait3A_51 = arith.constant 50 : i32
    %dma_wait3A_52 = arith.constant 0 : i32
    %dma_wait3A_53 = tpu.memref_slice %arg6[%dma_wait3A_51, %dma_wait3A_52] : memref<1600x32xf32, #tpu.memory_space<vmem>> -> memref<50x32xf32, #tpu.memory_space<vmem>>
    tpu.wait_dma2 semaphore(%arg10 : memref<!tpu.dma_semaphore, #tpu.memory_space<semaphore_mem>>) src(%dma_wait3A_53 : memref<50x32xf32, #tpu.memory_space<vmem>>) dst(%dma_wait3A_50 : memref<50x32xf32, #tpu.memory_space<hbm>>)
    %add3A_54 = arith.constant 448 : i32
    %add3A_55 = arith.addi %mul3A_4, %add3A_54 : i32
    %add3A_56 = arith.constant 2 : i32
    %add3A_57 = arith.addi %add3A_55, %add3A_56 : i32
    %dma_wait3A_58 = arith.constant 100 : i32
    %dma_wait3A_59 = arith.constant 0 : i32
    %dma_wait3A_60 = tpu.memref_slice %arg6[%dma_wait3A_58, %dma_wait3A_59] : memref<1600x32xf32, #tpu.memory_space<vmem>> -> memref<50x32xf32, #tpu.memory_space<vmem>>
    %dma_wait3A_61 = arith.constant 0 : i32
    %dma_wait3A_62 = arith.constant 0 : i32
    %dma_wait3A_63 = tpu.memref_slice %arg4[%add3A_57, %dma_wait3A_61, %dma_wait3A_62] : memref<16384x50x32xf32, #tpu.memory_space<hbm>> -> memref<1x50x32xf32, #tpu.memory_space<hbm>>
    %dma_wait3A_64 = tpu.memref_squeeze %dma_wait3A_63 : memref<1x50x32xf32, #tpu.memory_space<hbm>> -> memref<50x32xf32, #tpu.memory_space<hbm>>
    %dma_wait3A_65 = arith.constant 0 : i32
    %dma_wait3A_66 = arith.constant 0 : i32
    %dma_wait3A_67 = tpu.memref_slice %arg4[%add3A_57, %dma_wait3A_65, %dma_wait3A_66] : memref<16384x50x32xf32, #tpu.memory_space<hbm>> -> memref<1x50x32xf32, #tpu.memory_space<hbm>>
    %dma_wait3A_68 = tpu.memref_squeeze %dma_wait3A_67 : memref<1x50x32xf32, #tpu.memory_space<hbm>> -> memref<50x32xf32, #tpu.memory_space<hbm>>
    %dma_wait3A_69 = arith.constant 100 : i32
    %dma_wait3A_70 = arith.constant 0 : i32
    %dma_wait3A_71 = tpu.memref_slice %arg6[%dma_wait3A_69, %dma_wait3A_70] : memref<1600x32xf32, #tpu.memory_space<vmem>> -> memref<50x32xf32, #tpu.memory_space<vmem>>
    tpu.wait_dma2 semaphore(%arg10 : memref<!tpu.dma_semaphore, #tpu.memory_space<semaphore_mem>>) src(%dma_wait3A_71 : memref<50x32xf32, #tpu.memory_space<vmem>>) dst(%dma_wait3A_68 : memref<50x32xf32, #tpu.memory_space<hbm>>)
    %add3A_72 = arith.constant 448 : i32
    %add3A_73 = arith.addi %mul3A_4, %add3A_72 : i32
    %add3A_74 = arith.constant 3 : i32
    %add3A_75 = arith.addi %add3A_73, %add3A_74 : i32
    %dma_wait3A_76 = arith.constant 150 : i32
    %dma_wait3A_77 = arith.constant 0 : i32
    %dma_wait3A_78 = tpu.memref_slice %arg6[%dma_wait3A_76, %dma_wait3A_77] : memref<1600x32xf32, #tpu.memory_space<vmem>> -> memref<50x32xf32, #tpu.memory_space<vmem>>
    %dma_wait3A_79 = arith.constant 0 : i32
    %dma_wait3A_80 = arith.constant 0 : i32
    %dma_wait3A_81 = tpu.memref_slice %arg4[%add3A_75, %dma_wait3A_79, %dma_wait3A_80] : memref<16384x50x32xf32, #tpu.memory_space<hbm>> -> memref<1x50x32xf32, #tpu.memory_space<hbm>>
    %dma_wait3A_82 = tpu.memref_squeeze %dma_wait3A_81 : memref<1x50x32xf32, #tpu.memory_space<hbm>> -> memref<50x32xf32, #tpu.memory_space<hbm>>
    %dma_wait3A_83 = arith.constant 0 : i32
    %dma_wait3A_84 = arith.constant 0 : i32
    %dma_wait3A_85 = tpu.memref_slice %arg4[%add3A_75, %dma_wait3A_83, %dma_wait3A_84] : memref<16384x50x32xf32, #tpu.memory_space<hbm>> -> memref<1x50x32xf32, #tpu.memory_space<hbm>>
    %dma_wait3A_86 = tpu.memref_squeeze %dma_wait3A_85 : memref<1x50x32xf32, #tpu.memory_space<hbm>> -> memref<50x32xf32, #tpu.memory_space<hbm>>
    %dma_wait3A_87 = arith.constant 150 : i32
    %dma_wait3A_88 = arith.constant 0 : i32
    %dma_wait3A_89 = tpu.memref_slice %arg6[%dma_wait3A_87, %dma_wait3A_88] : memref<1600x32xf32, #tpu.memory_space<vmem>> -> memref<50x32xf32, #tpu.memory_space<vmem>>
    tpu.wait_dma2 semaphore(%arg10 : memref<!tpu.dma_semaphore, #tpu.memory_space<semaphore_mem>>) src(%dma_wait3A_89 : memref<50x32xf32, #tpu.memory_space<vmem>>) dst(%dma_wait3A_86 : memref<50x32xf32, #tpu.memory_space<hbm>>)
    %add3A_90 = arith.constant 448 : i32
    %add3A_91 = arith.addi %mul3A_4, %add3A_90 : i32
    %add3A_92 = arith.constant 4 : i32
    %add3A_93 = arith.addi %add3A_91, %add3A_92 : i32
    %dma_wait3A_94 = arith.constant 200 : i32
    %dma_wait3A_95 = arith.constant 0 : i32
    %dma_wait3A_96 = tpu.memref_slice %arg6[%dma_wait3A_94, %dma_wait3A_95] : memref<1600x32xf32, #tpu.memory_space<vmem>> -> memref<50x32xf32, #tpu.memory_space<vmem>>
    %dma_wait3A_97 = arith.constant 0 : i32
    %dma_wait3A_98 = arith.constant 0 : i32
    %dma_wait3A_99 = tpu.memref_slice %arg4[%add3A_93, %dma_wait3A_97, %dma_wait3A_98] : memref<16384x50x32xf32, #tpu.memory_space<hbm>> -> memref<1x50x32xf32, #tpu.memory_space<hbm>>
    %dma_wait3A_100 = tpu.memref_squeeze %dma_wait3A_99 : memref<1x50x32xf32, #tpu.memory_space<hbm>> -> memref<50x32xf32, #tpu.memory_space<hbm>>
    %dma_wait3A_101 = arith.constant 0 : i32
    %dma_wait3A_102 = arith.constant 0 : i32
    %dma_wait3A_103 = tpu.memref_slice %arg4[%add3A_93, %dma_wait3A_101, %dma_wait3A_102] : memref<16384x50x32xf32, #tpu.memory_space<hbm>> -> memref<1x50x32xf32, #tpu.memory_space<hbm>>
    %dma_wait3A_104 = tpu.memref_squeeze %dma_wait3A_103 : memref<1x50x32xf32, #tpu.memory_space<hbm>> -> memref<50x32xf32, #tpu.memory_space<hbm>>
    %dma_wait3A_105 = arith.constant 200 : i32
    %dma_wait3A_106 = arith.constant 0 : i32
    %dma_wait3A_107 = tpu.memref_slice %arg6[%dma_wait3A_105, %dma_wait3A_106] : memref<1600x32xf32, #tpu.memory_space<vmem>> -> memref<50x32xf32, #tpu.memory_space<vmem>>
    tpu.wait_dma2 semaphore(%arg10 : memref<!tpu.dma_semaphore, #tpu.memory_space<semaphore_mem>>) src(%dma_wait3A_107 : memref<50x32xf32, #tpu.memory_space<vmem>>) dst(%dma_wait3A_104 : memref<50x32xf32, #tpu.memory_space<hbm>>)
    %add3A_108 = arith.constant 448 : i32
    %add3A_109 = arith.addi %mul3A_4, %add3A_108 : i32
    %add3A_110 = arith.constant 5 : i32
    %add3A_111 = arith.addi %add3A_109, %add3A_110 : i32
    %dma_wait3A_112 = arith.constant 250 : i32
    %dma_wait3A_113 = arith.constant 0 : i32
    %dma_wait3A_114 = tpu.memref_slice %arg6[%dma_wait3A_112, %dma_wait3A_113] : memref<1600x32xf32, #tpu.memory_space<vmem>> -> memref<50x32xf32, #tpu.memory_space<vmem>>
    %dma_wait3A_115 = arith.constant 0 : i32
    %dma_wait3A_116 = arith.constant 0 : i32
    %dma_wait3A_117 = tpu.memref_slice %arg4[%add3A_111, %dma_wait3A_115, %dma_wait3A_116] : memref<16384x50x32xf32, #tpu.memory_space<hbm>> -> memref<1x50x32xf32, #tpu.memory_space<hbm>>
    %dma_wait3A_118 = tpu.memref_squeeze %dma_wait3A_117 : memref<1x50x32xf32, #tpu.memory_space<hbm>> -> memref<50x32xf32, #tpu.memory_space<hbm>>
    %dma_wait3A_119 = arith.constant 0 : i32
    %dma_wait3A_120 = arith.constant 0 : i32
    %dma_wait3A_121 = tpu.memref_slice %arg4[%add3A_111, %dma_wait3A_119, %dma_wait3A_120] : memref<16384x50x32xf32, #tpu.memory_space<hbm>> -> memref<1x50x32xf32, #tpu.memory_space<hbm>>
    %dma_wait3A_122 = tpu.memref_squeeze %dma_wait3A_121 : memref<1x50x32xf32, #tpu.memory_space<hbm>> -> memref<50x32xf32, #tpu.memory_space<hbm>>
    %dma_wait3A_123 = arith.constant 250 : i32
    %dma_wait3A_124 = arith.constant 0 : i32
    %dma_wait3A_125 = tpu.memref_slice %arg6[%dma_wait3A_123, %dma_wait3A_124] : memref<1600x32xf32, #tpu.memory_space<vmem>> -> memref<50x32xf32, #tpu.memory_space<vmem>>
    tpu.wait_dma2 semaphore(%arg10 : memref<!tpu.dma_semaphore, #tpu.memory_space<semaphore_mem>>) src(%dma_wait3A_125 : memref<50x32xf32, #tpu.memory_space<vmem>>) dst(%dma_wait3A_122 : memref<50x32xf32, #tpu.memory_space<hbm>>)
    %add3A_126 = arith.constant 448 : i32
    %add3A_127 = arith.addi %mul3A_4, %add3A_126 : i32
    %add3A_128 = arith.constant 6 : i32
    %add3A_129 = arith.addi %add3A_127, %add3A_128 : i32
    %dma_wait3A_130 = arith.constant 300 : i32
    %dma_wait3A_131 = arith.constant 0 : i32
    %dma_wait3A_132 = tpu.memref_slice %arg6[%dma_wait3A_130, %dma_wait3A_131] : memref<1600x32xf32, #tpu.memory_space<vmem>> -> memref<50x32xf32, #tpu.memory_space<vmem>>
    %dma_wait3A_133 = arith.constant 0 : i32
    %dma_wait3A_134 = arith.constant 0 : i32
    %dma_wait3A_135 = tpu.memref_slice %arg4[%add3A_129, %dma_wait3A_133, %dma_wait3A_134] : memref<16384x50x32xf32, #tpu.memory_space<hbm>> -> memref<1x50x32xf32, #tpu.memory_space<hbm>>
    %dma_wait3A_136 = tpu.memref_squeeze %dma_wait3A_135 : memref<1x50x32xf32, #tpu.memory_space<hbm>> -> memref<50x32xf32, #tpu.memory_space<hbm>>
    %dma_wait3A_137 = arith.constant 0 : i32
    %dma_wait3A_138 = arith.constant 0 : i32
    %dma_wait3A_139 = tpu.memref_slice %arg4[%add3A_129, %dma_wait3A_137, %dma_wait3A_138] : memref<16384x50x32xf32, #tpu.memory_space<hbm>> -> memref<1x50x32xf32, #tpu.memory_space<hbm>>
    %dma_wait3A_140 = tpu.memref_squeeze %dma_wait3A_139 : memref<1x50x32xf32, #tpu.memory_space<hbm>> -> memref<50x32xf32, #tpu.memory_space<hbm>>
    %dma_wait3A_141 = arith.constant 300 : i32
    %dma_wait3A_142 = arith.constant 0 : i32
    %dma_wait3A_143 = tpu.memref_slice %arg6[%dma_wait3A_141, %dma_wait3A_142] : memref<1600x32xf32, #tpu.memory_space<vmem>> -> memref<50x32xf32, #tpu.memory_space<vmem>>
    tpu.wait_dma2 semaphore(%arg10 : memref<!tpu.dma_semaphore, #tpu.memory_space<semaphore_mem>>) src(%dma_wait3A_143 : memref<50x32xf32, #tpu.memory_space<vmem>>) dst(%dma_wait3A_140 : memref<50x32xf32, #tpu.memory_space<hbm>>)
    %add3A_144 = arith.constant 448 : i32
    %add3A_145 = arith.addi %mul3A_4, %add3A_144 : i32
    %add3A_146 = arith.constant 7 : i32
    %add3A_147 = arith.addi %add3A_145, %add3A_146 : i32
    %dma_wait3A_148 = arith.constant 350 : i32
    %dma_wait3A_149 = arith.constant 0 : i32
    %dma_wait3A_150 = tpu.memref_slice %arg6[%dma_wait3A_148, %dma_wait3A_149] : memref<1600x32xf32, #tpu.memory_space<vmem>> -> memref<50x32xf32, #tpu.memory_space<vmem>>
    %dma_wait3A_151 = arith.constant 0 : i32
    %dma_wait3A_152 = arith.constant 0 : i32
    %dma_wait3A_153 = tpu.memref_slice %arg4[%add3A_147, %dma_wait3A_151, %dma_wait3A_152] : memref<16384x50x32xf32, #tpu.memory_space<hbm>> -> memref<1x50x32xf32, #tpu.memory_space<hbm>>
    %dma_wait3A_154 = tpu.memref_squeeze %dma_wait3A_153 : memref<1x50x32xf32, #tpu.memory_space<hbm>> -> memref<50x32xf32, #tpu.memory_space<hbm>>
    %dma_wait3A_155 = arith.constant 0 : i32
    %dma_wait3A_156 = arith.constant 0 : i32
    %dma_wait3A_157 = tpu.memref_slice %arg4[%add3A_147, %dma_wait3A_155, %dma_wait3A_156] : memref<16384x50x32xf32, #tpu.memory_space<hbm>> -> memref<1x50x32xf32, #tpu.memory_space<hbm>>
    %dma_wait3A_158 = tpu.memref_squeeze %dma_wait3A_157 : memref<1x50x32xf32, #tpu.memory_space<hbm>> -> memref<50x32xf32, #tpu.memory_space<hbm>>
    %dma_wait3A_159 = arith.constant 350 : i32
    %dma_wait3A_160 = arith.constant 0 : i32
    %dma_wait3A_161 = tpu.memref_slice %arg6[%dma_wait3A_159, %dma_wait3A_160] : memref<1600x32xf32, #tpu.memory_space<vmem>> -> memref<50x32xf32, #tpu.memory_space<vmem>>
    tpu.wait_dma2 semaphore(%arg10 : memref<!tpu.dma_semaphore, #tpu.memory_space<semaphore_mem>>) src(%dma_wait3A_161 : memref<50x32xf32, #tpu.memory_space<vmem>>) dst(%dma_wait3A_158 : memref<50x32xf32, #tpu.memory_space<hbm>>)
    %add3A_162 = arith.constant 448 : i32
    %add3A_163 = arith.addi %mul3A_4, %add3A_162 : i32
    %add3A_164 = arith.constant 8 : i32
    %add3A_165 = arith.addi %add3A_163, %add3A_164 : i32
    %dma_wait3A_166 = arith.constant 400 : i32
    %dma_wait3A_167 = arith.constant 0 : i32
    %dma_wait3A_168 = tpu.memref_slice %arg6[%dma_wait3A_166, %dma_wait3A_167] : memref<1600x32xf32, #tpu.memory_space<vmem>> -> memref<50x32xf32, #tpu.memory_space<vmem>>
    %dma_wait3A_169 = arith.constant 0 : i32
    %dma_wait3A_170 = arith.constant 0 : i32
    %dma_wait3A_171 = tpu.memref_slice %arg4[%add3A_165, %dma_wait3A_169, %dma_wait3A_170] : memref<16384x50x32xf32, #tpu.memory_space<hbm>> -> memref<1x50x32xf32, #tpu.memory_space<hbm>>
    %dma_wait3A_172 = tpu.memref_squeeze %dma_wait3A_171 : memref<1x50x32xf32, #tpu.memory_space<hbm>> -> memref<50x32xf32, #tpu.memory_space<hbm>>
    %dma_wait3A_173 = arith.constant 0 : i32
    %dma_wait3A_174 = arith.constant 0 : i32
    %dma_wait3A_175 = tpu.memref_slice %arg4[%add3A_165, %dma_wait3A_173, %dma_wait3A_174] : memref<16384x50x32xf32, #tpu.memory_space<hbm>> -> memref<1x50x32xf32, #tpu.memory_space<hbm>>
    %dma_wait3A_176 = tpu.memref_squeeze %dma_wait3A_175 : memref<1x50x32xf32, #tpu.memory_space<hbm>> -> memref<50x32xf32, #tpu.memory_space<hbm>>
    %dma_wait3A_177 = arith.constant 400 : i32
    %dma_wait3A_178 = arith.constant 0 : i32
    %dma_wait3A_179 = tpu.memref_slice %arg6[%dma_wait3A_177, %dma_wait3A_178] : memref<1600x32xf32, #tpu.memory_space<vmem>> -> memref<50x32xf32, #tpu.memory_space<vmem>>
    tpu.wait_dma2 semaphore(%arg10 : memref<!tpu.dma_semaphore, #tpu.memory_space<semaphore_mem>>) src(%dma_wait3A_179 : memref<50x32xf32, #tpu.memory_space<vmem>>) dst(%dma_wait3A_176 : memref<50x32xf32, #tpu.memory_space<hbm>>)
    %add3A_180 = arith.constant 448 : i32
    %add3A_181 = arith.addi %mul3A_4, %add3A_180 : i32
    %add3A_182 = arith.constant 9 : i32
    %add3A_183 = arith.addi %add3A_181, %add3A_182 : i32
    %dma_wait3A_184 = arith.constant 450 : i32
    %dma_wait3A_185 = arith.constant 0 : i32
    %dma_wait3A_186 = tpu.memref_slice %arg6[%dma_wait3A_184, %dma_wait3A_185] : memref<1600x32xf32, #tpu.memory_space<vmem>> -> memref<50x32xf32, #tpu.memory_space<vmem>>
    %dma_wait3A_187 = arith.constant 0 : i32
    %dma_wait3A_188 = arith.constant 0 : i32
    %dma_wait3A_189 = tpu.memref_slice %arg4[%add3A_183, %dma_wait3A_187, %dma_wait3A_188] : memref<16384x50x32xf32, #tpu.memory_space<hbm>> -> memref<1x50x32xf32, #tpu.memory_space<hbm>>
    %dma_wait3A_190 = tpu.memref_squeeze %dma_wait3A_189 : memref<1x50x32xf32, #tpu.memory_space<hbm>> -> memref<50x32xf32, #tpu.memory_space<hbm>>
    %dma_wait3A_191 = arith.constant 0 : i32
    %dma_wait3A_192 = arith.constant 0 : i32
    %dma_wait3A_193 = tpu.memref_slice %arg4[%add3A_183, %dma_wait3A_191, %dma_wait3A_192] : memref<16384x50x32xf32, #tpu.memory_space<hbm>> -> memref<1x50x32xf32, #tpu.memory_space<hbm>>
    %dma_wait3A_194 = tpu.memref_squeeze %dma_wait3A_193 : memref<1x50x32xf32, #tpu.memory_space<hbm>> -> memref<50x32xf32, #tpu.memory_space<hbm>>
    %dma_wait3A_195 = arith.constant 450 : i32
    %dma_wait3A_196 = arith.constant 0 : i32
    %dma_wait3A_197 = tpu.memref_slice %arg6[%dma_wait3A_195, %dma_wait3A_196] : memref<1600x32xf32, #tpu.memory_space<vmem>> -> memref<50x32xf32, #tpu.memory_space<vmem>>
    tpu.wait_dma2 semaphore(%arg10 : memref<!tpu.dma_semaphore, #tpu.memory_space<semaphore_mem>>) src(%dma_wait3A_197 : memref<50x32xf32, #tpu.memory_space<vmem>>) dst(%dma_wait3A_194 : memref<50x32xf32, #tpu.memory_space<hbm>>)
    %add3A_198 = arith.constant 448 : i32
    %add3A_199 = arith.addi %mul3A_4, %add3A_198 : i32
    %add3A_200 = arith.constant 10 : i32
    %add3A_201 = arith.addi %add3A_199, %add3A_200 : i32
    %dma_wait3A_202 = arith.constant 500 : i32
    %dma_wait3A_203 = arith.constant 0 : i32
    %dma_wait3A_204 = tpu.memref_slice %arg6[%dma_wait3A_202, %dma_wait3A_203] : memref<1600x32xf32, #tpu.memory_space<vmem>> -> memref<50x32xf32, #tpu.memory_space<vmem>>
    %dma_wait3A_205 = arith.constant 0 : i32
    %dma_wait3A_206 = arith.constant 0 : i32
    %dma_wait3A_207 = tpu.memref_slice %arg4[%add3A_201, %dma_wait3A_205, %dma_wait3A_206] : memref<16384x50x32xf32, #tpu.memory_space<hbm>> -> memref<1x50x32xf32, #tpu.memory_space<hbm>>
    %dma_wait3A_208 = tpu.memref_squeeze %dma_wait3A_207 : memref<1x50x32xf32, #tpu.memory_space<hbm>> -> memref<50x32xf32, #tpu.memory_space<hbm>>
    %dma_wait3A_209 = arith.constant 0 : i32
    %dma_wait3A_210 = arith.constant 0 : i32
    %dma_wait3A_211 = tpu.memref_slice %arg4[%add3A_201, %dma_wait3A_209, %dma_wait3A_210] : memref<16384x50x32xf32, #tpu.memory_space<hbm>> -> memref<1x50x32xf32, #tpu.memory_space<hbm>>
    %dma_wait3A_212 = tpu.memref_squeeze %dma_wait3A_211 : memref<1x50x32xf32, #tpu.memory_space<hbm>> -> memref<50x32xf32, #tpu.memory_space<hbm>>
    %dma_wait3A_213 = arith.constant 500 : i32
    %dma_wait3A_214 = arith.constant 0 : i32
    %dma_wait3A_215 = tpu.memref_slice %arg6[%dma_wait3A_213, %dma_wait3A_214] : memref<1600x32xf32, #tpu.memory_space<vmem>> -> memref<50x32xf32, #tpu.memory_space<vmem>>
    tpu.wait_dma2 semaphore(%arg10 : memref<!tpu.dma_semaphore, #tpu.memory_space<semaphore_mem>>) src(%dma_wait3A_215 : memref<50x32xf32, #tpu.memory_space<vmem>>) dst(%dma_wait3A_212 : memref<50x32xf32, #tpu.memory_space<hbm>>)
    %add3A_216 = arith.constant 448 : i32
    %add3A_217 = arith.addi %mul3A_4, %add3A_216 : i32
    %add3A_218 = arith.constant 11 : i32
    %add3A_219 = arith.addi %add3A_217, %add3A_218 : i32
    %dma_wait3A_220 = arith.constant 550 : i32
    %dma_wait3A_221 = arith.constant 0 : i32
    %dma_wait3A_222 = tpu.memref_slice %arg6[%dma_wait3A_220, %dma_wait3A_221] : memref<1600x32xf32, #tpu.memory_space<vmem>> -> memref<50x32xf32, #tpu.memory_space<vmem>>
    %dma_wait3A_223 = arith.constant 0 : i32
    %dma_wait3A_224 = arith.constant 0 : i32
    %dma_wait3A_225 = tpu.memref_slice %arg4[%add3A_219, %dma_wait3A_223, %dma_wait3A_224] : memref<16384x50x32xf32, #tpu.memory_space<hbm>> -> memref<1x50x32xf32, #tpu.memory_space<hbm>>
    %dma_wait3A_226 = tpu.memref_squeeze %dma_wait3A_225 : memref<1x50x32xf32, #tpu.memory_space<hbm>> -> memref<50x32xf32, #tpu.memory_space<hbm>>
    %dma_wait3A_227 = arith.constant 0 : i32
    %dma_wait3A_228 = arith.constant 0 : i32
    %dma_wait3A_229 = tpu.memref_slice %arg4[%add3A_219, %dma_wait3A_227, %dma_wait3A_228] : memref<16384x50x32xf32, #tpu.memory_space<hbm>> -> memref<1x50x32xf32, #tpu.memory_space<hbm>>
    %dma_wait3A_230 = tpu.memref_squeeze %dma_wait3A_229 : memref<1x50x32xf32, #tpu.memory_space<hbm>> -> memref<50x32xf32, #tpu.memory_space<hbm>>
    %dma_wait3A_231 = arith.constant 550 : i32
    %dma_wait3A_232 = arith.constant 0 : i32
    %dma_wait3A_233 = tpu.memref_slice %arg6[%dma_wait3A_231, %dma_wait3A_232] : memref<1600x32xf32, #tpu.memory_space<vmem>> -> memref<50x32xf32, #tpu.memory_space<vmem>>
    tpu.wait_dma2 semaphore(%arg10 : memref<!tpu.dma_semaphore, #tpu.memory_space<semaphore_mem>>) src(%dma_wait3A_233 : memref<50x32xf32, #tpu.memory_space<vmem>>) dst(%dma_wait3A_230 : memref<50x32xf32, #tpu.memory_space<hbm>>)
    %add3A_234 = arith.constant 448 : i32
    %add3A_235 = arith.addi %mul3A_4, %add3A_234 : i32
    %add3A_236 = arith.constant 12 : i32
    %add3A_237 = arith.addi %add3A_235, %add3A_236 : i32
    %dma_wait3A_238 = arith.constant 600 : i32
    %dma_wait3A_239 = arith.constant 0 : i32
    %dma_wait3A_240 = tpu.memref_slice %arg6[%dma_wait3A_238, %dma_wait3A_239] : memref<1600x32xf32, #tpu.memory_space<vmem>> -> memref<50x32xf32, #tpu.memory_space<vmem>>
    %dma_wait3A_241 = arith.constant 0 : i32
    %dma_wait3A_242 = arith.constant 0 : i32
    %dma_wait3A_243 = tpu.memref_slice %arg4[%add3A_237, %dma_wait3A_241, %dma_wait3A_242] : memref<16384x50x32xf32, #tpu.memory_space<hbm>> -> memref<1x50x32xf32, #tpu.memory_space<hbm>>
    %dma_wait3A_244 = tpu.memref_squeeze %dma_wait3A_243 : memref<1x50x32xf32, #tpu.memory_space<hbm>> -> memref<50x32xf32, #tpu.memory_space<hbm>>
    %dma_wait3A_245 = arith.constant 0 : i32
    %dma_wait3A_246 = arith.constant 0 : i32
    %dma_wait3A_247 = tpu.memref_slice %arg4[%add3A_237, %dma_wait3A_245, %dma_wait3A_246] : memref<16384x50x32xf32, #tpu.memory_space<hbm>> -> memref<1x50x32xf32, #tpu.memory_space<hbm>>
    %dma_wait3A_248 = tpu.memref_squeeze %dma_wait3A_247 : memref<1x50x32xf32, #tpu.memory_space<hbm>> -> memref<50x32xf32, #tpu.memory_space<hbm>>
    %dma_wait3A_249 = arith.constant 600 : i32
    %dma_wait3A_250 = arith.constant 0 : i32
    %dma_wait3A_251 = tpu.memref_slice %arg6[%dma_wait3A_249, %dma_wait3A_250] : memref<1600x32xf32, #tpu.memory_space<vmem>> -> memref<50x32xf32, #tpu.memory_space<vmem>>
    tpu.wait_dma2 semaphore(%arg10 : memref<!tpu.dma_semaphore, #tpu.memory_space<semaphore_mem>>) src(%dma_wait3A_251 : memref<50x32xf32, #tpu.memory_space<vmem>>) dst(%dma_wait3A_248 : memref<50x32xf32, #tpu.memory_space<hbm>>)
    %add3A_252 = arith.constant 448 : i32
    %add3A_253 = arith.addi %mul3A_4, %add3A_252 : i32
    %add3A_254 = arith.constant 13 : i32
    %add3A_255 = arith.addi %add3A_253, %add3A_254 : i32
    %dma_wait3A_256 = arith.constant 650 : i32
    %dma_wait3A_257 = arith.constant 0 : i32
    %dma_wait3A_258 = tpu.memref_slice %arg6[%dma_wait3A_256, %dma_wait3A_257] : memref<1600x32xf32, #tpu.memory_space<vmem>> -> memref<50x32xf32, #tpu.memory_space<vmem>>
    %dma_wait3A_259 = arith.constant 0 : i32
    %dma_wait3A_260 = arith.constant 0 : i32
    %dma_wait3A_261 = tpu.memref_slice %arg4[%add3A_255, %dma_wait3A_259, %dma_wait3A_260] : memref<16384x50x32xf32, #tpu.memory_space<hbm>> -> memref<1x50x32xf32, #tpu.memory_space<hbm>>
    %dma_wait3A_262 = tpu.memref_squeeze %dma_wait3A_261 : memref<1x50x32xf32, #tpu.memory_space<hbm>> -> memref<50x32xf32, #tpu.memory_space<hbm>>
    %dma_wait3A_263 = arith.constant 0 : i32
    %dma_wait3A_264 = arith.constant 0 : i32
    %dma_wait3A_265 = tpu.memref_slice %arg4[%add3A_255, %dma_wait3A_263, %dma_wait3A_264] : memref<16384x50x32xf32, #tpu.memory_space<hbm>> -> memref<1x50x32xf32, #tpu.memory_space<hbm>>
    %dma_wait3A_266 = tpu.memref_squeeze %dma_wait3A_265 : memref<1x50x32xf32, #tpu.memory_space<hbm>> -> memref<50x32xf32, #tpu.memory_space<hbm>>
    %dma_wait3A_267 = arith.constant 650 : i32
    %dma_wait3A_268 = arith.constant 0 : i32
    %dma_wait3A_269 = tpu.memref_slice %arg6[%dma_wait3A_267, %dma_wait3A_268] : memref<1600x32xf32, #tpu.memory_space<vmem>> -> memref<50x32xf32, #tpu.memory_space<vmem>>
    tpu.wait_dma2 semaphore(%arg10 : memref<!tpu.dma_semaphore, #tpu.memory_space<semaphore_mem>>) src(%dma_wait3A_269 : memref<50x32xf32, #tpu.memory_space<vmem>>) dst(%dma_wait3A_266 : memref<50x32xf32, #tpu.memory_space<hbm>>)
    %add3A_270 = arith.constant 448 : i32
    %add3A_271 = arith.addi %mul3A_4, %add3A_270 : i32
    %add3A_272 = arith.constant 14 : i32
    %add3A_273 = arith.addi %add3A_271, %add3A_272 : i32
    %dma_wait3A_274 = arith.constant 700 : i32
    %dma_wait3A_275 = arith.constant 0 : i32
    %dma_wait3A_276 = tpu.memref_slice %arg6[%dma_wait3A_274, %dma_wait3A_275] : memref<1600x32xf32, #tpu.memory_space<vmem>> -> memref<50x32xf32, #tpu.memory_space<vmem>>
    %dma_wait3A_277 = arith.constant 0 : i32
    %dma_wait3A_278 = arith.constant 0 : i32
    %dma_wait3A_279 = tpu.memref_slice %arg4[%add3A_273, %dma_wait3A_277, %dma_wait3A_278] : memref<16384x50x32xf32, #tpu.memory_space<hbm>> -> memref<1x50x32xf32, #tpu.memory_space<hbm>>
    %dma_wait3A_280 = tpu.memref_squeeze %dma_wait3A_279 : memref<1x50x32xf32, #tpu.memory_space<hbm>> -> memref<50x32xf32, #tpu.memory_space<hbm>>
    %dma_wait3A_281 = arith.constant 0 : i32
    %dma_wait3A_282 = arith.constant 0 : i32
    %dma_wait3A_283 = tpu.memref_slice %arg4[%add3A_273, %dma_wait3A_281, %dma_wait3A_282] : memref<16384x50x32xf32, #tpu.memory_space<hbm>> -> memref<1x50x32xf32, #tpu.memory_space<hbm>>
    %dma_wait3A_284 = tpu.memref_squeeze %dma_wait3A_283 : memref<1x50x32xf32, #tpu.memory_space<hbm>> -> memref<50x32xf32, #tpu.memory_space<hbm>>
    %dma_wait3A_285 = arith.constant 700 : i32
    %dma_wait3A_286 = arith.constant 0 : i32
    %dma_wait3A_287 = tpu.memref_slice %arg6[%dma_wait3A_285, %dma_wait3A_286] : memref<1600x32xf32, #tpu.memory_space<vmem>> -> memref<50x32xf32, #tpu.memory_space<vmem>>
    tpu.wait_dma2 semaphore(%arg10 : memref<!tpu.dma_semaphore, #tpu.memory_space<semaphore_mem>>) src(%dma_wait3A_287 : memref<50x32xf32, #tpu.memory_space<vmem>>) dst(%dma_wait3A_284 : memref<50x32xf32, #tpu.memory_space<hbm>>)
    %add3A_288 = arith.constant 448 : i32
    %add3A_289 = arith.addi %mul3A_4, %add3A_288 : i32
    %add3A_290 = arith.constant 15 : i32
    %add3A_291 = arith.addi %add3A_289, %add3A_290 : i32
    %dma_wait3A_292 = arith.constant 750 : i32
    %dma_wait3A_293 = arith.constant 0 : i32
    %dma_wait3A_294 = tpu.memref_slice %arg6[%dma_wait3A_292, %dma_wait3A_293] : memref<1600x32xf32, #tpu.memory_space<vmem>> -> memref<50x32xf32, #tpu.memory_space<vmem>>
    %dma_wait3A_295 = arith.constant 0 : i32
    %dma_wait3A_296 = arith.constant 0 : i32
    %dma_wait3A_297 = tpu.memref_slice %arg4[%add3A_291, %dma_wait3A_295, %dma_wait3A_296] : memref<16384x50x32xf32, #tpu.memory_space<hbm>> -> memref<1x50x32xf32, #tpu.memory_space<hbm>>
    %dma_wait3A_298 = tpu.memref_squeeze %dma_wait3A_297 : memref<1x50x32xf32, #tpu.memory_space<hbm>> -> memref<50x32xf32, #tpu.memory_space<hbm>>
    %dma_wait3A_299 = arith.constant 0 : i32
    %dma_wait3A_300 = arith.constant 0 : i32
    %dma_wait3A_301 = tpu.memref_slice %arg4[%add3A_291, %dma_wait3A_299, %dma_wait3A_300] : memref<16384x50x32xf32, #tpu.memory_space<hbm>> -> memref<1x50x32xf32, #tpu.memory_space<hbm>>
    %dma_wait3A_302 = tpu.memref_squeeze %dma_wait3A_301 : memref<1x50x32xf32, #tpu.memory_space<hbm>> -> memref<50x32xf32, #tpu.memory_space<hbm>>
    %dma_wait3A_303 = arith.constant 750 : i32
    %dma_wait3A_304 = arith.constant 0 : i32
    %dma_wait3A_305 = tpu.memref_slice %arg6[%dma_wait3A_303, %dma_wait3A_304] : memref<1600x32xf32, #tpu.memory_space<vmem>> -> memref<50x32xf32, #tpu.memory_space<vmem>>
    tpu.wait_dma2 semaphore(%arg10 : memref<!tpu.dma_semaphore, #tpu.memory_space<semaphore_mem>>) src(%dma_wait3A_305 : memref<50x32xf32, #tpu.memory_space<vmem>>) dst(%dma_wait3A_302 : memref<50x32xf32, #tpu.memory_space<hbm>>)
    %add3A_306 = arith.constant 448 : i32
    %add3A_307 = arith.addi %mul3A_4, %add3A_306 : i32
    %add3A_308 = arith.constant 16 : i32
    %add3A_309 = arith.addi %add3A_307, %add3A_308 : i32
    %dma_wait3A_310 = arith.constant 800 : i32
    %dma_wait3A_311 = arith.constant 0 : i32
    %dma_wait3A_312 = tpu.memref_slice %arg6[%dma_wait3A_310, %dma_wait3A_311] : memref<1600x32xf32, #tpu.memory_space<vmem>> -> memref<50x32xf32, #tpu.memory_space<vmem>>
    %dma_wait3A_313 = arith.constant 0 : i32
    %dma_wait3A_314 = arith.constant 0 : i32
    %dma_wait3A_315 = tpu.memref_slice %arg4[%add3A_309, %dma_wait3A_313, %dma_wait3A_314] : memref<16384x50x32xf32, #tpu.memory_space<hbm>> -> memref<1x50x32xf32, #tpu.memory_space<hbm>>
    %dma_wait3A_316 = tpu.memref_squeeze %dma_wait3A_315 : memref<1x50x32xf32, #tpu.memory_space<hbm>> -> memref<50x32xf32, #tpu.memory_space<hbm>>
    %dma_wait3A_317 = arith.constant 0 : i32
    %dma_wait3A_318 = arith.constant 0 : i32
    %dma_wait3A_319 = tpu.memref_slice %arg4[%add3A_309, %dma_wait3A_317, %dma_wait3A_318] : memref<16384x50x32xf32, #tpu.memory_space<hbm>> -> memref<1x50x32xf32, #tpu.memory_space<hbm>>
    %dma_wait3A_320 = tpu.memref_squeeze %dma_wait3A_319 : memref<1x50x32xf32, #tpu.memory_space<hbm>> -> memref<50x32xf32, #tpu.memory_space<hbm>>
    %dma_wait3A_321 = arith.constant 800 : i32
    %dma_wait3A_322 = arith.constant 0 : i32
    %dma_wait3A_323 = tpu.memref_slice %arg6[%dma_wait3A_321, %dma_wait3A_322] : memref<1600x32xf32, #tpu.memory_space<vmem>> -> memref<50x32xf32, #tpu.memory_space<vmem>>
    tpu.wait_dma2 semaphore(%arg10 : memref<!tpu.dma_semaphore, #tpu.memory_space<semaphore_mem>>) src(%dma_wait3A_323 : memref<50x32xf32, #tpu.memory_space<vmem>>) dst(%dma_wait3A_320 : memref<50x32xf32, #tpu.memory_space<hbm>>)
    %add3A_324 = arith.constant 448 : i32
    %add3A_325 = arith.addi %mul3A_4, %add3A_324 : i32
    %add3A_326 = arith.constant 17 : i32
    %add3A_327 = arith.addi %add3A_325, %add3A_326 : i32
    %dma_wait3A_328 = arith.constant 850 : i32
    %dma_wait3A_329 = arith.constant 0 : i32
    %dma_wait3A_330 = tpu.memref_slice %arg6[%dma_wait3A_328, %dma_wait3A_329] : memref<1600x32xf32, #tpu.memory_space<vmem>> -> memref<50x32xf32, #tpu.memory_space<vmem>>
    %dma_wait3A_331 = arith.constant 0 : i32
    %dma_wait3A_332 = arith.constant 0 : i32
    %dma_wait3A_333 = tpu.memref_slice %arg4[%add3A_327, %dma_wait3A_331, %dma_wait3A_332] : memref<16384x50x32xf32, #tpu.memory_space<hbm>> -> memref<1x50x32xf32, #tpu.memory_space<hbm>>
    %dma_wait3A_334 = tpu.memref_squeeze %dma_wait3A_333 : memref<1x50x32xf32, #tpu.memory_space<hbm>> -> memref<50x32xf32, #tpu.memory_space<hbm>>
    %dma_wait3A_335 = arith.constant 0 : i32
    %dma_wait3A_336 = arith.constant 0 : i32
    %dma_wait3A_337 = tpu.memref_slice %arg4[%add3A_327, %dma_wait3A_335, %dma_wait3A_336] : memref<16384x50x32xf32, #tpu.memory_space<hbm>> -> memref<1x50x32xf32, #tpu.memory_space<hbm>>
    %dma_wait3A_338 = tpu.memref_squeeze %dma_wait3A_337 : memref<1x50x32xf32, #tpu.memory_space<hbm>> -> memref<50x32xf32, #tpu.memory_space<hbm>>
    %dma_wait3A_339 = arith.constant 850 : i32
    %dma_wait3A_340 = arith.constant 0 : i32
    %dma_wait3A_341 = tpu.memref_slice %arg6[%dma_wait3A_339, %dma_wait3A_340] : memref<1600x32xf32, #tpu.memory_space<vmem>> -> memref<50x32xf32, #tpu.memory_space<vmem>>
    tpu.wait_dma2 semaphore(%arg10 : memref<!tpu.dma_semaphore, #tpu.memory_space<semaphore_mem>>) src(%dma_wait3A_341 : memref<50x32xf32, #tpu.memory_space<vmem>>) dst(%dma_wait3A_338 : memref<50x32xf32, #tpu.memory_space<hbm>>)
    %add3A_342 = arith.constant 448 : i32
    %add3A_343 = arith.addi %mul3A_4, %add3A_342 : i32
    %add3A_344 = arith.constant 18 : i32
    %add3A_345 = arith.addi %add3A_343, %add3A_344 : i32
    %dma_wait3A_346 = arith.constant 900 : i32
    %dma_wait3A_347 = arith.constant 0 : i32
    %dma_wait3A_348 = tpu.memref_slice %arg6[%dma_wait3A_346, %dma_wait3A_347] : memref<1600x32xf32, #tpu.memory_space<vmem>> -> memref<50x32xf32, #tpu.memory_space<vmem>>
    %dma_wait3A_349 = arith.constant 0 : i32
    %dma_wait3A_350 = arith.constant 0 : i32
    %dma_wait3A_351 = tpu.memref_slice %arg4[%add3A_345, %dma_wait3A_349, %dma_wait3A_350] : memref<16384x50x32xf32, #tpu.memory_space<hbm>> -> memref<1x50x32xf32, #tpu.memory_space<hbm>>
    %dma_wait3A_352 = tpu.memref_squeeze %dma_wait3A_351 : memref<1x50x32xf32, #tpu.memory_space<hbm>> -> memref<50x32xf32, #tpu.memory_space<hbm>>
    %dma_wait3A_353 = arith.constant 0 : i32
    %dma_wait3A_354 = arith.constant 0 : i32
    %dma_wait3A_355 = tpu.memref_slice %arg4[%add3A_345, %dma_wait3A_353, %dma_wait3A_354] : memref<16384x50x32xf32, #tpu.memory_space<hbm>> -> memref<1x50x32xf32, #tpu.memory_space<hbm>>
    %dma_wait3A_356 = tpu.memref_squeeze %dma_wait3A_355 : memref<1x50x32xf32, #tpu.memory_space<hbm>> -> memref<50x32xf32, #tpu.memory_space<hbm>>
    %dma_wait3A_357 = arith.constant 900 : i32
    %dma_wait3A_358 = arith.constant 0 : i32
    %dma_wait3A_359 = tpu.memref_slice %arg6[%dma_wait3A_357, %dma_wait3A_358] : memref<1600x32xf32, #tpu.memory_space<vmem>> -> memref<50x32xf32, #tpu.memory_space<vmem>>
    tpu.wait_dma2 semaphore(%arg10 : memref<!tpu.dma_semaphore, #tpu.memory_space<semaphore_mem>>) src(%dma_wait3A_359 : memref<50x32xf32, #tpu.memory_space<vmem>>) dst(%dma_wait3A_356 : memref<50x32xf32, #tpu.memory_space<hbm>>)
    %add3A_360 = arith.constant 448 : i32
    %add3A_361 = arith.addi %mul3A_4, %add3A_360 : i32
    %add3A_362 = arith.constant 19 : i32
    %add3A_363 = arith.addi %add3A_361, %add3A_362 : i32
    %dma_wait3A_364 = arith.constant 950 : i32
    %dma_wait3A_365 = arith.constant 0 : i32
    %dma_wait3A_366 = tpu.memref_slice %arg6[%dma_wait3A_364, %dma_wait3A_365] : memref<1600x32xf32, #tpu.memory_space<vmem>> -> memref<50x32xf32, #tpu.memory_space<vmem>>
    %dma_wait3A_367 = arith.constant 0 : i32
    %dma_wait3A_368 = arith.constant 0 : i32
    %dma_wait3A_369 = tpu.memref_slice %arg4[%add3A_363, %dma_wait3A_367, %dma_wait3A_368] : memref<16384x50x32xf32, #tpu.memory_space<hbm>> -> memref<1x50x32xf32, #tpu.memory_space<hbm>>
    %dma_wait3A_370 = tpu.memref_squeeze %dma_wait3A_369 : memref<1x50x32xf32, #tpu.memory_space<hbm>> -> memref<50x32xf32, #tpu.memory_space<hbm>>
    %dma_wait3A_371 = arith.constant 0 : i32
    %dma_wait3A_372 = arith.constant 0 : i32
    %dma_wait3A_373 = tpu.memref_slice %arg4[%add3A_363, %dma_wait3A_371, %dma_wait3A_372] : memref<16384x50x32xf32, #tpu.memory_space<hbm>> -> memref<1x50x32xf32, #tpu.memory_space<hbm>>
    %dma_wait3A_374 = tpu.memref_squeeze %dma_wait3A_373 : memref<1x50x32xf32, #tpu.memory_space<hbm>> -> memref<50x32xf32, #tpu.memory_space<hbm>>
    %dma_wait3A_375 = arith.constant 950 : i32
    %dma_wait3A_376 = arith.constant 0 : i32
    %dma_wait3A_377 = tpu.memref_slice %arg6[%dma_wait3A_375, %dma_wait3A_376] : memref<1600x32xf32, #tpu.memory_space<vmem>> -> memref<50x32xf32, #tpu.memory_space<vmem>>
    tpu.wait_dma2 semaphore(%arg10 : memref<!tpu.dma_semaphore, #tpu.memory_space<semaphore_mem>>) src(%dma_wait3A_377 : memref<50x32xf32, #tpu.memory_space<vmem>>) dst(%dma_wait3A_374 : memref<50x32xf32, #tpu.memory_space<hbm>>)
    %add3A_378 = arith.constant 448 : i32
    %add3A_379 = arith.addi %mul3A_4, %add3A_378 : i32
    %add3A_380 = arith.constant 20 : i32
    %add3A_381 = arith.addi %add3A_379, %add3A_380 : i32
    %dma_wait3A_382 = arith.constant 1000 : i32
    %dma_wait3A_383 = arith.constant 0 : i32
    %dma_wait3A_384 = tpu.memref_slice %arg6[%dma_wait3A_382, %dma_wait3A_383] : memref<1600x32xf32, #tpu.memory_space<vmem>> -> memref<50x32xf32, #tpu.memory_space<vmem>>
    %dma_wait3A_385 = arith.constant 0 : i32
    %dma_wait3A_386 = arith.constant 0 : i32
    %dma_wait3A_387 = tpu.memref_slice %arg4[%add3A_381, %dma_wait3A_385, %dma_wait3A_386] : memref<16384x50x32xf32, #tpu.memory_space<hbm>> -> memref<1x50x32xf32, #tpu.memory_space<hbm>>
    %dma_wait3A_388 = tpu.memref_squeeze %dma_wait3A_387 : memref<1x50x32xf32, #tpu.memory_space<hbm>> -> memref<50x32xf32, #tpu.memory_space<hbm>>
    %dma_wait3A_389 = arith.constant 0 : i32
    %dma_wait3A_390 = arith.constant 0 : i32
    %dma_wait3A_391 = tpu.memref_slice %arg4[%add3A_381, %dma_wait3A_389, %dma_wait3A_390] : memref<16384x50x32xf32, #tpu.memory_space<hbm>> -> memref<1x50x32xf32, #tpu.memory_space<hbm>>
    %dma_wait3A_392 = tpu.memref_squeeze %dma_wait3A_391 : memref<1x50x32xf32, #tpu.memory_space<hbm>> -> memref<50x32xf32, #tpu.memory_space<hbm>>
    %dma_wait3A_393 = arith.constant 1000 : i32
    %dma_wait3A_394 = arith.constant 0 : i32
    %dma_wait3A_395 = tpu.memref_slice %arg6[%dma_wait3A_393, %dma_wait3A_394] : memref<1600x32xf32, #tpu.memory_space<vmem>> -> memref<50x32xf32, #tpu.memory_space<vmem>>
    tpu.wait_dma2 semaphore(%arg10 : memref<!tpu.dma_semaphore, #tpu.memory_space<semaphore_mem>>) src(%dma_wait3A_395 : memref<50x32xf32, #tpu.memory_space<vmem>>) dst(%dma_wait3A_392 : memref<50x32xf32, #tpu.memory_space<hbm>>)
    %add3A_396 = arith.constant 448 : i32
    %add3A_397 = arith.addi %mul3A_4, %add3A_396 : i32
    %add3A_398 = arith.constant 21 : i32
    %add3A_399 = arith.addi %add3A_397, %add3A_398 : i32
    %dma_wait3A_400 = arith.constant 1050 : i32
    %dma_wait3A_401 = arith.constant 0 : i32
    %dma_wait3A_402 = tpu.memref_slice %arg6[%dma_wait3A_400, %dma_wait3A_401] : memref<1600x32xf32, #tpu.memory_space<vmem>> -> memref<50x32xf32, #tpu.memory_space<vmem>>
    %dma_wait3A_403 = arith.constant 0 : i32
    %dma_wait3A_404 = arith.constant 0 : i32
    %dma_wait3A_405 = tpu.memref_slice %arg4[%add3A_399, %dma_wait3A_403, %dma_wait3A_404] : memref<16384x50x32xf32, #tpu.memory_space<hbm>> -> memref<1x50x32xf32, #tpu.memory_space<hbm>>
    %dma_wait3A_406 = tpu.memref_squeeze %dma_wait3A_405 : memref<1x50x32xf32, #tpu.memory_space<hbm>> -> memref<50x32xf32, #tpu.memory_space<hbm>>
    %dma_wait3A_407 = arith.constant 0 : i32
    %dma_wait3A_408 = arith.constant 0 : i32
    %dma_wait3A_409 = tpu.memref_slice %arg4[%add3A_399, %dma_wait3A_407, %dma_wait3A_408] : memref<16384x50x32xf32, #tpu.memory_space<hbm>> -> memref<1x50x32xf32, #tpu.memory_space<hbm>>
    %dma_wait3A_410 = tpu.memref_squeeze %dma_wait3A_409 : memref<1x50x32xf32, #tpu.memory_space<hbm>> -> memref<50x32xf32, #tpu.memory_space<hbm>>
    %dma_wait3A_411 = arith.constant 1050 : i32
    %dma_wait3A_412 = arith.constant 0 : i32
    %dma_wait3A_413 = tpu.memref_slice %arg6[%dma_wait3A_411, %dma_wait3A_412] : memref<1600x32xf32, #tpu.memory_space<vmem>> -> memref<50x32xf32, #tpu.memory_space<vmem>>
    tpu.wait_dma2 semaphore(%arg10 : memref<!tpu.dma_semaphore, #tpu.memory_space<semaphore_mem>>) src(%dma_wait3A_413 : memref<50x32xf32, #tpu.memory_space<vmem>>) dst(%dma_wait3A_410 : memref<50x32xf32, #tpu.memory_space<hbm>>)
    %add3A_414 = arith.constant 448 : i32
    %add3A_415 = arith.addi %mul3A_4, %add3A_414 : i32
    %add3A_416 = arith.constant 22 : i32
    %add3A_417 = arith.addi %add3A_415, %add3A_416 : i32
    %dma_wait3A_418 = arith.constant 1100 : i32
    %dma_wait3A_419 = arith.constant 0 : i32
    %dma_wait3A_420 = tpu.memref_slice %arg6[%dma_wait3A_418, %dma_wait3A_419] : memref<1600x32xf32, #tpu.memory_space<vmem>> -> memref<50x32xf32, #tpu.memory_space<vmem>>
    %dma_wait3A_421 = arith.constant 0 : i32
    %dma_wait3A_422 = arith.constant 0 : i32
    %dma_wait3A_423 = tpu.memref_slice %arg4[%add3A_417, %dma_wait3A_421, %dma_wait3A_422] : memref<16384x50x32xf32, #tpu.memory_space<hbm>> -> memref<1x50x32xf32, #tpu.memory_space<hbm>>
    %dma_wait3A_424 = tpu.memref_squeeze %dma_wait3A_423 : memref<1x50x32xf32, #tpu.memory_space<hbm>> -> memref<50x32xf32, #tpu.memory_space<hbm>>
    %dma_wait3A_425 = arith.constant 0 : i32
    %dma_wait3A_426 = arith.constant 0 : i32
    %dma_wait3A_427 = tpu.memref_slice %arg4[%add3A_417, %dma_wait3A_425, %dma_wait3A_426] : memref<16384x50x32xf32, #tpu.memory_space<hbm>> -> memref<1x50x32xf32, #tpu.memory_space<hbm>>
    %dma_wait3A_428 = tpu.memref_squeeze %dma_wait3A_427 : memref<1x50x32xf32, #tpu.memory_space<hbm>> -> memref<50x32xf32, #tpu.memory_space<hbm>>
    %dma_wait3A_429 = arith.constant 1100 : i32
    %dma_wait3A_430 = arith.constant 0 : i32
    %dma_wait3A_431 = tpu.memref_slice %arg6[%dma_wait3A_429, %dma_wait3A_430] : memref<1600x32xf32, #tpu.memory_space<vmem>> -> memref<50x32xf32, #tpu.memory_space<vmem>>
    tpu.wait_dma2 semaphore(%arg10 : memref<!tpu.dma_semaphore, #tpu.memory_space<semaphore_mem>>) src(%dma_wait3A_431 : memref<50x32xf32, #tpu.memory_space<vmem>>) dst(%dma_wait3A_428 : memref<50x32xf32, #tpu.memory_space<hbm>>)
    %add3A_432 = arith.constant 448 : i32
    %add3A_433 = arith.addi %mul3A_4, %add3A_432 : i32
    %add3A_434 = arith.constant 23 : i32
    %add3A_435 = arith.addi %add3A_433, %add3A_434 : i32
    %dma_wait3A_436 = arith.constant 1150 : i32
    %dma_wait3A_437 = arith.constant 0 : i32
    %dma_wait3A_438 = tpu.memref_slice %arg6[%dma_wait3A_436, %dma_wait3A_437] : memref<1600x32xf32, #tpu.memory_space<vmem>> -> memref<50x32xf32, #tpu.memory_space<vmem>>
    %dma_wait3A_439 = arith.constant 0 : i32
    %dma_wait3A_440 = arith.constant 0 : i32
    %dma_wait3A_441 = tpu.memref_slice %arg4[%add3A_435, %dma_wait3A_439, %dma_wait3A_440] : memref<16384x50x32xf32, #tpu.memory_space<hbm>> -> memref<1x50x32xf32, #tpu.memory_space<hbm>>
    %dma_wait3A_442 = tpu.memref_squeeze %dma_wait3A_441 : memref<1x50x32xf32, #tpu.memory_space<hbm>> -> memref<50x32xf32, #tpu.memory_space<hbm>>
    %dma_wait3A_443 = arith.constant 0 : i32
    %dma_wait3A_444 = arith.constant 0 : i32
    %dma_wait3A_445 = tpu.memref_slice %arg4[%add3A_435, %dma_wait3A_443, %dma_wait3A_444] : memref<16384x50x32xf32, #tpu.memory_space<hbm>> -> memref<1x50x32xf32, #tpu.memory_space<hbm>>
    %dma_wait3A_446 = tpu.memref_squeeze %dma_wait3A_445 : memref<1x50x32xf32, #tpu.memory_space<hbm>> -> memref<50x32xf32, #tpu.memory_space<hbm>>
    %dma_wait3A_447 = arith.constant 1150 : i32
    %dma_wait3A_448 = arith.constant 0 : i32
    %dma_wait3A_449 = tpu.memref_slice %arg6[%dma_wait3A_447, %dma_wait3A_448] : memref<1600x32xf32, #tpu.memory_space<vmem>> -> memref<50x32xf32, #tpu.memory_space<vmem>>
    tpu.wait_dma2 semaphore(%arg10 : memref<!tpu.dma_semaphore, #tpu.memory_space<semaphore_mem>>) src(%dma_wait3A_449 : memref<50x32xf32, #tpu.memory_space<vmem>>) dst(%dma_wait3A_446 : memref<50x32xf32, #tpu.memory_space<hbm>>)
    %add3A_450 = arith.constant 448 : i32
    %add3A_451 = arith.addi %mul3A_4, %add3A_450 : i32
    %add3A_452 = arith.constant 24 : i32
    %add3A_453 = arith.addi %add3A_451, %add3A_452 : i32
    %dma_wait3A_454 = arith.constant 1200 : i32
    %dma_wait3A_455 = arith.constant 0 : i32
    %dma_wait3A_456 = tpu.memref_slice %arg6[%dma_wait3A_454, %dma_wait3A_455] : memref<1600x32xf32, #tpu.memory_space<vmem>> -> memref<50x32xf32, #tpu.memory_space<vmem>>
    %dma_wait3A_457 = arith.constant 0 : i32
    %dma_wait3A_458 = arith.constant 0 : i32
    %dma_wait3A_459 = tpu.memref_slice %arg4[%add3A_453, %dma_wait3A_457, %dma_wait3A_458] : memref<16384x50x32xf32, #tpu.memory_space<hbm>> -> memref<1x50x32xf32, #tpu.memory_space<hbm>>
    %dma_wait3A_460 = tpu.memref_squeeze %dma_wait3A_459 : memref<1x50x32xf32, #tpu.memory_space<hbm>> -> memref<50x32xf32, #tpu.memory_space<hbm>>
    %dma_wait3A_461 = arith.constant 0 : i32
    %dma_wait3A_462 = arith.constant 0 : i32
    %dma_wait3A_463 = tpu.memref_slice %arg4[%add3A_453, %dma_wait3A_461, %dma_wait3A_462] : memref<16384x50x32xf32, #tpu.memory_space<hbm>> -> memref<1x50x32xf32, #tpu.memory_space<hbm>>
    %dma_wait3A_464 = tpu.memref_squeeze %dma_wait3A_463 : memref<1x50x32xf32, #tpu.memory_space<hbm>> -> memref<50x32xf32, #tpu.memory_space<hbm>>
    %dma_wait3A_465 = arith.constant 1200 : i32
    %dma_wait3A_466 = arith.constant 0 : i32
    %dma_wait3A_467 = tpu.memref_slice %arg6[%dma_wait3A_465, %dma_wait3A_466] : memref<1600x32xf32, #tpu.memory_space<vmem>> -> memref<50x32xf32, #tpu.memory_space<vmem>>
    tpu.wait_dma2 semaphore(%arg10 : memref<!tpu.dma_semaphore, #tpu.memory_space<semaphore_mem>>) src(%dma_wait3A_467 : memref<50x32xf32, #tpu.memory_space<vmem>>) dst(%dma_wait3A_464 : memref<50x32xf32, #tpu.memory_space<hbm>>)
    %add3A_468 = arith.constant 448 : i32
    %add3A_469 = arith.addi %mul3A_4, %add3A_468 : i32
    %add3A_470 = arith.constant 25 : i32
    %add3A_471 = arith.addi %add3A_469, %add3A_470 : i32
    %dma_wait3A_472 = arith.constant 1250 : i32
    %dma_wait3A_473 = arith.constant 0 : i32
    %dma_wait3A_474 = tpu.memref_slice %arg6[%dma_wait3A_472, %dma_wait3A_473] : memref<1600x32xf32, #tpu.memory_space<vmem>> -> memref<50x32xf32, #tpu.memory_space<vmem>>
    %dma_wait3A_475 = arith.constant 0 : i32
    %dma_wait3A_476 = arith.constant 0 : i32
    %dma_wait3A_477 = tpu.memref_slice %arg4[%add3A_471, %dma_wait3A_475, %dma_wait3A_476] : memref<16384x50x32xf32, #tpu.memory_space<hbm>> -> memref<1x50x32xf32, #tpu.memory_space<hbm>>
    %dma_wait3A_478 = tpu.memref_squeeze %dma_wait3A_477 : memref<1x50x32xf32, #tpu.memory_space<hbm>> -> memref<50x32xf32, #tpu.memory_space<hbm>>
    %dma_wait3A_479 = arith.constant 0 : i32
    %dma_wait3A_480 = arith.constant 0 : i32
    %dma_wait3A_481 = tpu.memref_slice %arg4[%add3A_471, %dma_wait3A_479, %dma_wait3A_480] : memref<16384x50x32xf32, #tpu.memory_space<hbm>> -> memref<1x50x32xf32, #tpu.memory_space<hbm>>
    %dma_wait3A_482 = tpu.memref_squeeze %dma_wait3A_481 : memref<1x50x32xf32, #tpu.memory_space<hbm>> -> memref<50x32xf32, #tpu.memory_space<hbm>>
    %dma_wait3A_483 = arith.constant 1250 : i32
    %dma_wait3A_484 = arith.constant 0 : i32
    %dma_wait3A_485 = tpu.memref_slice %arg6[%dma_wait3A_483, %dma_wait3A_484] : memref<1600x32xf32, #tpu.memory_space<vmem>> -> memref<50x32xf32, #tpu.memory_space<vmem>>
    tpu.wait_dma2 semaphore(%arg10 : memref<!tpu.dma_semaphore, #tpu.memory_space<semaphore_mem>>) src(%dma_wait3A_485 : memref<50x32xf32, #tpu.memory_space<vmem>>) dst(%dma_wait3A_482 : memref<50x32xf32, #tpu.memory_space<hbm>>)
    %add3A_486 = arith.constant 448 : i32
    %add3A_487 = arith.addi %mul3A_4, %add3A_486 : i32
    %add3A_488 = arith.constant 26 : i32
    %add3A_489 = arith.addi %add3A_487, %add3A_488 : i32
    %dma_wait3A_490 = arith.constant 1300 : i32
    %dma_wait3A_491 = arith.constant 0 : i32
    %dma_wait3A_492 = tpu.memref_slice %arg6[%dma_wait3A_490, %dma_wait3A_491] : memref<1600x32xf32, #tpu.memory_space<vmem>> -> memref<50x32xf32, #tpu.memory_space<vmem>>
    %dma_wait3A_493 = arith.constant 0 : i32
    %dma_wait3A_494 = arith.constant 0 : i32
    %dma_wait3A_495 = tpu.memref_slice %arg4[%add3A_489, %dma_wait3A_493, %dma_wait3A_494] : memref<16384x50x32xf32, #tpu.memory_space<hbm>> -> memref<1x50x32xf32, #tpu.memory_space<hbm>>
    %dma_wait3A_496 = tpu.memref_squeeze %dma_wait3A_495 : memref<1x50x32xf32, #tpu.memory_space<hbm>> -> memref<50x32xf32, #tpu.memory_space<hbm>>
    %dma_wait3A_497 = arith.constant 0 : i32
    %dma_wait3A_498 = arith.constant 0 : i32
    %dma_wait3A_499 = tpu.memref_slice %arg4[%add3A_489, %dma_wait3A_497, %dma_wait3A_498] : memref<16384x50x32xf32, #tpu.memory_space<hbm>> -> memref<1x50x32xf32, #tpu.memory_space<hbm>>
    %dma_wait3A_500 = tpu.memref_squeeze %dma_wait3A_499 : memref<1x50x32xf32, #tpu.memory_space<hbm>> -> memref<50x32xf32, #tpu.memory_space<hbm>>
    %dma_wait3A_501 = arith.constant 1300 : i32
    %dma_wait3A_502 = arith.constant 0 : i32
    %dma_wait3A_503 = tpu.memref_slice %arg6[%dma_wait3A_501, %dma_wait3A_502] : memref<1600x32xf32, #tpu.memory_space<vmem>> -> memref<50x32xf32, #tpu.memory_space<vmem>>
    tpu.wait_dma2 semaphore(%arg10 : memref<!tpu.dma_semaphore, #tpu.memory_space<semaphore_mem>>) src(%dma_wait3A_503 : memref<50x32xf32, #tpu.memory_space<vmem>>) dst(%dma_wait3A_500 : memref<50x32xf32, #tpu.memory_space<hbm>>)
    %add3A_504 = arith.constant 448 : i32
    %add3A_505 = arith.addi %mul3A_4, %add3A_504 : i32
    %add3A_506 = arith.constant 27 : i32
    %add3A_507 = arith.addi %add3A_505, %add3A_506 : i32
    %dma_wait3A_508 = arith.constant 1350 : i32
    %dma_wait3A_509 = arith.constant 0 : i32
    %dma_wait3A_510 = tpu.memref_slice %arg6[%dma_wait3A_508, %dma_wait3A_509] : memref<1600x32xf32, #tpu.memory_space<vmem>> -> memref<50x32xf32, #tpu.memory_space<vmem>>
    %dma_wait3A_511 = arith.constant 0 : i32
    %dma_wait3A_512 = arith.constant 0 : i32
    %dma_wait3A_513 = tpu.memref_slice %arg4[%add3A_507, %dma_wait3A_511, %dma_wait3A_512] : memref<16384x50x32xf32, #tpu.memory_space<hbm>> -> memref<1x50x32xf32, #tpu.memory_space<hbm>>
    %dma_wait3A_514 = tpu.memref_squeeze %dma_wait3A_513 : memref<1x50x32xf32, #tpu.memory_space<hbm>> -> memref<50x32xf32, #tpu.memory_space<hbm>>
    %dma_wait3A_515 = arith.constant 0 : i32
    %dma_wait3A_516 = arith.constant 0 : i32
    %dma_wait3A_517 = tpu.memref_slice %arg4[%add3A_507, %dma_wait3A_515, %dma_wait3A_516] : memref<16384x50x32xf32, #tpu.memory_space<hbm>> -> memref<1x50x32xf32, #tpu.memory_space<hbm>>
    %dma_wait3A_518 = tpu.memref_squeeze %dma_wait3A_517 : memref<1x50x32xf32, #tpu.memory_space<hbm>> -> memref<50x32xf32, #tpu.memory_space<hbm>>
    %dma_wait3A_519 = arith.constant 1350 : i32
    %dma_wait3A_520 = arith.constant 0 : i32
    %dma_wait3A_521 = tpu.memref_slice %arg6[%dma_wait3A_519, %dma_wait3A_520] : memref<1600x32xf32, #tpu.memory_space<vmem>> -> memref<50x32xf32, #tpu.memory_space<vmem>>
    tpu.wait_dma2 semaphore(%arg10 : memref<!tpu.dma_semaphore, #tpu.memory_space<semaphore_mem>>) src(%dma_wait3A_521 : memref<50x32xf32, #tpu.memory_space<vmem>>) dst(%dma_wait3A_518 : memref<50x32xf32, #tpu.memory_space<hbm>>)
    %add3A_522 = arith.constant 448 : i32
    %add3A_523 = arith.addi %mul3A_4, %add3A_522 : i32
    %add3A_524 = arith.constant 28 : i32
    %add3A_525 = arith.addi %add3A_523, %add3A_524 : i32
    %dma_wait3A_526 = arith.constant 1400 : i32
    %dma_wait3A_527 = arith.constant 0 : i32
    %dma_wait3A_528 = tpu.memref_slice %arg6[%dma_wait3A_526, %dma_wait3A_527] : memref<1600x32xf32, #tpu.memory_space<vmem>> -> memref<50x32xf32, #tpu.memory_space<vmem>>
    %dma_wait3A_529 = arith.constant 0 : i32
    %dma_wait3A_530 = arith.constant 0 : i32
    %dma_wait3A_531 = tpu.memref_slice %arg4[%add3A_525, %dma_wait3A_529, %dma_wait3A_530] : memref<16384x50x32xf32, #tpu.memory_space<hbm>> -> memref<1x50x32xf32, #tpu.memory_space<hbm>>
    %dma_wait3A_532 = tpu.memref_squeeze %dma_wait3A_531 : memref<1x50x32xf32, #tpu.memory_space<hbm>> -> memref<50x32xf32, #tpu.memory_space<hbm>>
    %dma_wait3A_533 = arith.constant 0 : i32
    %dma_wait3A_534 = arith.constant 0 : i32
    %dma_wait3A_535 = tpu.memref_slice %arg4[%add3A_525, %dma_wait3A_533, %dma_wait3A_534] : memref<16384x50x32xf32, #tpu.memory_space<hbm>> -> memref<1x50x32xf32, #tpu.memory_space<hbm>>
    %dma_wait3A_536 = tpu.memref_squeeze %dma_wait3A_535 : memref<1x50x32xf32, #tpu.memory_space<hbm>> -> memref<50x32xf32, #tpu.memory_space<hbm>>
    %dma_wait3A_537 = arith.constant 1400 : i32
    %dma_wait3A_538 = arith.constant 0 : i32
    %dma_wait3A_539 = tpu.memref_slice %arg6[%dma_wait3A_537, %dma_wait3A_538] : memref<1600x32xf32, #tpu.memory_space<vmem>> -> memref<50x32xf32, #tpu.memory_space<vmem>>
    tpu.wait_dma2 semaphore(%arg10 : memref<!tpu.dma_semaphore, #tpu.memory_space<semaphore_mem>>) src(%dma_wait3A_539 : memref<50x32xf32, #tpu.memory_space<vmem>>) dst(%dma_wait3A_536 : memref<50x32xf32, #tpu.memory_space<hbm>>)
    %add3A_540 = arith.constant 448 : i32
    %add3A_541 = arith.addi %mul3A_4, %add3A_540 : i32
    %add3A_542 = arith.constant 29 : i32
    %add3A_543 = arith.addi %add3A_541, %add3A_542 : i32
    %dma_wait3A_544 = arith.constant 1450 : i32
    %dma_wait3A_545 = arith.constant 0 : i32
    %dma_wait3A_546 = tpu.memref_slice %arg6[%dma_wait3A_544, %dma_wait3A_545] : memref<1600x32xf32, #tpu.memory_space<vmem>> -> memref<50x32xf32, #tpu.memory_space<vmem>>
    %dma_wait3A_547 = arith.constant 0 : i32
    %dma_wait3A_548 = arith.constant 0 : i32
    %dma_wait3A_549 = tpu.memref_slice %arg4[%add3A_543, %dma_wait3A_547, %dma_wait3A_548] : memref<16384x50x32xf32, #tpu.memory_space<hbm>> -> memref<1x50x32xf32, #tpu.memory_space<hbm>>
    %dma_wait3A_550 = tpu.memref_squeeze %dma_wait3A_549 : memref<1x50x32xf32, #tpu.memory_space<hbm>> -> memref<50x32xf32, #tpu.memory_space<hbm>>
    %dma_wait3A_551 = arith.constant 0 : i32
    %dma_wait3A_552 = arith.constant 0 : i32
    %dma_wait3A_553 = tpu.memref_slice %arg4[%add3A_543, %dma_wait3A_551, %dma_wait3A_552] : memref<16384x50x32xf32, #tpu.memory_space<hbm>> -> memref<1x50x32xf32, #tpu.memory_space<hbm>>
    %dma_wait3A_554 = tpu.memref_squeeze %dma_wait3A_553 : memref<1x50x32xf32, #tpu.memory_space<hbm>> -> memref<50x32xf32, #tpu.memory_space<hbm>>
    %dma_wait3A_555 = arith.constant 1450 : i32
    %dma_wait3A_556 = arith.constant 0 : i32
    %dma_wait3A_557 = tpu.memref_slice %arg6[%dma_wait3A_555, %dma_wait3A_556] : memref<1600x32xf32, #tpu.memory_space<vmem>> -> memref<50x32xf32, #tpu.memory_space<vmem>>
    tpu.wait_dma2 semaphore(%arg10 : memref<!tpu.dma_semaphore, #tpu.memory_space<semaphore_mem>>) src(%dma_wait3A_557 : memref<50x32xf32, #tpu.memory_space<vmem>>) dst(%dma_wait3A_554 : memref<50x32xf32, #tpu.memory_space<hbm>>)
    %add3A_558 = arith.constant 448 : i32
    %add3A_559 = arith.addi %mul3A_4, %add3A_558 : i32
    %add3A_560 = arith.constant 30 : i32
    %add3A_561 = arith.addi %add3A_559, %add3A_560 : i32
    %dma_wait3A_562 = arith.constant 1500 : i32
    %dma_wait3A_563 = arith.constant 0 : i32
    %dma_wait3A_564 = tpu.memref_slice %arg6[%dma_wait3A_562, %dma_wait3A_563] : memref<1600x32xf32, #tpu.memory_space<vmem>> -> memref<50x32xf32, #tpu.memory_space<vmem>>
    %dma_wait3A_565 = arith.constant 0 : i32
    %dma_wait3A_566 = arith.constant 0 : i32
    %dma_wait3A_567 = tpu.memref_slice %arg4[%add3A_561, %dma_wait3A_565, %dma_wait3A_566] : memref<16384x50x32xf32, #tpu.memory_space<hbm>> -> memref<1x50x32xf32, #tpu.memory_space<hbm>>
    %dma_wait3A_568 = tpu.memref_squeeze %dma_wait3A_567 : memref<1x50x32xf32, #tpu.memory_space<hbm>> -> memref<50x32xf32, #tpu.memory_space<hbm>>
    %dma_wait3A_569 = arith.constant 0 : i32
    %dma_wait3A_570 = arith.constant 0 : i32
    %dma_wait3A_571 = tpu.memref_slice %arg4[%add3A_561, %dma_wait3A_569, %dma_wait3A_570] : memref<16384x50x32xf32, #tpu.memory_space<hbm>> -> memref<1x50x32xf32, #tpu.memory_space<hbm>>
    %dma_wait3A_572 = tpu.memref_squeeze %dma_wait3A_571 : memref<1x50x32xf32, #tpu.memory_space<hbm>> -> memref<50x32xf32, #tpu.memory_space<hbm>>
    %dma_wait3A_573 = arith.constant 1500 : i32
    %dma_wait3A_574 = arith.constant 0 : i32
    %dma_wait3A_575 = tpu.memref_slice %arg6[%dma_wait3A_573, %dma_wait3A_574] : memref<1600x32xf32, #tpu.memory_space<vmem>> -> memref<50x32xf32, #tpu.memory_space<vmem>>
    tpu.wait_dma2 semaphore(%arg10 : memref<!tpu.dma_semaphore, #tpu.memory_space<semaphore_mem>>) src(%dma_wait3A_575 : memref<50x32xf32, #tpu.memory_space<vmem>>) dst(%dma_wait3A_572 : memref<50x32xf32, #tpu.memory_space<hbm>>)
    %add3A_576 = arith.constant 448 : i32
    %add3A_577 = arith.addi %mul3A_4, %add3A_576 : i32
    %add3A_578 = arith.constant 31 : i32
    %add3A_579 = arith.addi %add3A_577, %add3A_578 : i32
    %dma_wait3A_580 = arith.constant 1550 : i32
    %dma_wait3A_581 = arith.constant 0 : i32
    %dma_wait3A_582 = tpu.memref_slice %arg6[%dma_wait3A_580, %dma_wait3A_581] : memref<1600x32xf32, #tpu.memory_space<vmem>> -> memref<50x32xf32, #tpu.memory_space<vmem>>
    %dma_wait3A_583 = arith.constant 0 : i32
    %dma_wait3A_584 = arith.constant 0 : i32
    %dma_wait3A_585 = tpu.memref_slice %arg4[%add3A_579, %dma_wait3A_583, %dma_wait3A_584] : memref<16384x50x32xf32, #tpu.memory_space<hbm>> -> memref<1x50x32xf32, #tpu.memory_space<hbm>>
    %dma_wait3A_586 = tpu.memref_squeeze %dma_wait3A_585 : memref<1x50x32xf32, #tpu.memory_space<hbm>> -> memref<50x32xf32, #tpu.memory_space<hbm>>
    %dma_wait3A_587 = arith.constant 0 : i32
    %dma_wait3A_588 = arith.constant 0 : i32
    %dma_wait3A_589 = tpu.memref_slice %arg4[%add3A_579, %dma_wait3A_587, %dma_wait3A_588] : memref<16384x50x32xf32, #tpu.memory_space<hbm>> -> memref<1x50x32xf32, #tpu.memory_space<hbm>>
    %dma_wait3A_590 = tpu.memref_squeeze %dma_wait3A_589 : memref<1x50x32xf32, #tpu.memory_space<hbm>> -> memref<50x32xf32, #tpu.memory_space<hbm>>
    %dma_wait3A_591 = arith.constant 1550 : i32
    %dma_wait3A_592 = arith.constant 0 : i32
    %dma_wait3A_593 = tpu.memref_slice %arg6[%dma_wait3A_591, %dma_wait3A_592] : memref<1600x32xf32, #tpu.memory_space<vmem>> -> memref<50x32xf32, #tpu.memory_space<vmem>>
    tpu.wait_dma2 semaphore(%arg10 : memref<!tpu.dma_semaphore, #tpu.memory_space<semaphore_mem>>) src(%dma_wait3A_593 : memref<50x32xf32, #tpu.memory_space<vmem>>) dst(%dma_wait3A_590 : memref<50x32xf32, #tpu.memory_space<hbm>>)
    %add3A_594 = arith.constant 480 : i32
    %add3A_595 = arith.addi %mul3A_4, %add3A_594 : i32
    %add3A_596 = arith.constant 0 : i32
    %add3A_597 = arith.addi %add3A_595, %add3A_596 : i32
    %dma_wait3A_598 = arith.constant 0 : i32
    %dma_wait3A_599 = arith.constant 0 : i32
    %dma_wait3A_600 = tpu.memref_slice %arg7[%dma_wait3A_598, %dma_wait3A_599] : memref<1600x32xf32, #tpu.memory_space<vmem>> -> memref<50x32xf32, #tpu.memory_space<vmem>>
    %dma_wait3A_601 = arith.constant 0 : i32
    %dma_wait3A_602 = arith.constant 0 : i32
    %dma_wait3A_603 = tpu.memref_slice %arg4[%add3A_597, %dma_wait3A_601, %dma_wait3A_602] : memref<16384x50x32xf32, #tpu.memory_space<hbm>> -> memref<1x50x32xf32, #tpu.memory_space<hbm>>
    %dma_wait3A_604 = tpu.memref_squeeze %dma_wait3A_603 : memref<1x50x32xf32, #tpu.memory_space<hbm>> -> memref<50x32xf32, #tpu.memory_space<hbm>>
    %dma_wait3A_605 = arith.constant 0 : i32
    %dma_wait3A_606 = arith.constant 0 : i32
    %dma_wait3A_607 = tpu.memref_slice %arg4[%add3A_597, %dma_wait3A_605, %dma_wait3A_606] : memref<16384x50x32xf32, #tpu.memory_space<hbm>> -> memref<1x50x32xf32, #tpu.memory_space<hbm>>
    %dma_wait3A_608 = tpu.memref_squeeze %dma_wait3A_607 : memref<1x50x32xf32, #tpu.memory_space<hbm>> -> memref<50x32xf32, #tpu.memory_space<hbm>>
    %dma_wait3A_609 = arith.constant 0 : i32
    %dma_wait3A_610 = arith.constant 0 : i32
    %dma_wait3A_611 = tpu.memref_slice %arg7[%dma_wait3A_609, %dma_wait3A_610] : memref<1600x32xf32, #tpu.memory_space<vmem>> -> memref<50x32xf32, #tpu.memory_space<vmem>>
    tpu.wait_dma2 semaphore(%arg11 : memref<!tpu.dma_semaphore, #tpu.memory_space<semaphore_mem>>) src(%dma_wait3A_611 : memref<50x32xf32, #tpu.memory_space<vmem>>) dst(%dma_wait3A_608 : memref<50x32xf32, #tpu.memory_space<hbm>>)
    %add3A_612 = arith.constant 480 : i32
    %add3A_613 = arith.addi %mul3A_4, %add3A_612 : i32
    %add3A_614 = arith.constant 1 : i32
    %add3A_615 = arith.addi %add3A_613, %add3A_614 : i32
    %dma_wait3A_616 = arith.constant 50 : i32
    %dma_wait3A_617 = arith.constant 0 : i32
    %dma_wait3A_618 = tpu.memref_slice %arg7[%dma_wait3A_616, %dma_wait3A_617] : memref<1600x32xf32, #tpu.memory_space<vmem>> -> memref<50x32xf32, #tpu.memory_space<vmem>>
    %dma_wait3A_619 = arith.constant 0 : i32
    %dma_wait3A_620 = arith.constant 0 : i32
    %dma_wait3A_621 = tpu.memref_slice %arg4[%add3A_615, %dma_wait3A_619, %dma_wait3A_620] : memref<16384x50x32xf32, #tpu.memory_space<hbm>> -> memref<1x50x32xf32, #tpu.memory_space<hbm>>
    %dma_wait3A_622 = tpu.memref_squeeze %dma_wait3A_621 : memref<1x50x32xf32, #tpu.memory_space<hbm>> -> memref<50x32xf32, #tpu.memory_space<hbm>>
    %dma_wait3A_623 = arith.constant 0 : i32
    %dma_wait3A_624 = arith.constant 0 : i32
    %dma_wait3A_625 = tpu.memref_slice %arg4[%add3A_615, %dma_wait3A_623, %dma_wait3A_624] : memref<16384x50x32xf32, #tpu.memory_space<hbm>> -> memref<1x50x32xf32, #tpu.memory_space<hbm>>
    %dma_wait3A_626 = tpu.memref_squeeze %dma_wait3A_625 : memref<1x50x32xf32, #tpu.memory_space<hbm>> -> memref<50x32xf32, #tpu.memory_space<hbm>>
    %dma_wait3A_627 = arith.constant 50 : i32
    %dma_wait3A_628 = arith.constant 0 : i32
    %dma_wait3A_629 = tpu.memref_slice %arg7[%dma_wait3A_627, %dma_wait3A_628] : memref<1600x32xf32, #tpu.memory_space<vmem>> -> memref<50x32xf32, #tpu.memory_space<vmem>>
    tpu.wait_dma2 semaphore(%arg11 : memref<!tpu.dma_semaphore, #tpu.memory_space<semaphore_mem>>) src(%dma_wait3A_629 : memref<50x32xf32, #tpu.memory_space<vmem>>) dst(%dma_wait3A_626 : memref<50x32xf32, #tpu.memory_space<hbm>>)
    %add3A_630 = arith.constant 480 : i32
    %add3A_631 = arith.addi %mul3A_4, %add3A_630 : i32
    %add3A_632 = arith.constant 2 : i32
    %add3A_633 = arith.addi %add3A_631, %add3A_632 : i32
    %dma_wait3A_634 = arith.constant 100 : i32
    %dma_wait3A_635 = arith.constant 0 : i32
    %dma_wait3A_636 = tpu.memref_slice %arg7[%dma_wait3A_634, %dma_wait3A_635] : memref<1600x32xf32, #tpu.memory_space<vmem>> -> memref<50x32xf32, #tpu.memory_space<vmem>>
    %dma_wait3A_637 = arith.constant 0 : i32
    %dma_wait3A_638 = arith.constant 0 : i32
    %dma_wait3A_639 = tpu.memref_slice %arg4[%add3A_633, %dma_wait3A_637, %dma_wait3A_638] : memref<16384x50x32xf32, #tpu.memory_space<hbm>> -> memref<1x50x32xf32, #tpu.memory_space<hbm>>
    %dma_wait3A_640 = tpu.memref_squeeze %dma_wait3A_639 : memref<1x50x32xf32, #tpu.memory_space<hbm>> -> memref<50x32xf32, #tpu.memory_space<hbm>>
    %dma_wait3A_641 = arith.constant 0 : i32
    %dma_wait3A_642 = arith.constant 0 : i32
    %dma_wait3A_643 = tpu.memref_slice %arg4[%add3A_633, %dma_wait3A_641, %dma_wait3A_642] : memref<16384x50x32xf32, #tpu.memory_space<hbm>> -> memref<1x50x32xf32, #tpu.memory_space<hbm>>
    %dma_wait3A_644 = tpu.memref_squeeze %dma_wait3A_643 : memref<1x50x32xf32, #tpu.memory_space<hbm>> -> memref<50x32xf32, #tpu.memory_space<hbm>>
    %dma_wait3A_645 = arith.constant 100 : i32
    %dma_wait3A_646 = arith.constant 0 : i32
    %dma_wait3A_647 = tpu.memref_slice %arg7[%dma_wait3A_645, %dma_wait3A_646] : memref<1600x32xf32, #tpu.memory_space<vmem>> -> memref<50x32xf32, #tpu.memory_space<vmem>>
    tpu.wait_dma2 semaphore(%arg11 : memref<!tpu.dma_semaphore, #tpu.memory_space<semaphore_mem>>) src(%dma_wait3A_647 : memref<50x32xf32, #tpu.memory_space<vmem>>) dst(%dma_wait3A_644 : memref<50x32xf32, #tpu.memory_space<hbm>>)
    %add3A_648 = arith.constant 480 : i32
    %add3A_649 = arith.addi %mul3A_4, %add3A_648 : i32
    %add3A_650 = arith.constant 3 : i32
    %add3A_651 = arith.addi %add3A_649, %add3A_650 : i32
    %dma_wait3A_652 = arith.constant 150 : i32
    %dma_wait3A_653 = arith.constant 0 : i32
    %dma_wait3A_654 = tpu.memref_slice %arg7[%dma_wait3A_652, %dma_wait3A_653] : memref<1600x32xf32, #tpu.memory_space<vmem>> -> memref<50x32xf32, #tpu.memory_space<vmem>>
    %dma_wait3A_655 = arith.constant 0 : i32
    %dma_wait3A_656 = arith.constant 0 : i32
    %dma_wait3A_657 = tpu.memref_slice %arg4[%add3A_651, %dma_wait3A_655, %dma_wait3A_656] : memref<16384x50x32xf32, #tpu.memory_space<hbm>> -> memref<1x50x32xf32, #tpu.memory_space<hbm>>
    %dma_wait3A_658 = tpu.memref_squeeze %dma_wait3A_657 : memref<1x50x32xf32, #tpu.memory_space<hbm>> -> memref<50x32xf32, #tpu.memory_space<hbm>>
    %dma_wait3A_659 = arith.constant 0 : i32
    %dma_wait3A_660 = arith.constant 0 : i32
    %dma_wait3A_661 = tpu.memref_slice %arg4[%add3A_651, %dma_wait3A_659, %dma_wait3A_660] : memref<16384x50x32xf32, #tpu.memory_space<hbm>> -> memref<1x50x32xf32, #tpu.memory_space<hbm>>
    %dma_wait3A_662 = tpu.memref_squeeze %dma_wait3A_661 : memref<1x50x32xf32, #tpu.memory_space<hbm>> -> memref<50x32xf32, #tpu.memory_space<hbm>>
    %dma_wait3A_663 = arith.constant 150 : i32
    %dma_wait3A_664 = arith.constant 0 : i32
    %dma_wait3A_665 = tpu.memref_slice %arg7[%dma_wait3A_663, %dma_wait3A_664] : memref<1600x32xf32, #tpu.memory_space<vmem>> -> memref<50x32xf32, #tpu.memory_space<vmem>>
    tpu.wait_dma2 semaphore(%arg11 : memref<!tpu.dma_semaphore, #tpu.memory_space<semaphore_mem>>) src(%dma_wait3A_665 : memref<50x32xf32, #tpu.memory_space<vmem>>) dst(%dma_wait3A_662 : memref<50x32xf32, #tpu.memory_space<hbm>>)
    %add3A_666 = arith.constant 480 : i32
    %add3A_667 = arith.addi %mul3A_4, %add3A_666 : i32
    %add3A_668 = arith.constant 4 : i32
    %add3A_669 = arith.addi %add3A_667, %add3A_668 : i32
    %dma_wait3A_670 = arith.constant 200 : i32
    %dma_wait3A_671 = arith.constant 0 : i32
    %dma_wait3A_672 = tpu.memref_slice %arg7[%dma_wait3A_670, %dma_wait3A_671] : memref<1600x32xf32, #tpu.memory_space<vmem>> -> memref<50x32xf32, #tpu.memory_space<vmem>>
    %dma_wait3A_673 = arith.constant 0 : i32
    %dma_wait3A_674 = arith.constant 0 : i32
    %dma_wait3A_675 = tpu.memref_slice %arg4[%add3A_669, %dma_wait3A_673, %dma_wait3A_674] : memref<16384x50x32xf32, #tpu.memory_space<hbm>> -> memref<1x50x32xf32, #tpu.memory_space<hbm>>
    %dma_wait3A_676 = tpu.memref_squeeze %dma_wait3A_675 : memref<1x50x32xf32, #tpu.memory_space<hbm>> -> memref<50x32xf32, #tpu.memory_space<hbm>>
    %dma_wait3A_677 = arith.constant 0 : i32
    %dma_wait3A_678 = arith.constant 0 : i32
    %dma_wait3A_679 = tpu.memref_slice %arg4[%add3A_669, %dma_wait3A_677, %dma_wait3A_678] : memref<16384x50x32xf32, #tpu.memory_space<hbm>> -> memref<1x50x32xf32, #tpu.memory_space<hbm>>
    %dma_wait3A_680 = tpu.memref_squeeze %dma_wait3A_679 : memref<1x50x32xf32, #tpu.memory_space<hbm>> -> memref<50x32xf32, #tpu.memory_space<hbm>>
    %dma_wait3A_681 = arith.constant 200 : i32
    %dma_wait3A_682 = arith.constant 0 : i32
    %dma_wait3A_683 = tpu.memref_slice %arg7[%dma_wait3A_681, %dma_wait3A_682] : memref<1600x32xf32, #tpu.memory_space<vmem>> -> memref<50x32xf32, #tpu.memory_space<vmem>>
    tpu.wait_dma2 semaphore(%arg11 : memref<!tpu.dma_semaphore, #tpu.memory_space<semaphore_mem>>) src(%dma_wait3A_683 : memref<50x32xf32, #tpu.memory_space<vmem>>) dst(%dma_wait3A_680 : memref<50x32xf32, #tpu.memory_space<hbm>>)
    %add3A_684 = arith.constant 480 : i32
    %add3A_685 = arith.addi %mul3A_4, %add3A_684 : i32
    %add3A_686 = arith.constant 5 : i32
    %add3A_687 = arith.addi %add3A_685, %add3A_686 : i32
    %dma_wait3A_688 = arith.constant 250 : i32
    %dma_wait3A_689 = arith.constant 0 : i32
    %dma_wait3A_690 = tpu.memref_slice %arg7[%dma_wait3A_688, %dma_wait3A_689] : memref<1600x32xf32, #tpu.memory_space<vmem>> -> memref<50x32xf32, #tpu.memory_space<vmem>>
    %dma_wait3A_691 = arith.constant 0 : i32
    %dma_wait3A_692 = arith.constant 0 : i32
    %dma_wait3A_693 = tpu.memref_slice %arg4[%add3A_687, %dma_wait3A_691, %dma_wait3A_692] : memref<16384x50x32xf32, #tpu.memory_space<hbm>> -> memref<1x50x32xf32, #tpu.memory_space<hbm>>
    %dma_wait3A_694 = tpu.memref_squeeze %dma_wait3A_693 : memref<1x50x32xf32, #tpu.memory_space<hbm>> -> memref<50x32xf32, #tpu.memory_space<hbm>>
    %dma_wait3A_695 = arith.constant 0 : i32
    %dma_wait3A_696 = arith.constant 0 : i32
    %dma_wait3A_697 = tpu.memref_slice %arg4[%add3A_687, %dma_wait3A_695, %dma_wait3A_696] : memref<16384x50x32xf32, #tpu.memory_space<hbm>> -> memref<1x50x32xf32, #tpu.memory_space<hbm>>
    %dma_wait3A_698 = tpu.memref_squeeze %dma_wait3A_697 : memref<1x50x32xf32, #tpu.memory_space<hbm>> -> memref<50x32xf32, #tpu.memory_space<hbm>>
    %dma_wait3A_699 = arith.constant 250 : i32
    %dma_wait3A_700 = arith.constant 0 : i32
    %dma_wait3A_701 = tpu.memref_slice %arg7[%dma_wait3A_699, %dma_wait3A_700] : memref<1600x32xf32, #tpu.memory_space<vmem>> -> memref<50x32xf32, #tpu.memory_space<vmem>>
    tpu.wait_dma2 semaphore(%arg11 : memref<!tpu.dma_semaphore, #tpu.memory_space<semaphore_mem>>) src(%dma_wait3A_701 : memref<50x32xf32, #tpu.memory_space<vmem>>) dst(%dma_wait3A_698 : memref<50x32xf32, #tpu.memory_space<hbm>>)
    %add3A_702 = arith.constant 480 : i32
    %add3A_703 = arith.addi %mul3A_4, %add3A_702 : i32
    %add3A_704 = arith.constant 6 : i32
    %add3A_705 = arith.addi %add3A_703, %add3A_704 : i32
    %dma_wait3A_706 = arith.constant 300 : i32
    %dma_wait3A_707 = arith.constant 0 : i32
    %dma_wait3A_708 = tpu.memref_slice %arg7[%dma_wait3A_706, %dma_wait3A_707] : memref<1600x32xf32, #tpu.memory_space<vmem>> -> memref<50x32xf32, #tpu.memory_space<vmem>>
    %dma_wait3A_709 = arith.constant 0 : i32
    %dma_wait3A_710 = arith.constant 0 : i32
    %dma_wait3A_711 = tpu.memref_slice %arg4[%add3A_705, %dma_wait3A_709, %dma_wait3A_710] : memref<16384x50x32xf32, #tpu.memory_space<hbm>> -> memref<1x50x32xf32, #tpu.memory_space<hbm>>
    %dma_wait3A_712 = tpu.memref_squeeze %dma_wait3A_711 : memref<1x50x32xf32, #tpu.memory_space<hbm>> -> memref<50x32xf32, #tpu.memory_space<hbm>>
    %dma_wait3A_713 = arith.constant 0 : i32
    %dma_wait3A_714 = arith.constant 0 : i32
    %dma_wait3A_715 = tpu.memref_slice %arg4[%add3A_705, %dma_wait3A_713, %dma_wait3A_714] : memref<16384x50x32xf32, #tpu.memory_space<hbm>> -> memref<1x50x32xf32, #tpu.memory_space<hbm>>
    %dma_wait3A_716 = tpu.memref_squeeze %dma_wait3A_715 : memref<1x50x32xf32, #tpu.memory_space<hbm>> -> memref<50x32xf32, #tpu.memory_space<hbm>>
    %dma_wait3A_717 = arith.constant 300 : i32
    %dma_wait3A_718 = arith.constant 0 : i32
    %dma_wait3A_719 = tpu.memref_slice %arg7[%dma_wait3A_717, %dma_wait3A_718] : memref<1600x32xf32, #tpu.memory_space<vmem>> -> memref<50x32xf32, #tpu.memory_space<vmem>>
    tpu.wait_dma2 semaphore(%arg11 : memref<!tpu.dma_semaphore, #tpu.memory_space<semaphore_mem>>) src(%dma_wait3A_719 : memref<50x32xf32, #tpu.memory_space<vmem>>) dst(%dma_wait3A_716 : memref<50x32xf32, #tpu.memory_space<hbm>>)
    %add3A_720 = arith.constant 480 : i32
    %add3A_721 = arith.addi %mul3A_4, %add3A_720 : i32
    %add3A_722 = arith.constant 7 : i32
    %add3A_723 = arith.addi %add3A_721, %add3A_722 : i32
    %dma_wait3A_724 = arith.constant 350 : i32
    %dma_wait3A_725 = arith.constant 0 : i32
    %dma_wait3A_726 = tpu.memref_slice %arg7[%dma_wait3A_724, %dma_wait3A_725] : memref<1600x32xf32, #tpu.memory_space<vmem>> -> memref<50x32xf32, #tpu.memory_space<vmem>>
    %dma_wait3A_727 = arith.constant 0 : i32
    %dma_wait3A_728 = arith.constant 0 : i32
    %dma_wait3A_729 = tpu.memref_slice %arg4[%add3A_723, %dma_wait3A_727, %dma_wait3A_728] : memref<16384x50x32xf32, #tpu.memory_space<hbm>> -> memref<1x50x32xf32, #tpu.memory_space<hbm>>
    %dma_wait3A_730 = tpu.memref_squeeze %dma_wait3A_729 : memref<1x50x32xf32, #tpu.memory_space<hbm>> -> memref<50x32xf32, #tpu.memory_space<hbm>>
    %dma_wait3A_731 = arith.constant 0 : i32
    %dma_wait3A_732 = arith.constant 0 : i32
    %dma_wait3A_733 = tpu.memref_slice %arg4[%add3A_723, %dma_wait3A_731, %dma_wait3A_732] : memref<16384x50x32xf32, #tpu.memory_space<hbm>> -> memref<1x50x32xf32, #tpu.memory_space<hbm>>
    %dma_wait3A_734 = tpu.memref_squeeze %dma_wait3A_733 : memref<1x50x32xf32, #tpu.memory_space<hbm>> -> memref<50x32xf32, #tpu.memory_space<hbm>>
    %dma_wait3A_735 = arith.constant 350 : i32
    %dma_wait3A_736 = arith.constant 0 : i32
    %dma_wait3A_737 = tpu.memref_slice %arg7[%dma_wait3A_735, %dma_wait3A_736] : memref<1600x32xf32, #tpu.memory_space<vmem>> -> memref<50x32xf32, #tpu.memory_space<vmem>>
    tpu.wait_dma2 semaphore(%arg11 : memref<!tpu.dma_semaphore, #tpu.memory_space<semaphore_mem>>) src(%dma_wait3A_737 : memref<50x32xf32, #tpu.memory_space<vmem>>) dst(%dma_wait3A_734 : memref<50x32xf32, #tpu.memory_space<hbm>>)
    %add3A_738 = arith.constant 480 : i32
    %add3A_739 = arith.addi %mul3A_4, %add3A_738 : i32
    %add3A_740 = arith.constant 8 : i32
    %add3A_741 = arith.addi %add3A_739, %add3A_740 : i32
    %dma_wait3A_742 = arith.constant 400 : i32
    %dma_wait3A_743 = arith.constant 0 : i32
    %dma_wait3A_744 = tpu.memref_slice %arg7[%dma_wait3A_742, %dma_wait3A_743] : memref<1600x32xf32, #tpu.memory_space<vmem>> -> memref<50x32xf32, #tpu.memory_space<vmem>>
    %dma_wait3A_745 = arith.constant 0 : i32
    %dma_wait3A_746 = arith.constant 0 : i32
    %dma_wait3A_747 = tpu.memref_slice %arg4[%add3A_741, %dma_wait3A_745, %dma_wait3A_746] : memref<16384x50x32xf32, #tpu.memory_space<hbm>> -> memref<1x50x32xf32, #tpu.memory_space<hbm>>
    %dma_wait3A_748 = tpu.memref_squeeze %dma_wait3A_747 : memref<1x50x32xf32, #tpu.memory_space<hbm>> -> memref<50x32xf32, #tpu.memory_space<hbm>>
    %dma_wait3A_749 = arith.constant 0 : i32
    %dma_wait3A_750 = arith.constant 0 : i32
    %dma_wait3A_751 = tpu.memref_slice %arg4[%add3A_741, %dma_wait3A_749, %dma_wait3A_750] : memref<16384x50x32xf32, #tpu.memory_space<hbm>> -> memref<1x50x32xf32, #tpu.memory_space<hbm>>
    %dma_wait3A_752 = tpu.memref_squeeze %dma_wait3A_751 : memref<1x50x32xf32, #tpu.memory_space<hbm>> -> memref<50x32xf32, #tpu.memory_space<hbm>>
    %dma_wait3A_753 = arith.constant 400 : i32
    %dma_wait3A_754 = arith.constant 0 : i32
    %dma_wait3A_755 = tpu.memref_slice %arg7[%dma_wait3A_753, %dma_wait3A_754] : memref<1600x32xf32, #tpu.memory_space<vmem>> -> memref<50x32xf32, #tpu.memory_space<vmem>>
    tpu.wait_dma2 semaphore(%arg11 : memref<!tpu.dma_semaphore, #tpu.memory_space<semaphore_mem>>) src(%dma_wait3A_755 : memref<50x32xf32, #tpu.memory_space<vmem>>) dst(%dma_wait3A_752 : memref<50x32xf32, #tpu.memory_space<hbm>>)
    %add3A_756 = arith.constant 480 : i32
    %add3A_757 = arith.addi %mul3A_4, %add3A_756 : i32
    %add3A_758 = arith.constant 9 : i32
    %add3A_759 = arith.addi %add3A_757, %add3A_758 : i32
    %dma_wait3A_760 = arith.constant 450 : i32
    %dma_wait3A_761 = arith.constant 0 : i32
    %dma_wait3A_762 = tpu.memref_slice %arg7[%dma_wait3A_760, %dma_wait3A_761] : memref<1600x32xf32, #tpu.memory_space<vmem>> -> memref<50x32xf32, #tpu.memory_space<vmem>>
    %dma_wait3A_763 = arith.constant 0 : i32
    %dma_wait3A_764 = arith.constant 0 : i32
    %dma_wait3A_765 = tpu.memref_slice %arg4[%add3A_759, %dma_wait3A_763, %dma_wait3A_764] : memref<16384x50x32xf32, #tpu.memory_space<hbm>> -> memref<1x50x32xf32, #tpu.memory_space<hbm>>
    %dma_wait3A_766 = tpu.memref_squeeze %dma_wait3A_765 : memref<1x50x32xf32, #tpu.memory_space<hbm>> -> memref<50x32xf32, #tpu.memory_space<hbm>>
    %dma_wait3A_767 = arith.constant 0 : i32
    %dma_wait3A_768 = arith.constant 0 : i32
    %dma_wait3A_769 = tpu.memref_slice %arg4[%add3A_759, %dma_wait3A_767, %dma_wait3A_768] : memref<16384x50x32xf32, #tpu.memory_space<hbm>> -> memref<1x50x32xf32, #tpu.memory_space<hbm>>
    %dma_wait3A_770 = tpu.memref_squeeze %dma_wait3A_769 : memref<1x50x32xf32, #tpu.memory_space<hbm>> -> memref<50x32xf32, #tpu.memory_space<hbm>>
    %dma_wait3A_771 = arith.constant 450 : i32
    %dma_wait3A_772 = arith.constant 0 : i32
    %dma_wait3A_773 = tpu.memref_slice %arg7[%dma_wait3A_771, %dma_wait3A_772] : memref<1600x32xf32, #tpu.memory_space<vmem>> -> memref<50x32xf32, #tpu.memory_space<vmem>>
    tpu.wait_dma2 semaphore(%arg11 : memref<!tpu.dma_semaphore, #tpu.memory_space<semaphore_mem>>) src(%dma_wait3A_773 : memref<50x32xf32, #tpu.memory_space<vmem>>) dst(%dma_wait3A_770 : memref<50x32xf32, #tpu.memory_space<hbm>>)
    %add3A_774 = arith.constant 480 : i32
    %add3A_775 = arith.addi %mul3A_4, %add3A_774 : i32
    %add3A_776 = arith.constant 10 : i32
    %add3A_777 = arith.addi %add3A_775, %add3A_776 : i32
    %dma_wait3A_778 = arith.constant 500 : i32
    %dma_wait3A_779 = arith.constant 0 : i32
    %dma_wait3A_780 = tpu.memref_slice %arg7[%dma_wait3A_778, %dma_wait3A_779] : memref<1600x32xf32, #tpu.memory_space<vmem>> -> memref<50x32xf32, #tpu.memory_space<vmem>>
    %dma_wait3A_781 = arith.constant 0 : i32
    %dma_wait3A_782 = arith.constant 0 : i32
    %dma_wait3A_783 = tpu.memref_slice %arg4[%add3A_777, %dma_wait3A_781, %dma_wait3A_782] : memref<16384x50x32xf32, #tpu.memory_space<hbm>> -> memref<1x50x32xf32, #tpu.memory_space<hbm>>
    %dma_wait3A_784 = tpu.memref_squeeze %dma_wait3A_783 : memref<1x50x32xf32, #tpu.memory_space<hbm>> -> memref<50x32xf32, #tpu.memory_space<hbm>>
    %dma_wait3A_785 = arith.constant 0 : i32
    %dma_wait3A_786 = arith.constant 0 : i32
    %dma_wait3A_787 = tpu.memref_slice %arg4[%add3A_777, %dma_wait3A_785, %dma_wait3A_786] : memref<16384x50x32xf32, #tpu.memory_space<hbm>> -> memref<1x50x32xf32, #tpu.memory_space<hbm>>
    %dma_wait3A_788 = tpu.memref_squeeze %dma_wait3A_787 : memref<1x50x32xf32, #tpu.memory_space<hbm>> -> memref<50x32xf32, #tpu.memory_space<hbm>>
    %dma_wait3A_789 = arith.constant 500 : i32
    %dma_wait3A_790 = arith.constant 0 : i32
    %dma_wait3A_791 = tpu.memref_slice %arg7[%dma_wait3A_789, %dma_wait3A_790] : memref<1600x32xf32, #tpu.memory_space<vmem>> -> memref<50x32xf32, #tpu.memory_space<vmem>>
    tpu.wait_dma2 semaphore(%arg11 : memref<!tpu.dma_semaphore, #tpu.memory_space<semaphore_mem>>) src(%dma_wait3A_791 : memref<50x32xf32, #tpu.memory_space<vmem>>) dst(%dma_wait3A_788 : memref<50x32xf32, #tpu.memory_space<hbm>>)
    %add3A_792 = arith.constant 480 : i32
    %add3A_793 = arith.addi %mul3A_4, %add3A_792 : i32
    %add3A_794 = arith.constant 11 : i32
    %add3A_795 = arith.addi %add3A_793, %add3A_794 : i32
    %dma_wait3A_796 = arith.constant 550 : i32
    %dma_wait3A_797 = arith.constant 0 : i32
    %dma_wait3A_798 = tpu.memref_slice %arg7[%dma_wait3A_796, %dma_wait3A_797] : memref<1600x32xf32, #tpu.memory_space<vmem>> -> memref<50x32xf32, #tpu.memory_space<vmem>>
    %dma_wait3A_799 = arith.constant 0 : i32
    %dma_wait3A_800 = arith.constant 0 : i32
    %dma_wait3A_801 = tpu.memref_slice %arg4[%add3A_795, %dma_wait3A_799, %dma_wait3A_800] : memref<16384x50x32xf32, #tpu.memory_space<hbm>> -> memref<1x50x32xf32, #tpu.memory_space<hbm>>
    %dma_wait3A_802 = tpu.memref_squeeze %dma_wait3A_801 : memref<1x50x32xf32, #tpu.memory_space<hbm>> -> memref<50x32xf32, #tpu.memory_space<hbm>>
    %dma_wait3A_803 = arith.constant 0 : i32
    %dma_wait3A_804 = arith.constant 0 : i32
    %dma_wait3A_805 = tpu.memref_slice %arg4[%add3A_795, %dma_wait3A_803, %dma_wait3A_804] : memref<16384x50x32xf32, #tpu.memory_space<hbm>> -> memref<1x50x32xf32, #tpu.memory_space<hbm>>
    %dma_wait3A_806 = tpu.memref_squeeze %dma_wait3A_805 : memref<1x50x32xf32, #tpu.memory_space<hbm>> -> memref<50x32xf32, #tpu.memory_space<hbm>>
    %dma_wait3A_807 = arith.constant 550 : i32
    %dma_wait3A_808 = arith.constant 0 : i32
    %dma_wait3A_809 = tpu.memref_slice %arg7[%dma_wait3A_807, %dma_wait3A_808] : memref<1600x32xf32, #tpu.memory_space<vmem>> -> memref<50x32xf32, #tpu.memory_space<vmem>>
    tpu.wait_dma2 semaphore(%arg11 : memref<!tpu.dma_semaphore, #tpu.memory_space<semaphore_mem>>) src(%dma_wait3A_809 : memref<50x32xf32, #tpu.memory_space<vmem>>) dst(%dma_wait3A_806 : memref<50x32xf32, #tpu.memory_space<hbm>>)
    %add3A_810 = arith.constant 480 : i32
    %add3A_811 = arith.addi %mul3A_4, %add3A_810 : i32
    %add3A_812 = arith.constant 12 : i32
    %add3A_813 = arith.addi %add3A_811, %add3A_812 : i32
    %dma_wait3A_814 = arith.constant 600 : i32
    %dma_wait3A_815 = arith.constant 0 : i32
    %dma_wait3A_816 = tpu.memref_slice %arg7[%dma_wait3A_814, %dma_wait3A_815] : memref<1600x32xf32, #tpu.memory_space<vmem>> -> memref<50x32xf32, #tpu.memory_space<vmem>>
    %dma_wait3A_817 = arith.constant 0 : i32
    %dma_wait3A_818 = arith.constant 0 : i32
    %dma_wait3A_819 = tpu.memref_slice %arg4[%add3A_813, %dma_wait3A_817, %dma_wait3A_818] : memref<16384x50x32xf32, #tpu.memory_space<hbm>> -> memref<1x50x32xf32, #tpu.memory_space<hbm>>
    %dma_wait3A_820 = tpu.memref_squeeze %dma_wait3A_819 : memref<1x50x32xf32, #tpu.memory_space<hbm>> -> memref<50x32xf32, #tpu.memory_space<hbm>>
    %dma_wait3A_821 = arith.constant 0 : i32
    %dma_wait3A_822 = arith.constant 0 : i32
    %dma_wait3A_823 = tpu.memref_slice %arg4[%add3A_813, %dma_wait3A_821, %dma_wait3A_822] : memref<16384x50x32xf32, #tpu.memory_space<hbm>> -> memref<1x50x32xf32, #tpu.memory_space<hbm>>
    %dma_wait3A_824 = tpu.memref_squeeze %dma_wait3A_823 : memref<1x50x32xf32, #tpu.memory_space<hbm>> -> memref<50x32xf32, #tpu.memory_space<hbm>>
    %dma_wait3A_825 = arith.constant 600 : i32
    %dma_wait3A_826 = arith.constant 0 : i32
    %dma_wait3A_827 = tpu.memref_slice %arg7[%dma_wait3A_825, %dma_wait3A_826] : memref<1600x32xf32, #tpu.memory_space<vmem>> -> memref<50x32xf32, #tpu.memory_space<vmem>>
    tpu.wait_dma2 semaphore(%arg11 : memref<!tpu.dma_semaphore, #tpu.memory_space<semaphore_mem>>) src(%dma_wait3A_827 : memref<50x32xf32, #tpu.memory_space<vmem>>) dst(%dma_wait3A_824 : memref<50x32xf32, #tpu.memory_space<hbm>>)
    %add3A_828 = arith.constant 480 : i32
    %add3A_829 = arith.addi %mul3A_4, %add3A_828 : i32
    %add3A_830 = arith.constant 13 : i32
    %add3A_831 = arith.addi %add3A_829, %add3A_830 : i32
    %dma_wait3A_832 = arith.constant 650 : i32
    %dma_wait3A_833 = arith.constant 0 : i32
    %dma_wait3A_834 = tpu.memref_slice %arg7[%dma_wait3A_832, %dma_wait3A_833] : memref<1600x32xf32, #tpu.memory_space<vmem>> -> memref<50x32xf32, #tpu.memory_space<vmem>>
    %dma_wait3A_835 = arith.constant 0 : i32
    %dma_wait3A_836 = arith.constant 0 : i32
    %dma_wait3A_837 = tpu.memref_slice %arg4[%add3A_831, %dma_wait3A_835, %dma_wait3A_836] : memref<16384x50x32xf32, #tpu.memory_space<hbm>> -> memref<1x50x32xf32, #tpu.memory_space<hbm>>
    %dma_wait3A_838 = tpu.memref_squeeze %dma_wait3A_837 : memref<1x50x32xf32, #tpu.memory_space<hbm>> -> memref<50x32xf32, #tpu.memory_space<hbm>>
    %dma_wait3A_839 = arith.constant 0 : i32
    %dma_wait3A_840 = arith.constant 0 : i32
    %dma_wait3A_841 = tpu.memref_slice %arg4[%add3A_831, %dma_wait3A_839, %dma_wait3A_840] : memref<16384x50x32xf32, #tpu.memory_space<hbm>> -> memref<1x50x32xf32, #tpu.memory_space<hbm>>
    %dma_wait3A_842 = tpu.memref_squeeze %dma_wait3A_841 : memref<1x50x32xf32, #tpu.memory_space<hbm>> -> memref<50x32xf32, #tpu.memory_space<hbm>>
    %dma_wait3A_843 = arith.constant 650 : i32
    %dma_wait3A_844 = arith.constant 0 : i32
    %dma_wait3A_845 = tpu.memref_slice %arg7[%dma_wait3A_843, %dma_wait3A_844] : memref<1600x32xf32, #tpu.memory_space<vmem>> -> memref<50x32xf32, #tpu.memory_space<vmem>>
    tpu.wait_dma2 semaphore(%arg11 : memref<!tpu.dma_semaphore, #tpu.memory_space<semaphore_mem>>) src(%dma_wait3A_845 : memref<50x32xf32, #tpu.memory_space<vmem>>) dst(%dma_wait3A_842 : memref<50x32xf32, #tpu.memory_space<hbm>>)
    %add3A_846 = arith.constant 480 : i32
    %add3A_847 = arith.addi %mul3A_4, %add3A_846 : i32
    %add3A_848 = arith.constant 14 : i32
    %add3A_849 = arith.addi %add3A_847, %add3A_848 : i32
    %dma_wait3A_850 = arith.constant 700 : i32
    %dma_wait3A_851 = arith.constant 0 : i32
    %dma_wait3A_852 = tpu.memref_slice %arg7[%dma_wait3A_850, %dma_wait3A_851] : memref<1600x32xf32, #tpu.memory_space<vmem>> -> memref<50x32xf32, #tpu.memory_space<vmem>>
    %dma_wait3A_853 = arith.constant 0 : i32
    %dma_wait3A_854 = arith.constant 0 : i32
    %dma_wait3A_855 = tpu.memref_slice %arg4[%add3A_849, %dma_wait3A_853, %dma_wait3A_854] : memref<16384x50x32xf32, #tpu.memory_space<hbm>> -> memref<1x50x32xf32, #tpu.memory_space<hbm>>
    %dma_wait3A_856 = tpu.memref_squeeze %dma_wait3A_855 : memref<1x50x32xf32, #tpu.memory_space<hbm>> -> memref<50x32xf32, #tpu.memory_space<hbm>>
    %dma_wait3A_857 = arith.constant 0 : i32
    %dma_wait3A_858 = arith.constant 0 : i32
    %dma_wait3A_859 = tpu.memref_slice %arg4[%add3A_849, %dma_wait3A_857, %dma_wait3A_858] : memref<16384x50x32xf32, #tpu.memory_space<hbm>> -> memref<1x50x32xf32, #tpu.memory_space<hbm>>
    %dma_wait3A_860 = tpu.memref_squeeze %dma_wait3A_859 : memref<1x50x32xf32, #tpu.memory_space<hbm>> -> memref<50x32xf32, #tpu.memory_space<hbm>>
    %dma_wait3A_861 = arith.constant 700 : i32
    %dma_wait3A_862 = arith.constant 0 : i32
    %dma_wait3A_863 = tpu.memref_slice %arg7[%dma_wait3A_861, %dma_wait3A_862] : memref<1600x32xf32, #tpu.memory_space<vmem>> -> memref<50x32xf32, #tpu.memory_space<vmem>>
    tpu.wait_dma2 semaphore(%arg11 : memref<!tpu.dma_semaphore, #tpu.memory_space<semaphore_mem>>) src(%dma_wait3A_863 : memref<50x32xf32, #tpu.memory_space<vmem>>) dst(%dma_wait3A_860 : memref<50x32xf32, #tpu.memory_space<hbm>>)
    %add3A_864 = arith.constant 480 : i32
    %add3A_865 = arith.addi %mul3A_4, %add3A_864 : i32
    %add3A_866 = arith.constant 15 : i32
    %add3A_867 = arith.addi %add3A_865, %add3A_866 : i32
    %dma_wait3A_868 = arith.constant 750 : i32
    %dma_wait3A_869 = arith.constant 0 : i32
    %dma_wait3A_870 = tpu.memref_slice %arg7[%dma_wait3A_868, %dma_wait3A_869] : memref<1600x32xf32, #tpu.memory_space<vmem>> -> memref<50x32xf32, #tpu.memory_space<vmem>>
    %dma_wait3A_871 = arith.constant 0 : i32
    %dma_wait3A_872 = arith.constant 0 : i32
    %dma_wait3A_873 = tpu.memref_slice %arg4[%add3A_867, %dma_wait3A_871, %dma_wait3A_872] : memref<16384x50x32xf32, #tpu.memory_space<hbm>> -> memref<1x50x32xf32, #tpu.memory_space<hbm>>
    %dma_wait3A_874 = tpu.memref_squeeze %dma_wait3A_873 : memref<1x50x32xf32, #tpu.memory_space<hbm>> -> memref<50x32xf32, #tpu.memory_space<hbm>>
    %dma_wait3A_875 = arith.constant 0 : i32
    %dma_wait3A_876 = arith.constant 0 : i32
    %dma_wait3A_877 = tpu.memref_slice %arg4[%add3A_867, %dma_wait3A_875, %dma_wait3A_876] : memref<16384x50x32xf32, #tpu.memory_space<hbm>> -> memref<1x50x32xf32, #tpu.memory_space<hbm>>
    %dma_wait3A_878 = tpu.memref_squeeze %dma_wait3A_877 : memref<1x50x32xf32, #tpu.memory_space<hbm>> -> memref<50x32xf32, #tpu.memory_space<hbm>>
    %dma_wait3A_879 = arith.constant 750 : i32
    %dma_wait3A_880 = arith.constant 0 : i32
    %dma_wait3A_881 = tpu.memref_slice %arg7[%dma_wait3A_879, %dma_wait3A_880] : memref<1600x32xf32, #tpu.memory_space<vmem>> -> memref<50x32xf32, #tpu.memory_space<vmem>>
    tpu.wait_dma2 semaphore(%arg11 : memref<!tpu.dma_semaphore, #tpu.memory_space<semaphore_mem>>) src(%dma_wait3A_881 : memref<50x32xf32, #tpu.memory_space<vmem>>) dst(%dma_wait3A_878 : memref<50x32xf32, #tpu.memory_space<hbm>>)
    %add3A_882 = arith.constant 480 : i32
    %add3A_883 = arith.addi %mul3A_4, %add3A_882 : i32
    %add3A_884 = arith.constant 16 : i32
    %add3A_885 = arith.addi %add3A_883, %add3A_884 : i32
    %dma_wait3A_886 = arith.constant 800 : i32
    %dma_wait3A_887 = arith.constant 0 : i32
    %dma_wait3A_888 = tpu.memref_slice %arg7[%dma_wait3A_886, %dma_wait3A_887] : memref<1600x32xf32, #tpu.memory_space<vmem>> -> memref<50x32xf32, #tpu.memory_space<vmem>>
    %dma_wait3A_889 = arith.constant 0 : i32
    %dma_wait3A_890 = arith.constant 0 : i32
    %dma_wait3A_891 = tpu.memref_slice %arg4[%add3A_885, %dma_wait3A_889, %dma_wait3A_890] : memref<16384x50x32xf32, #tpu.memory_space<hbm>> -> memref<1x50x32xf32, #tpu.memory_space<hbm>>
    %dma_wait3A_892 = tpu.memref_squeeze %dma_wait3A_891 : memref<1x50x32xf32, #tpu.memory_space<hbm>> -> memref<50x32xf32, #tpu.memory_space<hbm>>
    %dma_wait3A_893 = arith.constant 0 : i32
    %dma_wait3A_894 = arith.constant 0 : i32
    %dma_wait3A_895 = tpu.memref_slice %arg4[%add3A_885, %dma_wait3A_893, %dma_wait3A_894] : memref<16384x50x32xf32, #tpu.memory_space<hbm>> -> memref<1x50x32xf32, #tpu.memory_space<hbm>>
    %dma_wait3A_896 = tpu.memref_squeeze %dma_wait3A_895 : memref<1x50x32xf32, #tpu.memory_space<hbm>> -> memref<50x32xf32, #tpu.memory_space<hbm>>
    %dma_wait3A_897 = arith.constant 800 : i32
    %dma_wait3A_898 = arith.constant 0 : i32
    %dma_wait3A_899 = tpu.memref_slice %arg7[%dma_wait3A_897, %dma_wait3A_898] : memref<1600x32xf32, #tpu.memory_space<vmem>> -> memref<50x32xf32, #tpu.memory_space<vmem>>
    tpu.wait_dma2 semaphore(%arg11 : memref<!tpu.dma_semaphore, #tpu.memory_space<semaphore_mem>>) src(%dma_wait3A_899 : memref<50x32xf32, #tpu.memory_space<vmem>>) dst(%dma_wait3A_896 : memref<50x32xf32, #tpu.memory_space<hbm>>)
    %add3A_900 = arith.constant 480 : i32
    %add3A_901 = arith.addi %mul3A_4, %add3A_900 : i32
    %add3A_902 = arith.constant 17 : i32
    %add3A_903 = arith.addi %add3A_901, %add3A_902 : i32
    %dma_wait3A_904 = arith.constant 850 : i32
    %dma_wait3A_905 = arith.constant 0 : i32
    %dma_wait3A_906 = tpu.memref_slice %arg7[%dma_wait3A_904, %dma_wait3A_905] : memref<1600x32xf32, #tpu.memory_space<vmem>> -> memref<50x32xf32, #tpu.memory_space<vmem>>
    %dma_wait3A_907 = arith.constant 0 : i32
    %dma_wait3A_908 = arith.constant 0 : i32
    %dma_wait3A_909 = tpu.memref_slice %arg4[%add3A_903, %dma_wait3A_907, %dma_wait3A_908] : memref<16384x50x32xf32, #tpu.memory_space<hbm>> -> memref<1x50x32xf32, #tpu.memory_space<hbm>>
    %dma_wait3A_910 = tpu.memref_squeeze %dma_wait3A_909 : memref<1x50x32xf32, #tpu.memory_space<hbm>> -> memref<50x32xf32, #tpu.memory_space<hbm>>
    %dma_wait3A_911 = arith.constant 0 : i32
    %dma_wait3A_912 = arith.constant 0 : i32
    %dma_wait3A_913 = tpu.memref_slice %arg4[%add3A_903, %dma_wait3A_911, %dma_wait3A_912] : memref<16384x50x32xf32, #tpu.memory_space<hbm>> -> memref<1x50x32xf32, #tpu.memory_space<hbm>>
    %dma_wait3A_914 = tpu.memref_squeeze %dma_wait3A_913 : memref<1x50x32xf32, #tpu.memory_space<hbm>> -> memref<50x32xf32, #tpu.memory_space<hbm>>
    %dma_wait3A_915 = arith.constant 850 : i32
    %dma_wait3A_916 = arith.constant 0 : i32
    %dma_wait3A_917 = tpu.memref_slice %arg7[%dma_wait3A_915, %dma_wait3A_916] : memref<1600x32xf32, #tpu.memory_space<vmem>> -> memref<50x32xf32, #tpu.memory_space<vmem>>
    tpu.wait_dma2 semaphore(%arg11 : memref<!tpu.dma_semaphore, #tpu.memory_space<semaphore_mem>>) src(%dma_wait3A_917 : memref<50x32xf32, #tpu.memory_space<vmem>>) dst(%dma_wait3A_914 : memref<50x32xf32, #tpu.memory_space<hbm>>)
    %add3A_918 = arith.constant 480 : i32
    %add3A_919 = arith.addi %mul3A_4, %add3A_918 : i32
    %add3A_920 = arith.constant 18 : i32
    %add3A_921 = arith.addi %add3A_919, %add3A_920 : i32
    %dma_wait3A_922 = arith.constant 900 : i32
    %dma_wait3A_923 = arith.constant 0 : i32
    %dma_wait3A_924 = tpu.memref_slice %arg7[%dma_wait3A_922, %dma_wait3A_923] : memref<1600x32xf32, #tpu.memory_space<vmem>> -> memref<50x32xf32, #tpu.memory_space<vmem>>
    %dma_wait3A_925 = arith.constant 0 : i32
    %dma_wait3A_926 = arith.constant 0 : i32
    %dma_wait3A_927 = tpu.memref_slice %arg4[%add3A_921, %dma_wait3A_925, %dma_wait3A_926] : memref<16384x50x32xf32, #tpu.memory_space<hbm>> -> memref<1x50x32xf32, #tpu.memory_space<hbm>>
    %dma_wait3A_928 = tpu.memref_squeeze %dma_wait3A_927 : memref<1x50x32xf32, #tpu.memory_space<hbm>> -> memref<50x32xf32, #tpu.memory_space<hbm>>
    %dma_wait3A_929 = arith.constant 0 : i32
    %dma_wait3A_930 = arith.constant 0 : i32
    %dma_wait3A_931 = tpu.memref_slice %arg4[%add3A_921, %dma_wait3A_929, %dma_wait3A_930] : memref<16384x50x32xf32, #tpu.memory_space<hbm>> -> memref<1x50x32xf32, #tpu.memory_space<hbm>>
    %dma_wait3A_932 = tpu.memref_squeeze %dma_wait3A_931 : memref<1x50x32xf32, #tpu.memory_space<hbm>> -> memref<50x32xf32, #tpu.memory_space<hbm>>
    %dma_wait3A_933 = arith.constant 900 : i32
    %dma_wait3A_934 = arith.constant 0 : i32
    %dma_wait3A_935 = tpu.memref_slice %arg7[%dma_wait3A_933, %dma_wait3A_934] : memref<1600x32xf32, #tpu.memory_space<vmem>> -> memref<50x32xf32, #tpu.memory_space<vmem>>
    tpu.wait_dma2 semaphore(%arg11 : memref<!tpu.dma_semaphore, #tpu.memory_space<semaphore_mem>>) src(%dma_wait3A_935 : memref<50x32xf32, #tpu.memory_space<vmem>>) dst(%dma_wait3A_932 : memref<50x32xf32, #tpu.memory_space<hbm>>)
    %add3A_936 = arith.constant 480 : i32
    %add3A_937 = arith.addi %mul3A_4, %add3A_936 : i32
    %add3A_938 = arith.constant 19 : i32
    %add3A_939 = arith.addi %add3A_937, %add3A_938 : i32
    %dma_wait3A_940 = arith.constant 950 : i32
    %dma_wait3A_941 = arith.constant 0 : i32
    %dma_wait3A_942 = tpu.memref_slice %arg7[%dma_wait3A_940, %dma_wait3A_941] : memref<1600x32xf32, #tpu.memory_space<vmem>> -> memref<50x32xf32, #tpu.memory_space<vmem>>
    %dma_wait3A_943 = arith.constant 0 : i32
    %dma_wait3A_944 = arith.constant 0 : i32
    %dma_wait3A_945 = tpu.memref_slice %arg4[%add3A_939, %dma_wait3A_943, %dma_wait3A_944] : memref<16384x50x32xf32, #tpu.memory_space<hbm>> -> memref<1x50x32xf32, #tpu.memory_space<hbm>>
    %dma_wait3A_946 = tpu.memref_squeeze %dma_wait3A_945 : memref<1x50x32xf32, #tpu.memory_space<hbm>> -> memref<50x32xf32, #tpu.memory_space<hbm>>
    %dma_wait3A_947 = arith.constant 0 : i32
    %dma_wait3A_948 = arith.constant 0 : i32
    %dma_wait3A_949 = tpu.memref_slice %arg4[%add3A_939, %dma_wait3A_947, %dma_wait3A_948] : memref<16384x50x32xf32, #tpu.memory_space<hbm>> -> memref<1x50x32xf32, #tpu.memory_space<hbm>>
    %dma_wait3A_950 = tpu.memref_squeeze %dma_wait3A_949 : memref<1x50x32xf32, #tpu.memory_space<hbm>> -> memref<50x32xf32, #tpu.memory_space<hbm>>
    %dma_wait3A_951 = arith.constant 950 : i32
    %dma_wait3A_952 = arith.constant 0 : i32
    %dma_wait3A_953 = tpu.memref_slice %arg7[%dma_wait3A_951, %dma_wait3A_952] : memref<1600x32xf32, #tpu.memory_space<vmem>> -> memref<50x32xf32, #tpu.memory_space<vmem>>
    tpu.wait_dma2 semaphore(%arg11 : memref<!tpu.dma_semaphore, #tpu.memory_space<semaphore_mem>>) src(%dma_wait3A_953 : memref<50x32xf32, #tpu.memory_space<vmem>>) dst(%dma_wait3A_950 : memref<50x32xf32, #tpu.memory_space<hbm>>)
    %add3A_954 = arith.constant 480 : i32
    %add3A_955 = arith.addi %mul3A_4, %add3A_954 : i32
    %add3A_956 = arith.constant 20 : i32
    %add3A_957 = arith.addi %add3A_955, %add3A_956 : i32
    %dma_wait3A_958 = arith.constant 1000 : i32
    %dma_wait3A_959 = arith.constant 0 : i32
    %dma_wait3A_960 = tpu.memref_slice %arg7[%dma_wait3A_958, %dma_wait3A_959] : memref<1600x32xf32, #tpu.memory_space<vmem>> -> memref<50x32xf32, #tpu.memory_space<vmem>>
    %dma_wait3A_961 = arith.constant 0 : i32
    %dma_wait3A_962 = arith.constant 0 : i32
    %dma_wait3A_963 = tpu.memref_slice %arg4[%add3A_957, %dma_wait3A_961, %dma_wait3A_962] : memref<16384x50x32xf32, #tpu.memory_space<hbm>> -> memref<1x50x32xf32, #tpu.memory_space<hbm>>
    %dma_wait3A_964 = tpu.memref_squeeze %dma_wait3A_963 : memref<1x50x32xf32, #tpu.memory_space<hbm>> -> memref<50x32xf32, #tpu.memory_space<hbm>>
    %dma_wait3A_965 = arith.constant 0 : i32
    %dma_wait3A_966 = arith.constant 0 : i32
    %dma_wait3A_967 = tpu.memref_slice %arg4[%add3A_957, %dma_wait3A_965, %dma_wait3A_966] : memref<16384x50x32xf32, #tpu.memory_space<hbm>> -> memref<1x50x32xf32, #tpu.memory_space<hbm>>
    %dma_wait3A_968 = tpu.memref_squeeze %dma_wait3A_967 : memref<1x50x32xf32, #tpu.memory_space<hbm>> -> memref<50x32xf32, #tpu.memory_space<hbm>>
    %dma_wait3A_969 = arith.constant 1000 : i32
    %dma_wait3A_970 = arith.constant 0 : i32
    %dma_wait3A_971 = tpu.memref_slice %arg7[%dma_wait3A_969, %dma_wait3A_970] : memref<1600x32xf32, #tpu.memory_space<vmem>> -> memref<50x32xf32, #tpu.memory_space<vmem>>
    tpu.wait_dma2 semaphore(%arg11 : memref<!tpu.dma_semaphore, #tpu.memory_space<semaphore_mem>>) src(%dma_wait3A_971 : memref<50x32xf32, #tpu.memory_space<vmem>>) dst(%dma_wait3A_968 : memref<50x32xf32, #tpu.memory_space<hbm>>)
    %add3A_972 = arith.constant 480 : i32
    %add3A_973 = arith.addi %mul3A_4, %add3A_972 : i32
    %add3A_974 = arith.constant 21 : i32
    %add3A_975 = arith.addi %add3A_973, %add3A_974 : i32
    %dma_wait3A_976 = arith.constant 1050 : i32
    %dma_wait3A_977 = arith.constant 0 : i32
    %dma_wait3A_978 = tpu.memref_slice %arg7[%dma_wait3A_976, %dma_wait3A_977] : memref<1600x32xf32, #tpu.memory_space<vmem>> -> memref<50x32xf32, #tpu.memory_space<vmem>>
    %dma_wait3A_979 = arith.constant 0 : i32
    %dma_wait3A_980 = arith.constant 0 : i32
    %dma_wait3A_981 = tpu.memref_slice %arg4[%add3A_975, %dma_wait3A_979, %dma_wait3A_980] : memref<16384x50x32xf32, #tpu.memory_space<hbm>> -> memref<1x50x32xf32, #tpu.memory_space<hbm>>
    %dma_wait3A_982 = tpu.memref_squeeze %dma_wait3A_981 : memref<1x50x32xf32, #tpu.memory_space<hbm>> -> memref<50x32xf32, #tpu.memory_space<hbm>>
    %dma_wait3A_983 = arith.constant 0 : i32
    %dma_wait3A_984 = arith.constant 0 : i32
    %dma_wait3A_985 = tpu.memref_slice %arg4[%add3A_975, %dma_wait3A_983, %dma_wait3A_984] : memref<16384x50x32xf32, #tpu.memory_space<hbm>> -> memref<1x50x32xf32, #tpu.memory_space<hbm>>
    %dma_wait3A_986 = tpu.memref_squeeze %dma_wait3A_985 : memref<1x50x32xf32, #tpu.memory_space<hbm>> -> memref<50x32xf32, #tpu.memory_space<hbm>>
    %dma_wait3A_987 = arith.constant 1050 : i32
    %dma_wait3A_988 = arith.constant 0 : i32
    %dma_wait3A_989 = tpu.memref_slice %arg7[%dma_wait3A_987, %dma_wait3A_988] : memref<1600x32xf32, #tpu.memory_space<vmem>> -> memref<50x32xf32, #tpu.memory_space<vmem>>
    tpu.wait_dma2 semaphore(%arg11 : memref<!tpu.dma_semaphore, #tpu.memory_space<semaphore_mem>>) src(%dma_wait3A_989 : memref<50x32xf32, #tpu.memory_space<vmem>>) dst(%dma_wait3A_986 : memref<50x32xf32, #tpu.memory_space<hbm>>)
    %add3A_990 = arith.constant 480 : i32
    %add3A_991 = arith.addi %mul3A_4, %add3A_990 : i32
    %add3A_992 = arith.constant 22 : i32
    %add3A_993 = arith.addi %add3A_991, %add3A_992 : i32
    %dma_wait3A_994 = arith.constant 1100 : i32
    %dma_wait3A_995 = arith.constant 0 : i32
    %dma_wait3A_996 = tpu.memref_slice %arg7[%dma_wait3A_994, %dma_wait3A_995] : memref<1600x32xf32, #tpu.memory_space<vmem>> -> memref<50x32xf32, #tpu.memory_space<vmem>>
    %dma_wait3A_997 = arith.constant 0 : i32
    %dma_wait3A_998 = arith.constant 0 : i32
    %dma_wait3A_999 = tpu.memref_slice %arg4[%add3A_993, %dma_wait3A_997, %dma_wait3A_998] : memref<16384x50x32xf32, #tpu.memory_space<hbm>> -> memref<1x50x32xf32, #tpu.memory_space<hbm>>
    %dma_wait3A_1000 = tpu.memref_squeeze %dma_wait3A_999 : memref<1x50x32xf32, #tpu.memory_space<hbm>> -> memref<50x32xf32, #tpu.memory_space<hbm>>
    %dma_wait3A_1001 = arith.constant 0 : i32
    %dma_wait3A_1002 = arith.constant 0 : i32
    %dma_wait3A_1003 = tpu.memref_slice %arg4[%add3A_993, %dma_wait3A_1001, %dma_wait3A_1002] : memref<16384x50x32xf32, #tpu.memory_space<hbm>> -> memref<1x50x32xf32, #tpu.memory_space<hbm>>
    %dma_wait3A_1004 = tpu.memref_squeeze %dma_wait3A_1003 : memref<1x50x32xf32, #tpu.memory_space<hbm>> -> memref<50x32xf32, #tpu.memory_space<hbm>>
    %dma_wait3A_1005 = arith.constant 1100 : i32
    %dma_wait3A_1006 = arith.constant 0 : i32
    %dma_wait3A_1007 = tpu.memref_slice %arg7[%dma_wait3A_1005, %dma_wait3A_1006] : memref<1600x32xf32, #tpu.memory_space<vmem>> -> memref<50x32xf32, #tpu.memory_space<vmem>>
    tpu.wait_dma2 semaphore(%arg11 : memref<!tpu.dma_semaphore, #tpu.memory_space<semaphore_mem>>) src(%dma_wait3A_1007 : memref<50x32xf32, #tpu.memory_space<vmem>>) dst(%dma_wait3A_1004 : memref<50x32xf32, #tpu.memory_space<hbm>>)
    %add3A_1008 = arith.constant 480 : i32
    %add3A_1009 = arith.addi %mul3A_4, %add3A_1008 : i32
    %add3A_1010 = arith.constant 23 : i32
    %add3A_1011 = arith.addi %add3A_1009, %add3A_1010 : i32
    %dma_wait3A_1012 = arith.constant 1150 : i32
    %dma_wait3A_1013 = arith.constant 0 : i32
    %dma_wait3A_1014 = tpu.memref_slice %arg7[%dma_wait3A_1012, %dma_wait3A_1013] : memref<1600x32xf32, #tpu.memory_space<vmem>> -> memref<50x32xf32, #tpu.memory_space<vmem>>
    %dma_wait3A_1015 = arith.constant 0 : i32
    %dma_wait3A_1016 = arith.constant 0 : i32
    %dma_wait3A_1017 = tpu.memref_slice %arg4[%add3A_1011, %dma_wait3A_1015, %dma_wait3A_1016] : memref<16384x50x32xf32, #tpu.memory_space<hbm>> -> memref<1x50x32xf32, #tpu.memory_space<hbm>>
    %dma_wait3A_1018 = tpu.memref_squeeze %dma_wait3A_1017 : memref<1x50x32xf32, #tpu.memory_space<hbm>> -> memref<50x32xf32, #tpu.memory_space<hbm>>
    %dma_wait3A_1019 = arith.constant 0 : i32
    %dma_wait3A_1020 = arith.constant 0 : i32
    %dma_wait3A_1021 = tpu.memref_slice %arg4[%add3A_1011, %dma_wait3A_1019, %dma_wait3A_1020] : memref<16384x50x32xf32, #tpu.memory_space<hbm>> -> memref<1x50x32xf32, #tpu.memory_space<hbm>>
    %dma_wait3A_1022 = tpu.memref_squeeze %dma_wait3A_1021 : memref<1x50x32xf32, #tpu.memory_space<hbm>> -> memref<50x32xf32, #tpu.memory_space<hbm>>
    %dma_wait3A_1023 = arith.constant 1150 : i32
    %dma_wait3A_1024 = arith.constant 0 : i32
    %dma_wait3A_1025 = tpu.memref_slice %arg7[%dma_wait3A_1023, %dma_wait3A_1024] : memref<1600x32xf32, #tpu.memory_space<vmem>> -> memref<50x32xf32, #tpu.memory_space<vmem>>
    tpu.wait_dma2 semaphore(%arg11 : memref<!tpu.dma_semaphore, #tpu.memory_space<semaphore_mem>>) src(%dma_wait3A_1025 : memref<50x32xf32, #tpu.memory_space<vmem>>) dst(%dma_wait3A_1022 : memref<50x32xf32, #tpu.memory_space<hbm>>)
    %add3A_1026 = arith.constant 480 : i32
    %add3A_1027 = arith.addi %mul3A_4, %add3A_1026 : i32
    %add3A_1028 = arith.constant 24 : i32
    %add3A_1029 = arith.addi %add3A_1027, %add3A_1028 : i32
    %dma_wait3A_1030 = arith.constant 1200 : i32
    %dma_wait3A_1031 = arith.constant 0 : i32
    %dma_wait3A_1032 = tpu.memref_slice %arg7[%dma_wait3A_1030, %dma_wait3A_1031] : memref<1600x32xf32, #tpu.memory_space<vmem>> -> memref<50x32xf32, #tpu.memory_space<vmem>>
    %dma_wait3A_1033 = arith.constant 0 : i32
    %dma_wait3A_1034 = arith.constant 0 : i32
    %dma_wait3A_1035 = tpu.memref_slice %arg4[%add3A_1029, %dma_wait3A_1033, %dma_wait3A_1034] : memref<16384x50x32xf32, #tpu.memory_space<hbm>> -> memref<1x50x32xf32, #tpu.memory_space<hbm>>
    %dma_wait3A_1036 = tpu.memref_squeeze %dma_wait3A_1035 : memref<1x50x32xf32, #tpu.memory_space<hbm>> -> memref<50x32xf32, #tpu.memory_space<hbm>>
    %dma_wait3A_1037 = arith.constant 0 : i32
    %dma_wait3A_1038 = arith.constant 0 : i32
    %dma_wait3A_1039 = tpu.memref_slice %arg4[%add3A_1029, %dma_wait3A_1037, %dma_wait3A_1038] : memref<16384x50x32xf32, #tpu.memory_space<hbm>> -> memref<1x50x32xf32, #tpu.memory_space<hbm>>
    %dma_wait3A_1040 = tpu.memref_squeeze %dma_wait3A_1039 : memref<1x50x32xf32, #tpu.memory_space<hbm>> -> memref<50x32xf32, #tpu.memory_space<hbm>>
    %dma_wait3A_1041 = arith.constant 1200 : i32
    %dma_wait3A_1042 = arith.constant 0 : i32
    %dma_wait3A_1043 = tpu.memref_slice %arg7[%dma_wait3A_1041, %dma_wait3A_1042] : memref<1600x32xf32, #tpu.memory_space<vmem>> -> memref<50x32xf32, #tpu.memory_space<vmem>>
    tpu.wait_dma2 semaphore(%arg11 : memref<!tpu.dma_semaphore, #tpu.memory_space<semaphore_mem>>) src(%dma_wait3A_1043 : memref<50x32xf32, #tpu.memory_space<vmem>>) dst(%dma_wait3A_1040 : memref<50x32xf32, #tpu.memory_space<hbm>>)
    %add3A_1044 = arith.constant 480 : i32
    %add3A_1045 = arith.addi %mul3A_4, %add3A_1044 : i32
    %add3A_1046 = arith.constant 25 : i32
    %add3A_1047 = arith.addi %add3A_1045, %add3A_1046 : i32
    %dma_wait3A_1048 = arith.constant 1250 : i32
    %dma_wait3A_1049 = arith.constant 0 : i32
    %dma_wait3A_1050 = tpu.memref_slice %arg7[%dma_wait3A_1048, %dma_wait3A_1049] : memref<1600x32xf32, #tpu.memory_space<vmem>> -> memref<50x32xf32, #tpu.memory_space<vmem>>
    %dma_wait3A_1051 = arith.constant 0 : i32
    %dma_wait3A_1052 = arith.constant 0 : i32
    %dma_wait3A_1053 = tpu.memref_slice %arg4[%add3A_1047, %dma_wait3A_1051, %dma_wait3A_1052] : memref<16384x50x32xf32, #tpu.memory_space<hbm>> -> memref<1x50x32xf32, #tpu.memory_space<hbm>>
    %dma_wait3A_1054 = tpu.memref_squeeze %dma_wait3A_1053 : memref<1x50x32xf32, #tpu.memory_space<hbm>> -> memref<50x32xf32, #tpu.memory_space<hbm>>
    %dma_wait3A_1055 = arith.constant 0 : i32
    %dma_wait3A_1056 = arith.constant 0 : i32
    %dma_wait3A_1057 = tpu.memref_slice %arg4[%add3A_1047, %dma_wait3A_1055, %dma_wait3A_1056] : memref<16384x50x32xf32, #tpu.memory_space<hbm>> -> memref<1x50x32xf32, #tpu.memory_space<hbm>>
    %dma_wait3A_1058 = tpu.memref_squeeze %dma_wait3A_1057 : memref<1x50x32xf32, #tpu.memory_space<hbm>> -> memref<50x32xf32, #tpu.memory_space<hbm>>
    %dma_wait3A_1059 = arith.constant 1250 : i32
    %dma_wait3A_1060 = arith.constant 0 : i32
    %dma_wait3A_1061 = tpu.memref_slice %arg7[%dma_wait3A_1059, %dma_wait3A_1060] : memref<1600x32xf32, #tpu.memory_space<vmem>> -> memref<50x32xf32, #tpu.memory_space<vmem>>
    tpu.wait_dma2 semaphore(%arg11 : memref<!tpu.dma_semaphore, #tpu.memory_space<semaphore_mem>>) src(%dma_wait3A_1061 : memref<50x32xf32, #tpu.memory_space<vmem>>) dst(%dma_wait3A_1058 : memref<50x32xf32, #tpu.memory_space<hbm>>)
    %add3A_1062 = arith.constant 480 : i32
    %add3A_1063 = arith.addi %mul3A_4, %add3A_1062 : i32
    %add3A_1064 = arith.constant 26 : i32
    %add3A_1065 = arith.addi %add3A_1063, %add3A_1064 : i32
    %dma_wait3A_1066 = arith.constant 1300 : i32
    %dma_wait3A_1067 = arith.constant 0 : i32
    %dma_wait3A_1068 = tpu.memref_slice %arg7[%dma_wait3A_1066, %dma_wait3A_1067] : memref<1600x32xf32, #tpu.memory_space<vmem>> -> memref<50x32xf32, #tpu.memory_space<vmem>>
    %dma_wait3A_1069 = arith.constant 0 : i32
    %dma_wait3A_1070 = arith.constant 0 : i32
    %dma_wait3A_1071 = tpu.memref_slice %arg4[%add3A_1065, %dma_wait3A_1069, %dma_wait3A_1070] : memref<16384x50x32xf32, #tpu.memory_space<hbm>> -> memref<1x50x32xf32, #tpu.memory_space<hbm>>
    %dma_wait3A_1072 = tpu.memref_squeeze %dma_wait3A_1071 : memref<1x50x32xf32, #tpu.memory_space<hbm>> -> memref<50x32xf32, #tpu.memory_space<hbm>>
    %dma_wait3A_1073 = arith.constant 0 : i32
    %dma_wait3A_1074 = arith.constant 0 : i32
    %dma_wait3A_1075 = tpu.memref_slice %arg4[%add3A_1065, %dma_wait3A_1073, %dma_wait3A_1074] : memref<16384x50x32xf32, #tpu.memory_space<hbm>> -> memref<1x50x32xf32, #tpu.memory_space<hbm>>
    %dma_wait3A_1076 = tpu.memref_squeeze %dma_wait3A_1075 : memref<1x50x32xf32, #tpu.memory_space<hbm>> -> memref<50x32xf32, #tpu.memory_space<hbm>>
    %dma_wait3A_1077 = arith.constant 1300 : i32
    %dma_wait3A_1078 = arith.constant 0 : i32
    %dma_wait3A_1079 = tpu.memref_slice %arg7[%dma_wait3A_1077, %dma_wait3A_1078] : memref<1600x32xf32, #tpu.memory_space<vmem>> -> memref<50x32xf32, #tpu.memory_space<vmem>>
    tpu.wait_dma2 semaphore(%arg11 : memref<!tpu.dma_semaphore, #tpu.memory_space<semaphore_mem>>) src(%dma_wait3A_1079 : memref<50x32xf32, #tpu.memory_space<vmem>>) dst(%dma_wait3A_1076 : memref<50x32xf32, #tpu.memory_space<hbm>>)
    %add3A_1080 = arith.constant 480 : i32
    %add3A_1081 = arith.addi %mul3A_4, %add3A_1080 : i32
    %add3A_1082 = arith.constant 27 : i32
    %add3A_1083 = arith.addi %add3A_1081, %add3A_1082 : i32
    %dma_wait3A_1084 = arith.constant 1350 : i32
    %dma_wait3A_1085 = arith.constant 0 : i32
    %dma_wait3A_1086 = tpu.memref_slice %arg7[%dma_wait3A_1084, %dma_wait3A_1085] : memref<1600x32xf32, #tpu.memory_space<vmem>> -> memref<50x32xf32, #tpu.memory_space<vmem>>
    %dma_wait3A_1087 = arith.constant 0 : i32
    %dma_wait3A_1088 = arith.constant 0 : i32
    %dma_wait3A_1089 = tpu.memref_slice %arg4[%add3A_1083, %dma_wait3A_1087, %dma_wait3A_1088] : memref<16384x50x32xf32, #tpu.memory_space<hbm>> -> memref<1x50x32xf32, #tpu.memory_space<hbm>>
    %dma_wait3A_1090 = tpu.memref_squeeze %dma_wait3A_1089 : memref<1x50x32xf32, #tpu.memory_space<hbm>> -> memref<50x32xf32, #tpu.memory_space<hbm>>
    %dma_wait3A_1091 = arith.constant 0 : i32
    %dma_wait3A_1092 = arith.constant 0 : i32
    %dma_wait3A_1093 = tpu.memref_slice %arg4[%add3A_1083, %dma_wait3A_1091, %dma_wait3A_1092] : memref<16384x50x32xf32, #tpu.memory_space<hbm>> -> memref<1x50x32xf32, #tpu.memory_space<hbm>>
    %dma_wait3A_1094 = tpu.memref_squeeze %dma_wait3A_1093 : memref<1x50x32xf32, #tpu.memory_space<hbm>> -> memref<50x32xf32, #tpu.memory_space<hbm>>
    %dma_wait3A_1095 = arith.constant 1350 : i32
    %dma_wait3A_1096 = arith.constant 0 : i32
    %dma_wait3A_1097 = tpu.memref_slice %arg7[%dma_wait3A_1095, %dma_wait3A_1096] : memref<1600x32xf32, #tpu.memory_space<vmem>> -> memref<50x32xf32, #tpu.memory_space<vmem>>
    tpu.wait_dma2 semaphore(%arg11 : memref<!tpu.dma_semaphore, #tpu.memory_space<semaphore_mem>>) src(%dma_wait3A_1097 : memref<50x32xf32, #tpu.memory_space<vmem>>) dst(%dma_wait3A_1094 : memref<50x32xf32, #tpu.memory_space<hbm>>)
    %add3A_1098 = arith.constant 480 : i32
    %add3A_1099 = arith.addi %mul3A_4, %add3A_1098 : i32
    %add3A_1100 = arith.constant 28 : i32
    %add3A_1101 = arith.addi %add3A_1099, %add3A_1100 : i32
    %dma_wait3A_1102 = arith.constant 1400 : i32
    %dma_wait3A_1103 = arith.constant 0 : i32
    %dma_wait3A_1104 = tpu.memref_slice %arg7[%dma_wait3A_1102, %dma_wait3A_1103] : memref<1600x32xf32, #tpu.memory_space<vmem>> -> memref<50x32xf32, #tpu.memory_space<vmem>>
    %dma_wait3A_1105 = arith.constant 0 : i32
    %dma_wait3A_1106 = arith.constant 0 : i32
    %dma_wait3A_1107 = tpu.memref_slice %arg4[%add3A_1101, %dma_wait3A_1105, %dma_wait3A_1106] : memref<16384x50x32xf32, #tpu.memory_space<hbm>> -> memref<1x50x32xf32, #tpu.memory_space<hbm>>
    %dma_wait3A_1108 = tpu.memref_squeeze %dma_wait3A_1107 : memref<1x50x32xf32, #tpu.memory_space<hbm>> -> memref<50x32xf32, #tpu.memory_space<hbm>>
    %dma_wait3A_1109 = arith.constant 0 : i32
    %dma_wait3A_1110 = arith.constant 0 : i32
    %dma_wait3A_1111 = tpu.memref_slice %arg4[%add3A_1101, %dma_wait3A_1109, %dma_wait3A_1110] : memref<16384x50x32xf32, #tpu.memory_space<hbm>> -> memref<1x50x32xf32, #tpu.memory_space<hbm>>
    %dma_wait3A_1112 = tpu.memref_squeeze %dma_wait3A_1111 : memref<1x50x32xf32, #tpu.memory_space<hbm>> -> memref<50x32xf32, #tpu.memory_space<hbm>>
    %dma_wait3A_1113 = arith.constant 1400 : i32
    %dma_wait3A_1114 = arith.constant 0 : i32
    %dma_wait3A_1115 = tpu.memref_slice %arg7[%dma_wait3A_1113, %dma_wait3A_1114] : memref<1600x32xf32, #tpu.memory_space<vmem>> -> memref<50x32xf32, #tpu.memory_space<vmem>>
    tpu.wait_dma2 semaphore(%arg11 : memref<!tpu.dma_semaphore, #tpu.memory_space<semaphore_mem>>) src(%dma_wait3A_1115 : memref<50x32xf32, #tpu.memory_space<vmem>>) dst(%dma_wait3A_1112 : memref<50x32xf32, #tpu.memory_space<hbm>>)
    %add3A_1116 = arith.constant 480 : i32
    %add3A_1117 = arith.addi %mul3A_4, %add3A_1116 : i32
    %add3A_1118 = arith.constant 29 : i32
    %add3A_1119 = arith.addi %add3A_1117, %add3A_1118 : i32
    %dma_wait3A_1120 = arith.constant 1450 : i32
    %dma_wait3A_1121 = arith.constant 0 : i32
    %dma_wait3A_1122 = tpu.memref_slice %arg7[%dma_wait3A_1120, %dma_wait3A_1121] : memref<1600x32xf32, #tpu.memory_space<vmem>> -> memref<50x32xf32, #tpu.memory_space<vmem>>
    %dma_wait3A_1123 = arith.constant 0 : i32
    %dma_wait3A_1124 = arith.constant 0 : i32
    %dma_wait3A_1125 = tpu.memref_slice %arg4[%add3A_1119, %dma_wait3A_1123, %dma_wait3A_1124] : memref<16384x50x32xf32, #tpu.memory_space<hbm>> -> memref<1x50x32xf32, #tpu.memory_space<hbm>>
    %dma_wait3A_1126 = tpu.memref_squeeze %dma_wait3A_1125 : memref<1x50x32xf32, #tpu.memory_space<hbm>> -> memref<50x32xf32, #tpu.memory_space<hbm>>
    %dma_wait3A_1127 = arith.constant 0 : i32
    %dma_wait3A_1128 = arith.constant 0 : i32
    %dma_wait3A_1129 = tpu.memref_slice %arg4[%add3A_1119, %dma_wait3A_1127, %dma_wait3A_1128] : memref<16384x50x32xf32, #tpu.memory_space<hbm>> -> memref<1x50x32xf32, #tpu.memory_space<hbm>>
    %dma_wait3A_1130 = tpu.memref_squeeze %dma_wait3A_1129 : memref<1x50x32xf32, #tpu.memory_space<hbm>> -> memref<50x32xf32, #tpu.memory_space<hbm>>
    %dma_wait3A_1131 = arith.constant 1450 : i32
    %dma_wait3A_1132 = arith.constant 0 : i32
    %dma_wait3A_1133 = tpu.memref_slice %arg7[%dma_wait3A_1131, %dma_wait3A_1132] : memref<1600x32xf32, #tpu.memory_space<vmem>> -> memref<50x32xf32, #tpu.memory_space<vmem>>
    tpu.wait_dma2 semaphore(%arg11 : memref<!tpu.dma_semaphore, #tpu.memory_space<semaphore_mem>>) src(%dma_wait3A_1133 : memref<50x32xf32, #tpu.memory_space<vmem>>) dst(%dma_wait3A_1130 : memref<50x32xf32, #tpu.memory_space<hbm>>)
    %add3A_1134 = arith.constant 480 : i32
    %add3A_1135 = arith.addi %mul3A_4, %add3A_1134 : i32
    %add3A_1136 = arith.constant 30 : i32
    %add3A_1137 = arith.addi %add3A_1135, %add3A_1136 : i32
    %dma_wait3A_1138 = arith.constant 1500 : i32
    %dma_wait3A_1139 = arith.constant 0 : i32
    %dma_wait3A_1140 = tpu.memref_slice %arg7[%dma_wait3A_1138, %dma_wait3A_1139] : memref<1600x32xf32, #tpu.memory_space<vmem>> -> memref<50x32xf32, #tpu.memory_space<vmem>>
    %dma_wait3A_1141 = arith.constant 0 : i32
    %dma_wait3A_1142 = arith.constant 0 : i32
    %dma_wait3A_1143 = tpu.memref_slice %arg4[%add3A_1137, %dma_wait3A_1141, %dma_wait3A_1142] : memref<16384x50x32xf32, #tpu.memory_space<hbm>> -> memref<1x50x32xf32, #tpu.memory_space<hbm>>
    %dma_wait3A_1144 = tpu.memref_squeeze %dma_wait3A_1143 : memref<1x50x32xf32, #tpu.memory_space<hbm>> -> memref<50x32xf32, #tpu.memory_space<hbm>>
    %dma_wait3A_1145 = arith.constant 0 : i32
    %dma_wait3A_1146 = arith.constant 0 : i32
    %dma_wait3A_1147 = tpu.memref_slice %arg4[%add3A_1137, %dma_wait3A_1145, %dma_wait3A_1146] : memref<16384x50x32xf32, #tpu.memory_space<hbm>> -> memref<1x50x32xf32, #tpu.memory_space<hbm>>
    %dma_wait3A_1148 = tpu.memref_squeeze %dma_wait3A_1147 : memref<1x50x32xf32, #tpu.memory_space<hbm>> -> memref<50x32xf32, #tpu.memory_space<hbm>>
    %dma_wait3A_1149 = arith.constant 1500 : i32
    %dma_wait3A_1150 = arith.constant 0 : i32
    %dma_wait3A_1151 = tpu.memref_slice %arg7[%dma_wait3A_1149, %dma_wait3A_1150] : memref<1600x32xf32, #tpu.memory_space<vmem>> -> memref<50x32xf32, #tpu.memory_space<vmem>>
    tpu.wait_dma2 semaphore(%arg11 : memref<!tpu.dma_semaphore, #tpu.memory_space<semaphore_mem>>) src(%dma_wait3A_1151 : memref<50x32xf32, #tpu.memory_space<vmem>>) dst(%dma_wait3A_1148 : memref<50x32xf32, #tpu.memory_space<hbm>>)
    %add3A_1152 = arith.constant 480 : i32
    %add3A_1153 = arith.addi %mul3A_4, %add3A_1152 : i32
    %add3A_1154 = arith.constant 31 : i32
    %add3A_1155 = arith.addi %add3A_1153, %add3A_1154 : i32
    %dma_wait3A_1156 = arith.constant 1550 : i32
    %dma_wait3A_1157 = arith.constant 0 : i32
    %dma_wait3A_1158 = tpu.memref_slice %arg7[%dma_wait3A_1156, %dma_wait3A_1157] : memref<1600x32xf32, #tpu.memory_space<vmem>> -> memref<50x32xf32, #tpu.memory_space<vmem>>
    %dma_wait3A_1159 = arith.constant 0 : i32
    %dma_wait3A_1160 = arith.constant 0 : i32
    %dma_wait3A_1161 = tpu.memref_slice %arg4[%add3A_1155, %dma_wait3A_1159, %dma_wait3A_1160] : memref<16384x50x32xf32, #tpu.memory_space<hbm>> -> memref<1x50x32xf32, #tpu.memory_space<hbm>>
    %dma_wait3A_1162 = tpu.memref_squeeze %dma_wait3A_1161 : memref<1x50x32xf32, #tpu.memory_space<hbm>> -> memref<50x32xf32, #tpu.memory_space<hbm>>
    %dma_wait3A_1163 = arith.constant 0 : i32
    %dma_wait3A_1164 = arith.constant 0 : i32
    %dma_wait3A_1165 = tpu.memref_slice %arg4[%add3A_1155, %dma_wait3A_1163, %dma_wait3A_1164] : memref<16384x50x32xf32, #tpu.memory_space<hbm>> -> memref<1x50x32xf32, #tpu.memory_space<hbm>>
    %dma_wait3A_1166 = tpu.memref_squeeze %dma_wait3A_1165 : memref<1x50x32xf32, #tpu.memory_space<hbm>> -> memref<50x32xf32, #tpu.memory_space<hbm>>
    %dma_wait3A_1167 = arith.constant 1550 : i32
    %dma_wait3A_1168 = arith.constant 0 : i32
    %dma_wait3A_1169 = tpu.memref_slice %arg7[%dma_wait3A_1167, %dma_wait3A_1168] : memref<1600x32xf32, #tpu.memory_space<vmem>> -> memref<50x32xf32, #tpu.memory_space<vmem>>
    tpu.wait_dma2 semaphore(%arg11 : memref<!tpu.dma_semaphore, #tpu.memory_space<semaphore_mem>>) src(%dma_wait3A_1169 : memref<50x32xf32, #tpu.memory_space<vmem>>) dst(%dma_wait3A_1166 : memref<50x32xf32, #tpu.memory_space<hbm>>)
    return
  }
}

</mosaic_0001>

<sc_bundles>
// kernel: kernel.3.cloned.1.call-start
scs
__scs_entry_jumppad:
0x0: {  	(pc) =	sbr.rel $0x88, $3  }
0x1: {  	(tag) =	ssettag $0x0;
	lr =	simm.s32 $0x1  }
0x2: {  	[smem:$0x3F9F] =	sst lr;
	_ =	strace $0xD0000000  }
0x3: {  	_ = 	snop  }
0x4: {  	_ = 	snop  }
0x5: {  	_ = 	snop  }
0x6: {  	_ = 	snop  }
0x7: {  	_ = 	snop  }
__scs_overlays_trampoline_lowered:
0x8: {  	[smem:$0x3FAE] =	sst s0  }
0x9: {  	[smem:$0x3FAF] =	sst s1  }
0xa: {  	[smem:$0x3FB0] =	sst s2  }
0xb: {  	[smem:$0x3FB1] =	sst s3  }
0xc: {  	[smem:$0x3FB2] =	sst s4  }
0xd: {  	[smem:$0x3FB3] =	sst s5  }
0xe: {  	[smem:$0x3FB4] =	sst s6  }
0xf: {  	[smem:$0x3FB5] =	sst s7  }
0x10: {  	[smem:$0x3FB6] =	sst s8  }
0x11: {  	[smem:$0x3FB7] =	sst s9;
	s0 =	simm.s32 @!p0 $0x0  }
0x12: {  	s1 =	sld [smem:$0x3F9D];
	s0 =	simm.s32 @p0 $0x1  }
0x13: {  	[smem:$0x3FB8] =	sst s0;
	s0 =	simm.s32 @!p1 $0x0  }
0x14: {  	s2 =	sld [smem:$0x3F9C];
	s0 =	simm.s32 @p1 $0x1  }
0x15: {  	[smem:$0x3FB9] =	sst s0;
	s0 =	simm.s32 @!p2 $0x0  }
0x16: {  	s3 =	sld [smem:$0x3FDB];
	s0 =	simm.s32 @p2 $0x1  }
0x17: {  	s4 =	simm.s32 $0x1BF5;
	[smem:$0x3FBB] =	sst s0  }
0x18: {  	s0 =	sld [smem:$0x3F9E];
	_ =	swait.ge [sflag:s4], $0x0  }
0x19: {  	s7 =	sld [smem:$0x3F9F]  }
0x1a: {  	s8 =	sadd.s32 $0xFFFFE003, lr  }
0x1b: {  	s9 =	sadd.s32 $0xFFFFFEF7, lr;
	s5 =	simm.s32 $0xFFFFFFFF;
	p2 =	slt.u32 s8, $0xFFFFF086  }
0x1c: {  	p1 =	slt.u32 s9, $0xF7A;
	s5 =	simm.s32 @!p2 $0x0  }
0x1d: {  	s5 =	simm.s32 @p1 $0x1;
	p0 =	seq.s32 s7, s2  }
0x1e: {  	s7 =	smul.u32 @!p0 $0xF7A, s2;
	p2 =	seq.s32 @!p0 s5, $0x0  }
0x1f: {  	s9 =	smul.u32 $0xF7A, s1;
	s8 =	simm.s32 @!p0 $0x1BF5;
	p2 =	por !p2, p0  }
0x20: {  	[sflag:s8] =	ssyncset.s32 @!p0 $0xFFFFF086;
	s6 =	sadd.s32 @!p0 s3, s7;
	s7 =	simm.s32 @!p0 $0x108  }
0x21: {  	s3 =	sadd.s32 s3, s9;
	s6 =	sadd.s32 @!p0 $0x88, s6;
	s7 =	simm.s32 @p2 $0x1082  }
0x22: {  	[simem:s7], [sflag:s8] =	dma.local @!p0 [hbm:s6], $0xF7A  }
0x23: {  	s9 =	sor.u32 $0xD0000000, s2;
	s6 =	simm.s32 $0x108;
	_ =	swait.ge @!p0 [sflag:s8], $0x0  }
0x24: {  	s3 =	sadd.s32 $0x88, s3;
	s6 =	simm.s32 @!p1 $0x1082;
	[sflag:s4] =	ssyncset.s32 $0xFFFFF086  }
0x25: {  	[simem:s6], [sflag:s4] =	dma.local [hbm:s3], $0xF7A  }
0x26: {  	[smem:$0x3F9F] =	sst s1;
	(tag) =	ssettag s2;
	_ =	strace s9  }
0x27: {  	s1 =	sld [smem:$0x3FAF]  }
0x28: {  	s2 =	sld [smem:$0x3FB0]  }
0x29: {  	s4 =	sld [smem:$0x3FB2]  }
0x2a: {  	p0 =	seq.s32 s5, $0x0;
	s5 =	sld [smem:$0x3FB3]  }
0x2b: {  	s6 =	sld [smem:$0x3FB4]  }
0x2c: {  	s7 =	sld [smem:$0x3FB5]  }
0x2d: {  	s3 =	simm.s32 $0x108;
	s8 =	sld [smem:$0x3FB6]  }
0x2e: {  	s3 =	simm.s32 @!p0 $0x1082;
	s9 =	sld [smem:$0x3FB7]  }
0x2f: {  	lr =	sadd.s32 s0, s3;
	s0 =	sld [smem:$0x3FAE]  }
0x30: {  	s3 =	sld [smem:$0x3FB1]  }
0x31: {  	[smem:$0x3FBA] =	sst s10  }
0x32: {  	s10 =	sld [smem:$0x3FB8];
	_ =	sdelay $0x3  }
0x33: {  	p0 =	seq.s32 s10, $0x1;
	s10 =	sld [smem:$0x3FBA];
	_ =	sdelay $0x3  }
0x34: {  	[smem:$0x3FBA] =	sst s10  }
0x35: {  	s10 =	sld [smem:$0x3FB9];
	_ =	sdelay $0x3  }
0x36: {  	p1 =	seq.s32 s10, $0x1;
	s10 =	sld [smem:$0x3FBA];
	_ =	sdelay $0x3  }
0x37: {  	[smem:$0x3FBA] =	sst s10  }
0x38: {  	s10 =	sld [smem:$0x3FBB]  }
0x39: {  	_ = 	snop;
	(pc) =	sbr.ind lr, $3  }
0x3a: {  	_ = 	snop  }
0x3b: {  	_ = 	snop  }
0x3c: {  	p2 =	seq.s32 s10, $0x1;
	s10 =	sld [smem:$0x3FBA]  }
0x3d: {  	_ =	shalt  }
0x3e: {  	_ =	shalt  }
0x3f: {  	_ =	shalt  }
0x40: {  	_ =	shalt  }
0x41: {  	_ =	shalt  }
0x42: {  	_ =	shalt  }
0x43: {  	_ =	shalt  }
0x44: {  	_ =	shalt  }
0x45: {  	_ =	shalt  }
0x46: {  	_ =	shalt  }
0x47: {  	_ =	shalt  }
0x48: {  	_ =	shalt  }
0x49: {  	_ =	shalt  }
0x4a: {  	_ =	shalt  }
0x4b: {  	_ =	shalt  }
0x4c: {  	_ =	shalt  }
0x4d: {  	_ =	shalt  }
0x4e: {  	_ =	shalt  }
0x4f: {  	_ =	shalt  }
0x50: {  	_ =	shalt  }
0x51: {  	_ =	shalt  }
0x52: {  	_ =	shalt  }
0x53: {  	_ =	shalt  }
0x54: {  	_ =	shalt  }
0x55: {  	_ =	shalt  }
0x56: {  	_ =	shalt  }
0x57: {  	_ =	shalt  }
0x58: {  	_ =	shalt  }
0x59: {  	_ =	shalt  }
0x5a: {  	_ =	shalt  }
0x5b: {  	_ =	shalt  }
0x5c: {  	_ =	shalt  }
0x5d: {  	_ =	shalt  }
0x5e: {  	_ =	shalt  }
0x5f: {  	_ =	shalt  }
0x60: {  	_ =	shalt  }
0x61: {  	_ =	shalt  }
0x62: {  	_ =	shalt  }
0x63: {  	_ =	shalt  }
0x64: {  	_ =	shalt  }
0x65: {  	_ =	shalt  }
0x66: {  	_ =	shalt  }
0x67: {  	_ =	shalt  }
0x68: {  	_ =	shalt  }
0x69: {  	_ =	shalt  }
0x6a: {  	_ =	shalt  }
0x6b: {  	_ =	shalt  }
0x6c: {  	_ =	shalt  }
0x6d: {  	_ =	shalt  }
0x6e: {  	_ =	shalt  }
0x6f: {  	_ =	shalt  }
0x70: {  	_ =	shalt  }
0x71: {  	_ =	shalt  }
0x72: {  	_ =	shalt  }
0x73: {  	_ =	shalt  }
0x74: {  	_ =	shalt  }
0x75: {  	_ =	shalt  }
0x76: {  	_ =	shalt  }
0x77: {  	_ =	shalt  }
0x78: {  	_ =	shalt  }
0x79: {  	_ =	shalt  }
0x7a: {  	_ =	shalt  }
0x7b: {  	_ =	shalt  }
0x7c: {  	_ =	shalt  }
0x7d: {  	_ =	shalt  }
0x7e: {  	_ =	shalt  }
0x7f: {  	_ =	shalt  }
0x80: {  	_ =	shalt  }
0x81: {  	_ =	shalt  }
0x82: {  	_ =	shalt  }
0x83: {  	_ =	shalt  }
0x84: {  	_ =	shalt  }
0x85: {  	_ =	shalt  }
0x86: {  	_ =	shalt  }
0x87: {  	_ =	shalt  }
.Lfunc_end0:
.L_simem_size_0:
called_computation.1_lowered:
.L_overlay_start_0:
0x88: {  	s2 =	sld [smem:$0x3FD9]  }
0x89: {  	s3 =	sld [smem:$0x3FFE];
	_ =	sdelay $0x1  }
0x8a: {  	s1 =	srdreg.scid  }
0x8b: {  	s0 =	sand.u32 $0x1, s1  }
0x8c: {  	s17 =	sshll.u32 s0, $0xA;
	s2 =	sadd.s32 s3, s2  }
0x8d: {  	s2 =	sadd.s32 s2, s17  }
0x8e: {  	[smem:$0x3FC6] =	sst s2  }
0x8f: {  	_ = 	snop  }
0x90: {  	s2 =	sld [smem:$0x3FD0];
	(tm) =	ssettm $0x1  }
0x91: {  	s18 =	sld [smem:$0x3FFB];
	_ =	sdelay $0x3  }
0x92: {  	_ =	strace s18  }
0x93: {  	s3 =	sld [smem:$0x3FFC];
	_ =	sdelay $0x3  }
0x94: {  	_ =	strace s3  }
0x95: {  	s3 =	sld [smem:$0x3FFD];
	_ =	sdelay $0x3  }
0x96: {  	_ =	strace s3  }
0x97: {  	_ =	strace $0x8FFFFFFF  }
0x98: {  	s19 =	sld [smem:$0x3FDB];
	_ =	sdelay $0x1  }
0x99: {  	s4 =	simm.s32 $_scs_section_size  }
0x9a: {  	s5 =	simm.s32 $_size__tile_overlayer_lowered;
	s6 =	simm.s32 $_tile_overlayer_lowered  }
0x9b: {  	s22 =	simm.s32 $0x1BFF;
	s21 =	sshll.u32 s6, $0x1;
	s3 =	sadd.s32 s4, s19  }
0x9c: {  	s7 =	simm.s32 $0x0;
	s20 =	sshll.u32 s5, $0x1;
	s5 =	sadd.s32 s21, s3  }
0x9d: {  	[timem:s7], [sflag:s22] =	dma.local [hbm:s5], s20  }
0x9e: {  	_ =	swait.ge [sflag:s22], s20  }
0x9f: {  	s4 =	ssub.s32 $0x0, s20;
	[sflag:s22] =	ssyncset.done $0x0  }
0xa0: {  	[sflag:s22] =	ssyncadd.s32 s4;
	_ =	sdelay $0x1  }
0xa1: {  	s23 =	simm.s32 $0x1B8B  }
0xa2: {  	_ =	swait.ge [sflag:s23], $0x1  }
0xa3: {  	[sflag:s23] =	ssyncset.done $0x0  }
0xa4: {  	s25 =	simm.s32 $0x1B8E;
	s24 =	sld [smem:$0x3FFE];
	[sflag:s23] =	ssyncadd.s32 $0xFFFFFFFF  }
0xa5: {  	s26 =	simm.s32 $execute0_lowered;
	[smem:$0x3FD2] =	sst s25  }
0xa6: {  	s5 =	sshll.u32 s26, $0x1;
	_ =	strace $0x80000046;
	[dreg:$0x1] =	wrdreg $0xFFFFFFFF  }
0xa7: {  	s28 =	simm.s32 $_size_execute0_lowered;
	s3 =	sadd.s32 s3, s5;
	[dreg:$0x0] =	wrdreg $0x0  }
0xa8: {  	s5 =	sshll.u32 s28, $0x1;
	[dreg:$0x2] =	wrdreg s3  }
0xa9: {  	[dreg:$0x3] =	wrdreg s5  }
0xaa: {  	[dreg:$0x4] =	wrdreg $0xC0  }
0xab: {  	_ =	task [dreg:s7], $0x5FFFF  }
0xac: {  	[dreg:$0x1] =	wrdreg $0xFFFFFFFF  }
0xad: {  	[dreg:$0x0] =	wrdreg $0x60  }
0xae: {  	[dreg:$0x2] =	wrdreg s24  }
0xaf: {  	[dreg:$0x3] =	wrdreg s2  }
0xb0: {  	[dreg:$0x4] =	wrdreg $0x9  }
0xb1: {  	_ =	task.clear_ibuf [dreg:s7], $0x5FFFF;
	_ =	strace $0x90000046  }
0xb2: {  	s29 =	simm.s32 $0x9;
	_ =	strace $0x80000048  }
0xb3: {  	_ =	swait.ge [sflag:s29], $0x1  }
0xb4: {  	[sflag:s29] =	ssyncadd.s32 $0xFFFFFFFF  }
0xb5: {  	_ =	strace $0x90000048  }
0xb6: {  	_ =	sfence  }
0xb7: {  	s30 =	sld [smem:$0x0];
	_ =	sdelay $0x2  }
0xb8: {  	s31 =	sshll.u32 s1, $0xD;
	s1 =	sshrl.u32 s1, $0x2  }
0xb9: {  	s3 =	sand.u32 $0x4000, s31;
	s1 =	sadd.s32 s1, s30  }
0xba: {  	s0 =	sor.u32 s3, s0;
	s1 =	sshll.u32 s1, $0x11  }
0xbb: {  	s0 =	sor.u32 s1, s0  }
0xbc: {  	s0 =	sadd.s32 $0x8F2B, s0  }
0xbd: {  	[sflag:s0] =	ssyncadd.remote.s32 $0x1  }
0xbe: {  	_ =	sfence.sel $0xFFFF  }
0xbf: {  	[dreg:$0x0] =	wrdreg $0xFFFFFFFF;
	(pc) =	sbr.abs _section_cstart, $3  }
0xc0: {  	[dreg:$0x1] =	wrdreg $0xFFFFFFFF  }
0xc1: {  	_ =	task.clear_ibuf [dreg:s7], $0x2FFFF;
	_ =	strace $0x9FFFFFFF  }
0xc2: {  	(tm) =	ssettm $0x7FFFFFFF  }
0xc3: {  	_ =	shalt  }
tec
execute0_lowered:
.L_overlay_start_1:
0x0: {  	(tag) =	ssettag $0x1  }
0x1: {  	s3 =	rddreg [dreg:$0x0]  }
0x2: {  	s1 =	rddreg [dreg:$0x1];
	s9 =	stileid.u32  }
0x3: {  	s0 =	srdreg.scid;
	s2 =	simm.s32 $0x0;
	s4 =	smul.u32 $0x190000, s9  }
0x4: {  	s6 =	sand.u32 $0x1, s0;
	s17 =	sshll.u32 s9, $0x1;
	s9 =	smul.u32 $0x32000, s9  }
0x5: {  	[smem:$0x7FF] =	sst s2;
	s0 =	sor.u32 s6, s17;
	s5 =	smul.u32 $0xC8000, s6  }
0x6: {  	_ =	strace $0x80000047;
	s8 =	ssub.s32 $0x2, s6;
	s7 =	smul.u32 $0xC80, s0  }
0x7: {  	s6 =	smul.u32 $0x19000, s6;
	s18 =	sshrl.u32 s8, $0x1;
	s0 =	sadd.s32 s5, s4  }
0x8: {  	s5 =	ssub.s32 s8, s18;
	s4 =	sadd.s32 s7, s3;
	s19 =	sadd.s32 $0x189C0, s0  }
0x9: {  	s20 =	sadd.s32 $0x18380, s0;
	s22 =	sadd.s32 $0x17D40, s0;
	s24 =	sadd.s32 $0x17700, s0  }
0xa: {  	s26 =	sadd.s32 $0x170C0, s0;
	s10 =	sadd.s32 $0x16A80, s0;
	s12 =	sadd.s32 $0x16440, s0  }
0xb: {  	s14 =	sadd.s32 $0x15E00, s0;
	s16 =	sadd.s32 $0x157C0, s0;
	s18 =	sadd.s32 $0x15180, s0  }
0xc: {  	s3 =	sadd.s32 $0xF42E00, s3;
	s7 =	sshrl.u32 s19, $0x3;
	s21 =	sshrl.u32 s20, $0x3  }
0xd: {  	s23 =	sshrl.u32 s22, $0x3;
	s25 =	sshrl.u32 s24, $0x3;
	s8 =	sshrl.u32 s26, $0x3  }
0xe: {  	s11 =	sshrl.u32 s10, $0x3;
	s13 =	sshrl.u32 s12, $0x3;
	s15 =	sshrl.u32 s14, $0x3  }
0xf: {  	s17 =	sshrl.u32 s16, $0x3;
	s19 =	sshrl.u32 s18, $0x3;
	s20 =	sadd.s32 $0x14B40, s0  }
0x10: {  	s22 =	sadd.s32 $0x14500, s0;
	s24 =	sadd.s32 $0x13EC0, s0;
	s26 =	sadd.s32 $0x13880, s0  }
0x11: {  	s10 =	sadd.s32 $0x13240, s0;
	s12 =	sadd.s32 $0x125C0, s0;
	s14 =	sadd.s32 $0x11F80, s0  }
0x12: {  	s16 =	sadd.s32 $0x11300, s0;
	s4 =	sadd.s32 $0xA00, s4;
	s7 =	sadd.s32 s7, s1  }
0x13: {  	s18 =	sshrl.u32 s16, $0x3;
	s16 =	sadd.s32 $0xBB80, s0;
	[smem:$0x7FC] =	sst s4  }
0x14: {  	s4 =	simm.s32 $0x640;
	[dreg:$0x3] =	wrdreg s7;
	s7 =	sadd.s32 s21, s1  }
0x15: {  	s21 =	sshrl.u32 s20, $0x3;
	[dreg:$0x4] =	wrdreg s7;
	s7 =	sadd.s32 s23, s1  }
0x16: {  	s20 =	sadd.s32 $0x10680, s0;
	[dreg:$0x5] =	wrdreg s7;
	s7 =	sadd.s32 s25, s1  }
0x17: {  	s23 =	sshrl.u32 s22, $0x3;
	[dreg:$0x6] =	wrdreg s7;
	s7 =	sadd.s32 s8, s1  }
0x18: {  	s25 =	sshrl.u32 s24, $0x3;
	[dreg:$0x7] =	wrdreg s7;
	s7 =	sadd.s32 s11, s1  }
0x19: {  	s24 =	sadd.s32 $0xFA00, s0;
	[dreg:$0x8] =	wrdreg s7;
	s7 =	sadd.s32 s13, s1  }
0x1a: {  	s8 =	sshrl.u32 s26, $0x3;
	[dreg:$0x9] =	wrdreg s7;
	s7 =	sadd.s32 s15, s1  }
0x1b: {  	s26 =	sadd.s32 $0xED80, s0;
	[dreg:$0xa] =	wrdreg s7;
	s7 =	sadd.s32 s17, s1  }
0x1c: {  	s11 =	sadd.s32 $0x12C00, s0;
	[dreg:$0xb] =	wrdreg s7;
	s7 =	sadd.s32 s19, s1  }
0x1d: {  	s15 =	sadd.s32 $0x11940, s0;
	[dreg:$0xc] =	wrdreg s7;
	s7 =	sadd.s32 s21, s1  }
0x1e: {  	s19 =	sadd.s32 $0x10CC0, s0;
	s21 =	sadd.s32 $0x10040, s0;
	[dreg:$0xd] =	wrdreg s7  }
0x1f: {  	s7 =	sadd.s32 s23, s1;
	s23 =	sshrl.u32 s21, $0x3;
	s21 =	sadd.s32 $0xA8C0, s0  }
0x20: {  	[dreg:$0xe] =	wrdreg s7;
	s7 =	sadd.s32 s25, s1;
	s25 =	sadd.s32 $0xF3C0, s0  }
0x21: {  	[dreg:$0xf] =	wrdreg s7;
	s7 =	sadd.s32 s8, s1;
	s8 =	sadd.s32 s9, s1  }
0x22: {  	s9 =	sshrl.u32 s11, $0x3;
	s11 =	sadd.s32 $0xDAC0, s0;
	[dreg:$0x10] =	wrdreg s7  }
0x23: {  	s7 =	sshrl.u32 s10, $0x3;
	s6 =	sadd.s32 s6, s8;
	s13 =	sadd.s32 s9, s1  }
0x24: {  	s8 =	sshrl.u32 s26, $0x3;
	s9 =	sadd.s32 $0xE740, s0;
	s10 =	sadd.s32 $0xE100, s0  }
0x25: {  	s26 =	sadd.s32 $0x9600, s0;
	[dreg:$0x11] =	wrdreg s6;
	s7 =	sadd.s32 s7, s1  }
0x26: {  	[dreg:$0x13] =	wrdreg s13;
	s6 =	sshrl.u32 s12, $0x3;
	s13 =	sshrl.u32 s11, $0x3  }
0x27: {  	s11 =	sadd.s32 $0x8FC0, s0;
	[dreg:$0x12] =	wrdreg s7;
	s6 =	sadd.s32 s6, s1  }
0x28: {  	s7 =	sshrl.u32 s15, $0x3;
	s15 =	sadd.s32 $0xC1C0, s0;
	[dreg:$0x14] =	wrdreg s6  }
0x29: {  	s6 =	sshrl.u32 s14, $0x3;
	s17 =	sadd.s32 s7, s1;
	s7 =	sshrl.u32 s20, $0x3  }
0x2a: {  	s14 =	sadd.s32 $0xD480, s0;
	s20 =	sadd.s32 $0xAF00, s0;
	s6 =	sadd.s32 s6, s1  }
0x2b: {  	[dreg:$0x16] =	wrdreg s17;
	s22 =	sadd.s32 s7, s1;
	s7 =	sshrl.u32 s25, $0x3  }
0x2c: {  	s25 =	sadd.s32 $0x9C40, s0;
	[dreg:$0x15] =	wrdreg s6;
	s6 =	sadd.s32 s18, s1  }
0x2d: {  	[dreg:$0x19] =	wrdreg s22;
	s7 =	sadd.s32 s7, s1;
	s18 =	sshrl.u32 s16, $0x3  }
0x2e: {  	s16 =	sor.u32 $0x7D00, s0;
	[dreg:$0x17] =	wrdreg s6;
	s6 =	sshrl.u32 s19, $0x3  }
0x2f: {  	[dreg:$0x1c] =	wrdreg s7;
	s7 =	sshrl.u32 s10, $0x3;
	s19 =	sadd.s32 $0xB540, s0  }
0x30: {  	s10 =	sshrl.u32 s26, $0x3;
	s26 =	sor.u32 $0x4B00, s0;
	s6 =	sadd.s32 s6, s1  }
0x31: {  	s12 =	sadd.s32 s7, s1;
	s7 =	sshrl.u32 s15, $0x3;
	[dreg:$0x18] =	wrdreg s6  }
0x32: {  	s6 =	sadd.s32 s23, s1;
	[dreg:$0x1f] =	wrdreg s12;
	s17 =	sadd.s32 s7, s1  }
0x33: {  	s7 =	sshrl.u32 s20, $0x3;
	s23 =	sshrl.u32 s21, $0x3;
	s12 =	sadd.s32 $0x8980, s0  }
0x34: {  	s20 =	sor.u32 $0x6A40, s0;
	s21 =	sor.u32 $0x6400, s0;
	[dreg:$0x1a] =	wrdreg s6  }
0x35: {  	s6 =	sshrl.u32 s24, $0x3;
	[smem:$0x7F1] =	sst s17;
	s22 =	sadd.s32 s7, s1  }
0x36: {  	s24 =	sadd.s32 $0xA280, s0;
	s7 =	sshrl.u32 s25, $0x3;
	s17 =	sor.u32 $0x76C0, s0  }
0x37: {  	s25 =	sor.u32 $0x5140, s0;
	s6 =	sadd.s32 s6, s1;
	[smem:$0x7F4] =	sst s22  }
0x38: {  	s22 =	sor.u32 $0x5DC0, s0;
	[dreg:$0x1b] =	wrdreg s6;
	s6 =	sadd.s32 s8, s1  }
0x39: {  	[dreg:$0x1d] =	wrdreg s6;
	s6 =	sshrl.u32 s9, $0x3;
	s9 =	sadd.s32 s7, s1  }
0x3a: {  	s8 =	sor.u32 $0x44C0, s0;
	s6 =	sadd.s32 s6, s1;
	[smem:$0x7F7] =	sst s9  }
0x3b: {  	s7 =	sshrl.u32 s12, $0x3;
	[dreg:$0x1e] =	wrdreg s6;
	s6 =	sadd.s32 s13, s1  }
0x3c: {  	s12 =	sor.u32 $0x3200, s0;
	[smem:$0x7EF] =	sst s6;
	s6 =	sshrl.u32 s14, $0x3  }
0x3d: {  	s9 =	sor.u32 $0x3E80, s0;
	s13 =	sadd.s32 $0x8340, s0;
	s6 =	sadd.s32 s6, s1  }
0x3e: {  	s14 =	sadd.s32 s7, s1;
	[smem:$0x7F0] =	sst s6;
	s6 =	sadd.s32 s18, s1  }
0x3f: {  	s15 =	sshrl.u32 s13, $0x3;
	[smem:$0x7F2] =	sst s6;
	s6 =	sshrl.u32 s19, $0x3  }
0x40: {  	s7 =	sshrl.u32 s17, $0x3;
	[smem:$0x7FA] =	sst s14;
	s6 =	sadd.s32 s6, s1  }
0x41: {  	s13 =	sor.u32 $0x2BC0, s0;
	[smem:$0x7F3] =	sst s6;
	s6 =	sadd.s32 s23, s1  }
0x42: {  	s18 =	sor.u32 $0x7080, s0;
	[smem:$0x7F5] =	sst s6;
	s6 =	sshrl.u32 s24, $0x3  }
0x43: {  	s14 =	sor.u32 $0x2580, s0;
	s19 =	sshrl.u32 s18, $0x3;
	s6 =	sadd.s32 s6, s1  }
0x44: {  	s17 =	sadd.s32 s19, s1;
	[smem:$0x7F6] =	sst s6;
	s6 =	sadd.s32 s10, s1  }
0x45: {  	s23 =	sshrl.u32 s22, $0x3;
	[smem:$0x7F8] =	sst s6;
	s6 =	sshrl.u32 s11, $0x3  }
0x46: {  	s24 =	sor.u32 $0x5780, s0;
	s10 =	sor.u32 $0x3840, s0;
	s6 =	sadd.s32 s6, s1  }
0x47: {  	s11 =	sshrl.u32 s10, $0x3;
	[smem:$0x7F9] =	sst s6;
	s6 =	sadd.s32 s15, s1  }
0x48: {  	s10 =	sor.u32 $0x1F40, s0;
	[smem:$0x7FB] =	sst s6;
	s6 =	sshrl.u32 s16, $0x3  }
0x49: {  	s16 =	sadd.s32 s7, s1;
	s7 =	sshrl.u32 s21, $0x3;
	s15 =	sadd.s32 s6, s1  }
0x4a: {  	s6 =	sshrl.u32 s20, $0x3;
	s19 =	sadd.s32 s7, s1;
	s20 =	sadd.s32 s23, s1  }
0x4b: {  	s7 =	sshrl.u32 s25, $0x3;
	s18 =	sadd.s32 s6, s1;
	s6 =	sshrl.u32 s24, $0x3  }
0x4c: {  	s22 =	sadd.s32 s7, s1;
	s7 =	sshrl.u32 s26, $0x3;
	s26 =	sadd.s32 s11, s1  }
0x4d: {  	s11 =	sor.u32 $0x1900, s0;
	s21 =	sadd.s32 s6, s1;
	s23 =	sadd.s32 s7, s1  }
0x4e: {  	s6 =	sshrl.u32 s8, $0x3;
	s7 =	sshrl.u32 s9, $0x3;
	s9 =	sshrl.u32 s14, $0x3  }
0x4f: {  	s14 =	smax.u32 s5, $0x1;
	s5 =	simm.s32 $0x6400;
	s8 =	simm.s32 $0x2  }
0x50: {  	s24 =	sadd.s32 s6, s1;
	s25 =	sadd.s32 s7, s1;
	s6 =	sshrl.u32 s12, $0x3  }
0x51: {  	s7 =	sshrl.u32 s13, $0x3;
	s30 =	sadd.s32 s9, s1;
	s12 =	sor.u32 $0x12C0, s0  }
.Ltmp0:
0x52: {  	[smem:$0x7FD] =	sst s14;
	s9 =	simm.s32 $0x3;
	(pc) =	sbr.rel .LBB2_1-.Ltmp0, $4  }
0x53: {  	s28 =	sadd.s32 s6, s1;
	s29 =	sadd.s32 s7, s1;
	s6 =	sshrl.u32 s10, $0x3  }
0x54: {  	s7 =	sshrl.u32 s11, $0x3;
	s13 =	sshrl.u32 s12, $0x3;
	s10 =	simm.s32 $0x4  }
0x55: {  	s12 =	simm.s32 $0x0;
	s31 =	sadd.s32 s6, s1;
	s0 =	sadd.s32 s7, s1  }
0x56: {  	s1 =	sadd.s32 s13, s1;
	s6 =	simm.s32 $0x12C00;
	s7 =	simm.s32 $0x1  }
.LBB2_4:
0x57: {  	_ =	swait.ge [sflag:s10], $0x640  }
0x58: {  	[sflag:s10] =	ssyncset.done $0x0  }
0x59: {  	[sflag:s10] =	ssyncadd.s32 $0xFFFFF9C0  }
0x5a: {  	_ =	swait.ge [sflag:s10], $0x640  }
0x5b: {  	[sflag:s10] =	ssyncset.done $0x0  }
0x5c: {  	[sflag:s10] =	ssyncadd.s32 $0xFFFFF9C0  }
0x5d: {  	_ =	swait.ge [sflag:s10], $0x640  }
0x5e: {  	[sflag:s10] =	ssyncset.done $0x0  }
0x5f: {  	[sflag:s10] =	ssyncadd.s32 $0xFFFFF9C0  }
0x60: {  	_ =	swait.ge [sflag:s10], $0x640  }
0x61: {  	[sflag:s10] =	ssyncset.done $0x0  }
0x62: {  	[sflag:s10] =	ssyncadd.s32 $0xFFFFF9C0  }
0x63: {  	_ =	swait.ge [sflag:s10], $0x640  }
0x64: {  	[sflag:s10] =	ssyncset.done $0x0  }
0x65: {  	[sflag:s10] =	ssyncadd.s32 $0xFFFFF9C0  }
0x66: {  	_ =	swait.ge [sflag:s10], $0x640  }
0x67: {  	[sflag:s10] =	ssyncset.done $0x0  }
0x68: {  	[sflag:s10] =	ssyncadd.s32 $0xFFFFF9C0  }
0x69: {  	_ =	swait.ge [sflag:s10], $0x640  }
0x6a: {  	[sflag:s10] =	ssyncset.done $0x0  }
0x6b: {  	[sflag:s10] =	ssyncadd.s32 $0xFFFFF9C0  }
0x6c: {  	_ =	swait.ge [sflag:s10], $0x640  }
0x6d: {  	[sflag:s10] =	ssyncset.done $0x0  }
0x6e: {  	[sflag:s10] =	ssyncadd.s32 $0xFFFFF9C0  }
0x6f: {  	_ =	swait.ge [sflag:s10], $0x640  }
0x70: {  	[sflag:s10] =	ssyncset.done $0x0  }
0x71: {  	[sflag:s10] =	ssyncadd.s32 $0xFFFFF9C0  }
0x72: {  	_ =	swait.ge [sflag:s10], $0x640  }
0x73: {  	[sflag:s10] =	ssyncset.done $0x0  }
0x74: {  	[sflag:s10] =	ssyncadd.s32 $0xFFFFF9C0  }
0x75: {  	_ =	swait.ge [sflag:s10], $0x640  }
0x76: {  	[sflag:s10] =	ssyncset.done $0x0  }
0x77: {  	[sflag:s10] =	ssyncadd.s32 $0xFFFFF9C0  }
0x78: {  	_ =	swait.ge [sflag:s10], $0x640  }
0x79: {  	[sflag:s10] =	ssyncset.done $0x0  }
0x7a: {  	[sflag:s10] =	ssyncadd.s32 $0xFFFFF9C0  }
0x7b: {  	_ =	swait.ge [sflag:s10], $0x640  }
0x7c: {  	[sflag:s10] =	ssyncset.done $0x0  }
0x7d: {  	[sflag:s10] =	ssyncadd.s32 $0xFFFFF9C0  }
0x7e: {  	_ =	swait.ge [sflag:s10], $0x640  }
0x7f: {  	[sflag:s10] =	ssyncset.done $0x0  }
0x80: {  	[sflag:s10] =	ssyncadd.s32 $0xFFFFF9C0  }
0x81: {  	_ =	swait.ge [sflag:s10], $0x640  }
0x82: {  	[sflag:s10] =	ssyncset.done $0x0  }
0x83: {  	[sflag:s10] =	ssyncadd.s32 $0xFFFFF9C0  }
0x84: {  	_ =	swait.ge [sflag:s10], $0x640  }
0x85: {  	[sflag:s10] =	ssyncset.done $0x0  }
0x86: {  	[sflag:s10] =	ssyncadd.s32 $0xFFFFF9C0  }
0x87: {  	_ =	swait.ge [sflag:s10], $0x640  }
0x88: {  	[sflag:s10] =	ssyncset.done $0x0  }
0x89: {  	[sflag:s10] =	ssyncadd.s32 $0xFFFFF9C0  }
0x8a: {  	_ =	swait.ge [sflag:s10], $0x640  }
0x8b: {  	[sflag:s10] =	ssyncset.done $0x0  }
0x8c: {  	[sflag:s10] =	ssyncadd.s32 $0xFFFFF9C0  }
0x8d: {  	_ =	swait.ge [sflag:s10], $0x640  }
0x8e: {  	[sflag:s10] =	ssyncset.done $0x0  }
0x8f: {  	[sflag:s10] =	ssyncadd.s32 $0xFFFFF9C0  }
0x90: {  	_ =	swait.ge [sflag:s10], $0x640  }
0x91: {  	[sflag:s10] =	ssyncset.done $0x0  }
0x92: {  	[sflag:s10] =	ssyncadd.s32 $0xFFFFF9C0  }
0x93: {  	_ =	swait.ge [sflag:s10], $0x640  }
0x94: {  	[sflag:s10] =	ssyncset.done $0x0  }
0x95: {  	[sflag:s10] =	ssyncadd.s32 $0xFFFFF9C0  }
0x96: {  	_ =	swait.ge [sflag:s10], $0x640  }
0x97: {  	[sflag:s10] =	ssyncset.done $0x0  }
0x98: {  	[sflag:s10] =	ssyncadd.s32 $0xFFFFF9C0  }
0x99: {  	_ =	swait.ge [sflag:s10], $0x640  }
0x9a: {  	[sflag:s10] =	ssyncset.done $0x0  }
0x9b: {  	[sflag:s10] =	ssyncadd.s32 $0xFFFFF9C0  }
0x9c: {  	_ =	swait.ge [sflag:s10], $0x640  }
0x9d: {  	[sflag:s10] =	ssyncset.done $0x0  }
0x9e: {  	[sflag:s10] =	ssyncadd.s32 $0xFFFFF9C0  }
0x9f: {  	_ =	swait.ge [sflag:s10], $0x640  }
0xa0: {  	[sflag:s10] =	ssyncset.done $0x0  }
0xa1: {  	[sflag:s10] =	ssyncadd.s32 $0xFFFFF9C0  }
0xa2: {  	_ =	swait.ge [sflag:s10], $0x640  }
0xa3: {  	[sflag:s10] =	ssyncset.done $0x0  }
0xa4: {  	[sflag:s10] =	ssyncadd.s32 $0xFFFFF9C0  }
0xa5: {  	_ =	swait.ge [sflag:s10], $0x640  }
0xa6: {  	[sflag:s10] =	ssyncset.done $0x0  }
0xa7: {  	[sflag:s10] =	ssyncadd.s32 $0xFFFFF9C0  }
0xa8: {  	_ =	swait.ge [sflag:s10], $0x640  }
0xa9: {  	[sflag:s10] =	ssyncset.done $0x0  }
0xaa: {  	[sflag:s10] =	ssyncadd.s32 $0xFFFFF9C0  }
0xab: {  	_ =	swait.ge [sflag:s10], $0x640  }
0xac: {  	[sflag:s10] =	ssyncset.done $0x0  }
0xad: {  	[sflag:s10] =	ssyncadd.s32 $0xFFFFF9C0  }
0xae: {  	_ =	swait.ge [sflag:s10], $0x640  }
0xaf: {  	[sflag:s10] =	ssyncset.done $0x0  }
0xb0: {  	[sflag:s10] =	ssyncadd.s32 $0xFFFFF9C0  }
0xb1: {  	_ =	swait.ge [sflag:s10], $0x640  }
0xb2: {  	[sflag:s10] =	ssyncset.done $0x0  }
0xb3: {  	[sflag:s10] =	ssyncadd.s32 $0xFFFFF9C0  }
0xb4: {  	_ =	swait.ge [sflag:s10], $0x640  }
0xb5: {  	s12 =	sld [smem:$0x7EE]  }
0xb6: {  	s11 =	sld [smem:$0x7FD];
	_ =	sdelay $0x1  }
0xb7: {  	s12 =	sadd.s32 $0x1, s12  }
0xb8: {  	p0 =	sne.s32 s12, s11  }
.Ltmp1:
0xb9: {  	_ = 	snop;
	(pc) =	sbr.rel @!p0 .LBB2_5-.Ltmp1, $3  }
0xba: {  	_ =	sdelay $0x1  }
0xbb: {  	[sflag:s10] =	ssyncset.done $0x0  }
0xbc: {  	[sflag:s10] =	ssyncadd.s32 $0xFFFFF9C0  }
.LBB2_1:
0xbd: {  	s11 =	sld [smem:$0x7FC];
	_ =	sdelay $0x1  }
0xbe: {  	[smem:$0x7EE] =	sst s12;
	s14 =	simm.s32 $0x5  }
0xbf: {  	[tilespmem:s2], [sflag:$0x5] =	stream.linear.gather [hbm4b:s11+s2], $0x6400, $0x38;
	[tilespmem:$0x1F400] =	vst v63  }
0xc0: {  	_ =	swait.ge [sflag:s14], $0x6400  }
0xc1: {  	[sflag:s14] =	ssyncset.done $0x0  }
0xc2: {  	[sflag:s14] =	ssyncadd.s32 $0xFFFF9C00  }
0xc3: {  	[tilespmem:s5], [sflag:$0x1] =	stream.indirect.gather [hbm4b:s3+s4], $0x20, s2, s4, $0xb8;
	[tilespmem:$0x1F400] =	vst v63  }
0xc4: {  	s11 =	simm.s32 $0x0  }
0xc5: {  	[tilespmem:s6], [sflag:$0x2] =	stream.indirect.gather [hbm4b:s3+s4], $0x20, s4, s4, $0xb8;
	[tilespmem:$0x1F400] =	vst v63  }
.LBB2_2:
0xc6: {  	_ =	swait.ge [sflag:s7], $0xC800  }
0xc7: {  	[sflag:s7] =	ssyncset.done $0x0;
	s12 =	rddreg [dreg:$0x11]  }
0xc8: {  	[sflag:s7] =	ssyncadd.s32 $0xFFFF3800;
	s12 =	sadd.s32 s11, s12  }
0xc9: {  	[hbm4b:s12+s2] =	stream.linear.scatter [tilespmem:s5], [sflag:$0x3], $0x640, $0x38;
	[tilespmem:$0x1F400] =	vst v63  }
0xca: {  	s14 =	simm.s32 $0x6A40;
	s13 =	sadd.s32 $0xC8, s12  }
0xcb: {  	[hbm4b:s13+s2] =	stream.linear.scatter [tilespmem:s14], [sflag:$0x3], $0x640, $0x38;
	[tilespmem:$0x1F400] =	vst v63  }
0xcc: {  	s13 =	sadd.s32 $0x190, s12;
	s14 =	simm.s32 $0x7080  }
0xcd: {  	[hbm4b:s13+s2] =	stream.linear.scatter [tilespmem:s14], [sflag:$0x3], $0x640, $0x38;
	[tilespmem:$0x1F400] =	vst v63  }
0xce: {  	s13 =	sadd.s32 s11, s1;
	s14 =	simm.s32 $0x76C0  }
0xcf: {  	[hbm4b:s13+s2] =	stream.linear.scatter [tilespmem:s14], [sflag:$0x3], $0x640, $0x38;
	[tilespmem:$0x1F400] =	vst v63  }
0xd0: {  	s13 =	sadd.s32 s11, s0;
	s14 =	simm.s32 $0x7D00  }
0xd1: {  	[hbm4b:s13+s2] =	stream.linear.scatter [tilespmem:s14], [sflag:$0x3], $0x640, $0x38;
	[tilespmem:$0x1F400] =	vst v63  }
0xd2: {  	s13 =	sadd.s32 s11, s31;
	s14 =	simm.s32 $0x8340  }
0xd3: {  	[hbm4b:s13+s2] =	stream.linear.scatter [tilespmem:s14], [sflag:$0x3], $0x640, $0x38;
	[tilespmem:$0x1F400] =	vst v63  }
0xd4: {  	s13 =	sadd.s32 s11, s30;
	s14 =	simm.s32 $0x8980  }
0xd5: {  	[hbm4b:s13+s2] =	stream.linear.scatter [tilespmem:s14], [sflag:$0x3], $0x640, $0x38;
	[tilespmem:$0x1F400] =	vst v63  }
0xd6: {  	s13 =	sadd.s32 s11, s29;
	s14 =	simm.s32 $0x8FC0  }
0xd7: {  	[hbm4b:s13+s2] =	stream.linear.scatter [tilespmem:s14], [sflag:$0x3], $0x640, $0x38;
	[tilespmem:$0x1F400] =	vst v63  }
0xd8: {  	s13 =	sadd.s32 s11, s28;
	s14 =	simm.s32 $0x9600  }
0xd9: {  	[hbm4b:s13+s2] =	stream.linear.scatter [tilespmem:s14], [sflag:$0x3], $0x640, $0x38;
	[tilespmem:$0x1F400] =	vst v63  }
0xda: {  	s13 =	sadd.s32 s11, s26;
	s14 =	simm.s32 $0x9C40  }
0xdb: {  	[hbm4b:s13+s2] =	stream.linear.scatter [tilespmem:s14], [sflag:$0x3], $0x640, $0x38;
	[tilespmem:$0x1F400] =	vst v63  }
0xdc: {  	s13 =	sadd.s32 s11, s25;
	s14 =	simm.s32 $0xA280  }
0xdd: {  	[hbm4b:s13+s2] =	stream.linear.scatter [tilespmem:s14], [sflag:$0x3], $0x640, $0x38;
	[tilespmem:$0x1F400] =	vst v63  }
0xde: {  	s13 =	sadd.s32 s11, s24;
	s14 =	simm.s32 $0xA8C0  }
0xdf: {  	[hbm4b:s13+s2] =	stream.linear.scatter [tilespmem:s14], [sflag:$0x3], $0x640, $0x38;
	[tilespmem:$0x1F400] =	vst v63  }
0xe0: {  	s13 =	sadd.s32 s11, s23;
	s14 =	simm.s32 $0xAF00  }
0xe1: {  	[hbm4b:s13+s2] =	stream.linear.scatter [tilespmem:s14], [sflag:$0x3], $0x640, $0x38;
	[tilespmem:$0x1F400] =	vst v63  }
0xe2: {  	s13 =	sadd.s32 s11, s22;
	s14 =	simm.s32 $0xB540  }
0xe3: {  	[hbm4b:s13+s2] =	stream.linear.scatter [tilespmem:s14], [sflag:$0x3], $0x640, $0x38;
	[tilespmem:$0x1F400] =	vst v63  }
0xe4: {  	s13 =	sadd.s32 s11, s21;
	s14 =	simm.s32 $0xBB80  }
0xe5: {  	[hbm4b:s13+s2] =	stream.linear.scatter [tilespmem:s14], [sflag:$0x3], $0x640, $0x38;
	[tilespmem:$0x1F400] =	vst v63  }
0xe6: {  	s13 =	sadd.s32 s11, s20;
	s14 =	simm.s32 $0xC1C0  }
0xe7: {  	[hbm4b:s13+s2] =	stream.linear.scatter [tilespmem:s14], [sflag:$0x3], $0x640, $0x38;
	[tilespmem:$0x1F400] =	vst v63  }
0xe8: {  	s13 =	sadd.s32 s11, s19;
	s14 =	simm.s32 $0xC800  }
0xe9: {  	[hbm4b:s13+s2] =	stream.linear.scatter [tilespmem:s14], [sflag:$0x3], $0x640, $0x38;
	[tilespmem:$0x1F400] =	vst v63  }
0xea: {  	s13 =	sadd.s32 s11, s18;
	s14 =	simm.s32 $0xCE40  }
0xeb: {  	[hbm4b:s13+s2] =	stream.linear.scatter [tilespmem:s14], [sflag:$0x3], $0x640, $0x38;
	[tilespmem:$0x1F400] =	vst v63  }
0xec: {  	s13 =	sadd.s32 s11, s17;
	s14 =	simm.s32 $0xD480  }
0xed: {  	[hbm4b:s13+s2] =	stream.linear.scatter [tilespmem:s14], [sflag:$0x3], $0x640, $0x38;
	[tilespmem:$0x1F400] =	vst v63  }
0xee: {  	s13 =	sadd.s32 s11, s16;
	s14 =	simm.s32 $0xDAC0  }
0xef: {  	[hbm4b:s13+s2] =	stream.linear.scatter [tilespmem:s14], [sflag:$0x3], $0x640, $0x38;
	[tilespmem:$0x1F400] =	vst v63  }
0xf0: {  	s13 =	sadd.s32 s11, s15;
	s14 =	simm.s32 $0xE100  }
0xf1: {  	[hbm4b:s13+s2] =	stream.linear.scatter [tilespmem:s14], [sflag:$0x3], $0x640, $0x38;
	[tilespmem:$0x1F400] =	vst v63  }
0xf2: {  	s14 =	sld [smem:$0x7FB];
	_ =	sdelay $0x2  }
0xf3: {  	s13 =	sadd.s32 s11, s14;
	s14 =	simm.s32 $0xE740  }
0xf4: {  	[hbm4b:s13+s2] =	stream.linear.scatter [tilespmem:s14], [sflag:$0x3], $0x640, $0x38;
	[tilespmem:$0x1F400] =	vst v63  }
0xf5: {  	s14 =	sld [smem:$0x7FA];
	_ =	sdelay $0x2  }
0xf6: {  	s13 =	sadd.s32 s11, s14;
	s14 =	simm.s32 $0xED80  }
0xf7: {  	[hbm4b:s13+s2] =	stream.linear.scatter [tilespmem:s14], [sflag:$0x3], $0x640, $0x38;
	[tilespmem:$0x1F400] =	vst v63  }
0xf8: {  	s14 =	sld [smem:$0x7F9];
	_ =	sdelay $0x2  }
0xf9: {  	s13 =	sadd.s32 s11, s14;
	s14 =	simm.s32 $0xF3C0  }
0xfa: {  	[hbm4b:s13+s2] =	stream.linear.scatter [tilespmem:s14], [sflag:$0x3], $0x640, $0x38;
	[tilespmem:$0x1F400] =	vst v63  }
0xfb: {  	s14 =	sld [smem:$0x7F8];
	_ =	sdelay $0x2  }
0xfc: {  	s13 =	sadd.s32 s11, s14;
	s14 =	simm.s32 $0xFA00  }
0xfd: {  	[hbm4b:s13+s2] =	stream.linear.scatter [tilespmem:s14], [sflag:$0x3], $0x640, $0x38;
	[tilespmem:$0x1F400] =	vst v63  }
0xfe: {  	s14 =	sld [smem:$0x7F7];
	_ =	sdelay $0x2  }
0xff: {  	s13 =	sadd.s32 s11, s14;
	s14 =	simm.s32 $0x10040  }
0x100: {  	[hbm4b:s13+s2] =	stream.linear.scatter [tilespmem:s14], [sflag:$0x3], $0x640, $0x38;
	[tilespmem:$0x1F400] =	vst v63  }
0x101: {  	s14 =	sld [smem:$0x7F6];
	_ =	sdelay $0x2  }
0x102: {  	s13 =	sadd.s32 s11, s14;
	s14 =	simm.s32 $0x10680  }
0x103: {  	[hbm4b:s13+s2] =	stream.linear.scatter [tilespmem:s14], [sflag:$0x3], $0x640, $0x38;
	[tilespmem:$0x1F400] =	vst v63  }
0x104: {  	s14 =	sld [smem:$0x7F5];
	_ =	sdelay $0x2  }
0x105: {  	s13 =	sadd.s32 s11, s14;
	s14 =	simm.s32 $0x10CC0  }
0x106: {  	[hbm4b:s13+s2] =	stream.linear.scatter [tilespmem:s14], [sflag:$0x3], $0x640, $0x38;
	[tilespmem:$0x1F400] =	vst v63  }
0x107: {  	s14 =	sld [smem:$0x7F4];
	_ =	sdelay $0x2  }
0x108: {  	s13 =	sadd.s32 s11, s14;
	s14 =	simm.s32 $0x11300  }
0x109: {  	[hbm4b:s13+s2] =	stream.linear.scatter [tilespmem:s14], [sflag:$0x3], $0x640, $0x38;
	[tilespmem:$0x1F400] =	vst v63  }
0x10a: {  	s14 =	sld [smem:$0x7F3];
	_ =	sdelay $0x2  }
0x10b: {  	s13 =	sadd.s32 s11, s14;
	s14 =	simm.s32 $0x11940  }
0x10c: {  	[hbm4b:s13+s2] =	stream.linear.scatter [tilespmem:s14], [sflag:$0x3], $0x640, $0x38;
	[tilespmem:$0x1F400] =	vst v63  }
0x10d: {  	s14 =	sld [smem:$0x7F2];
	_ =	sdelay $0x2  }
0x10e: {  	s13 =	sadd.s32 s11, s14;
	s14 =	simm.s32 $0x11F80  }
0x10f: {  	[hbm4b:s13+s2] =	stream.linear.scatter [tilespmem:s14], [sflag:$0x3], $0x640, $0x38;
	[tilespmem:$0x1F400] =	vst v63  }
0x110: {  	s14 =	sld [smem:$0x7F1];
	_ =	sdelay $0x2  }
0x111: {  	s13 =	sadd.s32 s11, s14;
	s14 =	simm.s32 $0x125C0  }
0x112: {  	[hbm4b:s13+s2] =	stream.linear.scatter [tilespmem:s14], [sflag:$0x3], $0x640, $0x38;
	[tilespmem:$0x1F400] =	vst v63  }
0x113: {  	_ =	swait.ge [sflag:s8], $0xC800  }
0x114: {  	[sflag:s8] =	ssyncset.done $0x0  }
0x115: {  	s14 =	sadd.s32 $0x1900, s12;
	s13 =	sld [smem:$0x7F0];
	[sflag:s8] =	ssyncadd.s32 $0xFFFF3800  }
0x116: {  	[hbm4b:s14+s2] =	stream.linear.scatter [tilespmem:s6], [sflag:$0x4], $0x640, $0x38;
	[tilespmem:$0x1F400] =	vst v63  }
0x117: {  	s12 =	sadd.s32 $0x19C8, s12;
	s14 =	simm.s32 $0x13240  }
0x118: {  	[hbm4b:s12+s2] =	stream.linear.scatter [tilespmem:s14], [sflag:$0x4], $0x640, $0x38;
	[tilespmem:$0x1F400] =	vst v63  }
0x119: {  	s12 =	sadd.s32 s11, s13;
	s13 =	sld [smem:$0x7EF]  }
0x11a: {  	s14 =	simm.s32 $0x13880  }
0x11b: {  	[hbm4b:s12+s2] =	stream.linear.scatter [tilespmem:s14], [sflag:$0x4], $0x640, $0x38;
	[tilespmem:$0x1F400] =	vst v63  }
0x11c: {  	s14 =	simm.s32 $0x13EC0;
	s12 =	sadd.s32 s11, s13;
	s13 =	rddreg [dreg:$0x1f]  }
0x11d: {  	[hbm4b:s12+s2] =	stream.linear.scatter [tilespmem:s14], [sflag:$0x4], $0x640, $0x38;
	[tilespmem:$0x1F400] =	vst v63  }
0x11e: {  	s12 =	sadd.s32 s11, s13;
	s14 =	simm.s32 $0x14500;
	s13 =	rddreg [dreg:$0x1e]  }
0x11f: {  	[hbm4b:s12+s2] =	stream.linear.scatter [tilespmem:s14], [sflag:$0x4], $0x640, $0x38;
	[tilespmem:$0x1F400] =	vst v63  }
0x120: {  	s12 =	sadd.s32 s11, s13;
	s14 =	simm.s32 $0x14B40;
	s13 =	rddreg [dreg:$0x1d]  }
0x121: {  	[hbm4b:s12+s2] =	stream.linear.scatter [tilespmem:s14], [sflag:$0x4], $0x640, $0x38;
	[tilespmem:$0x1F400] =	vst v63  }
0x122: {  	s12 =	sadd.s32 s11, s13;
	s14 =	simm.s32 $0x15180;
	s13 =	rddreg [dreg:$0x1c]  }
0x123: {  	[hbm4b:s12+s2] =	stream.linear.scatter [tilespmem:s14], [sflag:$0x4], $0x640, $0x38;
	[tilespmem:$0x1F400] =	vst v63  }
0x124: {  	s12 =	sadd.s32 s11, s13;
	s14 =	simm.s32 $0x157C0;
	s13 =	rddreg [dreg:$0x1b]  }
0x125: {  	[hbm4b:s12+s2] =	stream.linear.scatter [tilespmem:s14], [sflag:$0x4], $0x640, $0x38;
	[tilespmem:$0x1F400] =	vst v63  }
0x126: {  	s12 =	sadd.s32 s11, s13;
	s14 =	simm.s32 $0x15E00;
	s13 =	rddreg [dreg:$0x1a]  }
0x127: {  	[hbm4b:s12+s2] =	stream.linear.scatter [tilespmem:s14], [sflag:$0x4], $0x640, $0x38;
	[tilespmem:$0x1F400] =	vst v63  }
0x128: {  	s12 =	sadd.s32 s11, s13;
	s14 =	simm.s32 $0x16440;
	s13 =	rddreg [dreg:$0x19]  }
0x129: {  	[hbm4b:s12+s2] =	stream.linear.scatter [tilespmem:s14], [sflag:$0x4], $0x640, $0x38;
	[tilespmem:$0x1F400] =	vst v63  }
0x12a: {  	s12 =	sadd.s32 s11, s13;
	s14 =	simm.s32 $0x16A80;
	s13 =	rddreg [dreg:$0x18]  }
0x12b: {  	[hbm4b:s12+s2] =	stream.linear.scatter [tilespmem:s14], [sflag:$0x4], $0x640, $0x38;
	[tilespmem:$0x1F400] =	vst v63  }
0x12c: {  	s12 =	sadd.s32 s11, s13;
	s14 =	simm.s32 $0x170C0;
	s13 =	rddreg [dreg:$0x17]  }
0x12d: {  	[hbm4b:s12+s2] =	stream.linear.scatter [tilespmem:s14], [sflag:$0x4], $0x640, $0x38;
	[tilespmem:$0x1F400] =	vst v63  }
0x12e: {  	s12 =	sadd.s32 s11, s13;
	s14 =	simm.s32 $0x17700;
	s13 =	rddreg [dreg:$0x16]  }
0x12f: {  	[hbm4b:s12+s2] =	stream.linear.scatter [tilespmem:s14], [sflag:$0x4], $0x640, $0x38;
	[tilespmem:$0x1F400] =	vst v63  }
0x130: {  	s12 =	sadd.s32 s11, s13;
	s14 =	simm.s32 $0x17D40;
	s13 =	rddreg [dreg:$0x15]  }
0x131: {  	[hbm4b:s12+s2] =	stream.linear.scatter [tilespmem:s14], [sflag:$0x4], $0x640, $0x38;
	[tilespmem:$0x1F400] =	vst v63  }
0x132: {  	s12 =	sadd.s32 s11, s13;
	s14 =	simm.s32 $0x18380;
	s13 =	rddreg [dreg:$0x14]  }
0x133: {  	[hbm4b:s12+s2] =	stream.linear.scatter [tilespmem:s14], [sflag:$0x4], $0x640, $0x38;
	[tilespmem:$0x1F400] =	vst v63  }
0x134: {  	s12 =	sadd.s32 s11, s13;
	s14 =	simm.s32 $0x189C0;
	s13 =	rddreg [dreg:$0x13]  }
0x135: {  	[hbm4b:s12+s2] =	stream.linear.scatter [tilespmem:s14], [sflag:$0x4], $0x640, $0x38;
	[tilespmem:$0x1F400] =	vst v63  }
0x136: {  	s12 =	sadd.s32 s11, s13;
	s14 =	simm.s32 $0x19000;
	s13 =	rddreg [dreg:$0x12]  }
0x137: {  	[hbm4b:s12+s2] =	stream.linear.scatter [tilespmem:s14], [sflag:$0x4], $0x640, $0x38;
	[tilespmem:$0x1F400] =	vst v63  }
0x138: {  	s12 =	sadd.s32 s11, s13;
	s14 =	simm.s32 $0x19640;
	s13 =	rddreg [dreg:$0x10]  }
0x139: {  	[hbm4b:s12+s2] =	stream.linear.scatter [tilespmem:s14], [sflag:$0x4], $0x640, $0x38;
	[tilespmem:$0x1F400] =	vst v63  }
0x13a: {  	s12 =	sadd.s32 s11, s13;
	s14 =	simm.s32 $0x19C80;
	s13 =	rddreg [dreg:$0xf]  }
0x13b: {  	[hbm4b:s12+s2] =	stream.linear.scatter [tilespmem:s14], [sflag:$0x4], $0x640, $0x38;
	[tilespmem:$0x1F400] =	vst v63  }
0x13c: {  	s12 =	sadd.s32 s11, s13;
	s14 =	simm.s32 $0x1A2C0;
	s13 =	rddreg [dreg:$0xe]  }
0x13d: {  	[hbm4b:s12+s2] =	stream.linear.scatter [tilespmem:s14], [sflag:$0x4], $0x640, $0x38;
	[tilespmem:$0x1F400] =	vst v63  }
0x13e: {  	s12 =	sadd.s32 s11, s13;
	s14 =	simm.s32 $0x1A900;
	s13 =	rddreg [dreg:$0xd]  }
0x13f: {  	[hbm4b:s12+s2] =	stream.linear.scatter [tilespmem:s14], [sflag:$0x4], $0x640, $0x38;
	[tilespmem:$0x1F400] =	vst v63  }
0x140: {  	s12 =	sadd.s32 s11, s13;
	s14 =	simm.s32 $0x1AF40;
	s13 =	rddreg [dreg:$0xc]  }
0x141: {  	[hbm4b:s12+s2] =	stream.linear.scatter [tilespmem:s14], [sflag:$0x4], $0x640, $0x38;
	[tilespmem:$0x1F400] =	vst v63  }
0x142: {  	s12 =	sadd.s32 s11, s13;
	s14 =	simm.s32 $0x1B580;
	s13 =	rddreg [dreg:$0xb]  }
0x143: {  	[hbm4b:s12+s2] =	stream.linear.scatter [tilespmem:s14], [sflag:$0x4], $0x640, $0x38;
	[tilespmem:$0x1F400] =	vst v63  }
0x144: {  	s12 =	sadd.s32 s11, s13;
	s14 =	simm.s32 $0x1BBC0;
	s13 =	rddreg [dreg:$0xa]  }
0x145: {  	[hbm4b:s12+s2] =	stream.linear.scatter [tilespmem:s14], [sflag:$0x4], $0x640, $0x38;
	[tilespmem:$0x1F400] =	vst v63  }
0x146: {  	s12 =	sadd.s32 s11, s13;
	s14 =	simm.s32 $0x1C200;
	s13 =	rddreg [dreg:$0x9]  }
0x147: {  	[hbm4b:s12+s2] =	stream.linear.scatter [tilespmem:s14], [sflag:$0x4], $0x640, $0x38;
	[tilespmem:$0x1F400] =	vst v63  }
0x148: {  	s12 =	sadd.s32 s11, s13;
	s14 =	simm.s32 $0x1C840;
	s13 =	rddreg [dreg:$0x8]  }
0x149: {  	[hbm4b:s12+s2] =	stream.linear.scatter [tilespmem:s14], [sflag:$0x4], $0x640, $0x38;
	[tilespmem:$0x1F400] =	vst v63  }
0x14a: {  	s12 =	sadd.s32 s11, s13;
	s14 =	simm.s32 $0x1CE80;
	s13 =	rddreg [dreg:$0x7]  }
0x14b: {  	[hbm4b:s12+s2] =	stream.linear.scatter [tilespmem:s14], [sflag:$0x4], $0x640, $0x38;
	[tilespmem:$0x1F400] =	vst v63  }
0x14c: {  	s12 =	sadd.s32 s11, s13;
	s14 =	simm.s32 $0x1D4C0;
	s13 =	rddreg [dreg:$0x6]  }
0x14d: {  	[hbm4b:s12+s2] =	stream.linear.scatter [tilespmem:s14], [sflag:$0x4], $0x640, $0x38;
	[tilespmem:$0x1F400] =	vst v63  }
0x14e: {  	s12 =	sadd.s32 s11, s13;
	s14 =	simm.s32 $0x1DB00;
	s13 =	rddreg [dreg:$0x5]  }
0x14f: {  	[hbm4b:s12+s2] =	stream.linear.scatter [tilespmem:s14], [sflag:$0x4], $0x640, $0x38;
	[tilespmem:$0x1F400] =	vst v63  }
0x150: {  	s12 =	sadd.s32 s11, s13;
	s14 =	simm.s32 $0x1E140;
	s13 =	rddreg [dreg:$0x4]  }
0x151: {  	[hbm4b:s12+s2] =	stream.linear.scatter [tilespmem:s14], [sflag:$0x4], $0x640, $0x38;
	[tilespmem:$0x1F400] =	vst v63  }
0x152: {  	s12 =	sadd.s32 s11, s13;
	s14 =	simm.s32 $0x1E780;
	s13 =	rddreg [dreg:$0x3]  }
0x153: {  	[hbm4b:s12+s2] =	stream.linear.scatter [tilespmem:s14], [sflag:$0x4], $0x640, $0x38;
	[tilespmem:$0x1F400] =	vst v63  }
0x154: {  	s12 =	sadd.s32 s11, s13;
	s14 =	simm.s32 $0x1EDC0  }
0x155: {  	[hbm4b:s12+s2] =	stream.linear.scatter [tilespmem:s14], [sflag:$0x4], $0x640, $0x38;
	[tilespmem:$0x1F400] =	vst v63  }
0x156: {  	_ =	swait.ge [sflag:s9], $0x640  }
0x157: {  	[sflag:s9] =	ssyncset.done $0x0  }
0x158: {  	[sflag:s9] =	ssyncadd.s32 $0xFFFFF9C0  }
0x159: {  	_ =	swait.ge [sflag:s9], $0x640  }
0x15a: {  	[sflag:s9] =	ssyncset.done $0x0  }
0x15b: {  	[sflag:s9] =	ssyncadd.s32 $0xFFFFF9C0  }
0x15c: {  	_ =	swait.ge [sflag:s9], $0x640  }
0x15d: {  	[sflag:s9] =	ssyncset.done $0x0  }
0x15e: {  	[sflag:s9] =	ssyncadd.s32 $0xFFFFF9C0  }
0x15f: {  	_ =	swait.ge [sflag:s9], $0x640  }
0x160: {  	[sflag:s9] =	ssyncset.done $0x0  }
0x161: {  	[sflag:s9] =	ssyncadd.s32 $0xFFFFF9C0  }
0x162: {  	_ =	swait.ge [sflag:s9], $0x640  }
0x163: {  	[sflag:s9] =	ssyncset.done $0x0  }
0x164: {  	[sflag:s9] =	ssyncadd.s32 $0xFFFFF9C0  }
0x165: {  	_ =	swait.ge [sflag:s9], $0x640  }
0x166: {  	[sflag:s9] =	ssyncset.done $0x0  }
0x167: {  	[sflag:s9] =	ssyncadd.s32 $0xFFFFF9C0  }
0x168: {  	_ =	swait.ge [sflag:s9], $0x640  }
0x169: {  	[sflag:s9] =	ssyncset.done $0x0  }
0x16a: {  	[sflag:s9] =	ssyncadd.s32 $0xFFFFF9C0  }
0x16b: {  	_ =	swait.ge [sflag:s9], $0x640  }
0x16c: {  	[sflag:s9] =	ssyncset.done $0x0  }
0x16d: {  	[sflag:s9] =	ssyncadd.s32 $0xFFFFF9C0  }
0x16e: {  	_ =	swait.ge [sflag:s9], $0x640  }
0x16f: {  	[sflag:s9] =	ssyncset.done $0x0  }
0x170: {  	[sflag:s9] =	ssyncadd.s32 $0xFFFFF9C0  }
0x171: {  	_ =	swait.ge [sflag:s9], $0x640  }
0x172: {  	[sflag:s9] =	ssyncset.done $0x0  }
0x173: {  	[sflag:s9] =	ssyncadd.s32 $0xFFFFF9C0  }
0x174: {  	_ =	swait.ge [sflag:s9], $0x640  }
0x175: {  	[sflag:s9] =	ssyncset.done $0x0  }
0x176: {  	[sflag:s9] =	ssyncadd.s32 $0xFFFFF9C0  }
0x177: {  	_ =	swait.ge [sflag:s9], $0x640  }
0x178: {  	[sflag:s9] =	ssyncset.done $0x0  }
0x179: {  	[sflag:s9] =	ssyncadd.s32 $0xFFFFF9C0  }
0x17a: {  	_ =	swait.ge [sflag:s9], $0x640  }
0x17b: {  	[sflag:s9] =	ssyncset.done $0x0  }
0x17c: {  	[sflag:s9] =	ssyncadd.s32 $0xFFFFF9C0  }
0x17d: {  	_ =	swait.ge [sflag:s9], $0x640  }
0x17e: {  	[sflag:s9] =	ssyncset.done $0x0  }
0x17f: {  	[sflag:s9] =	ssyncadd.s32 $0xFFFFF9C0  }
0x180: {  	_ =	swait.ge [sflag:s9], $0x640  }
0x181: {  	[sflag:s9] =	ssyncset.done $0x0  }
0x182: {  	[sflag:s9] =	ssyncadd.s32 $0xFFFFF9C0  }
0x183: {  	_ =	swait.ge [sflag:s9], $0x640  }
0x184: {  	[sflag:s9] =	ssyncset.done $0x0  }
0x185: {  	[sflag:s9] =	ssyncadd.s32 $0xFFFFF9C0  }
0x186: {  	_ =	swait.ge [sflag:s9], $0x640  }
0x187: {  	[sflag:s9] =	ssyncset.done $0x0  }
0x188: {  	[sflag:s9] =	ssyncadd.s32 $0xFFFFF9C0  }
0x189: {  	_ =	swait.ge [sflag:s9], $0x640  }
0x18a: {  	[sflag:s9] =	ssyncset.done $0x0  }
0x18b: {  	[sflag:s9] =	ssyncadd.s32 $0xFFFFF9C0  }
0x18c: {  	_ =	swait.ge [sflag:s9], $0x640  }
0x18d: {  	[sflag:s9] =	ssyncset.done $0x0  }
0x18e: {  	[sflag:s9] =	ssyncadd.s32 $0xFFFFF9C0  }
0x18f: {  	_ =	swait.ge [sflag:s9], $0x640  }
0x190: {  	[sflag:s9] =	ssyncset.done $0x0  }
0x191: {  	[sflag:s9] =	ssyncadd.s32 $0xFFFFF9C0  }
0x192: {  	_ =	swait.ge [sflag:s9], $0x640  }
0x193: {  	[sflag:s9] =	ssyncset.done $0x0  }
0x194: {  	[sflag:s9] =	ssyncadd.s32 $0xFFFFF9C0  }
0x195: {  	_ =	swait.ge [sflag:s9], $0x640  }
0x196: {  	[sflag:s9] =	ssyncset.done $0x0  }
0x197: {  	[sflag:s9] =	ssyncadd.s32 $0xFFFFF9C0  }
0x198: {  	_ =	swait.ge [sflag:s9], $0x640  }
0x199: {  	[sflag:s9] =	ssyncset.done $0x0  }
0x19a: {  	[sflag:s9] =	ssyncadd.s32 $0xFFFFF9C0  }
0x19b: {  	_ =	swait.ge [sflag:s9], $0x640  }
0x19c: {  	[sflag:s9] =	ssyncset.done $0x0  }
0x19d: {  	[sflag:s9] =	ssyncadd.s32 $0xFFFFF9C0  }
0x19e: {  	_ =	swait.ge [sflag:s9], $0x640  }
0x19f: {  	[sflag:s9] =	ssyncset.done $0x0  }
0x1a0: {  	[sflag:s9] =	ssyncadd.s32 $0xFFFFF9C0  }
0x1a1: {  	_ =	swait.ge [sflag:s9], $0x640  }
0x1a2: {  	[sflag:s9] =	ssyncset.done $0x0  }
0x1a3: {  	[sflag:s9] =	ssyncadd.s32 $0xFFFFF9C0  }
0x1a4: {  	_ =	swait.ge [sflag:s9], $0x640  }
0x1a5: {  	[sflag:s9] =	ssyncset.done $0x0  }
0x1a6: {  	[sflag:s9] =	ssyncadd.s32 $0xFFFFF9C0  }
0x1a7: {  	_ =	swait.ge [sflag:s9], $0x640  }
0x1a8: {  	[sflag:s9] =	ssyncset.done $0x0  }
0x1a9: {  	[sflag:s9] =	ssyncadd.s32 $0xFFFFF9C0  }
0x1aa: {  	_ =	swait.ge [sflag:s9], $0x640  }
0x1ab: {  	[sflag:s9] =	ssyncset.done $0x0  }
0x1ac: {  	[sflag:s9] =	ssyncadd.s32 $0xFFFFF9C0  }
0x1ad: {  	_ =	swait.ge [sflag:s9], $0x640  }
0x1ae: {  	[sflag:s9] =	ssyncset.done $0x0  }
0x1af: {  	[sflag:s9] =	ssyncadd.s32 $0xFFFFF9C0  }
0x1b0: {  	p0 =	seq.s32 s11, $0x15E00;
	_ =	swait.ge [sflag:s9], $0x640  }
.Ltmp2:
0x1b1: {  	[sflag:s9] =	ssyncset.done $0x0;
	(pc) =	sbr.rel @p0 .LBB2_4-.Ltmp2, $4  }
0x1b2: {  	[sflag:s9] =	ssyncadd.s32 $0xFFFFF9C0  }
0x1b3: {  	_ =	swait.ge [sflag:s9], $0x640  }
0x1b4: {  	[sflag:s9] =	ssyncset.done $0x0  }
0x1b5: {  	[sflag:s9] =	ssyncadd.s32 $0xFFFFF9C0  }
0x1b6: {  	s12 =	sshra.s32 s11, $0x2  }
0x1b7: {  	s13 =	sadd.s32 $0xC80, s12  }
0x1b8: {  	[tilespmem:s5], [sflag:$0x1] =	stream.indirect.gather [hbm4b:s3+s4], $0x20, s13, s4, $0xb8;
	[tilespmem:$0x1F400] =	vst v63  }
0x1b9: {  	_ =	swait.ge [sflag:s10], $0x640  }
0x1ba: {  	[sflag:s10] =	ssyncset.done $0x0  }
0x1bb: {  	[sflag:s10] =	ssyncadd.s32 $0xFFFFF9C0  }
0x1bc: {  	_ =	swait.ge [sflag:s10], $0x640  }
0x1bd: {  	[sflag:s10] =	ssyncset.done $0x0  }
0x1be: {  	[sflag:s10] =	ssyncadd.s32 $0xFFFFF9C0  }
0x1bf: {  	_ =	swait.ge [sflag:s10], $0x640  }
0x1c0: {  	[sflag:s10] =	ssyncset.done $0x0  }
0x1c1: {  	[sflag:s10] =	ssyncadd.s32 $0xFFFFF9C0  }
0x1c2: {  	_ =	swait.ge [sflag:s10], $0x640  }
0x1c3: {  	[sflag:s10] =	ssyncset.done $0x0  }
0x1c4: {  	[sflag:s10] =	ssyncadd.s32 $0xFFFFF9C0  }
0x1c5: {  	_ =	swait.ge [sflag:s10], $0x640  }
0x1c6: {  	[sflag:s10] =	ssyncset.done $0x0  }
0x1c7: {  	[sflag:s10] =	ssyncadd.s32 $0xFFFFF9C0  }
0x1c8: {  	_ =	swait.ge [sflag:s10], $0x640  }
0x1c9: {  	[sflag:s10] =	ssyncset.done $0x0  }
0x1ca: {  	[sflag:s10] =	ssyncadd.s32 $0xFFFFF9C0  }
0x1cb: {  	_ =	swait.ge [sflag:s10], $0x640  }
0x1cc: {  	[sflag:s10] =	ssyncset.done $0x0  }
0x1cd: {  	[sflag:s10] =	ssyncadd.s32 $0xFFFFF9C0  }
0x1ce: {  	_ =	swait.ge [sflag:s10], $0x640  }
0x1cf: {  	[sflag:s10] =	ssyncset.done $0x0  }
0x1d0: {  	[sflag:s10] =	ssyncadd.s32 $0xFFFFF9C0  }
0x1d1: {  	_ =	swait.ge [sflag:s10], $0x640  }
0x1d2: {  	[sflag:s10] =	ssyncset.done $0x0  }
0x1d3: {  	[sflag:s10] =	ssyncadd.s32 $0xFFFFF9C0  }
0x1d4: {  	_ =	swait.ge [sflag:s10], $0x640  }
0x1d5: {  	[sflag:s10] =	ssyncset.done $0x0  }
0x1d6: {  	[sflag:s10] =	ssyncadd.s32 $0xFFFFF9C0  }
0x1d7: {  	_ =	swait.ge [sflag:s10], $0x640  }
0x1d8: {  	[sflag:s10] =	ssyncset.done $0x0  }
0x1d9: {  	[sflag:s10] =	ssyncadd.s32 $0xFFFFF9C0  }
0x1da: {  	_ =	swait.ge [sflag:s10], $0x640  }
0x1db: {  	[sflag:s10] =	ssyncset.done $0x0  }
0x1dc: {  	[sflag:s10] =	ssyncadd.s32 $0xFFFFF9C0  }
0x1dd: {  	_ =	swait.ge [sflag:s10], $0x640  }
0x1de: {  	[sflag:s10] =	ssyncset.done $0x0  }
0x1df: {  	[sflag:s10] =	ssyncadd.s32 $0xFFFFF9C0  }
0x1e0: {  	_ =	swait.ge [sflag:s10], $0x640  }
0x1e1: {  	[sflag:s10] =	ssyncset.done $0x0  }
0x1e2: {  	[sflag:s10] =	ssyncadd.s32 $0xFFFFF9C0  }
0x1e3: {  	_ =	swait.ge [sflag:s10], $0x640  }
0x1e4: {  	[sflag:s10] =	ssyncset.done $0x0  }
0x1e5: {  	[sflag:s10] =	ssyncadd.s32 $0xFFFFF9C0  }
0x1e6: {  	_ =	swait.ge [sflag:s10], $0x640  }
0x1e7: {  	[sflag:s10] =	ssyncset.done $0x0  }
0x1e8: {  	[sflag:s10] =	ssyncadd.s32 $0xFFFFF9C0  }
0x1e9: {  	_ =	swait.ge [sflag:s10], $0x640  }
0x1ea: {  	[sflag:s10] =	ssyncset.done $0x0  }
0x1eb: {  	[sflag:s10] =	ssyncadd.s32 $0xFFFFF9C0  }
0x1ec: {  	_ =	swait.ge [sflag:s10], $0x640  }
0x1ed: {  	[sflag:s10] =	ssyncset.done $0x0  }
0x1ee: {  	[sflag:s10] =	ssyncadd.s32 $0xFFFFF9C0  }
0x1ef: {  	_ =	swait.ge [sflag:s10], $0x640  }
0x1f0: {  	[sflag:s10] =	ssyncset.done $0x0  }
0x1f1: {  	[sflag:s10] =	ssyncadd.s32 $0xFFFFF9C0  }
0x1f2: {  	_ =	swait.ge [sflag:s10], $0x640  }
0x1f3: {  	[sflag:s10] =	ssyncset.done $0x0  }
0x1f4: {  	[sflag:s10] =	ssyncadd.s32 $0xFFFFF9C0  }
0x1f5: {  	_ =	swait.ge [sflag:s10], $0x640  }
0x1f6: {  	[sflag:s10] =	ssyncset.done $0x0  }
0x1f7: {  	[sflag:s10] =	ssyncadd.s32 $0xFFFFF9C0  }
0x1f8: {  	_ =	swait.ge [sflag:s10], $0x640  }
0x1f9: {  	[sflag:s10] =	ssyncset.done $0x0  }
0x1fa: {  	[sflag:s10] =	ssyncadd.s32 $0xFFFFF9C0  }
0x1fb: {  	_ =	swait.ge [sflag:s10], $0x640  }
0x1fc: {  	[sflag:s10] =	ssyncset.done $0x0  }
0x1fd: {  	[sflag:s10] =	ssyncadd.s32 $0xFFFFF9C0  }
0x1fe: {  	_ =	swait.ge [sflag:s10], $0x640  }
0x1ff: {  	[sflag:s10] =	ssyncset.done $0x0  }
0x200: {  	[sflag:s10] =	ssyncadd.s32 $0xFFFFF9C0  }
0x201: {  	_ =	swait.ge [sflag:s10], $0x640  }
0x202: {  	[sflag:s10] =	ssyncset.done $0x0  }
0x203: {  	[sflag:s10] =	ssyncadd.s32 $0xFFFFF9C0  }
0x204: {  	_ =	swait.ge [sflag:s10], $0x640  }
0x205: {  	[sflag:s10] =	ssyncset.done $0x0  }
0x206: {  	[sflag:s10] =	ssyncadd.s32 $0xFFFFF9C0  }
0x207: {  	_ =	swait.ge [sflag:s10], $0x640  }
0x208: {  	[sflag:s10] =	ssyncset.done $0x0  }
0x209: {  	[sflag:s10] =	ssyncadd.s32 $0xFFFFF9C0  }
0x20a: {  	_ =	swait.ge [sflag:s10], $0x640  }
0x20b: {  	[sflag:s10] =	ssyncset.done $0x0  }
0x20c: {  	[sflag:s10] =	ssyncadd.s32 $0xFFFFF9C0  }
0x20d: {  	_ =	swait.ge [sflag:s10], $0x640  }
0x20e: {  	[sflag:s10] =	ssyncset.done $0x0  }
0x20f: {  	[sflag:s10] =	ssyncadd.s32 $0xFFFFF9C0  }
0x210: {  	_ =	swait.ge [sflag:s10], $0x640  }
0x211: {  	[sflag:s10] =	ssyncset.done $0x0  }
0x212: {  	[sflag:s10] =	ssyncadd.s32 $0xFFFFF9C0  }
0x213: {  	_ =	swait.ge [sflag:s10], $0x640  }
0x214: {  	[sflag:s10] =	ssyncset.done $0x0  }
.Ltmp3:
0x215: {  	[sflag:s10] =	ssyncadd.s32 $0xFFFFF9C0;
	(pc) =	sbr.rel .LBB2_2-.Ltmp3, $4  }
0x216: {  	_ =	swait.ge [sflag:s10], $0x640  }
0x217: {  	[sflag:s10] =	ssyncset.done $0x0  }
0x218: {  	s11 =	sadd.s32 $0x3200, s11;
	s12 =	sadd.s32 $0x12C0, s12;
	[sflag:s10] =	ssyncadd.s32 $0xFFFFF9C0  }
0x219: {  	[tilespmem:s6], [sflag:$0x2] =	stream.indirect.gather [hbm4b:s3+s4], $0x20, s12, s4, $0xb8;
	[tilespmem:$0x1F400] =	vst v63  }
.LBB2_5:
0x21a: {  	_ =	sfence.sel $0x180000  }
0x21b: {  	[bflag:$0x0] =	sbarrier.arrive $0xFFFF  }
0x21c: {  	_ =	strace $0x90000047  }
0x21d: {  	s0 =	stileid.u32;
	[bflag:$0x2] =	sbarrier.arrive $0xFFFF  }
0x21e: {  	p0 =	sne.s32 s0, $0x0;
	s0 =	rddreg [dreg:$0x2]  }
0x21f: {  	s0 =	sadd.s32 @!p0 $0x100000, s0  }
0x220: {  	[sflag:s0] =	ssyncadd.tile.s32 @!p0 $0x1;
	_ =	shalt  }
.Lfunc_end2:
_tile_overlayer_lowered:
.L_overlay_start_2:
0x221: {  	(tag) =	ssettag $0x2  }
0x222: {  	s0 =	rddreg [dreg:$0x0];
	s2 =	stileid.u32  }
0x223: {  	s1 =	rddreg [dreg:$0x1];
	p0 =	sne.s32 s2, $0x0  }
0x224: {  	s3 =	rddreg [dreg:$0x2];
	[bflag:$0x3] =	sbarrier.arrive $0xFFFF;
	s2 =	simm.s32 @!p0 $0x1C05  }
0x225: {  	[timem:s3], [sflag:s2] =	dma.local @!p0 [hbm:s0], s1  }
0x226: {  	s0 =	simm.s32 @!p0 $0x5  }
0x227: {  	_ =	swait.ge @!p0 [sflag:s0], s1  }
0x228: {  	s1 =	ssub.s32 @!p0 $0x0, s1;
	[sflag:s0] =	ssyncset.done @!p0 $0x0  }
0x229: {  	[sflag:s0] =	ssyncadd.s32 @!p0 s1  }
0x22a: {  	[bflag:$0x3] =	sbarrier.arrive $0xFFFF  }
0x22b: {  	_ =	shalt  }

// kernel: sparse-core-data-format-call.cloned.1.call-start
scs
called_computation_lowered:
.L_overlay_start_0:
0x0: {  	s2 =	sld [smem:$0x3FD9]  }
0x1: {  	s3 =	sld [smem:$0x3FFE];
	_ =	sdelay $0x1  }
0x2: {  	s1 =	srdreg.scid  }
0x3: {  	s0 =	sand.u32 $0x1, s1  }
0x4: {  	s18 =	sshll.u32 s0, $0xA;
	s2 =	sadd.s32 s3, s2  }
0x5: {  	s2 =	sadd.s32 s2, s18  }
0x6: {  	[smem:$0x3FC6] =	sst s2  }
0x7: {  	_ = 	snop  }
0x8: {  	s2 =	sld [smem:$0x3FD0];
	(tm) =	ssettm $0x1  }
0x9: {  	s19 =	sld [smem:$0x3FFB];
	_ =	sdelay $0x3  }
0xa: {  	_ =	strace s19  }
0xb: {  	s3 =	sld [smem:$0x3FFC];
	_ =	sdelay $0x3  }
0xc: {  	_ =	strace s3  }
0xd: {  	s3 =	sld [smem:$0x3FFD];
	_ =	sdelay $0x3  }
0xe: {  	_ =	strace s3  }
0xf: {  	_ =	strace $0x8FFFFFFF  }
0x10: {  	s20 =	sld [smem:$0x3FDB];
	_ =	sdelay $0x1  }
0x11: {  	s4 =	simm.s32 $_scs_section_size  }
0x12: {  	s5 =	simm.s32 $_size__tile_overlayer_lowered;
	s6 =	simm.s32 $_tile_overlayer_lowered  }
0x13: {  	s23 =	simm.s32 $0x1BFF;
	s22 =	sshll.u32 s6, $0x1;
	s3 =	sadd.s32 s4, s20  }
0x14: {  	s7 =	simm.s32 $0x0;
	s21 =	sshll.u32 s5, $0x1;
	s5 =	sadd.s32 s22, s3  }
0x15: {  	[timem:s7], [sflag:s23] =	dma.local [hbm:s5], s21  }
0x16: {  	_ =	swait.ge [sflag:s23], s21  }
0x17: {  	s4 =	ssub.s32 $0x0, s21;
	[sflag:s23] =	ssyncset.done $0x0  }
0x18: {  	[sflag:s23] =	ssyncadd.s32 s4;
	_ =	sdelay $0x1  }
0x19: {  	s24 =	simm.s32 $0x1B8B  }
0x1a: {  	_ =	swait.ge [sflag:s24], $0x1  }
0x1b: {  	[sflag:s24] =	ssyncset.done $0x0  }
0x1c: {  	s26 =	simm.s32 $0x1B8E;
	s25 =	sld [smem:$0x3FFE];
	[sflag:s24] =	ssyncadd.s32 $0xFFFFFFFF  }
0x1d: {  	s27 =	simm.s32 $execute0_lowered;
	[smem:$0x3FD2] =	sst s26  }
0x1e: {  	s5 =	sshll.u32 s27, $0x1;
	_ =	strace $0x80000049;
	[dreg:$0x1] =	wrdreg $0xFFFFFFFF  }
0x1f: {  	s28 =	simm.s32 $_size_execute0_lowered;
	s3 =	sadd.s32 s3, s5;
	[dreg:$0x0] =	wrdreg $0x0  }
0x20: {  	s5 =	sshll.u32 s28, $0x1;
	[dreg:$0x2] =	wrdreg s3  }
0x21: {  	[dreg:$0x3] =	wrdreg s5  }
0x22: {  	[dreg:$0x4] =	wrdreg $0xC0  }
0x23: {  	_ =	task [dreg:s7], $0x5FFFF  }
0x24: {  	[dreg:$0x1] =	wrdreg $0xFFFFFFFF  }
0x25: {  	[dreg:$0x0] =	wrdreg $0x60  }
0x26: {  	[dreg:$0x2] =	wrdreg s25  }
0x27: {  	[dreg:$0x3] =	wrdreg s2  }
0x28: {  	[dreg:$0x4] =	wrdreg $0x9  }
0x29: {  	_ =	task.clear_ibuf [dreg:s7], $0x5FFFF;
	_ =	strace $0x90000049  }
0x2a: {  	s29 =	simm.s32 $0x9;
	_ =	strace $0x8000004B  }
0x2b: {  	_ =	swait.ge [sflag:s29], $0x1  }
0x2c: {  	[sflag:s29] =	ssyncadd.s32 $0xFFFFFFFF  }
0x2d: {  	_ =	strace $0x9000004B  }
0x2e: {  	_ =	sfence  }
0x2f: {  	s30 =	sld [smem:$0x0];
	_ =	sdelay $0x2  }
0x30: {  	s31 =	sshll.u32 s1, $0xD;
	s1 =	sshrl.u32 s1, $0x2  }
0x31: {  	s3 =	sand.u32 $0x4000, s31;
	s1 =	sadd.s32 s1, s30  }
0x32: {  	s0 =	sor.u32 s3, s0;
	s1 =	sshll.u32 s1, $0x11  }
0x33: {  	s0 =	sor.u32 s1, s0  }
0x34: {  	s0 =	sadd.s32 $0x8F2B, s0  }
0x35: {  	[sflag:s0] =	ssyncadd.remote.s32 $0x1  }
0x36: {  	_ =	sfence.sel $0xFFFF  }
0x37: {  	[dreg:$0x0] =	wrdreg $0xFFFFFFFF;
	(pc) =	sbr.abs _section_cstart, $3  }
0x38: {  	[dreg:$0x1] =	wrdreg $0xFFFFFFFF  }
0x39: {  	_ =	task.clear_ibuf [dreg:s7], $0x2FFFF;
	_ =	strace $0x9FFFFFFF  }
0x3a: {  	(tm) =	ssettm $0x7FFFFFFF  }
0x3b: {  	_ =	shalt  }
tec
execute0_lowered:
.L_overlay_start_1:
0x0: {  	(tag) =	ssettag $0x1  }
0x1: {  	s0 =	srdreg.scid  }
0x2: {  	s1 =	sshll.u32 s0, $0x4  }
0x3: {  	s0 =	stileid.u32;
	s1 =	sand.u32 $0x10, s1  }
0x4: {  	s1 =	sor.u32 s0, s1  }
0x5: {  	s6 =	rddreg [dreg:$0x0];
	s4 =	simm.s32 $0x1;
	s2 =	sshll.u32 s1, $0x7  }
0x6: {  	s7 =	simm.s32 $0x2;
	s12 =	simm.s32 $0x0;
	s1 =	ssub.s32 $0x4000, s2  }
0x7: {  	s8 =	simm.s32 $0x20000;
	s13 =	simm.s32 $0x0;
	s3 =	sand.u32 $0xF80, s1  }
0x8: {  	s9 =	simm.s32 $0x0;
	s5 =	sshrl.u32 s1, $0xC;
	p0 =	sne.s32 s3, $0x0  }
.Ltmp0:
0x9: {  	s1 =	rddreg [dreg:$0x2];
	s4 =	simm.s32 @!p0 $0x0;
	(pc) =	sbr.rel .LBB1_1-.Ltmp0, $4  }
0xa: {  	s11 =	simm.s32 $0x0;
	s3 =	rddreg [dreg:$0x1];
	s5 =	sadd.s32 s4, s5  }
0xb: {  	_ =	strace $0x8000004A;
	s4 =	simm.s32 $0x1;
	s5 =	smul.u32 $0x32, s5  }
0xc: {  	s6 =	sadd.s32 $0xA00, s6;
	s10 =	smov.u32 s2;
	[sflag:s4] =	ssyncpa.u1 $0x0  }
0xd: {  	p0 =	por $0x0, $0x0;
	[sflag:s7] =	ssyncpa.u1 $0x0;
	s7 =	sor.u32 $0x1, s5  }
.LBB1_4:
0xe: {  	s16 =	sshll.u32 s13, $0x3;
	s17 =	sand.u32 $0x78, s13  }
0xf: {  	s30 =	sand.u32 $0xF800, s13;
	s12 =	sshll.u32 s12, $0x10;
	s16 =	sand.u32 $0x3C00, s16  }
0x10: {  	s31 =	sand.u32 $0x7, s13;
	s16 =	sor.u32 s17, s16;
	s17 =	sadd.s32 s3, s30  }
0x11: {  	s13 =	sshll.u32 s31, $0x12;
	s16 =	sshrl.u32 s16, $0x3;
	s12 =	sadd.s32 s12, s17  }
0x12: {  	[tilespmem:s15+$0x0 ss:$0x81] =	vst.msk $0xffff, v0;
	s13 =	sor.u32 $0x400, s13;
	s12 =	sadd.s32 s16, s12  }
0x13: {  	[hbm4b:s12+s13] =	stream.strided.scatter [tilespmem:s14], [sflag:$0x2], $0x1000, s8, s13, $0x20;
	[tilespmem:$0x4040] =	vst v63  }
.LBB1_5:
0x14: {  	s14 =	sadd.s32 $0x1, s9  }
0x15: {  	s12 =	sadd.s32 $0x1000, s10;
	s16 =	smov.u32 s10;
	p2 =	sgt.s32 s14, $0x31  }
0x16: {  	s16 =	smov.u32 @p2 s12  }
0x17: {  	s14 =	simm.s32 @p2 $0x0;
	p2 =	sgt.s32 s16, $0x3FFF  }
0x18: {  	s16 =	smov.u32 @p2 s2;
	p2 =	sne.s32 s11, s7  }
.Ltmp1:
0x19: {  	p1 =	slt.u32 s11, $0x2;
	(pc) =	sbr.rel @!p2 .LBB1_6-.Ltmp1, $4  }
0x1a: {  	s15 =	simm.s32 @!p1 $0x2  }
0x1b: {  	s13 =	smov.u32 s10;
	p0 =	por !p0, !p0;
	_ =	swait.ge @!p1 [sflag:s15], $0x1000  }
0x1c: {  	s12 =	smov.u32 s9;
	[sflag:s15] =	ssyncset.done @!p1 $0x0;
	s9 =	smov.u32 s14  }
0x1d: {  	s11 =	sadd.s32 $0x1, s11;
	[sflag:s15] =	ssyncadd.s32 @!p1 $0xFFFFF000;
	s10 =	smov.u32 s16  }
.LBB1_1:
0x1e: {  	p1 =	sge.u32 s11, s5  }
0x1f: {  	s14 =	sand.u32 @!p1 $0x1FFFFFF, s9  }
0x20: {  	s15 =	smulhi.u32 @!p1 $0x4924925, s14;
	_ =	sdelay $0x1  }
0x21: {  	s15 =	smul.u32 @!p1 $0x38, s15  }
0x22: {  	s16 =	sxor.u32 @!p1 $0xFFFFFFFF, s11;
	s17 =	smul.u32 @!p1 $0x380, s10  }
0x23: {  	s31 =	sadd.s32 $0xFFFFFFFF, s11;
	s16 =	sshll.u32 @!p1 s16, $0xC;
	s14 =	ssub.s32 @!p1 s14, s15  }
0x24: {  	s15 =	sand.u32 @!p1 $0x1000, s16;
	s16 =	sadd.s32 @!p1 s6, s17;
	s14 =	sshll.u32 @!p1 s14, $0x4  }
0x25: {  	s17 =	simm.s32 @!p1 $0x1C00;
	s14 =	sadd.s32 @!p1 s14, s16;
	s16 =	simm.s32 @!p1 $0x20  }
0x26: {  	[tilespmem:s15], [sflag:$0x1] =	stream.strided.gather @!p1 [hbm4b:s14+s16], $0x1000, s17, s16, $0x38;
	[tilespmem:$0x4040] =	vst v63  }
0x27: {  	p1 =	sge.u32 s31, s5  }
.Ltmp2:
0x28: {  	_ = 	snop;
	(pc) =	sbr.rel @p1 .LBB1_5-.Ltmp2, $1  }
0x29: {  	_ =	sdelay $0x3  }
0x2a: {  	s14 =	simm.s32 $0x1  }
0x2b: {  	_ =	swait.ge [sflag:s4], $0x1000;
	s14 =	simm.s32 @!p0 $0x0  }
0x2c: {  	[sflag:s4] =	ssyncset.done $0x0;
	s15 =	sshll.u32 s14, $0xC  }
0x2d: {  	[sflag:s4] =	ssyncadd.s32 $0xFFFFF000;
	s18 =	sor.u32 $0x10, s15  }
0x2e: {  	s14 =	smul.u32 $0x4080, s14;
	v1 =	vld [tilespmem:s18+$0x0]  }
0x2f: {  	s30 =	sand.u32 $0x1, s11;
	v0 =	vld [tilespmem:s18+$0xFFFFFFF0]  }
0x30: {  	s15 =	smul.u32 $0x4080, s30;
	s14 =	sshrl.u32 s14, $0x2  }
0x31: {  	s16 =	sor.u32 $0x2000, s14  }
0x32: {  	s31 =	sshrl.u32 s15, $0x2;
	s15 =	sadd.s32 $0x0, s16  }
0x33: {  	s17 =	simm.s32 $0x4;
	s18 =	sadd.s32 $0x20, s18;
	s14 =	sor.u32 $0x2000, s31;
	[tilespmem:s15+$0x810 ss:$0x81] =	vst.msk $0xffff, v1  }
.LBB1_3:
0x34: {  	v1 =	vld [tilespmem:s18+$0x0];
	p1 =	sne.s32 s17, $0x1FC;
	[tilespmem:s15+$0x0 ss:$0x81] =	vst.msk $0xffff, v0;
	s15 =	smov.u32 s17;
	s17 =	sadd.s32 $0x4, s17  }
.Ltmp3:
0x35: {  	v0 =	vld [tilespmem:s18+$0xFFFFFFF0];
	(pc) =	sbr.rel @p1 .LBB1_3-.Ltmp3, $4  }
0x36: {  	_ = 	snop  }
0x37: {  	s15 =	sshra.s32 s15, $0x2  }
0x38: {  	s15 =	sadd.s32 s15, s16  }
0x39: {  	s18 =	sadd.s32 $0x20, s18;
	[tilespmem:s15+$0x810 ss:$0x81] =	vst.msk $0xffff, v1  }
.Ltmp4:
0x3a: {  	_ = 	snop;
	(pc) =	sbr.rel .LBB1_4-.Ltmp4, $1  }
0x3b: {  	_ =	sdelay $0x3  }
.LBB1_6:
0x3c: {  	_ =	sfence.sel $0x180000  }
0x3d: {  	s2 =	simm.s32 $0x1;
	[bflag:$0x0] =	sbarrier.arrive $0xFFFF  }
0x3e: {  	s31 =	simm.s32 $0x2;
	[sflag:s2] =	ssyncpa.u1 $0x1  }
0x3f: {  	[sflag:s31] =	ssyncpa.u1 $0x1  }
0x40: {  	p0 =	sne.s32 s0, $0x0;
	_ =	strace $0x9000004A  }
0x41: {  	s0 =	sadd.s32 @!p0 $0x100000, s1;
	[bflag:$0x2] =	sbarrier.arrive $0xFFFF  }
0x42: {  	[sflag:s0] =	ssyncadd.tile.s32 @!p0 $0x1;
	_ =	shalt  }
.Lfunc_end1:
_tile_overlayer_lowered:
.L_overlay_start_2:
0x43: {  	(tag) =	ssettag $0x2  }
0x44: {  	s0 =	rddreg [dreg:$0x0];
	s2 =	stileid.u32  }
0x45: {  	s1 =	rddreg [dreg:$0x1];
	p0 =	sne.s32 s2, $0x0  }
0x46: {  	s3 =	rddreg [dreg:$0x2];
	[bflag:$0x3] =	sbarrier.arrive $0xFFFF;
	s2 =	simm.s32 @!p0 $0x1C01  }
0x47: {  	[timem:s3], [sflag:s2] =	dma.local @!p0 [hbm:s0], s1  }
0x48: {  	s0 =	simm.s32 @!p0 $0x1  }
0x49: {  	_ =	swait.ge @!p0 [sflag:s0], s1  }
0x4a: {  	s1 =	ssub.s32 @!p0 $0x0, s1;
	[sflag:s0] =	ssyncset.done @!p0 $0x0  }
0x4b: {  	[sflag:s0] =	ssyncadd.s32 @!p0 s1  }
0x4c: {  	[bflag:$0x3] =	sbarrier.arrive $0xFFFF  }
0x4d: {  	_ =	shalt  }

</sc_bundles>
